<compile_context>
chip_gen: v7x
topology: tpu7x:2x2x1
jax: 0.10.2.dev20260603
libtpu: 0.0.44.dev20260713+nightly
codegen_flags: <defaults>
</compile_context>

<pallas_src>
import functools

import jax
import jax.numpy as jnp
import numpy as np
from jax import lax
from jax.experimental import pallas as pl
from jax.experimental.pallas import tpu as pltpu
from jax.experimental.pallas import tpu_sc as plsc

NN = 10000
NE = 320000
DN = 128
DE = 16
H = 128
HE = 16
NL = 3
NG = 64
NI = 6

NC = 2
NS = 16
NW = NC * NS
EPW = NE // NW
CH = 80
NCH = EPW // CH
NPASS = 5
CPP = NCH // NPASS
RPS = 640
RPS_LAST = NN - RPS * (NS - 1)

_f32 = jnp.float32



def _sc_edge_body(lidx, p_hbm, ec_hbm, idx_hbm, zero_hbm, out_hbm,
                  src_v, dst_v, ec_v, g_v, acc_sh,
                  ec_s0, ec_s1, g_s0, g_s1):
    c = lax.axis_index("c")
    s = lax.axis_index("s")
    wid = c * NS + s
    ebase = wid * EPW
    stripe = pl.multiple_of(s * RPS, 8)

    @pl.when(s < NS - 1)
    def _():
        pltpu.sync_copy(zero_hbm.at[pl.ds(stripe, RPS)],
                        acc_sh.at[pl.ds(stripe, RPS)])

    @pl.when(s == NS - 1)
    def _():
        pltpu.sync_copy(zero_hbm.at[pl.ds(RPS * (NS - 1), RPS_LAST)],
                        acc_sh.at[pl.ds(RPS * (NS - 1), RPS_LAST)])

    plsc.subcore_barrier()

    ec_sems = (ec_s0, ec_s1)
    g_sems = (g_s0, g_s1)

    def ppass(p, carry):
        pltpu.sync_copy(idx_hbm.at[0, wid, p], src_v)
        pltpu.sync_copy(idx_hbm.at[1, wid, p], dst_v)
        pbase = ebase + p * (CPP * CH)

        def issue(j, b):
            off = pl.multiple_of(pbase + j * CH, 8)
            pltpu.async_copy(ec_hbm.at[lidx, pl.ds(off, CH)], ec_v.at[b],
                             ec_sems[b])
            pltpu.async_copy(p_hbm.at[src_v.at[j]], g_v.at[b], g_sems[b])

        def process(j, b):
            pltpu.make_async_copy(ec_hbm.at[lidx, pl.ds(ebase, CH)],
                                  ec_v.at[b], ec_sems[b]).wait()
            pltpu.make_async_copy(p_hbm.at[src_v.at[j]], g_v.at[b],
                                  g_sems[b]).wait()

            def row(r, cr):
                for q in range(H // 16):
                    sl = pl.ds(16 * q, 16)
                    g_v[b, r, sl] = jnp.maximum(
                        g_v[b, r, sl] + ec_v[b, r, sl], 0.0)
                return cr

            lax.fori_loop(0, CH, row, 0)
            pltpu.sync_copy(g_v.at[b], acc_sh.at[dst_v.at[j]], add=True)

            @pl.when(j + 2 < CPP)
            def _():
                issue(j + 2, b)

        issue(0, 0)
        issue(1, 1)

        def step(t, cr):
            process(2 * t, 0)
            process(2 * t + 1, 1)
            return cr

        lax.fori_loop(0, CPP // 2, step, 0)
        process(CPP - 1, (CPP - 1) % 2)
        return carry

    lax.fori_loop(0, NPASS, ppass, 0)
    plsc.subcore_barrier()

    @pl.when(s < NS - 1)
    def _():
        pltpu.sync_copy(acc_sh.at[pl.ds(stripe, RPS)],
                        out_hbm.at[c, pl.ds(stripe, RPS)])

    @pl.when(s == NS - 1)
    def _():
        pltpu.sync_copy(acc_sh.at[pl.ds(RPS * (NS - 1), RPS_LAST)],
                        out_hbm.at[c, pl.ds(RPS * (NS - 1), RPS_LAST)])


@functools.cache
def _sc_edge_kernel(lidx):
    return pl.kernel(
        functools.partial(_sc_edge_body, lidx),
        out_type=jax.ShapeDtypeStruct((NC, NN, H), _f32),
        mesh=plsc.VectorSubcoreMesh(core_axis_name="c", subcore_axis_name="s",
                                    num_cores=NC, num_subcores=NS),
        scratch_types=[
            pltpu.VMEM((CPP, CH), jnp.int32),
            pltpu.VMEM((CPP, CH), jnp.int32),
            pltpu.VMEM((2, CH, H), _f32),
            pltpu.VMEM((2, CH, H), _f32),
            pltpu.VMEM_SHARED((NN, H), _f32),
            pltpu.SemaphoreType.DMA,
            pltpu.SemaphoreType.DMA,
            pltpu.SemaphoreType.DMA,
            pltpu.SemaphoreType.DMA,
        ],
        compiler_params=pltpu.CompilerParams(needs_layout_passes=False),
    )


def _sc_edge(lidx, p, ec_full, idx_r, zeros_nh):
    return _sc_edge_kernel(lidx)(p, ec_full, idx_r, zeros_nh)


_BE = 4000


def _edge_pre_body(xe, we, be, wm, bm, out):
    e = jnp.maximum(
        jnp.dot(xe[...], we[...], preferred_element_type=_f32) + be[...], 0.0)
    ec = jnp.dot(e, wm[...], preferred_element_type=_f32) + bm[...]
    for l in range(NL):
        out[l] = ec[:, l * H:(l + 1) * H]


def _edge_pre(x_edge, W_edge, b_edge, WmCat, bmCat):
    return pl.pallas_call(
        _edge_pre_body,
        grid=(NE // _BE,),
        in_specs=[
            pl.BlockSpec((_BE, DE), lambda i: (i, 0)),
            pl.BlockSpec((DE, HE), lambda i: (0, 0)),
            pl.BlockSpec((1, HE), lambda i: (0, 0)),
            pl.BlockSpec((HE, NL * H), lambda i: (0, 0)),
            pl.BlockSpec((1, NL * H), lambda i: (0, 0)),
        ],
        out_specs=pl.BlockSpec((NL, _BE, H), lambda i: (0, i, 0)),
        out_shape=jax.ShapeDtypeStruct((NL, NE, H), _f32),
    )(x_edge, W_edge, b_edge, WmCat, bmCat)


_BN = 2000


def _node0_body(xn, wn, bn, a, h_out, p_out):
    h = jnp.maximum(
        jnp.dot(xn[...], wn[...], preferred_element_type=_f32) + bn[...], 0.0)
    h_out[...] = h
    p_out[...] = jnp.dot(h, a[...], preferred_element_type=_f32)


def _node0(x_node, W_node, b_node, A0):
    return pl.pallas_call(
        _node0_body,
        grid=(NN // _BN,),
        in_specs=[
            pl.BlockSpec((_BN, DN), lambda i: (i, 0)),
            pl.BlockSpec((DN, H), lambda i: (0, 0)),
            pl.BlockSpec((1, H), lambda i: (0, 0)),
            pl.BlockSpec((H, H), lambda i: (0, 0)),
        ],
        out_specs=[
            pl.BlockSpec((_BN, H), lambda i: (i, 0)),
            pl.BlockSpec((_BN, H), lambda i: (i, 0)),
        ],
        out_shape=[
            jax.ShapeDtypeStruct((NN, H), _f32),
            jax.ShapeDtypeStruct((NN, H), _f32),
        ],
    )(x_node, W_node, b_node, A0)


def _upd_body(h, acc, wu, bu, a, hn_out, p_out):
    agg = acc[0] + acc[1]
    hn = jnp.maximum(
        h[...] + jnp.dot(agg, wu[...], preferred_element_type=_f32) + bu[...],
        0.0)
    hn_out[...] = hn
    p_out[...] = jnp.dot(hn, a[...], preferred_element_type=_f32)


def _upd(h, acc, Wu, bu, Anext):
    return pl.pallas_call(
        _upd_body,
        grid=(NN // _BN,),
        in_specs=[
            pl.BlockSpec((_BN, H), lambda i: (i, 0)),
            pl.BlockSpec((NC, _BN, H), lambda i: (0, i, 0)),
            pl.BlockSpec((H, H), lambda i: (0, 0)),
            pl.BlockSpec((1, H), lambda i: (0, 0)),
            pl.BlockSpec((H, H), lambda i: (0, 0)),
        ],
        out_specs=[
            pl.BlockSpec((_BN, H), lambda i: (i, 0)),
            pl.BlockSpec((_BN, H), lambda i: (i, 0)),
        ],
        out_shape=[
            jax.ShapeDtypeStruct((NN, H), _f32),
            jax.ShapeDtypeStruct((NN, H), _f32),
        ],
    )(h, acc, Wu, bu, Anext)


def _sigmoid(x):
    return 1.0 / (1.0 + jnp.exp(-x))


def _final_body(h_in, acc, wu, bu, n2g, wi0, wh0, b0, wi1, wh1, b1,
                wm1, bm1, wm2, bm2, out):
    agg = acc[0] + acc[1]
    h = jnp.maximum(
        h_in[...] + jnp.dot(agg, wu[...], preferred_element_type=_f32)
        + bu[...], 0.0)
    gid = lax.broadcasted_iota(jnp.int32, (NN, NG), 1)
    G = (n2g[...] == gid).astype(_f32)

    q_star = jnp.zeros((NG, 2 * H), _f32)
    h0 = jnp.zeros((NG, H), _f32)
    c0 = jnp.zeros((NG, H), _f32)
    h1 = jnp.zeros((NG, H), _f32)
    c1 = jnp.zeros((NG, H), _f32)
    for _ in range(NI):
        z = (jnp.dot(q_star, wi0[...], preferred_element_type=_f32)
             + jnp.dot(h0, wh0[...], preferred_element_type=_f32) + b0[...])
        zi, zf, zg, zo = z[:, :H], z[:, H:2*H], z[:, 2*H:3*H], z[:, 3*H:]
        c0 = _sigmoid(zf) * c0 + _sigmoid(zi) * jnp.tanh(zg)
        h0 = _sigmoid(zo) * jnp.tanh(c0)
        z = (jnp.dot(h0, wi1[...], preferred_element_type=_f32)
             + jnp.dot(h1, wh1[...], preferred_element_type=_f32) + b1[...])
        zi, zf, zg, zo = z[:, :H], z[:, H:2*H], z[:, 2*H:3*H], z[:, 3*H:]
        c1 = _sigmoid(zf) * c1 + _sigmoid(zi) * jnp.tanh(zg)
        h1 = _sigmoid(zo) * jnp.tanh(c1)
        q = h1
        qg = jnp.dot(G, q, preferred_element_type=_f32)
        logits = jnp.sum(h * qg, axis=1, keepdims=True)
        lmasked = jnp.where(G > 0.0, logits, -1e30)
        lmax = jnp.max(lmasked, axis=0, keepdims=True)
        lmax = jnp.where(lmax > -1e29, lmax, 0.0)
        lmax_pn = lax.dot_general(G, lmax, (((1,), (1,)), ((), ())),
                                  preferred_element_type=_f32)
        ex = jnp.exp(logits - lmax_pn)
        denom = lax.dot_general(G, ex, (((0,), (0,)), ((), ())),
                                preferred_element_type=_f32)
        denom_pn = jnp.dot(G, denom, preferred_element_type=_f32)
        alpha = ex / denom_pn
        r = lax.dot_general(G, alpha * h, (((0,), (0,)), ((), ())),
                            preferred_element_type=_f32)
        q_star = jnp.concatenate([q, r], axis=1)
    hg = jnp.maximum(
        jnp.dot(q_star, wm1[...], preferred_element_type=_f32) + bm1[...], 0.0)
    out[...] = jnp.dot(hg, wm2[...], preferred_element_type=_f32) + bm2[...]


def _final(h, acc, Wu, bu, n2g, Wi0, Wh0, b0, Wi1, Wh1, b1, Wm1, bm1,
           Wm2, bm2):
    return pl.pallas_call(
        _final_body,
        out_shape=jax.ShapeDtypeStruct((NG, 1), _f32),
    )(h, acc, Wu, bu, n2g, Wi0, Wh0, b0, Wi1, Wh1, b1, Wm1, bm1, Wm2, bm2)


def kernel(x_node, x_edge, edge_index, node2graph, W_node, b_node, W_edge,
           b_edge, W_msg, b_msg, W_upd, b_upd, Wi0, Wh0, b0, Wi1, Wh1, b1,
           Wm1, bm1, Wm2, bm2):
    idx_r = edge_index.reshape(2, NW, NPASS, CPP, CH)
    n2g = node2graph.reshape(NN, 1)
    zeros_nh = jnp.zeros((NN, H), _f32)

    A = [W_msg[l, :H, :] for l in range(NL)]
    Wu = [W_upd[l] for l in range(NL)]
    Wm_e = W_msg[:, H:, :]
    WmCat = jnp.concatenate([Wm_e[l] for l in range(NL)], axis=1)
    bmCat = b_msg.reshape(1, NL * H)

    ec = _edge_pre(x_edge, W_edge, b_edge.reshape(1, HE), WmCat, bmCat)
    h, p = _node0(x_node, W_node, b_node.reshape(1, H), A[0])
    acc = None
    for l in range(NL):
        acc = _sc_edge(l, p, ec, idx_r, zeros_nh)
        if l < NL - 1:
            h, p = _upd(h, acc, Wu[l], b_upd[l].reshape(1, H), A[l + 1])
    return _final(h, acc, Wu[2], b_upd[2].reshape(1, H), n2g,
                  Wi0, Wh0, b0.reshape(1, 4 * H), Wi1, Wh1,
                  b1.reshape(1, 4 * H), Wm1, bm1.reshape(1, H),
                  Wm2, bm2.reshape(1, 1))

# --- scband reference (transcript-rebuilt; emitter-appended) ---
"""Pipeline reference for scband-critic-80891414053630 (READ-ONLY COPY).

The authoritative reference and input builder live on the scoring server;
editing this copy changes nothing except your own understanding.
"""

import jax, jax.numpy as jnp
import numpy as np

N_NODES = 10000
N_EDGES = 320000
D_NODE = 128
D_EDGE = 16
H = 128
HE = 16
N_LAYERS = 3
N_GRAPHS = 64
N_ITERS = 6


def setup_inputs(seed: int = 0) -> dict:
    key = jax.random.key(seed)
    ks = jax.random.split(key, 24)
    s = lambda i, shape, fan: jax.random.normal(ks[i], shape, jnp.float32) * (1.0 / np.sqrt(fan))
    inp = {}
    inp["x_node"] = jax.random.normal(ks[0], (N_NODES, D_NODE), jnp.float32)
    inp["x_edge"] = jax.random.normal(ks[1], (N_EDGES, D_EDGE), jnp.float32)
    inp["edge_index"] = jax.random.randint(ks[2], (2, N_EDGES), 0, N_NODES, jnp.int32)
    inp["node2graph"] = jnp.sort(jax.random.randint(ks[3], (N_NODES,), 0, N_GRAPHS, jnp.int32))
    inp["W_node"] = s(4, (D_NODE, H), D_NODE)
    inp["b_node"] = jnp.zeros((H,), jnp.float32)
    inp["W_edge"] = s(5, (D_EDGE, HE), D_EDGE)
    inp["b_edge"] = jnp.zeros((HE,), jnp.float32)
    inp["W_msg"] = s(6, (N_LAYERS, H + HE, H), H + HE)
    inp["b_msg"] = jnp.zeros((N_LAYERS, H), jnp.float32)
    inp["W_upd"] = s(7, (N_LAYERS, H, H), H)
    inp["b_upd"] = jnp.zeros((N_LAYERS, H), jnp.float32)
    inp["Wi0"] = s(8, (2 * H, 4 * H), 2 * H)
    inp["Wh0"] = s(9, (H, 4 * H), H)
    inp["b0"] = jnp.zeros((4 * H,), jnp.float32)
    inp["Wi1"] = s(10, (H, 4 * H), H)
    inp["Wh1"] = s(11, (H, 4 * H), H)
    inp["b1"] = jnp.zeros((4 * H,), jnp.float32)
    inp["Wm1"] = s(12, (2 * H, H), 2 * H)
    inp["bm1"] = jnp.zeros((H,), jnp.float32)
    inp["Wm2"] = s(13, (H, 1), H)
    inp["bm2"] = jnp.zeros((1,), jnp.float32)
    return inp


def _lstm_cell(x, h, c, Wi, Wh, b):
    z = x @ Wi + h @ Wh + b
    i, f, g, o = jnp.split(z, 4, axis=-1)
    c = jax.nn.sigmoid(f) * c + jax.nn.sigmoid(i) * jnp.tanh(g)
    h = jax.nn.sigmoid(o) * jnp.tanh(c)
    return h, c


def _forward(x_node, x_edge, edge_index, node2graph, W_node, b_node, W_edge, b_edge, W_msg, b_msg, W_upd, b_upd, Wi0, Wh0, b0, Wi1, Wh1, b1, Wm1, bm1, Wm2, bm2):
    src = edge_index[0]
    dst = edge_index[1]
    # GraphEncoder: embed nodes/edges then N_LAYERS of message passing
    h = jax.nn.relu(x_node @ W_node + b_node)
    e = jax.nn.relu(x_edge @ W_edge + b_edge)
    for l in range(N_LAYERS):
        m = jnp.concatenate([h[src], e], axis=1)
        m = jax.nn.relu(m @ W_msg[l] + b_msg[l])
        agg = jax.ops.segment_sum(m, dst, num_segments=N_NODES)
        h = jax.nn.relu(h + agg @ W_upd[l] + b_upd[l])
    # Set2Set readout (Vinyals et al.), n_iters=6, 2-layer LSTM
    B = N_GRAPHS
    q_star = jnp.zeros((B, 2 * H), jnp.float32)
    h0 = jnp.zeros((B, H), jnp.float32)
    c0 = jnp.zeros((B, H), jnp.float32)
    h1 = jnp.zeros((B, H), jnp.float32)
    c1 = jnp.zeros((B, H), jnp.float32)
    for _ in range(N_ITERS):
        h0, c0 = _lstm_cell(q_star, h0, c0, Wi0, Wh0, b0)
        h1, c1 = _lstm_cell(h0, h1, c1, Wi1, Wh1, b1)
        q = h1
        logits = jnp.sum(h * q[node2graph], axis=1)
        lmax = jax.ops.segment_max(logits, node2graph, num_segments=B)
        lmax = jnp.where(jnp.isfinite(lmax), lmax, 0.0)
        ex = jnp.exp(logits - lmax[node2graph])
        denom = jax.ops.segment_sum(ex, node2graph, num_segments=B)
        alpha = ex / denom[node2graph]
        r = jax.ops.segment_sum(alpha[:, None] * h, node2graph, num_segments=B)
        q_star = jnp.concatenate([q, r], axis=1)
    # MLP value head: (B, 2H) -> (B, 1)
    hg = jax.nn.relu(q_star @ Wm1 + bm1)
    return hg @ Wm2 + bm2


def reference(x_node, x_edge, edge_index, node2graph, W_node, b_node, W_edge, b_edge, W_msg, b_msg, W_upd, b_upd, Wi0, Wh0, b0, Wi1, Wh1, b1, Wm1, bm1, Wm2, bm2):
    return _forward(x_node, x_edge, edge_index, node2graph, W_node, b_node, W_edge, b_edge, W_msg, b_msg, W_upd, b_upd, Wi0, Wh0, b0, Wi1, Wh1, b1, Wm1, bm1, Wm2, bm2)

if __name__ == "__main__":
    import jax
    _d = setup_inputs()
    print(jax.jit(kernel)(*tuple(_d.values())))

</pallas_src>

<mosaic_0001>
#map = affine_map<(d0, d1) -> (0, 0)>
#map1 = affine_map<(d0, d1) -> (0, 0, 0)>
#map2 = affine_map<(d0, d1) -> (0, 0, 0, 0, 0)>
module attributes {stable_mosaic.version = 14 : i64} {
  func.func @_sc_edge_body(%arg0: i32, %arg1: i32, %arg2: memref<10000x128xf32, #tpu.memory_space<hbm>>, %arg3: memref<3x320000x128xf32, #tpu.memory_space<hbm>>, %arg4: memref<2x32x5x25x80xi32, #tpu.memory_space<hbm>>, %arg5: memref<10000x128xf32, #tpu.memory_space<hbm>>, %arg6: memref<2x10000x128xf32, #tpu.memory_space<hbm>>, %arg7: memref<25x80xi32, #tpu.memory_space<vmem>>, %arg8: memref<25x80xi32, #tpu.memory_space<vmem>>, %arg9: memref<2x80x128xf32, #tpu.memory_space<vmem>>, %arg10: memref<2x80x128xf32, #tpu.memory_space<vmem>>, %arg11: memref<10000x128xf32, #tpu.memory_space<vmem_shared>>, %arg12: memref<!tpu.dma_semaphore, #tpu.memory_space<semaphore_mem>>, %arg13: memref<!tpu.dma_semaphore, #tpu.memory_space<semaphore_mem>>, %arg14: memref<!tpu.dma_semaphore, #tpu.memory_space<semaphore_mem>>, %arg15: memref<!tpu.dma_semaphore, #tpu.memory_space<semaphore_mem>>) attributes {dimension_semantics = [#tpu.dimension_semantics<core_parallel>, #tpu.dimension_semantics<subcore_parallel>], iteration_bounds = array<i64: 2, 16>, scalar_prefetch = 0 : i64, scratch_operands = 9 : i64, tpu.core_type = #tpu.core_type<sc_vector_subcore>, window_params = [{transform_indices = #map}, {transform_indices = #map1}, {transform_indices = #map2}, {transform_indices = #map}, {transform_indices = #map1}]} {
    %mul3A = arith.constant 16 : i32
    %mul3A_0 = arith.muli %arg0, %mul3A : i32
    %add3A = arith.addi %mul3A_0, %arg1 : i32
    %mul3A_1 = arith.constant 10000 : i32
    %mul3A_2 = arith.muli %add3A, %mul3A_1 : i32
    %mul3A_3 = arith.constant 640 : i32
    %mul3A_4 = arith.muli %arg1, %mul3A_3 : i32
    %multiple_of3A = tpu.assume_multiple %mul3A_4, 8 : i32
    %lt3A = arith.constant 15 : i32
    %lt3A_5 = arith.cmpi slt, %arg1, %lt3A : i32
    %convert_element_type3A = arith.extui %lt3A_5 : i1 to i32
    %cond3A = arith.constant 0 : i32
    %cond3A_6 = arith.cmpi ne, %convert_element_type3A, %cond3A : i32
    scf.if %cond3A_6 {
      "tpu.region"() ({
        %run_scoped3A = tpu.sem_alloc : memref<!tpu.dma_semaphore, #tpu.memory_space<semaphore_mem>>
        %dma_start3A = arith.constant 0 : i32
        %dma_start3A_27 = tpu.memref_slice %arg11[%multiple_of3A, %dma_start3A] : memref<10000x128xf32, #tpu.memory_space<vmem_shared>> -> memref<640x128xf32, #tpu.memory_space<vmem_shared>>
        %dma_start3A_28 = arith.constant 0 : i32
        %dma_start3A_29 = tpu.memref_slice %arg5[%multiple_of3A, %dma_start3A_28] : memref<10000x128xf32, #tpu.memory_space<hbm>> -> memref<640x128xf32, #tpu.memory_space<hbm>>
        tpu.enqueue_dma source(%dma_start3A_29 : memref<640x128xf32, #tpu.memory_space<hbm>>) target(%dma_start3A_27 : memref<640x128xf32, #tpu.memory_space<vmem_shared>>) target_semaphore(%run_scoped3A : memref<!tpu.dma_semaphore, #tpu.memory_space<semaphore_mem>>)
        %dma_wait3A = arith.constant 0 : i32
        %dma_wait3A_30 = tpu.memref_slice %arg11[%multiple_of3A, %dma_wait3A] : memref<10000x128xf32, #tpu.memory_space<vmem_shared>> -> memref<640x128xf32, #tpu.memory_space<vmem_shared>>
        %dma_wait3A_31 = arith.constant 0 : i32
        %dma_wait3A_32 = tpu.memref_slice %arg5[%multiple_of3A, %dma_wait3A_31] : memref<10000x128xf32, #tpu.memory_space<hbm>> -> memref<640x128xf32, #tpu.memory_space<hbm>>
        tpu.wait_dma2 semaphore(%run_scoped3A : memref<!tpu.dma_semaphore, #tpu.memory_space<semaphore_mem>>) src(%dma_wait3A_32 : memref<640x128xf32, #tpu.memory_space<hbm>>) dst(%dma_wait3A_30 : memref<640x128xf32, #tpu.memory_space<vmem_shared>>)
        tpu.yield
      }) : () -> ()
    } else {
    }
    %eq3A = arith.constant 15 : i32
    %eq3A_7 = arith.cmpi eq, %arg1, %eq3A : i32
    %convert_element_type3A_8 = arith.extui %eq3A_7 : i1 to i32
    %cond3A_9 = arith.constant 0 : i32
    %cond3A_10 = arith.cmpi ne, %convert_element_type3A_8, %cond3A_9 : i32
    scf.if %cond3A_10 {
      "tpu.region"() ({
        %run_scoped3A = tpu.sem_alloc : memref<!tpu.dma_semaphore, #tpu.memory_space<semaphore_mem>>
        %dma_start3A = arith.constant 9600 : i32
        %dma_start3A_27 = arith.constant 0 : i32
        %dma_start3A_28 = tpu.memref_slice %arg11[%dma_start3A, %dma_start3A_27] : memref<10000x128xf32, #tpu.memory_space<vmem_shared>> -> memref<400x128xf32, #tpu.memory_space<vmem_shared>>
        %dma_start3A_29 = arith.constant 9600 : i32
        %dma_start3A_30 = arith.constant 0 : i32
        %dma_start3A_31 = tpu.memref_slice %arg5[%dma_start3A_29, %dma_start3A_30] : memref<10000x128xf32, #tpu.memory_space<hbm>> -> memref<400x128xf32, #tpu.memory_space<hbm>>
        tpu.enqueue_dma source(%dma_start3A_31 : memref<400x128xf32, #tpu.memory_space<hbm>>) target(%dma_start3A_28 : memref<400x128xf32, #tpu.memory_space<vmem_shared>>) target_semaphore(%run_scoped3A : memref<!tpu.dma_semaphore, #tpu.memory_space<semaphore_mem>>)
        %dma_wait3A = arith.constant 9600 : i32
        %dma_wait3A_32 = arith.constant 0 : i32
        %dma_wait3A_33 = tpu.memref_slice %arg11[%dma_wait3A, %dma_wait3A_32] : memref<10000x128xf32, #tpu.memory_space<vmem_shared>> -> memref<400x128xf32, #tpu.memory_space<vmem_shared>>
        %dma_wait3A_34 = arith.constant 9600 : i32
        %dma_wait3A_35 = arith.constant 0 : i32
        %dma_wait3A_36 = tpu.memref_slice %arg5[%dma_wait3A_34, %dma_wait3A_35] : memref<10000x128xf32, #tpu.memory_space<hbm>> -> memref<400x128xf32, #tpu.memory_space<hbm>>
        tpu.wait_dma2 semaphore(%run_scoped3A : memref<!tpu.dma_semaphore, #tpu.memory_space<semaphore_mem>>) src(%dma_wait3A_36 : memref<400x128xf32, #tpu.memory_space<hbm>>) dst(%dma_wait3A_33 : memref<400x128xf32, #tpu.memory_space<vmem_shared>>)
        tpu.yield
      }) : () -> ()
    } else {
    }
    %barrier3A = arith.constant 0 : index
    tpu.barrier barrier_id(%barrier3A)
    %scan3A = arith.constant 0 : i32
    %scan3A_11 = arith.constant 0 : i32
    %scan3A_12 = arith.constant 5 : i32
    %scan3A_13 = arith.addi %scan3A_11, %scan3A_12 : i32
    %scan3A_14 = arith.constant 1 : i32
    scf.for %scan3A_27 = %scan3A_11 to %scan3A_13 step %scan3A_14  : i32 {
      %run_scoped3A = arith.constant 0 : i32
      "tpu.region"() ({
        %run_scoped3A_134 = tpu.sem_alloc : memref<!tpu.dma_semaphore, #tpu.memory_space<semaphore_mem>>
        %dma_start3A_135 = arith.constant 0 : i32
        %dma_start3A_136 = arith.constant 0 : i32
        %dma_start3A_137 = tpu.memref_slice %arg4[%run_scoped3A, %add3A, %scan3A_27, %dma_start3A_135, %dma_start3A_136] : memref<2x32x5x25x80xi32, #tpu.memory_space<hbm>> -> memref<1x1x1x25x80xi32, #tpu.memory_space<hbm>>
        %dma_start3A_138 = tpu.memref_squeeze %dma_start3A_137 : memref<1x1x1x25x80xi32, #tpu.memory_space<hbm>> -> memref<25x80xi32, #tpu.memory_space<hbm>>
        %dma_start3A_139 = arith.constant 0 : i32
        %dma_start3A_140 = arith.constant 0 : i32
        %dma_start3A_141 = tpu.memref_slice %arg4[%run_scoped3A, %add3A, %scan3A_27, %dma_start3A_139, %dma_start3A_140] : memref<2x32x5x25x80xi32, #tpu.memory_space<hbm>> -> memref<1x1x1x25x80xi32, #tpu.memory_space<hbm>>
        %dma_start3A_142 = tpu.memref_squeeze %dma_start3A_141 : memref<1x1x1x25x80xi32, #tpu.memory_space<hbm>> -> memref<25x80xi32, #tpu.memory_space<hbm>>
        tpu.enqueue_dma source(%dma_start3A_142 : memref<25x80xi32, #tpu.memory_space<hbm>>) target(%arg7 : memref<25x80xi32, #tpu.memory_space<vmem>>) target_semaphore(%run_scoped3A_134 : memref<!tpu.dma_semaphore, #tpu.memory_space<semaphore_mem>>)
        %dma_wait3A_143 = arith.constant 0 : i32
        %dma_wait3A_144 = arith.constant 0 : i32
        %dma_wait3A_145 = tpu.memref_slice %arg4[%run_scoped3A, %add3A, %scan3A_27, %dma_wait3A_143, %dma_wait3A_144] : memref<2x32x5x25x80xi32, #tpu.memory_space<hbm>> -> memref<1x1x1x25x80xi32, #tpu.memory_space<hbm>>
        %dma_wait3A_146 = tpu.memref_squeeze %dma_wait3A_145 : memref<1x1x1x25x80xi32, #tpu.memory_space<hbm>> -> memref<25x80xi32, #tpu.memory_space<hbm>>
        %dma_wait3A_147 = arith.constant 0 : i32
        %dma_wait3A_148 = arith.constant 0 : i32
        %dma_wait3A_149 = tpu.memref_slice %arg4[%run_scoped3A, %add3A, %scan3A_27, %dma_wait3A_147, %dma_wait3A_148] : memref<2x32x5x25x80xi32, #tpu.memory_space<hbm>> -> memref<1x1x1x25x80xi32, #tpu.memory_space<hbm>>
        %dma_wait3A_150 = tpu.memref_squeeze %dma_wait3A_149 : memref<1x1x1x25x80xi32, #tpu.memory_space<hbm>> -> memref<25x80xi32, #tpu.memory_space<hbm>>
        tpu.wait_dma2 semaphore(%run_scoped3A_134 : memref<!tpu.dma_semaphore, #tpu.memory_space<semaphore_mem>>) src(%dma_wait3A_150 : memref<25x80xi32, #tpu.memory_space<hbm>>) dst(%arg7 : memref<25x80xi32, #tpu.memory_space<vmem>>)
        tpu.yield
      }) : () -> ()
      %run_scoped3A_28 = arith.constant 1 : i32
      "tpu.region"() ({
        %run_scoped3A_134 = tpu.sem_alloc : memref<!tpu.dma_semaphore, #tpu.memory_space<semaphore_mem>>
        %dma_start3A_135 = arith.constant 0 : i32
        %dma_start3A_136 = arith.constant 0 : i32
        %dma_start3A_137 = tpu.memref_slice %arg4[%run_scoped3A_28, %add3A, %scan3A_27, %dma_start3A_135, %dma_start3A_136] : memref<2x32x5x25x80xi32, #tpu.memory_space<hbm>> -> memref<1x1x1x25x80xi32, #tpu.memory_space<hbm>>
        %dma_start3A_138 = tpu.memref_squeeze %dma_start3A_137 : memref<1x1x1x25x80xi32, #tpu.memory_space<hbm>> -> memref<25x80xi32, #tpu.memory_space<hbm>>
        %dma_start3A_139 = arith.constant 0 : i32
        %dma_start3A_140 = arith.constant 0 : i32
        %dma_start3A_141 = tpu.memref_slice %arg4[%run_scoped3A_28, %add3A, %scan3A_27, %dma_start3A_139, %dma_start3A_140] : memref<2x32x5x25x80xi32, #tpu.memory_space<hbm>> -> memref<1x1x1x25x80xi32, #tpu.memory_space<hbm>>
        %dma_start3A_142 = tpu.memref_squeeze %dma_start3A_141 : memref<1x1x1x25x80xi32, #tpu.memory_space<hbm>> -> memref<25x80xi32, #tpu.memory_space<hbm>>
        tpu.enqueue_dma source(%dma_start3A_142 : memref<25x80xi32, #tpu.memory_space<hbm>>) target(%arg8 : memref<25x80xi32, #tpu.memory_space<vmem>>) target_semaphore(%run_scoped3A_134 : memref<!tpu.dma_semaphore, #tpu.memory_space<semaphore_mem>>)
        %dma_wait3A_143 = arith.constant 0 : i32
        %dma_wait3A_144 = arith.constant 0 : i32
        %dma_wait3A_145 = tpu.memref_slice %arg4[%run_scoped3A_28, %add3A, %scan3A_27, %dma_wait3A_143, %dma_wait3A_144] : memref<2x32x5x25x80xi32, #tpu.memory_space<hbm>> -> memref<1x1x1x25x80xi32, #tpu.memory_space<hbm>>
        %dma_wait3A_146 = tpu.memref_squeeze %dma_wait3A_145 : memref<1x1x1x25x80xi32, #tpu.memory_space<hbm>> -> memref<25x80xi32, #tpu.memory_space<hbm>>
        %dma_wait3A_147 = arith.constant 0 : i32
        %dma_wait3A_148 = arith.constant 0 : i32
        %dma_wait3A_149 = tpu.memref_slice %arg4[%run_scoped3A_28, %add3A, %scan3A_27, %dma_wait3A_147, %dma_wait3A_148] : memref<2x32x5x25x80xi32, #tpu.memory_space<hbm>> -> memref<1x1x1x25x80xi32, #tpu.memory_space<hbm>>
        %dma_wait3A_150 = tpu.memref_squeeze %dma_wait3A_149 : memref<1x1x1x25x80xi32, #tpu.memory_space<hbm>> -> memref<25x80xi32, #tpu.memory_space<hbm>>
        tpu.wait_dma2 semaphore(%run_scoped3A_134 : memref<!tpu.dma_semaphore, #tpu.memory_space<semaphore_mem>>) src(%dma_wait3A_150 : memref<25x80xi32, #tpu.memory_space<hbm>>) dst(%arg8 : memref<25x80xi32, #tpu.memory_space<vmem>>)
        tpu.yield
      }) : () -> ()
      %mul3A_29 = arith.constant 2000 : i32
      %mul3A_30 = arith.muli %scan3A_27, %mul3A_29 : i32
      %add3A_31 = arith.addi %mul3A_2, %mul3A_30 : i32
      %add3A_32 = arith.constant 0 : i32
      %add3A_33 = arith.addi %add3A_31, %add3A_32 : i32
      %multiple_of3A_34 = tpu.assume_multiple %add3A_33, 8 : i32
      %dma_start3A = arith.constant 0 : i32
      %dma_start3A_35 = arith.constant 0 : i32
      %dma_start3A_36 = arith.constant 0 : i32
      %dma_start3A_37 = arith.constant 0 : i32
      %dma_start3A_38 = tpu.memref_slice %arg9[%dma_start3A_35, %dma_start3A_36, %dma_start3A_37] : memref<2x80x128xf32, #tpu.memory_space<vmem>> -> memref<1x80x128xf32, #tpu.memory_space<vmem>>
      %dma_start3A_39 = tpu.memref_squeeze %dma_start3A_38 : memref<1x80x128xf32, #tpu.memory_space<vmem>> -> memref<80x128xf32, #tpu.memory_space<vmem>>
      %dma_start3A_40 = arith.constant 0 : i32
      %dma_start3A_41 = tpu.memref_slice %arg3[%dma_start3A, %multiple_of3A_34, %dma_start3A_40] : memref<3x320000x128xf32, #tpu.memory_space<hbm>> -> memref<1x80x128xf32, #tpu.memory_space<hbm>>
      %dma_start3A_42 = tpu.memref_squeeze %dma_start3A_41 : memref<1x80x128xf32, #tpu.memory_space<hbm>> -> memref<80x128xf32, #tpu.memory_space<hbm>>
      %dma_start3A_43 = arith.constant 0 : i32
      %dma_start3A_44 = arith.constant 0 : i32
      %dma_start3A_45 = tpu.memref_slice %arg9[%dma_start3A_35, %dma_start3A_43, %dma_start3A_44] : memref<2x80x128xf32, #tpu.memory_space<vmem>> -> memref<1x80x128xf32, #tpu.memory_space<vmem>>
      %dma_start3A_46 = tpu.memref_squeeze %dma_start3A_45 : memref<1x80x128xf32, #tpu.memory_space<vmem>> -> memref<80x128xf32, #tpu.memory_space<vmem>>
      %dma_start3A_47 = arith.constant 0 : i32
      %dma_start3A_48 = tpu.memref_slice %arg3[%dma_start3A, %multiple_of3A_34, %dma_start3A_47] : memref<3x320000x128xf32, #tpu.memory_space<hbm>> -> memref<1x80x128xf32, #tpu.memory_space<hbm>>
      %dma_start3A_49 = tpu.memref_squeeze %dma_start3A_48 : memref<1x80x128xf32, #tpu.memory_space<hbm>> -> memref<80x128xf32, #tpu.memory_space<hbm>>
      tpu.enqueue_dma source(%dma_start3A_49 : memref<80x128xf32, #tpu.memory_space<hbm>>) target(%dma_start3A_46 : memref<80x128xf32, #tpu.memory_space<vmem>>) target_semaphore(%arg12 : memref<!tpu.dma_semaphore, #tpu.memory_space<semaphore_mem>>)
      %dma_start3A_50 = arith.constant 0 : i32
      %dma_start3A_51 = arith.constant 0 : i32
      %dma_start3A_52 = arith.constant 0 : i32
      %dma_start3A_53 = arith.constant 0 : i32
      %dma_start3A_54 = tpu.memref_slice %arg10[%dma_start3A_51, %dma_start3A_52, %dma_start3A_53] : memref<2x80x128xf32, #tpu.memory_space<vmem>> -> memref<1x80x128xf32, #tpu.memory_space<vmem>>
      %dma_start3A_55 = tpu.memref_squeeze %dma_start3A_54 : memref<1x80x128xf32, #tpu.memory_space<vmem>> -> memref<80x128xf32, #tpu.memory_space<vmem>>
      %dma_start3A_56 = arith.constant 0 : i32
      %dma_start3A_57 = tpu.memref_slice %arg7[%dma_start3A_50, %dma_start3A_56] : memref<25x80xi32, #tpu.memory_space<vmem>> -> memref<1x80xi32, #tpu.memory_space<vmem>>
      %dma_start3A_58 = tpu.memref_squeeze %dma_start3A_57 : memref<1x80xi32, #tpu.memory_space<vmem>> -> memref<80xi32, #tpu.memory_space<vmem>>
      %dma_start3A_59 = arith.constant 0 : i32
      %dma_start3A_60 = arith.constant 0 : i32
      %dma_start3A_61 = tpu.memref_slice %arg2[%dma_start3A_59, %dma_start3A_60] : memref<10000x128xf32, #tpu.memory_space<hbm>> -> memref<10000x128xf32, #tpu.memory_space<hbm>>
      tpu.enqueue_indirect_dma source(%dma_start3A_61 : memref<10000x128xf32, #tpu.memory_space<hbm>>) target(%dma_start3A_55 : memref<80x128xf32, #tpu.memory_space<vmem>>) offsets(%dma_start3A_58 : memref<80xi32, #tpu.memory_space<vmem>>) semaphore(%arg14 : memref<!tpu.dma_semaphore, #tpu.memory_space<semaphore_mem>>)
      %add3A_62 = arith.constant 80 : i32
      %add3A_63 = arith.addi %add3A_31, %add3A_62 : i32
      %multiple_of3A_64 = tpu.assume_multiple %add3A_63, 8 : i32
      %dma_start3A_65 = arith.constant 0 : i32
      %dma_start3A_66 = arith.constant 1 : i32
      %dma_start3A_67 = arith.constant 0 : i32
      %dma_start3A_68 = arith.constant 0 : i32
      %dma_start3A_69 = tpu.memref_slice %arg9[%dma_start3A_66, %dma_start3A_67, %dma_start3A_68] : memref<2x80x128xf32, #tpu.memory_space<vmem>> -> memref<1x80x128xf32, #tpu.memory_space<vmem>>
      %dma_start3A_70 = tpu.memref_squeeze %dma_start3A_69 : memref<1x80x128xf32, #tpu.memory_space<vmem>> -> memref<80x128xf32, #tpu.memory_space<vmem>>
      %dma_start3A_71 = arith.constant 0 : i32
      %dma_start3A_72 = tpu.memref_slice %arg3[%dma_start3A_65, %multiple_of3A_64, %dma_start3A_71] : memref<3x320000x128xf32, #tpu.memory_space<hbm>> -> memref<1x80x128xf32, #tpu.memory_space<hbm>>
      %dma_start3A_73 = tpu.memref_squeeze %dma_start3A_72 : memref<1x80x128xf32, #tpu.memory_space<hbm>> -> memref<80x128xf32, #tpu.memory_space<hbm>>
      %dma_start3A_74 = arith.constant 0 : i32
      %dma_start3A_75 = arith.constant 0 : i32
      %dma_start3A_76 = tpu.memref_slice %arg9[%dma_start3A_66, %dma_start3A_74, %dma_start3A_75] : memref<2x80x128xf32, #tpu.memory_space<vmem>> -> memref<1x80x128xf32, #tpu.memory_space<vmem>>
      %dma_start3A_77 = tpu.memref_squeeze %dma_start3A_76 : memref<1x80x128xf32, #tpu.memory_space<vmem>> -> memref<80x128xf32, #tpu.memory_space<vmem>>
      %dma_start3A_78 = arith.constant 0 : i32
      %dma_start3A_79 = tpu.memref_slice %arg3[%dma_start3A_65, %multiple_of3A_64, %dma_start3A_78] : memref<3x320000x128xf32, #tpu.memory_space<hbm>> -> memref<1x80x128xf32, #tpu.memory_space<hbm>>
      %dma_start3A_80 = tpu.memref_squeeze %dma_start3A_79 : memref<1x80x128xf32, #tpu.memory_space<hbm>> -> memref<80x128xf32, #tpu.memory_space<hbm>>
      tpu.enqueue_dma source(%dma_start3A_80 : memref<80x128xf32, #tpu.memory_space<hbm>>) target(%dma_start3A_77 : memref<80x128xf32, #tpu.memory_space<vmem>>) target_semaphore(%arg13 : memref<!tpu.dma_semaphore, #tpu.memory_space<semaphore_mem>>)
      %dma_start3A_81 = arith.constant 1 : i32
      %dma_start3A_82 = arith.constant 1 : i32
      %dma_start3A_83 = arith.constant 0 : i32
      %dma_start3A_84 = arith.constant 0 : i32
      %dma_start3A_85 = tpu.memref_slice %arg10[%dma_start3A_82, %dma_start3A_83, %dma_start3A_84] : memref<2x80x128xf32, #tpu.memory_space<vmem>> -> memref<1x80x128xf32, #tpu.memory_space<vmem>>
      %dma_start3A_86 = tpu.memref_squeeze %dma_start3A_85 : memref<1x80x128xf32, #tpu.memory_space<vmem>> -> memref<80x128xf32, #tpu.memory_space<vmem>>
      %dma_start3A_87 = arith.constant 0 : i32
      %dma_start3A_88 = tpu.memref_slice %arg7[%dma_start3A_81, %dma_start3A_87] : memref<25x80xi32, #tpu.memory_space<vmem>> -> memref<1x80xi32, #tpu.memory_space<vmem>>
      %dma_start3A_89 = tpu.memref_squeeze %dma_start3A_88 : memref<1x80xi32, #tpu.memory_space<vmem>> -> memref<80xi32, #tpu.memory_space<vmem>>
      %dma_start3A_90 = arith.constant 0 : i32
      %dma_start3A_91 = arith.constant 0 : i32
      %dma_start3A_92 = tpu.memref_slice %arg2[%dma_start3A_90, %dma_start3A_91] : memref<10000x128xf32, #tpu.memory_space<hbm>> -> memref<10000x128xf32, #tpu.memory_space<hbm>>
      tpu.enqueue_indirect_dma source(%dma_start3A_92 : memref<10000x128xf32, #tpu.memory_space<hbm>>) target(%dma_start3A_86 : memref<80x128xf32, #tpu.memory_space<vmem>>) offsets(%dma_start3A_89 : memref<80xi32, #tpu.memory_space<vmem>>) semaphore(%arg15 : memref<!tpu.dma_semaphore, #tpu.memory_space<semaphore_mem>>)
      %scan3A_93 = arith.constant 0 : i32
      %scan3A_94 = arith.constant 0 : i32
      %scan3A_95 = arith.constant 12 : i32
      %scan3A_96 = arith.addi %scan3A_94, %scan3A_95 : i32
      %scan3A_97 = arith.constant 1 : i32
      scf.for %scan3A_134 = %scan3A_94 to %scan3A_96 step %scan3A_97  : i32 {
        %mul3A_135 = arith.constant 2 : i32
        %mul3A_136 = arith.muli %mul3A_135, %scan3A_134 : i32
        %dma_wait3A_137 = arith.constant 0 : i32
        %dma_wait3A_138 = arith.constant 0 : i32
        %dma_wait3A_139 = arith.constant 0 : i32
        %dma_wait3A_140 = arith.constant 0 : i32
        %dma_wait3A_141 = tpu.memref_slice %arg9[%dma_wait3A_138, %dma_wait3A_139, %dma_wait3A_140] : memref<2x80x128xf32, #tpu.memory_space<vmem>> -> memref<1x80x128xf32, #tpu.memory_space<vmem>>
        %dma_wait3A_142 = tpu.memref_squeeze %dma_wait3A_141 : memref<1x80x128xf32, #tpu.memory_space<vmem>> -> memref<80x128xf32, #tpu.memory_space<vmem>>
        %dma_wait3A_143 = arith.constant 0 : i32
        %dma_wait3A_144 = tpu.memref_slice %arg3[%dma_wait3A_137, %mul3A_2, %dma_wait3A_143] : memref<3x320000x128xf32, #tpu.memory_space<hbm>> -> memref<1x80x128xf32, #tpu.memory_space<hbm>>
        %dma_wait3A_145 = tpu.memref_squeeze %dma_wait3A_144 : memref<1x80x128xf32, #tpu.memory_space<hbm>> -> memref<80x128xf32, #tpu.memory_space<hbm>>
        %dma_wait3A_146 = arith.constant 0 : i32
        %dma_wait3A_147 = arith.constant 0 : i32
        %dma_wait3A_148 = tpu.memref_slice %arg9[%dma_wait3A_138, %dma_wait3A_146, %dma_wait3A_147] : memref<2x80x128xf32, #tpu.memory_space<vmem>> -> memref<1x80x128xf32, #tpu.memory_space<vmem>>
        %dma_wait3A_149 = tpu.memref_squeeze %dma_wait3A_148 : memref<1x80x128xf32, #tpu.memory_space<vmem>> -> memref<80x128xf32, #tpu.memory_space<vmem>>
        %dma_wait3A_150 = arith.constant 0 : i32
        %dma_wait3A_151 = tpu.memref_slice %arg3[%dma_wait3A_137, %mul3A_2, %dma_wait3A_150] : memref<3x320000x128xf32, #tpu.memory_space<hbm>> -> memref<1x80x128xf32, #tpu.memory_space<hbm>>
        %dma_wait3A_152 = tpu.memref_squeeze %dma_wait3A_151 : memref<1x80x128xf32, #tpu.memory_space<hbm>> -> memref<80x128xf32, #tpu.memory_space<hbm>>
        tpu.wait_dma2 semaphore(%arg12 : memref<!tpu.dma_semaphore, #tpu.memory_space<semaphore_mem>>) src(%dma_wait3A_152 : memref<80x128xf32, #tpu.memory_space<hbm>>) dst(%dma_wait3A_149 : memref<80x128xf32, #tpu.memory_space<vmem>>)
        %dma_wait3A_153 = arith.constant 0 : i32
        %dma_wait3A_154 = arith.constant 0 : i32
        %dma_wait3A_155 = arith.constant 0 : i32
        %dma_wait3A_156 = tpu.memref_slice %arg10[%dma_wait3A_153, %dma_wait3A_154, %dma_wait3A_155] : memref<2x80x128xf32, #tpu.memory_space<vmem>> -> memref<1x80x128xf32, #tpu.memory_space<vmem>>
        %dma_wait3A_157 = tpu.memref_squeeze %dma_wait3A_156 : memref<1x80x128xf32, #tpu.memory_space<vmem>> -> memref<80x128xf32, #tpu.memory_space<vmem>>
        %dma_wait3A_158 = arith.constant 0 : i32
        %dma_wait3A_159 = tpu.memref_slice %arg7[%mul3A_136, %dma_wait3A_158] : memref<25x80xi32, #tpu.memory_space<vmem>> -> memref<1x80xi32, #tpu.memory_space<vmem>>
        %dma_wait3A_160 = tpu.memref_squeeze %dma_wait3A_159 : memref<1x80xi32, #tpu.memory_space<vmem>> -> memref<80xi32, #tpu.memory_space<vmem>>
        %dma_wait3A_161 = arith.constant 0 : i32
        %dma_wait3A_162 = arith.constant 0 : i32
        %dma_wait3A_163 = tpu.memref_slice %arg2[%dma_wait3A_161, %dma_wait3A_162] : memref<10000x128xf32, #tpu.memory_space<hbm>> -> memref<10000x128xf32, #tpu.memory_space<hbm>>
        tpu.wait_indirect_dma semaphore(%arg14 : memref<!tpu.dma_semaphore, #tpu.memory_space<semaphore_mem>>) src(%dma_wait3A_163 : memref<10000x128xf32, #tpu.memory_space<hbm>>) dst(%dma_wait3A_157 : memref<80x128xf32, #tpu.memory_space<vmem>>)
        %scan3A_164 = arith.constant 0 : i32
        %scan3A_165 = arith.constant 0 : i32
        %scan3A_166 = arith.constant 80 : i32
        %scan3A_167 = arith.addi %scan3A_165, %scan3A_166 : i32
        %scan3A_168 = arith.constant 1 : i32
        scf.for %scan3A_223 = %scan3A_165 to %scan3A_167 step %scan3A_168  : i32 {
          %get3A = arith.constant 0 : i32
          %get3A_224 = arith.index_cast %get3A : i32 to index
          %get3A_225 = arith.index_cast %scan3A_223 : i32 to index
          %get3A_226 = arith.constant 0 : index
          %get3A_227 = tpu.vector_load %arg10[%get3A_224, %get3A_225, %get3A_226] {strides = array<i32>} : memref<2x80x128xf32, #tpu.memory_space<vmem>>, vector<16xf32>,
          %get3A_228 = arith.constant 0 : i32
          %get3A_229 = arith.index_cast %get3A_228 : i32 to index
          %get3A_230 = arith.index_cast %scan3A_223 : i32 to index
          %get3A_231 = arith.constant 0 : index
          %get3A_232 = tpu.vector_load %arg9[%get3A_229, %get3A_230, %get3A_231] {strides = array<i32>} : memref<2x80x128xf32, #tpu.memory_space<vmem>>, vector<16xf32>,
          %add3A_233 = arith.addf %get3A_227, %get3A_232 : vector<16xf32>
          %max3A = arith.constant 0.000000e+00 : f32
          %max3A_234 = vector.broadcast %max3A : f32 to vector<16xf32>
          %max3A_235 = arith.maximumf %add3A_233, %max3A_234 : vector<16xf32>
          %swap3A = arith.constant 0 : i32
          %swap3A_236 = arith.index_cast %swap3A : i32 to index
          %swap3A_237 = arith.index_cast %scan3A_223 : i32 to index
          %swap3A_238 = arith.constant 0 : index
          %swap3A_239 = tpu.vector_load %arg10[%swap3A_236, %swap3A_237, %swap3A_238] {strides = array<i32>} : memref<2x80x128xf32, #tpu.memory_space<vmem>>, vector<16xf32>,
          tpu.vector_store %arg10[%swap3A_236, %swap3A_237, %swap3A_238], %max3A_235 {strides = array<i32>} : memref<2x80x128xf32, #tpu.memory_space<vmem>>, vector<16xf32>,
          %get3A_240 = arith.constant 0 : i32
          %get3A_241 = arith.index_cast %get3A_240 : i32 to index
          %get3A_242 = arith.index_cast %scan3A_223 : i32 to index
          %get3A_243 = arith.constant 16 : index
          %get3A_244 = tpu.vector_load %arg10[%get3A_241, %get3A_242, %get3A_243] {strides = array<i32>} : memref<2x80x128xf32, #tpu.memory_space<vmem>>, vector<16xf32>,
          %get3A_245 = arith.constant 0 : i32
          %get3A_246 = arith.index_cast %get3A_245 : i32 to index
          %get3A_247 = arith.index_cast %scan3A_223 : i32 to index
          %get3A_248 = arith.constant 16 : index
          %get3A_249 = tpu.vector_load %arg9[%get3A_246, %get3A_247, %get3A_248] {strides = array<i32>} : memref<2x80x128xf32, #tpu.memory_space<vmem>>, vector<16xf32>,
          %add3A_250 = arith.addf %get3A_244, %get3A_249 : vector<16xf32>
          %max3A_251 = arith.constant 0.000000e+00 : f32
          %max3A_252 = vector.broadcast %max3A_251 : f32 to vector<16xf32>
          %max3A_253 = arith.maximumf %add3A_250, %max3A_252 : vector<16xf32>
          %swap3A_254 = arith.constant 0 : i32
          %swap3A_255 = arith.index_cast %swap3A_254 : i32 to index
          %swap3A_256 = arith.index_cast %scan3A_223 : i32 to index
          %swap3A_257 = arith.constant 16 : index
          %swap3A_258 = tpu.vector_load %arg10[%swap3A_255, %swap3A_256, %swap3A_257] {strides = array<i32>} : memref<2x80x128xf32, #tpu.memory_space<vmem>>, vector<16xf32>,
          tpu.vector_store %arg10[%swap3A_255, %swap3A_256, %swap3A_257], %max3A_253 {strides = array<i32>} : memref<2x80x128xf32, #tpu.memory_space<vmem>>, vector<16xf32>,
          %get3A_259 = arith.constant 0 : i32
          %get3A_260 = arith.index_cast %get3A_259 : i32 to index
          %get3A_261 = arith.index_cast %scan3A_223 : i32 to index
          %get3A_262 = arith.constant 32 : index
          %get3A_263 = tpu.vector_load %arg10[%get3A_260, %get3A_261, %get3A_262] {strides = array<i32>} : memref<2x80x128xf32, #tpu.memory_space<vmem>>, vector<16xf32>,
          %get3A_264 = arith.constant 0 : i32
          %get3A_265 = arith.index_cast %get3A_264 : i32 to index
          %get3A_266 = arith.index_cast %scan3A_223 : i32 to index
          %get3A_267 = arith.constant 32 : index
          %get3A_268 = tpu.vector_load %arg9[%get3A_265, %get3A_266, %get3A_267] {strides = array<i32>} : memref<2x80x128xf32, #tpu.memory_space<vmem>>, vector<16xf32>,
          %add3A_269 = arith.addf %get3A_263, %get3A_268 : vector<16xf32>
          %max3A_270 = arith.constant 0.000000e+00 : f32
          %max3A_271 = vector.broadcast %max3A_270 : f32 to vector<16xf32>
          %max3A_272 = arith.maximumf %add3A_269, %max3A_271 : vector<16xf32>
          %swap3A_273 = arith.constant 0 : i32
          %swap3A_274 = arith.index_cast %swap3A_273 : i32 to index
          %swap3A_275 = arith.index_cast %scan3A_223 : i32 to index
          %swap3A_276 = arith.constant 32 : index
          %swap3A_277 = tpu.vector_load %arg10[%swap3A_274, %swap3A_275, %swap3A_276] {strides = array<i32>} : memref<2x80x128xf32, #tpu.memory_space<vmem>>, vector<16xf32>,
          tpu.vector_store %arg10[%swap3A_274, %swap3A_275, %swap3A_276], %max3A_272 {strides = array<i32>} : memref<2x80x128xf32, #tpu.memory_space<vmem>>, vector<16xf32>,
          %get3A_278 = arith.constant 0 : i32
          %get3A_279 = arith.index_cast %get3A_278 : i32 to index
          %get3A_280 = arith.index_cast %scan3A_223 : i32 to index
          %get3A_281 = arith.constant 48 : index
          %get3A_282 = tpu.vector_load %arg10[%get3A_279, %get3A_280, %get3A_281] {strides = array<i32>} : memref<2x80x128xf32, #tpu.memory_space<vmem>>, vector<16xf32>,
          %get3A_283 = arith.constant 0 : i32
          %get3A_284 = arith.index_cast %get3A_283 : i32 to index
          %get3A_285 = arith.index_cast %scan3A_223 : i32 to index
          %get3A_286 = arith.constant 48 : index
          %get3A_287 = tpu.vector_load %arg9[%get3A_284, %get3A_285, %get3A_286] {strides = array<i32>} : memref<2x80x128xf32, #tpu.memory_space<vmem>>, vector<16xf32>,
          %add3A_288 = arith.addf %get3A_282, %get3A_287 : vector<16xf32>
          %max3A_289 = arith.constant 0.000000e+00 : f32
          %max3A_290 = vector.broadcast %max3A_289 : f32 to vector<16xf32>
          %max3A_291 = arith.maximumf %add3A_288, %max3A_290 : vector<16xf32>
          %swap3A_292 = arith.constant 0 : i32
          %swap3A_293 = arith.index_cast %swap3A_292 : i32 to index
          %swap3A_294 = arith.index_cast %scan3A_223 : i32 to index
          %swap3A_295 = arith.constant 48 : index
          %swap3A_296 = tpu.vector_load %arg10[%swap3A_293, %swap3A_294, %swap3A_295] {strides = array<i32>} : memref<2x80x128xf32, #tpu.memory_space<vmem>>, vector<16xf32>,
          tpu.vector_store %arg10[%swap3A_293, %swap3A_294, %swap3A_295], %max3A_291 {strides = array<i32>} : memref<2x80x128xf32, #tpu.memory_space<vmem>>, vector<16xf32>,
          %get3A_297 = arith.constant 0 : i32
          %get3A_298 = arith.index_cast %get3A_297 : i32 to index
          %get3A_299 = arith.index_cast %scan3A_223 : i32 to index
          %get3A_300 = arith.constant 64 : index
          %get3A_301 = tpu.vector_load %arg10[%get3A_298, %get3A_299, %get3A_300] {strides = array<i32>} : memref<2x80x128xf32, #tpu.memory_space<vmem>>, vector<16xf32>,
          %get3A_302 = arith.constant 0 : i32
          %get3A_303 = arith.index_cast %get3A_302 : i32 to index
          %get3A_304 = arith.index_cast %scan3A_223 : i32 to index
          %get3A_305 = arith.constant 64 : index
          %get3A_306 = tpu.vector_load %arg9[%get3A_303, %get3A_304, %get3A_305] {strides = array<i32>} : memref<2x80x128xf32, #tpu.memory_space<vmem>>, vector<16xf32>,
          %add3A_307 = arith.addf %get3A_301, %get3A_306 : vector<16xf32>
          %max3A_308 = arith.constant 0.000000e+00 : f32
          %max3A_309 = vector.broadcast %max3A_308 : f32 to vector<16xf32>
          %max3A_310 = arith.maximumf %add3A_307, %max3A_309 : vector<16xf32>
          %swap3A_311 = arith.constant 0 : i32
          %swap3A_312 = arith.index_cast %swap3A_311 : i32 to index
          %swap3A_313 = arith.index_cast %scan3A_223 : i32 to index
          %swap3A_314 = arith.constant 64 : index
          %swap3A_315 = tpu.vector_load %arg10[%swap3A_312, %swap3A_313, %swap3A_314] {strides = array<i32>} : memref<2x80x128xf32, #tpu.memory_space<vmem>>, vector<16xf32>,
          tpu.vector_store %arg10[%swap3A_312, %swap3A_313, %swap3A_314], %max3A_310 {strides = array<i32>} : memref<2x80x128xf32, #tpu.memory_space<vmem>>, vector<16xf32>,
          %get3A_316 = arith.constant 0 : i32
          %get3A_317 = arith.index_cast %get3A_316 : i32 to index
          %get3A_318 = arith.index_cast %scan3A_223 : i32 to index
          %get3A_319 = arith.constant 80 : index
          %get3A_320 = tpu.vector_load %arg10[%get3A_317, %get3A_318, %get3A_319] {strides = array<i32>} : memref<2x80x128xf32, #tpu.memory_space<vmem>>, vector<16xf32>,
          %get3A_321 = arith.constant 0 : i32
          %get3A_322 = arith.index_cast %get3A_321 : i32 to index
          %get3A_323 = arith.index_cast %scan3A_223 : i32 to index
          %get3A_324 = arith.constant 80 : index
          %get3A_325 = tpu.vector_load %arg9[%get3A_322, %get3A_323, %get3A_324] {strides = array<i32>} : memref<2x80x128xf32, #tpu.memory_space<vmem>>, vector<16xf32>,
          %add3A_326 = arith.addf %get3A_320, %get3A_325 : vector<16xf32>
          %max3A_327 = arith.constant 0.000000e+00 : f32
          %max3A_328 = vector.broadcast %max3A_327 : f32 to vector<16xf32>
          %max3A_329 = arith.maximumf %add3A_326, %max3A_328 : vector<16xf32>
          %swap3A_330 = arith.constant 0 : i32
          %swap3A_331 = arith.index_cast %swap3A_330 : i32 to index
          %swap3A_332 = arith.index_cast %scan3A_223 : i32 to index
          %swap3A_333 = arith.constant 80 : index
          %swap3A_334 = tpu.vector_load %arg10[%swap3A_331, %swap3A_332, %swap3A_333] {strides = array<i32>} : memref<2x80x128xf32, #tpu.memory_space<vmem>>, vector<16xf32>,
          tpu.vector_store %arg10[%swap3A_331, %swap3A_332, %swap3A_333], %max3A_329 {strides = array<i32>} : memref<2x80x128xf32, #tpu.memory_space<vmem>>, vector<16xf32>,
          %get3A_335 = arith.constant 0 : i32
          %get3A_336 = arith.index_cast %get3A_335 : i32 to index
          %get3A_337 = arith.index_cast %scan3A_223 : i32 to index
          %get3A_338 = arith.constant 96 : index
          %get3A_339 = tpu.vector_load %arg10[%get3A_336, %get3A_337, %get3A_338] {strides = array<i32>} : memref<2x80x128xf32, #tpu.memory_space<vmem>>, vector<16xf32>,
          %get3A_340 = arith.constant 0 : i32
          %get3A_341 = arith.index_cast %get3A_340 : i32 to index
          %get3A_342 = arith.index_cast %scan3A_223 : i32 to index
          %get3A_343 = arith.constant 96 : index
          %get3A_344 = tpu.vector_load %arg9[%get3A_341, %get3A_342, %get3A_343] {strides = array<i32>} : memref<2x80x128xf32, #tpu.memory_space<vmem>>, vector<16xf32>,
          %add3A_345 = arith.addf %get3A_339, %get3A_344 : vector<16xf32>
          %max3A_346 = arith.constant 0.000000e+00 : f32
          %max3A_347 = vector.broadcast %max3A_346 : f32 to vector<16xf32>
          %max3A_348 = arith.maximumf %add3A_345, %max3A_347 : vector<16xf32>
          %swap3A_349 = arith.constant 0 : i32
          %swap3A_350 = arith.index_cast %swap3A_349 : i32 to index
          %swap3A_351 = arith.index_cast %scan3A_223 : i32 to index
          %swap3A_352 = arith.constant 96 : index
          %swap3A_353 = tpu.vector_load %arg10[%swap3A_350, %swap3A_351, %swap3A_352] {strides = array<i32>} : memref<2x80x128xf32, #tpu.memory_space<vmem>>, vector<16xf32>,
          tpu.vector_store %arg10[%swap3A_350, %swap3A_351, %swap3A_352], %max3A_348 {strides = array<i32>} : memref<2x80x128xf32, #tpu.memory_space<vmem>>, vector<16xf32>,
          %get3A_354 = arith.constant 0 : i32
          %get3A_355 = arith.index_cast %get3A_354 : i32 to index
          %get3A_356 = arith.index_cast %scan3A_223 : i32 to index
          %get3A_357 = arith.constant 112 : index
          %get3A_358 = tpu.vector_load %arg10[%get3A_355, %get3A_356, %get3A_357] {strides = array<i32>} : memref<2x80x128xf32, #tpu.memory_space<vmem>>, vector<16xf32>,
          %get3A_359 = arith.constant 0 : i32
          %get3A_360 = arith.index_cast %get3A_359 : i32 to index
          %get3A_361 = arith.index_cast %scan3A_223 : i32 to index
          %get3A_362 = arith.constant 112 : index
          %get3A_363 = tpu.vector_load %arg9[%get3A_360, %get3A_361, %get3A_362] {strides = array<i32>} : memref<2x80x128xf32, #tpu.memory_space<vmem>>, vector<16xf32>,
          %add3A_364 = arith.addf %get3A_358, %get3A_363 : vector<16xf32>
          %max3A_365 = arith.constant 0.000000e+00 : f32
          %max3A_366 = vector.broadcast %max3A_365 : f32 to vector<16xf32>
          %max3A_367 = arith.maximumf %add3A_364, %max3A_366 : vector<16xf32>
          %swap3A_368 = arith.constant 0 : i32
          %swap3A_369 = arith.index_cast %swap3A_368 : i32 to index
          %swap3A_370 = arith.index_cast %scan3A_223 : i32 to index
          %swap3A_371 = arith.constant 112 : index
          %swap3A_372 = tpu.vector_load %arg10[%swap3A_369, %swap3A_370, %swap3A_371] {strides = array<i32>} : memref<2x80x128xf32, #tpu.memory_space<vmem>>, vector<16xf32>,
          tpu.vector_store %arg10[%swap3A_369, %swap3A_370, %swap3A_371], %max3A_367 {strides = array<i32>} : memref<2x80x128xf32, #tpu.memory_space<vmem>>, vector<16xf32>,
        }
        %scan3A_169 = arith.constant 80 : i32
        %run_scoped3A_170 = arith.constant 0 : i32
        "tpu.region"() ({
          %run_scoped3A_223 = tpu.sem_alloc : memref<!tpu.dma_semaphore, #tpu.memory_space<semaphore_mem>>
          %dma_start3A_224 = arith.constant 0 : i32
          %dma_start3A_225 = arith.constant 0 : i32
          %dma_start3A_226 = tpu.memref_slice %arg10[%run_scoped3A_170, %dma_start3A_224, %dma_start3A_225] : memref<2x80x128xf32, #tpu.memory_space<vmem>> -> memref<1x80x128xf32, #tpu.memory_space<vmem>>
          %dma_start3A_227 = tpu.memref_squeeze %dma_start3A_226 : memref<1x80x128xf32, #tpu.memory_space<vmem>> -> memref<80x128xf32, #tpu.memory_space<vmem>>
          %dma_start3A_228 = arith.constant 0 : i32
          %dma_start3A_229 = tpu.memref_slice %arg8[%mul3A_136, %dma_start3A_228] : memref<25x80xi32, #tpu.memory_space<vmem>> -> memref<1x80xi32, #tpu.memory_space<vmem>>
          %dma_start3A_230 = tpu.memref_squeeze %dma_start3A_229 : memref<1x80xi32, #tpu.memory_space<vmem>> -> memref<80xi32, #tpu.memory_space<vmem>>
          %dma_start3A_231 = arith.constant 0 : i32
          %dma_start3A_232 = arith.constant 0 : i32
          %dma_start3A_233 = tpu.memref_slice %arg11[%dma_start3A_231, %dma_start3A_232] : memref<10000x128xf32, #tpu.memory_space<vmem_shared>> -> memref<10000x128xf32, #tpu.memory_space<vmem_shared>>
          tpu.enqueue_indirect_dma source(%dma_start3A_227 : memref<80x128xf32, #tpu.memory_space<vmem>>) target(%dma_start3A_233 : memref<10000x128xf32, #tpu.memory_space<vmem_shared>>) offsets(%dma_start3A_230 : memref<80xi32, #tpu.memory_space<vmem>>) semaphore(%run_scoped3A_223 : memref<!tpu.dma_semaphore, #tpu.memory_space<semaphore_mem>>) {add = true}
          %dma_wait3A_234 = arith.constant 0 : i32
          %dma_wait3A_235 = arith.constant 0 : i32
          %dma_wait3A_236 = tpu.memref_slice %arg10[%run_scoped3A_170, %dma_wait3A_234, %dma_wait3A_235] : memref<2x80x128xf32, #tpu.memory_space<vmem>> -> memref<1x80x128xf32, #tpu.memory_space<vmem>>
          %dma_wait3A_237 = tpu.memref_squeeze %dma_wait3A_236 : memref<1x80x128xf32, #tpu.memory_space<vmem>> -> memref<80x128xf32, #tpu.memory_space<vmem>>
          %dma_wait3A_238 = arith.constant 0 : i32
          %dma_wait3A_239 = tpu.memref_slice %arg8[%mul3A_136, %dma_wait3A_238] : memref<25x80xi32, #tpu.memory_space<vmem>> -> memref<1x80xi32, #tpu.memory_space<vmem>>
          %dma_wait3A_240 = tpu.memref_squeeze %dma_wait3A_239 : memref<1x80xi32, #tpu.memory_space<vmem>> -> memref<80xi32, #tpu.memory_space<vmem>>
          %dma_wait3A_241 = arith.constant 0 : i32
          %dma_wait3A_242 = arith.constant 0 : i32
          %dma_wait3A_243 = tpu.memref_slice %arg11[%dma_wait3A_241, %dma_wait3A_242] : memref<10000x128xf32, #tpu.memory_space<vmem_shared>> -> memref<10000x128xf32, #tpu.memory_space<vmem_shared>>
          tpu.wait_indirect_dma semaphore(%run_scoped3A_223 : memref<!tpu.dma_semaphore, #tpu.memory_space<semaphore_mem>>) src(%dma_wait3A_237 : memref<80x128xf32, #tpu.memory_space<vmem>>) dst(%dma_wait3A_243 : memref<10000x128xf32, #tpu.memory_space<vmem_shared>>)
          tpu.yield
        }) : () -> ()
        %add3A_171 = arith.constant 2 : i32
        %add3A_172 = arith.addi %mul3A_136, %add3A_171 : i32
        %lt3A_173 = arith.constant 25 : i32
        %lt3A_174 = arith.cmpi slt, %add3A_172, %lt3A_173 : i32
        %convert_element_type3A_175 = arith.extui %lt3A_174 : i1 to i32
        %cond3A_176 = arith.constant 0 : i32
        %cond3A_177 = arith.cmpi ne, %convert_element_type3A_175, %cond3A_176 : i32
        scf.if %cond3A_177 {
          %add3A_223 = arith.constant 2 : i32
          %add3A_224 = arith.addi %mul3A_136, %add3A_223 : i32
          %mul3A_225 = arith.constant 80 : i32
          %mul3A_226 = arith.muli %add3A_224, %mul3A_225 : i32
          %add3A_227 = arith.addi %add3A_31, %mul3A_226 : i32
          %multiple_of3A_228 = tpu.assume_multiple %add3A_227, 8 : i32
          %dma_start3A_229 = arith.constant 0 : i32
          %dma_start3A_230 = arith.constant 0 : i32
          %dma_start3A_231 = arith.constant 0 : i32
          %dma_start3A_232 = arith.constant 0 : i32
          %dma_start3A_233 = tpu.memref_slice %arg9[%dma_start3A_230, %dma_start3A_231, %dma_start3A_232] : memref<2x80x128xf32, #tpu.memory_space<vmem>> -> memref<1x80x128xf32, #tpu.memory_space<vmem>>
          %dma_start3A_234 = tpu.memref_squeeze %dma_start3A_233 : memref<1x80x128xf32, #tpu.memory_space<vmem>> -> memref<80x128xf32, #tpu.memory_space<vmem>>
          %dma_start3A_235 = arith.constant 0 : i32
          %dma_start3A_236 = tpu.memref_slice %arg3[%dma_start3A_229, %multiple_of3A_228, %dma_start3A_235] : memref<3x320000x128xf32, #tpu.memory_space<hbm>> -> memref<1x80x128xf32, #tpu.memory_space<hbm>>
          %dma_start3A_237 = tpu.memref_squeeze %dma_start3A_236 : memref<1x80x128xf32, #tpu.memory_space<hbm>> -> memref<80x128xf32, #tpu.memory_space<hbm>>
          %dma_start3A_238 = arith.constant 0 : i32
          %dma_start3A_239 = arith.constant 0 : i32
          %dma_start3A_240 = tpu.memref_slice %arg9[%dma_start3A_230, %dma_start3A_238, %dma_start3A_239] : memref<2x80x128xf32, #tpu.memory_space<vmem>> -> memref<1x80x128xf32, #tpu.memory_space<vmem>>
          %dma_start3A_241 = tpu.memref_squeeze %dma_start3A_240 : memref<1x80x128xf32, #tpu.memory_space<vmem>> -> memref<80x128xf32, #tpu.memory_space<vmem>>
          %dma_start3A_242 = arith.constant 0 : i32
          %dma_start3A_243 = tpu.memref_slice %arg3[%dma_start3A_229, %multiple_of3A_228, %dma_start3A_242] : memref<3x320000x128xf32, #tpu.memory_space<hbm>> -> memref<1x80x128xf32, #tpu.memory_space<hbm>>
          %dma_start3A_244 = tpu.memref_squeeze %dma_start3A_243 : memref<1x80x128xf32, #tpu.memory_space<hbm>> -> memref<80x128xf32, #tpu.memory_space<hbm>>
          tpu.enqueue_dma source(%dma_start3A_244 : memref<80x128xf32, #tpu.memory_space<hbm>>) target(%dma_start3A_241 : memref<80x128xf32, #tpu.memory_space<vmem>>) target_semaphore(%arg12 : memref<!tpu.dma_semaphore, #tpu.memory_space<semaphore_mem>>)
          %dma_start3A_245 = arith.constant 0 : i32
          %dma_start3A_246 = arith.constant 0 : i32
          %dma_start3A_247 = arith.constant 0 : i32
          %dma_start3A_248 = tpu.memref_slice %arg10[%dma_start3A_245, %dma_start3A_246, %dma_start3A_247] : memref<2x80x128xf32, #tpu.memory_space<vmem>> -> memref<1x80x128xf32, #tpu.memory_space<vmem>>
          %dma_start3A_249 = tpu.memref_squeeze %dma_start3A_248 : memref<1x80x128xf32, #tpu.memory_space<vmem>> -> memref<80x128xf32, #tpu.memory_space<vmem>>
          %dma_start3A_250 = arith.constant 0 : i32
          %dma_start3A_251 = tpu.memref_slice %arg7[%add3A_224, %dma_start3A_250] : memref<25x80xi32, #tpu.memory_space<vmem>> -> memref<1x80xi32, #tpu.memory_space<vmem>>
          %dma_start3A_252 = tpu.memref_squeeze %dma_start3A_251 : memref<1x80xi32, #tpu.memory_space<vmem>> -> memref<80xi32, #tpu.memory_space<vmem>>
          %dma_start3A_253 = arith.constant 0 : i32
          %dma_start3A_254 = arith.constant 0 : i32
          %dma_start3A_255 = tpu.memref_slice %arg2[%dma_start3A_253, %dma_start3A_254] : memref<10000x128xf32, #tpu.memory_space<hbm>> -> memref<10000x128xf32, #tpu.memory_space<hbm>>
          tpu.enqueue_indirect_dma source(%dma_start3A_255 : memref<10000x128xf32, #tpu.memory_space<hbm>>) target(%dma_start3A_249 : memref<80x128xf32, #tpu.memory_space<vmem>>) offsets(%dma_start3A_252 : memref<80xi32, #tpu.memory_space<vmem>>) semaphore(%arg14 : memref<!tpu.dma_semaphore, #tpu.memory_space<semaphore_mem>>)
        } else {
        }
        %mul3A_178 = arith.constant 2 : i32
        %mul3A_179 = arith.muli %mul3A_178, %scan3A_134 : i32
        %add3A_180 = arith.constant 1 : i32
        %add3A_181 = arith.addi %mul3A_179, %add3A_180 : i32
        %dma_wait3A_182 = arith.constant 0 : i32
        %dma_wait3A_183 = arith.constant 1 : i32
        %dma_wait3A_184 = arith.constant 0 : i32
        %dma_wait3A_185 = arith.constant 0 : i32
        %dma_wait3A_186 = tpu.memref_slice %arg9[%dma_wait3A_183, %dma_wait3A_184, %dma_wait3A_185] : memref<2x80x128xf32, #tpu.memory_space<vmem>> -> memref<1x80x128xf32, #tpu.memory_space<vmem>>
        %dma_wait3A_187 = tpu.memref_squeeze %dma_wait3A_186 : memref<1x80x128xf32, #tpu.memory_space<vmem>> -> memref<80x128xf32, #tpu.memory_space<vmem>>
        %dma_wait3A_188 = arith.constant 0 : i32
        %dma_wait3A_189 = tpu.memref_slice %arg3[%dma_wait3A_182, %mul3A_2, %dma_wait3A_188] : memref<3x320000x128xf32, #tpu.memory_space<hbm>> -> memref<1x80x128xf32, #tpu.memory_space<hbm>>
        %dma_wait3A_190 = tpu.memref_squeeze %dma_wait3A_189 : memref<1x80x128xf32, #tpu.memory_space<hbm>> -> memref<80x128xf32, #tpu.memory_space<hbm>>
        %dma_wait3A_191 = arith.constant 0 : i32
        %dma_wait3A_192 = arith.constant 0 : i32
        %dma_wait3A_193 = tpu.memref_slice %arg9[%dma_wait3A_183, %dma_wait3A_191, %dma_wait3A_192] : memref<2x80x128xf32, #tpu.memory_space<vmem>> -> memref<1x80x128xf32, #tpu.memory_space<vmem>>
        %dma_wait3A_194 = tpu.memref_squeeze %dma_wait3A_193 : memref<1x80x128xf32, #tpu.memory_space<vmem>> -> memref<80x128xf32, #tpu.memory_space<vmem>>
        %dma_wait3A_195 = arith.constant 0 : i32
        %dma_wait3A_196 = tpu.memref_slice %arg3[%dma_wait3A_182, %mul3A_2, %dma_wait3A_195] : memref<3x320000x128xf32, #tpu.memory_space<hbm>> -> memref<1x80x128xf32, #tpu.memory_space<hbm>>
        %dma_wait3A_197 = tpu.memref_squeeze %dma_wait3A_196 : memref<1x80x128xf32, #tpu.memory_space<hbm>> -> memref<80x128xf32, #tpu.memory_space<hbm>>
        tpu.wait_dma2 semaphore(%arg13 : memref<!tpu.dma_semaphore, #tpu.memory_space<semaphore_mem>>) src(%dma_wait3A_197 : memref<80x128xf32, #tpu.memory_space<hbm>>) dst(%dma_wait3A_194 : memref<80x128xf32, #tpu.memory_space<vmem>>)
        %dma_wait3A_198 = arith.constant 1 : i32
        %dma_wait3A_199 = arith.constant 0 : i32
        %dma_wait3A_200 = arith.constant 0 : i32
        %dma_wait3A_201 = tpu.memref_slice %arg10[%dma_wait3A_198, %dma_wait3A_199, %dma_wait3A_200] : memref<2x80x128xf32, #tpu.memory_space<vmem>> -> memref<1x80x128xf32, #tpu.memory_space<vmem>>
        %dma_wait3A_202 = tpu.memref_squeeze %dma_wait3A_201 : memref<1x80x128xf32, #tpu.memory_space<vmem>> -> memref<80x128xf32, #tpu.memory_space<vmem>>
        %dma_wait3A_203 = arith.constant 0 : i32
        %dma_wait3A_204 = tpu.memref_slice %arg7[%add3A_181, %dma_wait3A_203] : memref<25x80xi32, #tpu.memory_space<vmem>> -> memref<1x80xi32, #tpu.memory_space<vmem>>
        %dma_wait3A_205 = tpu.memref_squeeze %dma_wait3A_204 : memref<1x80xi32, #tpu.memory_space<vmem>> -> memref<80xi32, #tpu.memory_space<vmem>>
        %dma_wait3A_206 = arith.constant 0 : i32
        %dma_wait3A_207 = arith.constant 0 : i32
        %dma_wait3A_208 = tpu.memref_slice %arg2[%dma_wait3A_206, %dma_wait3A_207] : memref<10000x128xf32, #tpu.memory_space<hbm>> -> memref<10000x128xf32, #tpu.memory_space<hbm>>
        tpu.wait_indirect_dma semaphore(%arg15 : memref<!tpu.dma_semaphore, #tpu.memory_space<semaphore_mem>>) src(%dma_wait3A_208 : memref<10000x128xf32, #tpu.memory_space<hbm>>) dst(%dma_wait3A_202 : memref<80x128xf32, #tpu.memory_space<vmem>>)
        %scan3A_209 = arith.constant 0 : i32
        %scan3A_210 = arith.constant 0 : i32
        %scan3A_211 = arith.constant 80 : i32
        %scan3A_212 = arith.addi %scan3A_210, %scan3A_211 : i32
        %scan3A_213 = arith.constant 1 : i32
        scf.for %scan3A_223 = %scan3A_210 to %scan3A_212 step %scan3A_213  : i32 {
          %get3A = arith.constant 1 : i32
          %get3A_224 = arith.index_cast %get3A : i32 to index
          %get3A_225 = arith.index_cast %scan3A_223 : i32 to index
          %get3A_226 = arith.constant 0 : index
          %get3A_227 = tpu.vector_load %arg10[%get3A_224, %get3A_225, %get3A_226] {strides = array<i32>} : memref<2x80x128xf32, #tpu.memory_space<vmem>>, vector<16xf32>,
          %get3A_228 = arith.constant 1 : i32
          %get3A_229 = arith.index_cast %get3A_228 : i32 to index
          %get3A_230 = arith.index_cast %scan3A_223 : i32 to index
          %get3A_231 = arith.constant 0 : index
          %get3A_232 = tpu.vector_load %arg9[%get3A_229, %get3A_230, %get3A_231] {strides = array<i32>} : memref<2x80x128xf32, #tpu.memory_space<vmem>>, vector<16xf32>,
          %add3A_233 = arith.addf %get3A_227, %get3A_232 : vector<16xf32>
          %max3A = arith.constant 0.000000e+00 : f32
          %max3A_234 = vector.broadcast %max3A : f32 to vector<16xf32>
          %max3A_235 = arith.maximumf %add3A_233, %max3A_234 : vector<16xf32>
          %swap3A = arith.constant 1 : i32
          %swap3A_236 = arith.index_cast %swap3A : i32 to index
          %swap3A_237 = arith.index_cast %scan3A_223 : i32 to index
          %swap3A_238 = arith.constant 0 : index
          %swap3A_239 = tpu.vector_load %arg10[%swap3A_236, %swap3A_237, %swap3A_238] {strides = array<i32>} : memref<2x80x128xf32, #tpu.memory_space<vmem>>, vector<16xf32>,
          tpu.vector_store %arg10[%swap3A_236, %swap3A_237, %swap3A_238], %max3A_235 {strides = array<i32>} : memref<2x80x128xf32, #tpu.memory_space<vmem>>, vector<16xf32>,
          %get3A_240 = arith.constant 1 : i32
          %get3A_241 = arith.index_cast %get3A_240 : i32 to index
          %get3A_242 = arith.index_cast %scan3A_223 : i32 to index
          %get3A_243 = arith.constant 16 : index
          %get3A_244 = tpu.vector_load %arg10[%get3A_241, %get3A_242, %get3A_243] {strides = array<i32>} : memref<2x80x128xf32, #tpu.memory_space<vmem>>, vector<16xf32>,
          %get3A_245 = arith.constant 1 : i32
          %get3A_246 = arith.index_cast %get3A_245 : i32 to index
          %get3A_247 = arith.index_cast %scan3A_223 : i32 to index
          %get3A_248 = arith.constant 16 : index
          %get3A_249 = tpu.vector_load %arg9[%get3A_246, %get3A_247, %get3A_248] {strides = array<i32>} : memref<2x80x128xf32, #tpu.memory_space<vmem>>, vector<16xf32>,
          %add3A_250 = arith.addf %get3A_244, %get3A_249 : vector<16xf32>
          %max3A_251 = arith.constant 0.000000e+00 : f32
          %max3A_252 = vector.broadcast %max3A_251 : f32 to vector<16xf32>
          %max3A_253 = arith.maximumf %add3A_250, %max3A_252 : vector<16xf32>
          %swap3A_254 = arith.constant 1 : i32
          %swap3A_255 = arith.index_cast %swap3A_254 : i32 to index
          %swap3A_256 = arith.index_cast %scan3A_223 : i32 to index
          %swap3A_257 = arith.constant 16 : index
          %swap3A_258 = tpu.vector_load %arg10[%swap3A_255, %swap3A_256, %swap3A_257] {strides = array<i32>} : memref<2x80x128xf32, #tpu.memory_space<vmem>>, vector<16xf32>,
          tpu.vector_store %arg10[%swap3A_255, %swap3A_256, %swap3A_257], %max3A_253 {strides = array<i32>} : memref<2x80x128xf32, #tpu.memory_space<vmem>>, vector<16xf32>,
          %get3A_259 = arith.constant 1 : i32
          %get3A_260 = arith.index_cast %get3A_259 : i32 to index
          %get3A_261 = arith.index_cast %scan3A_223 : i32 to index
          %get3A_262 = arith.constant 32 : index
          %get3A_263 = tpu.vector_load %arg10[%get3A_260, %get3A_261, %get3A_262] {strides = array<i32>} : memref<2x80x128xf32, #tpu.memory_space<vmem>>, vector<16xf32>,
          %get3A_264 = arith.constant 1 : i32
          %get3A_265 = arith.index_cast %get3A_264 : i32 to index
          %get3A_266 = arith.index_cast %scan3A_223 : i32 to index
          %get3A_267 = arith.constant 32 : index
          %get3A_268 = tpu.vector_load %arg9[%get3A_265, %get3A_266, %get3A_267] {strides = array<i32>} : memref<2x80x128xf32, #tpu.memory_space<vmem>>, vector<16xf32>,
          %add3A_269 = arith.addf %get3A_263, %get3A_268 : vector<16xf32>
          %max3A_270 = arith.constant 0.000000e+00 : f32
          %max3A_271 = vector.broadcast %max3A_270 : f32 to vector<16xf32>
          %max3A_272 = arith.maximumf %add3A_269, %max3A_271 : vector<16xf32>
          %swap3A_273 = arith.constant 1 : i32
          %swap3A_274 = arith.index_cast %swap3A_273 : i32 to index
          %swap3A_275 = arith.index_cast %scan3A_223 : i32 to index
          %swap3A_276 = arith.constant 32 : index
          %swap3A_277 = tpu.vector_load %arg10[%swap3A_274, %swap3A_275, %swap3A_276] {strides = array<i32>} : memref<2x80x128xf32, #tpu.memory_space<vmem>>, vector<16xf32>,
          tpu.vector_store %arg10[%swap3A_274, %swap3A_275, %swap3A_276], %max3A_272 {strides = array<i32>} : memref<2x80x128xf32, #tpu.memory_space<vmem>>, vector<16xf32>,
          %get3A_278 = arith.constant 1 : i32
          %get3A_279 = arith.index_cast %get3A_278 : i32 to index
          %get3A_280 = arith.index_cast %scan3A_223 : i32 to index
          %get3A_281 = arith.constant 48 : index
          %get3A_282 = tpu.vector_load %arg10[%get3A_279, %get3A_280, %get3A_281] {strides = array<i32>} : memref<2x80x128xf32, #tpu.memory_space<vmem>>, vector<16xf32>,
          %get3A_283 = arith.constant 1 : i32
          %get3A_284 = arith.index_cast %get3A_283 : i32 to index
          %get3A_285 = arith.index_cast %scan3A_223 : i32 to index
          %get3A_286 = arith.constant 48 : index
          %get3A_287 = tpu.vector_load %arg9[%get3A_284, %get3A_285, %get3A_286] {strides = array<i32>} : memref<2x80x128xf32, #tpu.memory_space<vmem>>, vector<16xf32>,
          %add3A_288 = arith.addf %get3A_282, %get3A_287 : vector<16xf32>
          %max3A_289 = arith.constant 0.000000e+00 : f32
          %max3A_290 = vector.broadcast %max3A_289 : f32 to vector<16xf32>
          %max3A_291 = arith.maximumf %add3A_288, %max3A_290 : vector<16xf32>
          %swap3A_292 = arith.constant 1 : i32
          %swap3A_293 = arith.index_cast %swap3A_292 : i32 to index
          %swap3A_294 = arith.index_cast %scan3A_223 : i32 to index
          %swap3A_295 = arith.constant 48 : index
          %swap3A_296 = tpu.vector_load %arg10[%swap3A_293, %swap3A_294, %swap3A_295] {strides = array<i32>} : memref<2x80x128xf32, #tpu.memory_space<vmem>>, vector<16xf32>,
          tpu.vector_store %arg10[%swap3A_293, %swap3A_294, %swap3A_295], %max3A_291 {strides = array<i32>} : memref<2x80x128xf32, #tpu.memory_space<vmem>>, vector<16xf32>,
          %get3A_297 = arith.constant 1 : i32
          %get3A_298 = arith.index_cast %get3A_297 : i32 to index
          %get3A_299 = arith.index_cast %scan3A_223 : i32 to index
          %get3A_300 = arith.constant 64 : index
          %get3A_301 = tpu.vector_load %arg10[%get3A_298, %get3A_299, %get3A_300] {strides = array<i32>} : memref<2x80x128xf32, #tpu.memory_space<vmem>>, vector<16xf32>,
          %get3A_302 = arith.constant 1 : i32
          %get3A_303 = arith.index_cast %get3A_302 : i32 to index
          %get3A_304 = arith.index_cast %scan3A_223 : i32 to index
          %get3A_305 = arith.constant 64 : index
          %get3A_306 = tpu.vector_load %arg9[%get3A_303, %get3A_304, %get3A_305] {strides = array<i32>} : memref<2x80x128xf32, #tpu.memory_space<vmem>>, vector<16xf32>,
          %add3A_307 = arith.addf %get3A_301, %get3A_306 : vector<16xf32>
          %max3A_308 = arith.constant 0.000000e+00 : f32
          %max3A_309 = vector.broadcast %max3A_308 : f32 to vector<16xf32>
          %max3A_310 = arith.maximumf %add3A_307, %max3A_309 : vector<16xf32>
          %swap3A_311 = arith.constant 1 : i32
          %swap3A_312 = arith.index_cast %swap3A_311 : i32 to index
          %swap3A_313 = arith.index_cast %scan3A_223 : i32 to index
          %swap3A_314 = arith.constant 64 : index
          %swap3A_315 = tpu.vector_load %arg10[%swap3A_312, %swap3A_313, %swap3A_314] {strides = array<i32>} : memref<2x80x128xf32, #tpu.memory_space<vmem>>, vector<16xf32>,
          tpu.vector_store %arg10[%swap3A_312, %swap3A_313, %swap3A_314], %max3A_310 {strides = array<i32>} : memref<2x80x128xf32, #tpu.memory_space<vmem>>, vector<16xf32>,
          %get3A_316 = arith.constant 1 : i32
          %get3A_317 = arith.index_cast %get3A_316 : i32 to index
          %get3A_318 = arith.index_cast %scan3A_223 : i32 to index
          %get3A_319 = arith.constant 80 : index
          %get3A_320 = tpu.vector_load %arg10[%get3A_317, %get3A_318, %get3A_319] {strides = array<i32>} : memref<2x80x128xf32, #tpu.memory_space<vmem>>, vector<16xf32>,
          %get3A_321 = arith.constant 1 : i32
          %get3A_322 = arith.index_cast %get3A_321 : i32 to index
          %get3A_323 = arith.index_cast %scan3A_223 : i32 to index
          %get3A_324 = arith.constant 80 : index
          %get3A_325 = tpu.vector_load %arg9[%get3A_322, %get3A_323, %get3A_324] {strides = array<i32>} : memref<2x80x128xf32, #tpu.memory_space<vmem>>, vector<16xf32>,
          %add3A_326 = arith.addf %get3A_320, %get3A_325 : vector<16xf32>
          %max3A_327 = arith.constant 0.000000e+00 : f32
          %max3A_328 = vector.broadcast %max3A_327 : f32 to vector<16xf32>
          %max3A_329 = arith.maximumf %add3A_326, %max3A_328 : vector<16xf32>
          %swap3A_330 = arith.constant 1 : i32
          %swap3A_331 = arith.index_cast %swap3A_330 : i32 to index
          %swap3A_332 = arith.index_cast %scan3A_223 : i32 to index
          %swap3A_333 = arith.constant 80 : index
          %swap3A_334 = tpu.vector_load %arg10[%swap3A_331, %swap3A_332, %swap3A_333] {strides = array<i32>} : memref<2x80x128xf32, #tpu.memory_space<vmem>>, vector<16xf32>,
          tpu.vector_store %arg10[%swap3A_331, %swap3A_332, %swap3A_333], %max3A_329 {strides = array<i32>} : memref<2x80x128xf32, #tpu.memory_space<vmem>>, vector<16xf32>,
          %get3A_335 = arith.constant 1 : i32
          %get3A_336 = arith.index_cast %get3A_335 : i32 to index
          %get3A_337 = arith.index_cast %scan3A_223 : i32 to index
          %get3A_338 = arith.constant 96 : index
          %get3A_339 = tpu.vector_load %arg10[%get3A_336, %get3A_337, %get3A_338] {strides = array<i32>} : memref<2x80x128xf32, #tpu.memory_space<vmem>>, vector<16xf32>,
          %get3A_340 = arith.constant 1 : i32
          %get3A_341 = arith.index_cast %get3A_340 : i32 to index
          %get3A_342 = arith.index_cast %scan3A_223 : i32 to index
          %get3A_343 = arith.constant 96 : index
          %get3A_344 = tpu.vector_load %arg9[%get3A_341, %get3A_342, %get3A_343] {strides = array<i32>} : memref<2x80x128xf32, #tpu.memory_space<vmem>>, vector<16xf32>,
          %add3A_345 = arith.addf %get3A_339, %get3A_344 : vector<16xf32>
          %max3A_346 = arith.constant 0.000000e+00 : f32
          %max3A_347 = vector.broadcast %max3A_346 : f32 to vector<16xf32>
          %max3A_348 = arith.maximumf %add3A_345, %max3A_347 : vector<16xf32>
          %swap3A_349 = arith.constant 1 : i32
          %swap3A_350 = arith.index_cast %swap3A_349 : i32 to index
          %swap3A_351 = arith.index_cast %scan3A_223 : i32 to index
          %swap3A_352 = arith.constant 96 : index
          %swap3A_353 = tpu.vector_load %arg10[%swap3A_350, %swap3A_351, %swap3A_352] {strides = array<i32>} : memref<2x80x128xf32, #tpu.memory_space<vmem>>, vector<16xf32>,
          tpu.vector_store %arg10[%swap3A_350, %swap3A_351, %swap3A_352], %max3A_348 {strides = array<i32>} : memref<2x80x128xf32, #tpu.memory_space<vmem>>, vector<16xf32>,
          %get3A_354 = arith.constant 1 : i32
          %get3A_355 = arith.index_cast %get3A_354 : i32 to index
          %get3A_356 = arith.index_cast %scan3A_223 : i32 to index
          %get3A_357 = arith.constant 112 : index
          %get3A_358 = tpu.vector_load %arg10[%get3A_355, %get3A_356, %get3A_357] {strides = array<i32>} : memref<2x80x128xf32, #tpu.memory_space<vmem>>, vector<16xf32>,
          %get3A_359 = arith.constant 1 : i32
          %get3A_360 = arith.index_cast %get3A_359 : i32 to index
          %get3A_361 = arith.index_cast %scan3A_223 : i32 to index
          %get3A_362 = arith.constant 112 : index
          %get3A_363 = tpu.vector_load %arg9[%get3A_360, %get3A_361, %get3A_362] {strides = array<i32>} : memref<2x80x128xf32, #tpu.memory_space<vmem>>, vector<16xf32>,
          %add3A_364 = arith.addf %get3A_358, %get3A_363 : vector<16xf32>
          %max3A_365 = arith.constant 0.000000e+00 : f32
          %max3A_366 = vector.broadcast %max3A_365 : f32 to vector<16xf32>
          %max3A_367 = arith.maximumf %add3A_364, %max3A_366 : vector<16xf32>
          %swap3A_368 = arith.constant 1 : i32
          %swap3A_369 = arith.index_cast %swap3A_368 : i32 to index
          %swap3A_370 = arith.index_cast %scan3A_223 : i32 to index
          %swap3A_371 = arith.constant 112 : index
          %swap3A_372 = tpu.vector_load %arg10[%swap3A_369, %swap3A_370, %swap3A_371] {strides = array<i32>} : memref<2x80x128xf32, #tpu.memory_space<vmem>>, vector<16xf32>,
          tpu.vector_store %arg10[%swap3A_369, %swap3A_370, %swap3A_371], %max3A_367 {strides = array<i32>} : memref<2x80x128xf32, #tpu.memory_space<vmem>>, vector<16xf32>,
        }
        %scan3A_214 = arith.constant 80 : i32
        %run_scoped3A_215 = arith.constant 1 : i32
        "tpu.region"() ({
          %run_scoped3A_223 = tpu.sem_alloc : memref<!tpu.dma_semaphore, #tpu.memory_space<semaphore_mem>>
          %dma_start3A_224 = arith.constant 0 : i32
          %dma_start3A_225 = arith.constant 0 : i32
          %dma_start3A_226 = tpu.memref_slice %arg10[%run_scoped3A_215, %dma_start3A_224, %dma_start3A_225] : memref<2x80x128xf32, #tpu.memory_space<vmem>> -> memref<1x80x128xf32, #tpu.memory_space<vmem>>
          %dma_start3A_227 = tpu.memref_squeeze %dma_start3A_226 : memref<1x80x128xf32, #tpu.memory_space<vmem>> -> memref<80x128xf32, #tpu.memory_space<vmem>>
          %dma_start3A_228 = arith.constant 0 : i32
          %dma_start3A_229 = tpu.memref_slice %arg8[%add3A_181, %dma_start3A_228] : memref<25x80xi32, #tpu.memory_space<vmem>> -> memref<1x80xi32, #tpu.memory_space<vmem>>
          %dma_start3A_230 = tpu.memref_squeeze %dma_start3A_229 : memref<1x80xi32, #tpu.memory_space<vmem>> -> memref<80xi32, #tpu.memory_space<vmem>>
          %dma_start3A_231 = arith.constant 0 : i32
          %dma_start3A_232 = arith.constant 0 : i32
          %dma_start3A_233 = tpu.memref_slice %arg11[%dma_start3A_231, %dma_start3A_232] : memref<10000x128xf32, #tpu.memory_space<vmem_shared>> -> memref<10000x128xf32, #tpu.memory_space<vmem_shared>>
          tpu.enqueue_indirect_dma source(%dma_start3A_227 : memref<80x128xf32, #tpu.memory_space<vmem>>) target(%dma_start3A_233 : memref<10000x128xf32, #tpu.memory_space<vmem_shared>>) offsets(%dma_start3A_230 : memref<80xi32, #tpu.memory_space<vmem>>) semaphore(%run_scoped3A_223 : memref<!tpu.dma_semaphore, #tpu.memory_space<semaphore_mem>>) {add = true}
          %dma_wait3A_234 = arith.constant 0 : i32
          %dma_wait3A_235 = arith.constant 0 : i32
          %dma_wait3A_236 = tpu.memref_slice %arg10[%run_scoped3A_215, %dma_wait3A_234, %dma_wait3A_235] : memref<2x80x128xf32, #tpu.memory_space<vmem>> -> memref<1x80x128xf32, #tpu.memory_space<vmem>>
          %dma_wait3A_237 = tpu.memref_squeeze %dma_wait3A_236 : memref<1x80x128xf32, #tpu.memory_space<vmem>> -> memref<80x128xf32, #tpu.memory_space<vmem>>
          %dma_wait3A_238 = arith.constant 0 : i32
          %dma_wait3A_239 = tpu.memref_slice %arg8[%add3A_181, %dma_wait3A_238] : memref<25x80xi32, #tpu.memory_space<vmem>> -> memref<1x80xi32, #tpu.memory_space<vmem>>
          %dma_wait3A_240 = tpu.memref_squeeze %dma_wait3A_239 : memref<1x80xi32, #tpu.memory_space<vmem>> -> memref<80xi32, #tpu.memory_space<vmem>>
          %dma_wait3A_241 = arith.constant 0 : i32
          %dma_wait3A_242 = arith.constant 0 : i32
          %dma_wait3A_243 = tpu.memref_slice %arg11[%dma_wait3A_241, %dma_wait3A_242] : memref<10000x128xf32, #tpu.memory_space<vmem_shared>> -> memref<10000x128xf32, #tpu.memory_space<vmem_shared>>
          tpu.wait_indirect_dma semaphore(%run_scoped3A_223 : memref<!tpu.dma_semaphore, #tpu.memory_space<semaphore_mem>>) src(%dma_wait3A_237 : memref<80x128xf32, #tpu.memory_space<vmem>>) dst(%dma_wait3A_243 : memref<10000x128xf32, #tpu.memory_space<vmem_shared>>)
          tpu.yield
        }) : () -> ()
        %add3A_216 = arith.constant 2 : i32
        %add3A_217 = arith.addi %add3A_181, %add3A_216 : i32
        %lt3A_218 = arith.constant 25 : i32
        %lt3A_219 = arith.cmpi slt, %add3A_217, %lt3A_218 : i32
        %convert_element_type3A_220 = arith.extui %lt3A_219 : i1 to i32
        %cond3A_221 = arith.constant 0 : i32
        %cond3A_222 = arith.cmpi ne, %convert_element_type3A_220, %cond3A_221 : i32
        scf.if %cond3A_222 {
          %add3A_223 = arith.constant 2 : i32
          %add3A_224 = arith.addi %add3A_181, %add3A_223 : i32
          %mul3A_225 = arith.constant 80 : i32
          %mul3A_226 = arith.muli %add3A_224, %mul3A_225 : i32
          %add3A_227 = arith.addi %add3A_31, %mul3A_226 : i32
          %multiple_of3A_228 = tpu.assume_multiple %add3A_227, 8 : i32
          %dma_start3A_229 = arith.constant 0 : i32
          %dma_start3A_230 = arith.constant 1 : i32
          %dma_start3A_231 = arith.constant 0 : i32
          %dma_start3A_232 = arith.constant 0 : i32
          %dma_start3A_233 = tpu.memref_slice %arg9[%dma_start3A_230, %dma_start3A_231, %dma_start3A_232] : memref<2x80x128xf32, #tpu.memory_space<vmem>> -> memref<1x80x128xf32, #tpu.memory_space<vmem>>
          %dma_start3A_234 = tpu.memref_squeeze %dma_start3A_233 : memref<1x80x128xf32, #tpu.memory_space<vmem>> -> memref<80x128xf32, #tpu.memory_space<vmem>>
          %dma_start3A_235 = arith.constant 0 : i32
          %dma_start3A_236 = tpu.memref_slice %arg3[%dma_start3A_229, %multiple_of3A_228, %dma_start3A_235] : memref<3x320000x128xf32, #tpu.memory_space<hbm>> -> memref<1x80x128xf32, #tpu.memory_space<hbm>>
          %dma_start3A_237 = tpu.memref_squeeze %dma_start3A_236 : memref<1x80x128xf32, #tpu.memory_space<hbm>> -> memref<80x128xf32, #tpu.memory_space<hbm>>
          %dma_start3A_238 = arith.constant 0 : i32
          %dma_start3A_239 = arith.constant 0 : i32
          %dma_start3A_240 = tpu.memref_slice %arg9[%dma_start3A_230, %dma_start3A_238, %dma_start3A_239] : memref<2x80x128xf32, #tpu.memory_space<vmem>> -> memref<1x80x128xf32, #tpu.memory_space<vmem>>
          %dma_start3A_241 = tpu.memref_squeeze %dma_start3A_240 : memref<1x80x128xf32, #tpu.memory_space<vmem>> -> memref<80x128xf32, #tpu.memory_space<vmem>>
          %dma_start3A_242 = arith.constant 0 : i32
          %dma_start3A_243 = tpu.memref_slice %arg3[%dma_start3A_229, %multiple_of3A_228, %dma_start3A_242] : memref<3x320000x128xf32, #tpu.memory_space<hbm>> -> memref<1x80x128xf32, #tpu.memory_space<hbm>>
          %dma_start3A_244 = tpu.memref_squeeze %dma_start3A_243 : memref<1x80x128xf32, #tpu.memory_space<hbm>> -> memref<80x128xf32, #tpu.memory_space<hbm>>
          tpu.enqueue_dma source(%dma_start3A_244 : memref<80x128xf32, #tpu.memory_space<hbm>>) target(%dma_start3A_241 : memref<80x128xf32, #tpu.memory_space<vmem>>) target_semaphore(%arg13 : memref<!tpu.dma_semaphore, #tpu.memory_space<semaphore_mem>>)
          %dma_start3A_245 = arith.constant 1 : i32
          %dma_start3A_246 = arith.constant 0 : i32
          %dma_start3A_247 = arith.constant 0 : i32
          %dma_start3A_248 = tpu.memref_slice %arg10[%dma_start3A_245, %dma_start3A_246, %dma_start3A_247] : memref<2x80x128xf32, #tpu.memory_space<vmem>> -> memref<1x80x128xf32, #tpu.memory_space<vmem>>
          %dma_start3A_249 = tpu.memref_squeeze %dma_start3A_248 : memref<1x80x128xf32, #tpu.memory_space<vmem>> -> memref<80x128xf32, #tpu.memory_space<vmem>>
          %dma_start3A_250 = arith.constant 0 : i32
          %dma_start3A_251 = tpu.memref_slice %arg7[%add3A_224, %dma_start3A_250] : memref<25x80xi32, #tpu.memory_space<vmem>> -> memref<1x80xi32, #tpu.memory_space<vmem>>
          %dma_start3A_252 = tpu.memref_squeeze %dma_start3A_251 : memref<1x80xi32, #tpu.memory_space<vmem>> -> memref<80xi32, #tpu.memory_space<vmem>>
          %dma_start3A_253 = arith.constant 0 : i32
          %dma_start3A_254 = arith.constant 0 : i32
          %dma_start3A_255 = tpu.memref_slice %arg2[%dma_start3A_253, %dma_start3A_254] : memref<10000x128xf32, #tpu.memory_space<hbm>> -> memref<10000x128xf32, #tpu.memory_space<hbm>>
          tpu.enqueue_indirect_dma source(%dma_start3A_255 : memref<10000x128xf32, #tpu.memory_space<hbm>>) target(%dma_start3A_249 : memref<80x128xf32, #tpu.memory_space<vmem>>) offsets(%dma_start3A_252 : memref<80xi32, #tpu.memory_space<vmem>>) semaphore(%arg15 : memref<!tpu.dma_semaphore, #tpu.memory_space<semaphore_mem>>)
        } else {
        }
      }
      %scan3A_98 = arith.constant 12 : i32
      %dma_wait3A = arith.constant 0 : i32
      %dma_wait3A_99 = arith.constant 0 : i32
      %dma_wait3A_100 = arith.constant 0 : i32
      %dma_wait3A_101 = arith.constant 0 : i32
      %dma_wait3A_102 = tpu.memref_slice %arg9[%dma_wait3A_99, %dma_wait3A_100, %dma_wait3A_101] : memref<2x80x128xf32, #tpu.memory_space<vmem>> -> memref<1x80x128xf32, #tpu.memory_space<vmem>>
      %dma_wait3A_103 = tpu.memref_squeeze %dma_wait3A_102 : memref<1x80x128xf32, #tpu.memory_space<vmem>> -> memref<80x128xf32, #tpu.memory_space<vmem>>
      %dma_wait3A_104 = arith.constant 0 : i32
      %dma_wait3A_105 = tpu.memref_slice %arg3[%dma_wait3A, %mul3A_2, %dma_wait3A_104] : memref<3x320000x128xf32, #tpu.memory_space<hbm>> -> memref<1x80x128xf32, #tpu.memory_space<hbm>>
      %dma_wait3A_106 = tpu.memref_squeeze %dma_wait3A_105 : memref<1x80x128xf32, #tpu.memory_space<hbm>> -> memref<80x128xf32, #tpu.memory_space<hbm>>
      %dma_wait3A_107 = arith.constant 0 : i32
      %dma_wait3A_108 = arith.constant 0 : i32
      %dma_wait3A_109 = tpu.memref_slice %arg9[%dma_wait3A_99, %dma_wait3A_107, %dma_wait3A_108] : memref<2x80x128xf32, #tpu.memory_space<vmem>> -> memref<1x80x128xf32, #tpu.memory_space<vmem>>
      %dma_wait3A_110 = tpu.memref_squeeze %dma_wait3A_109 : memref<1x80x128xf32, #tpu.memory_space<vmem>> -> memref<80x128xf32, #tpu.memory_space<vmem>>
      %dma_wait3A_111 = arith.constant 0 : i32
      %dma_wait3A_112 = tpu.memref_slice %arg3[%dma_wait3A, %mul3A_2, %dma_wait3A_111] : memref<3x320000x128xf32, #tpu.memory_space<hbm>> -> memref<1x80x128xf32, #tpu.memory_space<hbm>>
      %dma_wait3A_113 = tpu.memref_squeeze %dma_wait3A_112 : memref<1x80x128xf32, #tpu.memory_space<hbm>> -> memref<80x128xf32, #tpu.memory_space<hbm>>
      tpu.wait_dma2 semaphore(%arg12 : memref<!tpu.dma_semaphore, #tpu.memory_space<semaphore_mem>>) src(%dma_wait3A_113 : memref<80x128xf32, #tpu.memory_space<hbm>>) dst(%dma_wait3A_110 : memref<80x128xf32, #tpu.memory_space<vmem>>)
      %dma_wait3A_114 = arith.constant 24 : i32
      %dma_wait3A_115 = arith.constant 0 : i32
      %dma_wait3A_116 = arith.constant 0 : i32
      %dma_wait3A_117 = arith.constant 0 : i32
      %dma_wait3A_118 = tpu.memref_slice %arg10[%dma_wait3A_115, %dma_wait3A_116, %dma_wait3A_117] : memref<2x80x128xf32, #tpu.memory_space<vmem>> -> memref<1x80x128xf32, #tpu.memory_space<vmem>>
      %dma_wait3A_119 = tpu.memref_squeeze %dma_wait3A_118 : memref<1x80x128xf32, #tpu.memory_space<vmem>> -> memref<80x128xf32, #tpu.memory_space<vmem>>
      %dma_wait3A_120 = arith.constant 0 : i32
      %dma_wait3A_121 = tpu.memref_slice %arg7[%dma_wait3A_114, %dma_wait3A_120] : memref<25x80xi32, #tpu.memory_space<vmem>> -> memref<1x80xi32, #tpu.memory_space<vmem>>
      %dma_wait3A_122 = tpu.memref_squeeze %dma_wait3A_121 : memref<1x80xi32, #tpu.memory_space<vmem>> -> memref<80xi32, #tpu.memory_space<vmem>>
      %dma_wait3A_123 = arith.constant 0 : i32
      %dma_wait3A_124 = arith.constant 0 : i32
      %dma_wait3A_125 = tpu.memref_slice %arg2[%dma_wait3A_123, %dma_wait3A_124] : memref<10000x128xf32, #tpu.memory_space<hbm>> -> memref<10000x128xf32, #tpu.memory_space<hbm>>
      tpu.wait_indirect_dma semaphore(%arg14 : memref<!tpu.dma_semaphore, #tpu.memory_space<semaphore_mem>>) src(%dma_wait3A_125 : memref<10000x128xf32, #tpu.memory_space<hbm>>) dst(%dma_wait3A_119 : memref<80x128xf32, #tpu.memory_space<vmem>>)
      %scan3A_126 = arith.constant 0 : i32
      %scan3A_127 = arith.constant 0 : i32
      %scan3A_128 = arith.constant 80 : i32
      %scan3A_129 = arith.addi %scan3A_127, %scan3A_128 : i32
      %scan3A_130 = arith.constant 1 : i32
      scf.for %scan3A_134 = %scan3A_127 to %scan3A_129 step %scan3A_130  : i32 {
        %get3A = arith.constant 0 : i32
        %get3A_135 = arith.index_cast %get3A : i32 to index
        %get3A_136 = arith.index_cast %scan3A_134 : i32 to index
        %get3A_137 = arith.constant 0 : index
        %get3A_138 = tpu.vector_load %arg10[%get3A_135, %get3A_136, %get3A_137] {strides = array<i32>} : memref<2x80x128xf32, #tpu.memory_space<vmem>>, vector<16xf32>,
        %get3A_139 = arith.constant 0 : i32
        %get3A_140 = arith.index_cast %get3A_139 : i32 to index
        %get3A_141 = arith.index_cast %scan3A_134 : i32 to index
        %get3A_142 = arith.constant 0 : index
        %get3A_143 = tpu.vector_load %arg9[%get3A_140, %get3A_141, %get3A_142] {strides = array<i32>} : memref<2x80x128xf32, #tpu.memory_space<vmem>>, vector<16xf32>,
        %add3A_144 = arith.addf %get3A_138, %get3A_143 : vector<16xf32>
        %max3A = arith.constant 0.000000e+00 : f32
        %max3A_145 = vector.broadcast %max3A : f32 to vector<16xf32>
        %max3A_146 = arith.maximumf %add3A_144, %max3A_145 : vector<16xf32>
        %swap3A = arith.constant 0 : i32
        %swap3A_147 = arith.index_cast %swap3A : i32 to index
        %swap3A_148 = arith.index_cast %scan3A_134 : i32 to index
        %swap3A_149 = arith.constant 0 : index
        %swap3A_150 = tpu.vector_load %arg10[%swap3A_147, %swap3A_148, %swap3A_149] {strides = array<i32>} : memref<2x80x128xf32, #tpu.memory_space<vmem>>, vector<16xf32>,
        tpu.vector_store %arg10[%swap3A_147, %swap3A_148, %swap3A_149], %max3A_146 {strides = array<i32>} : memref<2x80x128xf32, #tpu.memory_space<vmem>>, vector<16xf32>,
        %get3A_151 = arith.constant 0 : i32
        %get3A_152 = arith.index_cast %get3A_151 : i32 to index
        %get3A_153 = arith.index_cast %scan3A_134 : i32 to index
        %get3A_154 = arith.constant 16 : index
        %get3A_155 = tpu.vector_load %arg10[%get3A_152, %get3A_153, %get3A_154] {strides = array<i32>} : memref<2x80x128xf32, #tpu.memory_space<vmem>>, vector<16xf32>,
        %get3A_156 = arith.constant 0 : i32
        %get3A_157 = arith.index_cast %get3A_156 : i32 to index
        %get3A_158 = arith.index_cast %scan3A_134 : i32 to index
        %get3A_159 = arith.constant 16 : index
        %get3A_160 = tpu.vector_load %arg9[%get3A_157, %get3A_158, %get3A_159] {strides = array<i32>} : memref<2x80x128xf32, #tpu.memory_space<vmem>>, vector<16xf32>,
        %add3A_161 = arith.addf %get3A_155, %get3A_160 : vector<16xf32>
        %max3A_162 = arith.constant 0.000000e+00 : f32
        %max3A_163 = vector.broadcast %max3A_162 : f32 to vector<16xf32>
        %max3A_164 = arith.maximumf %add3A_161, %max3A_163 : vector<16xf32>
        %swap3A_165 = arith.constant 0 : i32
        %swap3A_166 = arith.index_cast %swap3A_165 : i32 to index
        %swap3A_167 = arith.index_cast %scan3A_134 : i32 to index
        %swap3A_168 = arith.constant 16 : index
        %swap3A_169 = tpu.vector_load %arg10[%swap3A_166, %swap3A_167, %swap3A_168] {strides = array<i32>} : memref<2x80x128xf32, #tpu.memory_space<vmem>>, vector<16xf32>,
        tpu.vector_store %arg10[%swap3A_166, %swap3A_167, %swap3A_168], %max3A_164 {strides = array<i32>} : memref<2x80x128xf32, #tpu.memory_space<vmem>>, vector<16xf32>,
        %get3A_170 = arith.constant 0 : i32
        %get3A_171 = arith.index_cast %get3A_170 : i32 to index
        %get3A_172 = arith.index_cast %scan3A_134 : i32 to index
        %get3A_173 = arith.constant 32 : index
        %get3A_174 = tpu.vector_load %arg10[%get3A_171, %get3A_172, %get3A_173] {strides = array<i32>} : memref<2x80x128xf32, #tpu.memory_space<vmem>>, vector<16xf32>,
        %get3A_175 = arith.constant 0 : i32
        %get3A_176 = arith.index_cast %get3A_175 : i32 to index
        %get3A_177 = arith.index_cast %scan3A_134 : i32 to index
        %get3A_178 = arith.constant 32 : index
        %get3A_179 = tpu.vector_load %arg9[%get3A_176, %get3A_177, %get3A_178] {strides = array<i32>} : memref<2x80x128xf32, #tpu.memory_space<vmem>>, vector<16xf32>,
        %add3A_180 = arith.addf %get3A_174, %get3A_179 : vector<16xf32>
        %max3A_181 = arith.constant 0.000000e+00 : f32
        %max3A_182 = vector.broadcast %max3A_181 : f32 to vector<16xf32>
        %max3A_183 = arith.maximumf %add3A_180, %max3A_182 : vector<16xf32>
        %swap3A_184 = arith.constant 0 : i32
        %swap3A_185 = arith.index_cast %swap3A_184 : i32 to index
        %swap3A_186 = arith.index_cast %scan3A_134 : i32 to index
        %swap3A_187 = arith.constant 32 : index
        %swap3A_188 = tpu.vector_load %arg10[%swap3A_185, %swap3A_186, %swap3A_187] {strides = array<i32>} : memref<2x80x128xf32, #tpu.memory_space<vmem>>, vector<16xf32>,
        tpu.vector_store %arg10[%swap3A_185, %swap3A_186, %swap3A_187], %max3A_183 {strides = array<i32>} : memref<2x80x128xf32, #tpu.memory_space<vmem>>, vector<16xf32>,
        %get3A_189 = arith.constant 0 : i32
        %get3A_190 = arith.index_cast %get3A_189 : i32 to index
        %get3A_191 = arith.index_cast %scan3A_134 : i32 to index
        %get3A_192 = arith.constant 48 : index
        %get3A_193 = tpu.vector_load %arg10[%get3A_190, %get3A_191, %get3A_192] {strides = array<i32>} : memref<2x80x128xf32, #tpu.memory_space<vmem>>, vector<16xf32>,
        %get3A_194 = arith.constant 0 : i32
        %get3A_195 = arith.index_cast %get3A_194 : i32 to index
        %get3A_196 = arith.index_cast %scan3A_134 : i32 to index
        %get3A_197 = arith.constant 48 : index
        %get3A_198 = tpu.vector_load %arg9[%get3A_195, %get3A_196, %get3A_197] {strides = array<i32>} : memref<2x80x128xf32, #tpu.memory_space<vmem>>, vector<16xf32>,
        %add3A_199 = arith.addf %get3A_193, %get3A_198 : vector<16xf32>
        %max3A_200 = arith.constant 0.000000e+00 : f32
        %max3A_201 = vector.broadcast %max3A_200 : f32 to vector<16xf32>
        %max3A_202 = arith.maximumf %add3A_199, %max3A_201 : vector<16xf32>
        %swap3A_203 = arith.constant 0 : i32
        %swap3A_204 = arith.index_cast %swap3A_203 : i32 to index
        %swap3A_205 = arith.index_cast %scan3A_134 : i32 to index
        %swap3A_206 = arith.constant 48 : index
        %swap3A_207 = tpu.vector_load %arg10[%swap3A_204, %swap3A_205, %swap3A_206] {strides = array<i32>} : memref<2x80x128xf32, #tpu.memory_space<vmem>>, vector<16xf32>,
        tpu.vector_store %arg10[%swap3A_204, %swap3A_205, %swap3A_206], %max3A_202 {strides = array<i32>} : memref<2x80x128xf32, #tpu.memory_space<vmem>>, vector<16xf32>,
        %get3A_208 = arith.constant 0 : i32
        %get3A_209 = arith.index_cast %get3A_208 : i32 to index
        %get3A_210 = arith.index_cast %scan3A_134 : i32 to index
        %get3A_211 = arith.constant 64 : index
        %get3A_212 = tpu.vector_load %arg10[%get3A_209, %get3A_210, %get3A_211] {strides = array<i32>} : memref<2x80x128xf32, #tpu.memory_space<vmem>>, vector<16xf32>,
        %get3A_213 = arith.constant 0 : i32
        %get3A_214 = arith.index_cast %get3A_213 : i32 to index
        %get3A_215 = arith.index_cast %scan3A_134 : i32 to index
        %get3A_216 = arith.constant 64 : index
        %get3A_217 = tpu.vector_load %arg9[%get3A_214, %get3A_215, %get3A_216] {strides = array<i32>} : memref<2x80x128xf32, #tpu.memory_space<vmem>>, vector<16xf32>,
        %add3A_218 = arith.addf %get3A_212, %get3A_217 : vector<16xf32>
        %max3A_219 = arith.constant 0.000000e+00 : f32
        %max3A_220 = vector.broadcast %max3A_219 : f32 to vector<16xf32>
        %max3A_221 = arith.maximumf %add3A_218, %max3A_220 : vector<16xf32>
        %swap3A_222 = arith.constant 0 : i32
        %swap3A_223 = arith.index_cast %swap3A_222 : i32 to index
        %swap3A_224 = arith.index_cast %scan3A_134 : i32 to index
        %swap3A_225 = arith.constant 64 : index
        %swap3A_226 = tpu.vector_load %arg10[%swap3A_223, %swap3A_224, %swap3A_225] {strides = array<i32>} : memref<2x80x128xf32, #tpu.memory_space<vmem>>, vector<16xf32>,
        tpu.vector_store %arg10[%swap3A_223, %swap3A_224, %swap3A_225], %max3A_221 {strides = array<i32>} : memref<2x80x128xf32, #tpu.memory_space<vmem>>, vector<16xf32>,
        %get3A_227 = arith.constant 0 : i32
        %get3A_228 = arith.index_cast %get3A_227 : i32 to index
        %get3A_229 = arith.index_cast %scan3A_134 : i32 to index
        %get3A_230 = arith.constant 80 : index
        %get3A_231 = tpu.vector_load %arg10[%get3A_228, %get3A_229, %get3A_230] {strides = array<i32>} : memref<2x80x128xf32, #tpu.memory_space<vmem>>, vector<16xf32>,
        %get3A_232 = arith.constant 0 : i32
        %get3A_233 = arith.index_cast %get3A_232 : i32 to index
        %get3A_234 = arith.index_cast %scan3A_134 : i32 to index
        %get3A_235 = arith.constant 80 : index
        %get3A_236 = tpu.vector_load %arg9[%get3A_233, %get3A_234, %get3A_235] {strides = array<i32>} : memref<2x80x128xf32, #tpu.memory_space<vmem>>, vector<16xf32>,
        %add3A_237 = arith.addf %get3A_231, %get3A_236 : vector<16xf32>
        %max3A_238 = arith.constant 0.000000e+00 : f32
        %max3A_239 = vector.broadcast %max3A_238 : f32 to vector<16xf32>
        %max3A_240 = arith.maximumf %add3A_237, %max3A_239 : vector<16xf32>
        %swap3A_241 = arith.constant 0 : i32
        %swap3A_242 = arith.index_cast %swap3A_241 : i32 to index
        %swap3A_243 = arith.index_cast %scan3A_134 : i32 to index
        %swap3A_244 = arith.constant 80 : index
        %swap3A_245 = tpu.vector_load %arg10[%swap3A_242, %swap3A_243, %swap3A_244] {strides = array<i32>} : memref<2x80x128xf32, #tpu.memory_space<vmem>>, vector<16xf32>,
        tpu.vector_store %arg10[%swap3A_242, %swap3A_243, %swap3A_244], %max3A_240 {strides = array<i32>} : memref<2x80x128xf32, #tpu.memory_space<vmem>>, vector<16xf32>,
        %get3A_246 = arith.constant 0 : i32
        %get3A_247 = arith.index_cast %get3A_246 : i32 to index
        %get3A_248 = arith.index_cast %scan3A_134 : i32 to index
        %get3A_249 = arith.constant 96 : index
        %get3A_250 = tpu.vector_load %arg10[%get3A_247, %get3A_248, %get3A_249] {strides = array<i32>} : memref<2x80x128xf32, #tpu.memory_space<vmem>>, vector<16xf32>,
        %get3A_251 = arith.constant 0 : i32
        %get3A_252 = arith.index_cast %get3A_251 : i32 to index
        %get3A_253 = arith.index_cast %scan3A_134 : i32 to index
        %get3A_254 = arith.constant 96 : index
        %get3A_255 = tpu.vector_load %arg9[%get3A_252, %get3A_253, %get3A_254] {strides = array<i32>} : memref<2x80x128xf32, #tpu.memory_space<vmem>>, vector<16xf32>,
        %add3A_256 = arith.addf %get3A_250, %get3A_255 : vector<16xf32>
        %max3A_257 = arith.constant 0.000000e+00 : f32
        %max3A_258 = vector.broadcast %max3A_257 : f32 to vector<16xf32>
        %max3A_259 = arith.maximumf %add3A_256, %max3A_258 : vector<16xf32>
        %swap3A_260 = arith.constant 0 : i32
        %swap3A_261 = arith.index_cast %swap3A_260 : i32 to index
        %swap3A_262 = arith.index_cast %scan3A_134 : i32 to index
        %swap3A_263 = arith.constant 96 : index
        %swap3A_264 = tpu.vector_load %arg10[%swap3A_261, %swap3A_262, %swap3A_263] {strides = array<i32>} : memref<2x80x128xf32, #tpu.memory_space<vmem>>, vector<16xf32>,
        tpu.vector_store %arg10[%swap3A_261, %swap3A_262, %swap3A_263], %max3A_259 {strides = array<i32>} : memref<2x80x128xf32, #tpu.memory_space<vmem>>, vector<16xf32>,
        %get3A_265 = arith.constant 0 : i32
        %get3A_266 = arith.index_cast %get3A_265 : i32 to index
        %get3A_267 = arith.index_cast %scan3A_134 : i32 to index
        %get3A_268 = arith.constant 112 : index
        %get3A_269 = tpu.vector_load %arg10[%get3A_266, %get3A_267, %get3A_268] {strides = array<i32>} : memref<2x80x128xf32, #tpu.memory_space<vmem>>, vector<16xf32>,
        %get3A_270 = arith.constant 0 : i32
        %get3A_271 = arith.index_cast %get3A_270 : i32 to index
        %get3A_272 = arith.index_cast %scan3A_134 : i32 to index
        %get3A_273 = arith.constant 112 : index
        %get3A_274 = tpu.vector_load %arg9[%get3A_271, %get3A_272, %get3A_273] {strides = array<i32>} : memref<2x80x128xf32, #tpu.memory_space<vmem>>, vector<16xf32>,
        %add3A_275 = arith.addf %get3A_269, %get3A_274 : vector<16xf32>
        %max3A_276 = arith.constant 0.000000e+00 : f32
        %max3A_277 = vector.broadcast %max3A_276 : f32 to vector<16xf32>
        %max3A_278 = arith.maximumf %add3A_275, %max3A_277 : vector<16xf32>
        %swap3A_279 = arith.constant 0 : i32
        %swap3A_280 = arith.index_cast %swap3A_279 : i32 to index
        %swap3A_281 = arith.index_cast %scan3A_134 : i32 to index
        %swap3A_282 = arith.constant 112 : index
        %swap3A_283 = tpu.vector_load %arg10[%swap3A_280, %swap3A_281, %swap3A_282] {strides = array<i32>} : memref<2x80x128xf32, #tpu.memory_space<vmem>>, vector<16xf32>,
        tpu.vector_store %arg10[%swap3A_280, %swap3A_281, %swap3A_282], %max3A_278 {strides = array<i32>} : memref<2x80x128xf32, #tpu.memory_space<vmem>>, vector<16xf32>,
      }
      %scan3A_131 = arith.constant 80 : i32
      %run_scoped3A_132 = arith.constant 0 : i32
      %run_scoped3A_133 = arith.constant 24 : i32
      "tpu.region"() ({
        %run_scoped3A_134 = tpu.sem_alloc : memref<!tpu.dma_semaphore, #tpu.memory_space<semaphore_mem>>
        %dma_start3A_135 = arith.constant 0 : i32
        %dma_start3A_136 = arith.constant 0 : i32
        %dma_start3A_137 = tpu.memref_slice %arg10[%run_scoped3A_132, %dma_start3A_135, %dma_start3A_136] : memref<2x80x128xf32, #tpu.memory_space<vmem>> -> memref<1x80x128xf32, #tpu.memory_space<vmem>>
        %dma_start3A_138 = tpu.memref_squeeze %dma_start3A_137 : memref<1x80x128xf32, #tpu.memory_space<vmem>> -> memref<80x128xf32, #tpu.memory_space<vmem>>
        %dma_start3A_139 = arith.constant 0 : i32
        %dma_start3A_140 = tpu.memref_slice %arg8[%run_scoped3A_133, %dma_start3A_139] : memref<25x80xi32, #tpu.memory_space<vmem>> -> memref<1x80xi32, #tpu.memory_space<vmem>>
        %dma_start3A_141 = tpu.memref_squeeze %dma_start3A_140 : memref<1x80xi32, #tpu.memory_space<vmem>> -> memref<80xi32, #tpu.memory_space<vmem>>
        %dma_start3A_142 = arith.constant 0 : i32
        %dma_start3A_143 = arith.constant 0 : i32
        %dma_start3A_144 = tpu.memref_slice %arg11[%dma_start3A_142, %dma_start3A_143] : memref<10000x128xf32, #tpu.memory_space<vmem_shared>> -> memref<10000x128xf32, #tpu.memory_space<vmem_shared>>
        tpu.enqueue_indirect_dma source(%dma_start3A_138 : memref<80x128xf32, #tpu.memory_space<vmem>>) target(%dma_start3A_144 : memref<10000x128xf32, #tpu.memory_space<vmem_shared>>) offsets(%dma_start3A_141 : memref<80xi32, #tpu.memory_space<vmem>>) semaphore(%run_scoped3A_134 : memref<!tpu.dma_semaphore, #tpu.memory_space<semaphore_mem>>) {add = true}
        %dma_wait3A_145 = arith.constant 0 : i32
        %dma_wait3A_146 = arith.constant 0 : i32
        %dma_wait3A_147 = tpu.memref_slice %arg10[%run_scoped3A_132, %dma_wait3A_145, %dma_wait3A_146] : memref<2x80x128xf32, #tpu.memory_space<vmem>> -> memref<1x80x128xf32, #tpu.memory_space<vmem>>
        %dma_wait3A_148 = tpu.memref_squeeze %dma_wait3A_147 : memref<1x80x128xf32, #tpu.memory_space<vmem>> -> memref<80x128xf32, #tpu.memory_space<vmem>>
        %dma_wait3A_149 = arith.constant 0 : i32
        %dma_wait3A_150 = tpu.memref_slice %arg8[%run_scoped3A_133, %dma_wait3A_149] : memref<25x80xi32, #tpu.memory_space<vmem>> -> memref<1x80xi32, #tpu.memory_space<vmem>>
        %dma_wait3A_151 = tpu.memref_squeeze %dma_wait3A_150 : memref<1x80xi32, #tpu.memory_space<vmem>> -> memref<80xi32, #tpu.memory_space<vmem>>
        %dma_wait3A_152 = arith.constant 0 : i32
        %dma_wait3A_153 = arith.constant 0 : i32
        %dma_wait3A_154 = tpu.memref_slice %arg11[%dma_wait3A_152, %dma_wait3A_153] : memref<10000x128xf32, #tpu.memory_space<vmem_shared>> -> memref<10000x128xf32, #tpu.memory_space<vmem_shared>>
        tpu.wait_indirect_dma semaphore(%run_scoped3A_134 : memref<!tpu.dma_semaphore, #tpu.memory_space<semaphore_mem>>) src(%dma_wait3A_148 : memref<80x128xf32, #tpu.memory_space<vmem>>) dst(%dma_wait3A_154 : memref<10000x128xf32, #tpu.memory_space<vmem_shared>>)
        tpu.yield
      }) : () -> ()
    }
    %scan3A_15 = arith.constant 5 : i32
    %barrier3A_16 = arith.constant 0 : index
    tpu.barrier barrier_id(%barrier3A_16)
    %lt3A_17 = arith.constant 15 : i32
    %lt3A_18 = arith.cmpi slt, %arg1, %lt3A_17 : i32
    %convert_element_type3A_19 = arith.extui %lt3A_18 : i1 to i32
    %cond3A_20 = arith.constant 0 : i32
    %cond3A_21 = arith.cmpi ne, %convert_element_type3A_19, %cond3A_20 : i32
    scf.if %cond3A_21 {
      "tpu.region"() ({
        %run_scoped3A = tpu.sem_alloc : memref<!tpu.dma_semaphore, #tpu.memory_space<semaphore_mem>>
        %dma_start3A = arith.constant 0 : i32
        %dma_start3A_27 = tpu.memref_slice %arg6[%arg0, %multiple_of3A, %dma_start3A] : memref<2x10000x128xf32, #tpu.memory_space<hbm>> -> memref<1x640x128xf32, #tpu.memory_space<hbm>>
        %dma_start3A_28 = tpu.memref_squeeze %dma_start3A_27 : memref<1x640x128xf32, #tpu.memory_space<hbm>> -> memref<640x128xf32, #tpu.memory_space<hbm>>
        %dma_start3A_29 = arith.constant 0 : i32
        %dma_start3A_30 = tpu.memref_slice %arg11[%multiple_of3A, %dma_start3A_29] : memref<10000x128xf32, #tpu.memory_space<vmem_shared>> -> memref<640x128xf32, #tpu.memory_space<vmem_shared>>
        tpu.enqueue_dma source(%dma_start3A_30 : memref<640x128xf32, #tpu.memory_space<vmem_shared>>) target(%dma_start3A_28 : memref<640x128xf32, #tpu.memory_space<hbm>>) target_semaphore(%run_scoped3A : memref<!tpu.dma_semaphore, #tpu.memory_space<semaphore_mem>>)
        %dma_wait3A = arith.constant 0 : i32
        %dma_wait3A_31 = tpu.memref_slice %arg6[%arg0, %multiple_of3A, %dma_wait3A] : memref<2x10000x128xf32, #tpu.memory_space<hbm>> -> memref<1x640x128xf32, #tpu.memory_space<hbm>>
        %dma_wait3A_32 = tpu.memref_squeeze %dma_wait3A_31 : memref<1x640x128xf32, #tpu.memory_space<hbm>> -> memref<640x128xf32, #tpu.memory_space<hbm>>
        %dma_wait3A_33 = arith.constant 0 : i32
        %dma_wait3A_34 = tpu.memref_slice %arg11[%multiple_of3A, %dma_wait3A_33] : memref<10000x128xf32, #tpu.memory_space<vmem_shared>> -> memref<640x128xf32, #tpu.memory_space<vmem_shared>>
        tpu.wait_dma2 semaphore(%run_scoped3A : memref<!tpu.dma_semaphore, #tpu.memory_space<semaphore_mem>>) src(%dma_wait3A_34 : memref<640x128xf32, #tpu.memory_space<vmem_shared>>) dst(%dma_wait3A_32 : memref<640x128xf32, #tpu.memory_space<hbm>>)
        tpu.yield
      }) : () -> ()
    } else {
    }
    %eq3A_22 = arith.constant 15 : i32
    %eq3A_23 = arith.cmpi eq, %arg1, %eq3A_22 : i32
    %convert_element_type3A_24 = arith.extui %eq3A_23 : i1 to i32
    %cond3A_25 = arith.constant 0 : i32
    %cond3A_26 = arith.cmpi ne, %convert_element_type3A_24, %cond3A_25 : i32
    scf.if %cond3A_26 {
      "tpu.region"() ({
        %run_scoped3A = tpu.sem_alloc : memref<!tpu.dma_semaphore, #tpu.memory_space<semaphore_mem>>
        %dma_start3A = arith.constant 9600 : i32
        %dma_start3A_27 = arith.constant 0 : i32
        %dma_start3A_28 = tpu.memref_slice %arg6[%arg0, %dma_start3A, %dma_start3A_27] : memref<2x10000x128xf32, #tpu.memory_space<hbm>> -> memref<1x400x128xf32, #tpu.memory_space<hbm>>
        %dma_start3A_29 = tpu.memref_squeeze %dma_start3A_28 : memref<1x400x128xf32, #tpu.memory_space<hbm>> -> memref<400x128xf32, #tpu.memory_space<hbm>>
        %dma_start3A_30 = arith.constant 9600 : i32
        %dma_start3A_31 = arith.constant 0 : i32
        %dma_start3A_32 = tpu.memref_slice %arg11[%dma_start3A_30, %dma_start3A_31] : memref<10000x128xf32, #tpu.memory_space<vmem_shared>> -> memref<400x128xf32, #tpu.memory_space<vmem_shared>>
        tpu.enqueue_dma source(%dma_start3A_32 : memref<400x128xf32, #tpu.memory_space<vmem_shared>>) target(%dma_start3A_29 : memref<400x128xf32, #tpu.memory_space<hbm>>) target_semaphore(%run_scoped3A : memref<!tpu.dma_semaphore, #tpu.memory_space<semaphore_mem>>)
        %dma_wait3A = arith.constant 9600 : i32
        %dma_wait3A_33 = arith.constant 0 : i32
        %dma_wait3A_34 = tpu.memref_slice %arg6[%arg0, %dma_wait3A, %dma_wait3A_33] : memref<2x10000x128xf32, #tpu.memory_space<hbm>> -> memref<1x400x128xf32, #tpu.memory_space<hbm>>
        %dma_wait3A_35 = tpu.memref_squeeze %dma_wait3A_34 : memref<1x400x128xf32, #tpu.memory_space<hbm>> -> memref<400x128xf32, #tpu.memory_space<hbm>>
        %dma_wait3A_36 = arith.constant 9600 : i32
        %dma_wait3A_37 = arith.constant 0 : i32
        %dma_wait3A_38 = tpu.memref_slice %arg11[%dma_wait3A_36, %dma_wait3A_37] : memref<10000x128xf32, #tpu.memory_space<vmem_shared>> -> memref<400x128xf32, #tpu.memory_space<vmem_shared>>
        tpu.wait_dma2 semaphore(%run_scoped3A : memref<!tpu.dma_semaphore, #tpu.memory_space<semaphore_mem>>) src(%dma_wait3A_38 : memref<400x128xf32, #tpu.memory_space<vmem_shared>>) dst(%dma_wait3A_35 : memref<400x128xf32, #tpu.memory_space<hbm>>)
        tpu.yield
      }) : () -> ()
    } else {
    }
    return
  }
}

#map = affine_map<(d0, d1) -> (0, 0)>
#map1 = affine_map<(d0, d1) -> (0, 0, 0)>
#map2 = affine_map<(d0, d1) -> (0, 0, 0, 0, 0)>
module attributes {stable_mosaic.version = 14 : i64} {
  func.func @_sc_edge_body(%arg0: i32, %arg1: i32, %arg2: memref<10000x128xf32, #tpu.memory_space<hbm>>, %arg3: memref<3x320000x128xf32, #tpu.memory_space<hbm>>, %arg4: memref<2x32x5x25x80xi32, #tpu.memory_space<hbm>>, %arg5: memref<10000x128xf32, #tpu.memory_space<hbm>>, %arg6: memref<2x10000x128xf32, #tpu.memory_space<hbm>>, %arg7: memref<25x80xi32, #tpu.memory_space<vmem>>, %arg8: memref<25x80xi32, #tpu.memory_space<vmem>>, %arg9: memref<2x80x128xf32, #tpu.memory_space<vmem>>, %arg10: memref<2x80x128xf32, #tpu.memory_space<vmem>>, %arg11: memref<10000x128xf32, #tpu.memory_space<vmem_shared>>, %arg12: memref<!tpu.dma_semaphore, #tpu.memory_space<semaphore_mem>>, %arg13: memref<!tpu.dma_semaphore, #tpu.memory_space<semaphore_mem>>, %arg14: memref<!tpu.dma_semaphore, #tpu.memory_space<semaphore_mem>>, %arg15: memref<!tpu.dma_semaphore, #tpu.memory_space<semaphore_mem>>) attributes {dimension_semantics = [#tpu.dimension_semantics<core_parallel>, #tpu.dimension_semantics<subcore_parallel>], iteration_bounds = array<i64: 2, 16>, scalar_prefetch = 0 : i64, scratch_operands = 9 : i64, tpu.core_type = #tpu.core_type<sc_vector_subcore>, window_params = [{transform_indices = #map}, {transform_indices = #map1}, {transform_indices = #map2}, {transform_indices = #map}, {transform_indices = #map1}]} {
    %mul3A = arith.constant 16 : i32
    %mul3A_0 = arith.muli %arg0, %mul3A : i32
    %add3A = arith.addi %mul3A_0, %arg1 : i32
    %mul3A_1 = arith.constant 10000 : i32
    %mul3A_2 = arith.muli %add3A, %mul3A_1 : i32
    %mul3A_3 = arith.constant 640 : i32
    %mul3A_4 = arith.muli %arg1, %mul3A_3 : i32
    %multiple_of3A = tpu.assume_multiple %mul3A_4, 8 : i32
    %lt3A = arith.constant 15 : i32
    %lt3A_5 = arith.cmpi slt, %arg1, %lt3A : i32
    %convert_element_type3A = arith.extui %lt3A_5 : i1 to i32
    %cond3A = arith.constant 0 : i32
    %cond3A_6 = arith.cmpi ne, %convert_element_type3A, %cond3A : i32
    scf.if %cond3A_6 {
      "tpu.region"() ({
        %run_scoped3A = tpu.sem_alloc : memref<!tpu.dma_semaphore, #tpu.memory_space<semaphore_mem>>
        %dma_start3A = arith.constant 0 : i32
        %dma_start3A_27 = tpu.memref_slice %arg11[%multiple_of3A, %dma_start3A] : memref<10000x128xf32, #tpu.memory_space<vmem_shared>> -> memref<640x128xf32, #tpu.memory_space<vmem_shared>>
        %dma_start3A_28 = arith.constant 0 : i32
        %dma_start3A_29 = tpu.memref_slice %arg5[%multiple_of3A, %dma_start3A_28] : memref<10000x128xf32, #tpu.memory_space<hbm>> -> memref<640x128xf32, #tpu.memory_space<hbm>>
        tpu.enqueue_dma source(%dma_start3A_29 : memref<640x128xf32, #tpu.memory_space<hbm>>) target(%dma_start3A_27 : memref<640x128xf32, #tpu.memory_space<vmem_shared>>) target_semaphore(%run_scoped3A : memref<!tpu.dma_semaphore, #tpu.memory_space<semaphore_mem>>)
        %dma_wait3A = arith.constant 0 : i32
        %dma_wait3A_30 = tpu.memref_slice %arg11[%multiple_of3A, %dma_wait3A] : memref<10000x128xf32, #tpu.memory_space<vmem_shared>> -> memref<640x128xf32, #tpu.memory_space<vmem_shared>>
        %dma_wait3A_31 = arith.constant 0 : i32
        %dma_wait3A_32 = tpu.memref_slice %arg5[%multiple_of3A, %dma_wait3A_31] : memref<10000x128xf32, #tpu.memory_space<hbm>> -> memref<640x128xf32, #tpu.memory_space<hbm>>
        tpu.wait_dma2 semaphore(%run_scoped3A : memref<!tpu.dma_semaphore, #tpu.memory_space<semaphore_mem>>) src(%dma_wait3A_32 : memref<640x128xf32, #tpu.memory_space<hbm>>) dst(%dma_wait3A_30 : memref<640x128xf32, #tpu.memory_space<vmem_shared>>)
        tpu.yield
      }) : () -> ()
    } else {
    }
    %eq3A = arith.constant 15 : i32
    %eq3A_7 = arith.cmpi eq, %arg1, %eq3A : i32
    %convert_element_type3A_8 = arith.extui %eq3A_7 : i1 to i32
    %cond3A_9 = arith.constant 0 : i32
    %cond3A_10 = arith.cmpi ne, %convert_element_type3A_8, %cond3A_9 : i32
    scf.if %cond3A_10 {
      "tpu.region"() ({
        %run_scoped3A = tpu.sem_alloc : memref<!tpu.dma_semaphore, #tpu.memory_space<semaphore_mem>>
        %dma_start3A = arith.constant 9600 : i32
        %dma_start3A_27 = arith.constant 0 : i32
        %dma_start3A_28 = tpu.memref_slice %arg11[%dma_start3A, %dma_start3A_27] : memref<10000x128xf32, #tpu.memory_space<vmem_shared>> -> memref<400x128xf32, #tpu.memory_space<vmem_shared>>
        %dma_start3A_29 = arith.constant 9600 : i32
        %dma_start3A_30 = arith.constant 0 : i32
        %dma_start3A_31 = tpu.memref_slice %arg5[%dma_start3A_29, %dma_start3A_30] : memref<10000x128xf32, #tpu.memory_space<hbm>> -> memref<400x128xf32, #tpu.memory_space<hbm>>
        tpu.enqueue_dma source(%dma_start3A_31 : memref<400x128xf32, #tpu.memory_space<hbm>>) target(%dma_start3A_28 : memref<400x128xf32, #tpu.memory_space<vmem_shared>>) target_semaphore(%run_scoped3A : memref<!tpu.dma_semaphore, #tpu.memory_space<semaphore_mem>>)
        %dma_wait3A = arith.constant 9600 : i32
        %dma_wait3A_32 = arith.constant 0 : i32
        %dma_wait3A_33 = tpu.memref_slice %arg11[%dma_wait3A, %dma_wait3A_32] : memref<10000x128xf32, #tpu.memory_space<vmem_shared>> -> memref<400x128xf32, #tpu.memory_space<vmem_shared>>
        %dma_wait3A_34 = arith.constant 9600 : i32
        %dma_wait3A_35 = arith.constant 0 : i32
        %dma_wait3A_36 = tpu.memref_slice %arg5[%dma_wait3A_34, %dma_wait3A_35] : memref<10000x128xf32, #tpu.memory_space<hbm>> -> memref<400x128xf32, #tpu.memory_space<hbm>>
        tpu.wait_dma2 semaphore(%run_scoped3A : memref<!tpu.dma_semaphore, #tpu.memory_space<semaphore_mem>>) src(%dma_wait3A_36 : memref<400x128xf32, #tpu.memory_space<hbm>>) dst(%dma_wait3A_33 : memref<400x128xf32, #tpu.memory_space<vmem_shared>>)
        tpu.yield
      }) : () -> ()
    } else {
    }
    %barrier3A = arith.constant 0 : index
    tpu.barrier barrier_id(%barrier3A)
    %scan3A = arith.constant 0 : i32
    %scan3A_11 = arith.constant 0 : i32
    %scan3A_12 = arith.constant 5 : i32
    %scan3A_13 = arith.addi %scan3A_11, %scan3A_12 : i32
    %scan3A_14 = arith.constant 1 : i32
    scf.for %scan3A_27 = %scan3A_11 to %scan3A_13 step %scan3A_14  : i32 {
      %run_scoped3A = arith.constant 0 : i32
      "tpu.region"() ({
        %run_scoped3A_134 = tpu.sem_alloc : memref<!tpu.dma_semaphore, #tpu.memory_space<semaphore_mem>>
        %dma_start3A_135 = arith.constant 0 : i32
        %dma_start3A_136 = arith.constant 0 : i32
        %dma_start3A_137 = tpu.memref_slice %arg4[%run_scoped3A, %add3A, %scan3A_27, %dma_start3A_135, %dma_start3A_136] : memref<2x32x5x25x80xi32, #tpu.memory_space<hbm>> -> memref<1x1x1x25x80xi32, #tpu.memory_space<hbm>>
        %dma_start3A_138 = tpu.memref_squeeze %dma_start3A_137 : memref<1x1x1x25x80xi32, #tpu.memory_space<hbm>> -> memref<25x80xi32, #tpu.memory_space<hbm>>
        %dma_start3A_139 = arith.constant 0 : i32
        %dma_start3A_140 = arith.constant 0 : i32
        %dma_start3A_141 = tpu.memref_slice %arg4[%run_scoped3A, %add3A, %scan3A_27, %dma_start3A_139, %dma_start3A_140] : memref<2x32x5x25x80xi32, #tpu.memory_space<hbm>> -> memref<1x1x1x25x80xi32, #tpu.memory_space<hbm>>
        %dma_start3A_142 = tpu.memref_squeeze %dma_start3A_141 : memref<1x1x1x25x80xi32, #tpu.memory_space<hbm>> -> memref<25x80xi32, #tpu.memory_space<hbm>>
        tpu.enqueue_dma source(%dma_start3A_142 : memref<25x80xi32, #tpu.memory_space<hbm>>) target(%arg7 : memref<25x80xi32, #tpu.memory_space<vmem>>) target_semaphore(%run_scoped3A_134 : memref<!tpu.dma_semaphore, #tpu.memory_space<semaphore_mem>>)
        %dma_wait3A_143 = arith.constant 0 : i32
        %dma_wait3A_144 = arith.constant 0 : i32
        %dma_wait3A_145 = tpu.memref_slice %arg4[%run_scoped3A, %add3A, %scan3A_27, %dma_wait3A_143, %dma_wait3A_144] : memref<2x32x5x25x80xi32, #tpu.memory_space<hbm>> -> memref<1x1x1x25x80xi32, #tpu.memory_space<hbm>>
        %dma_wait3A_146 = tpu.memref_squeeze %dma_wait3A_145 : memref<1x1x1x25x80xi32, #tpu.memory_space<hbm>> -> memref<25x80xi32, #tpu.memory_space<hbm>>
        %dma_wait3A_147 = arith.constant 0 : i32
        %dma_wait3A_148 = arith.constant 0 : i32
        %dma_wait3A_149 = tpu.memref_slice %arg4[%run_scoped3A, %add3A, %scan3A_27, %dma_wait3A_147, %dma_wait3A_148] : memref<2x32x5x25x80xi32, #tpu.memory_space<hbm>> -> memref<1x1x1x25x80xi32, #tpu.memory_space<hbm>>
        %dma_wait3A_150 = tpu.memref_squeeze %dma_wait3A_149 : memref<1x1x1x25x80xi32, #tpu.memory_space<hbm>> -> memref<25x80xi32, #tpu.memory_space<hbm>>
        tpu.wait_dma2 semaphore(%run_scoped3A_134 : memref<!tpu.dma_semaphore, #tpu.memory_space<semaphore_mem>>) src(%dma_wait3A_150 : memref<25x80xi32, #tpu.memory_space<hbm>>) dst(%arg7 : memref<25x80xi32, #tpu.memory_space<vmem>>)
        tpu.yield
      }) : () -> ()
      %run_scoped3A_28 = arith.constant 1 : i32
      "tpu.region"() ({
        %run_scoped3A_134 = tpu.sem_alloc : memref<!tpu.dma_semaphore, #tpu.memory_space<semaphore_mem>>
        %dma_start3A_135 = arith.constant 0 : i32
        %dma_start3A_136 = arith.constant 0 : i32
        %dma_start3A_137 = tpu.memref_slice %arg4[%run_scoped3A_28, %add3A, %scan3A_27, %dma_start3A_135, %dma_start3A_136] : memref<2x32x5x25x80xi32, #tpu.memory_space<hbm>> -> memref<1x1x1x25x80xi32, #tpu.memory_space<hbm>>
        %dma_start3A_138 = tpu.memref_squeeze %dma_start3A_137 : memref<1x1x1x25x80xi32, #tpu.memory_space<hbm>> -> memref<25x80xi32, #tpu.memory_space<hbm>>
        %dma_start3A_139 = arith.constant 0 : i32
        %dma_start3A_140 = arith.constant 0 : i32
        %dma_start3A_141 = tpu.memref_slice %arg4[%run_scoped3A_28, %add3A, %scan3A_27, %dma_start3A_139, %dma_start3A_140] : memref<2x32x5x25x80xi32, #tpu.memory_space<hbm>> -> memref<1x1x1x25x80xi32, #tpu.memory_space<hbm>>
        %dma_start3A_142 = tpu.memref_squeeze %dma_start3A_141 : memref<1x1x1x25x80xi32, #tpu.memory_space<hbm>> -> memref<25x80xi32, #tpu.memory_space<hbm>>
        tpu.enqueue_dma source(%dma_start3A_142 : memref<25x80xi32, #tpu.memory_space<hbm>>) target(%arg8 : memref<25x80xi32, #tpu.memory_space<vmem>>) target_semaphore(%run_scoped3A_134 : memref<!tpu.dma_semaphore, #tpu.memory_space<semaphore_mem>>)
        %dma_wait3A_143 = arith.constant 0 : i32
        %dma_wait3A_144 = arith.constant 0 : i32
        %dma_wait3A_145 = tpu.memref_slice %arg4[%run_scoped3A_28, %add3A, %scan3A_27, %dma_wait3A_143, %dma_wait3A_144] : memref<2x32x5x25x80xi32, #tpu.memory_space<hbm>> -> memref<1x1x1x25x80xi32, #tpu.memory_space<hbm>>
        %dma_wait3A_146 = tpu.memref_squeeze %dma_wait3A_145 : memref<1x1x1x25x80xi32, #tpu.memory_space<hbm>> -> memref<25x80xi32, #tpu.memory_space<hbm>>
        %dma_wait3A_147 = arith.constant 0 : i32
        %dma_wait3A_148 = arith.constant 0 : i32
        %dma_wait3A_149 = tpu.memref_slice %arg4[%run_scoped3A_28, %add3A, %scan3A_27, %dma_wait3A_147, %dma_wait3A_148] : memref<2x32x5x25x80xi32, #tpu.memory_space<hbm>> -> memref<1x1x1x25x80xi32, #tpu.memory_space<hbm>>
        %dma_wait3A_150 = tpu.memref_squeeze %dma_wait3A_149 : memref<1x1x1x25x80xi32, #tpu.memory_space<hbm>> -> memref<25x80xi32, #tpu.memory_space<hbm>>
        tpu.wait_dma2 semaphore(%run_scoped3A_134 : memref<!tpu.dma_semaphore, #tpu.memory_space<semaphore_mem>>) src(%dma_wait3A_150 : memref<25x80xi32, #tpu.memory_space<hbm>>) dst(%arg8 : memref<25x80xi32, #tpu.memory_space<vmem>>)
        tpu.yield
      }) : () -> ()
      %mul3A_29 = arith.constant 2000 : i32
      %mul3A_30 = arith.muli %scan3A_27, %mul3A_29 : i32
      %add3A_31 = arith.addi %mul3A_2, %mul3A_30 : i32
      %add3A_32 = arith.constant 0 : i32
      %add3A_33 = arith.addi %add3A_31, %add3A_32 : i32
      %multiple_of3A_34 = tpu.assume_multiple %add3A_33, 8 : i32
      %dma_start3A = arith.constant 2 : i32
      %dma_start3A_35 = arith.constant 0 : i32
      %dma_start3A_36 = arith.constant 0 : i32
      %dma_start3A_37 = arith.constant 0 : i32
      %dma_start3A_38 = tpu.memref_slice %arg9[%dma_start3A_35, %dma_start3A_36, %dma_start3A_37] : memref<2x80x128xf32, #tpu.memory_space<vmem>> -> memref<1x80x128xf32, #tpu.memory_space<vmem>>
      %dma_start3A_39 = tpu.memref_squeeze %dma_start3A_38 : memref<1x80x128xf32, #tpu.memory_space<vmem>> -> memref<80x128xf32, #tpu.memory_space<vmem>>
      %dma_start3A_40 = arith.constant 0 : i32
      %dma_start3A_41 = tpu.memref_slice %arg3[%dma_start3A, %multiple_of3A_34, %dma_start3A_40] : memref<3x320000x128xf32, #tpu.memory_space<hbm>> -> memref<1x80x128xf32, #tpu.memory_space<hbm>>
      %dma_start3A_42 = tpu.memref_squeeze %dma_start3A_41 : memref<1x80x128xf32, #tpu.memory_space<hbm>> -> memref<80x128xf32, #tpu.memory_space<hbm>>
      %dma_start3A_43 = arith.constant 0 : i32
      %dma_start3A_44 = arith.constant 0 : i32
      %dma_start3A_45 = tpu.memref_slice %arg9[%dma_start3A_35, %dma_start3A_43, %dma_start3A_44] : memref<2x80x128xf32, #tpu.memory_space<vmem>> -> memref<1x80x128xf32, #tpu.memory_space<vmem>>
      %dma_start3A_46 = tpu.memref_squeeze %dma_start3A_45 : memref<1x80x128xf32, #tpu.memory_space<vmem>> -> memref<80x128xf32, #tpu.memory_space<vmem>>
      %dma_start3A_47 = arith.constant 0 : i32
      %dma_start3A_48 = tpu.memref_slice %arg3[%dma_start3A, %multiple_of3A_34, %dma_start3A_47] : memref<3x320000x128xf32, #tpu.memory_space<hbm>> -> memref<1x80x128xf32, #tpu.memory_space<hbm>>
      %dma_start3A_49 = tpu.memref_squeeze %dma_start3A_48 : memref<1x80x128xf32, #tpu.memory_space<hbm>> -> memref<80x128xf32, #tpu.memory_space<hbm>>
      tpu.enqueue_dma source(%dma_start3A_49 : memref<80x128xf32, #tpu.memory_space<hbm>>) target(%dma_start3A_46 : memref<80x128xf32, #tpu.memory_space<vmem>>) target_semaphore(%arg12 : memref<!tpu.dma_semaphore, #tpu.memory_space<semaphore_mem>>)
      %dma_start3A_50 = arith.constant 0 : i32
      %dma_start3A_51 = arith.constant 0 : i32
      %dma_start3A_52 = arith.constant 0 : i32
      %dma_start3A_53 = arith.constant 0 : i32
      %dma_start3A_54 = tpu.memref_slice %arg10[%dma_start3A_51, %dma_start3A_52, %dma_start3A_53] : memref<2x80x128xf32, #tpu.memory_space<vmem>> -> memref<1x80x128xf32, #tpu.memory_space<vmem>>
      %dma_start3A_55 = tpu.memref_squeeze %dma_start3A_54 : memref<1x80x128xf32, #tpu.memory_space<vmem>> -> memref<80x128xf32, #tpu.memory_space<vmem>>
      %dma_start3A_56 = arith.constant 0 : i32
      %dma_start3A_57 = tpu.memref_slice %arg7[%dma_start3A_50, %dma_start3A_56] : memref<25x80xi32, #tpu.memory_space<vmem>> -> memref<1x80xi32, #tpu.memory_space<vmem>>
      %dma_start3A_58 = tpu.memref_squeeze %dma_start3A_57 : memref<1x80xi32, #tpu.memory_space<vmem>> -> memref<80xi32, #tpu.memory_space<vmem>>
      %dma_start3A_59 = arith.constant 0 : i32
      %dma_start3A_60 = arith.constant 0 : i32
      %dma_start3A_61 = tpu.memref_slice %arg2[%dma_start3A_59, %dma_start3A_60] : memref<10000x128xf32, #tpu.memory_space<hbm>> -> memref<10000x128xf32, #tpu.memory_space<hbm>>
      tpu.enqueue_indirect_dma source(%dma_start3A_61 : memref<10000x128xf32, #tpu.memory_space<hbm>>) target(%dma_start3A_55 : memref<80x128xf32, #tpu.memory_space<vmem>>) offsets(%dma_start3A_58 : memref<80xi32, #tpu.memory_space<vmem>>) semaphore(%arg14 : memref<!tpu.dma_semaphore, #tpu.memory_space<semaphore_mem>>)
      %add3A_62 = arith.constant 80 : i32
      %add3A_63 = arith.addi %add3A_31, %add3A_62 : i32
      %multiple_of3A_64 = tpu.assume_multiple %add3A_63, 8 : i32
      %dma_start3A_65 = arith.constant 2 : i32
      %dma_start3A_66 = arith.constant 1 : i32
      %dma_start3A_67 = arith.constant 0 : i32
      %dma_start3A_68 = arith.constant 0 : i32
      %dma_start3A_69 = tpu.memref_slice %arg9[%dma_start3A_66, %dma_start3A_67, %dma_start3A_68] : memref<2x80x128xf32, #tpu.memory_space<vmem>> -> memref<1x80x128xf32, #tpu.memory_space<vmem>>
      %dma_start3A_70 = tpu.memref_squeeze %dma_start3A_69 : memref<1x80x128xf32, #tpu.memory_space<vmem>> -> memref<80x128xf32, #tpu.memory_space<vmem>>
      %dma_start3A_71 = arith.constant 0 : i32
      %dma_start3A_72 = tpu.memref_slice %arg3[%dma_start3A_65, %multiple_of3A_64, %dma_start3A_71] : memref<3x320000x128xf32, #tpu.memory_space<hbm>> -> memref<1x80x128xf32, #tpu.memory_space<hbm>>
      %dma_start3A_73 = tpu.memref_squeeze %dma_start3A_72 : memref<1x80x128xf32, #tpu.memory_space<hbm>> -> memref<80x128xf32, #tpu.memory_space<hbm>>
      %dma_start3A_74 = arith.constant 0 : i32
      %dma_start3A_75 = arith.constant 0 : i32
      %dma_start3A_76 = tpu.memref_slice %arg9[%dma_start3A_66, %dma_start3A_74, %dma_start3A_75] : memref<2x80x128xf32, #tpu.memory_space<vmem>> -> memref<1x80x128xf32, #tpu.memory_space<vmem>>
      %dma_start3A_77 = tpu.memref_squeeze %dma_start3A_76 : memref<1x80x128xf32, #tpu.memory_space<vmem>> -> memref<80x128xf32, #tpu.memory_space<vmem>>
      %dma_start3A_78 = arith.constant 0 : i32
      %dma_start3A_79 = tpu.memref_slice %arg3[%dma_start3A_65, %multiple_of3A_64, %dma_start3A_78] : memref<3x320000x128xf32, #tpu.memory_space<hbm>> -> memref<1x80x128xf32, #tpu.memory_space<hbm>>
      %dma_start3A_80 = tpu.memref_squeeze %dma_start3A_79 : memref<1x80x128xf32, #tpu.memory_space<hbm>> -> memref<80x128xf32, #tpu.memory_space<hbm>>
      tpu.enqueue_dma source(%dma_start3A_80 : memref<80x128xf32, #tpu.memory_space<hbm>>) target(%dma_start3A_77 : memref<80x128xf32, #tpu.memory_space<vmem>>) target_semaphore(%arg13 : memref<!tpu.dma_semaphore, #tpu.memory_space<semaphore_mem>>)
      %dma_start3A_81 = arith.constant 1 : i32
      %dma_start3A_82 = arith.constant 1 : i32
      %dma_start3A_83 = arith.constant 0 : i32
      %dma_start3A_84 = arith.constant 0 : i32
      %dma_start3A_85 = tpu.memref_slice %arg10[%dma_start3A_82, %dma_start3A_83, %dma_start3A_84] : memref<2x80x128xf32, #tpu.memory_space<vmem>> -> memref<1x80x128xf32, #tpu.memory_space<vmem>>
      %dma_start3A_86 = tpu.memref_squeeze %dma_start3A_85 : memref<1x80x128xf32, #tpu.memory_space<vmem>> -> memref<80x128xf32, #tpu.memory_space<vmem>>
      %dma_start3A_87 = arith.constant 0 : i32
      %dma_start3A_88 = tpu.memref_slice %arg7[%dma_start3A_81, %dma_start3A_87] : memref<25x80xi32, #tpu.memory_space<vmem>> -> memref<1x80xi32, #tpu.memory_space<vmem>>
      %dma_start3A_89 = tpu.memref_squeeze %dma_start3A_88 : memref<1x80xi32, #tpu.memory_space<vmem>> -> memref<80xi32, #tpu.memory_space<vmem>>
      %dma_start3A_90 = arith.constant 0 : i32
      %dma_start3A_91 = arith.constant 0 : i32
      %dma_start3A_92 = tpu.memref_slice %arg2[%dma_start3A_90, %dma_start3A_91] : memref<10000x128xf32, #tpu.memory_space<hbm>> -> memref<10000x128xf32, #tpu.memory_space<hbm>>
      tpu.enqueue_indirect_dma source(%dma_start3A_92 : memref<10000x128xf32, #tpu.memory_space<hbm>>) target(%dma_start3A_86 : memref<80x128xf32, #tpu.memory_space<vmem>>) offsets(%dma_start3A_89 : memref<80xi32, #tpu.memory_space<vmem>>) semaphore(%arg15 : memref<!tpu.dma_semaphore, #tpu.memory_space<semaphore_mem>>)
      %scan3A_93 = arith.constant 0 : i32
      %scan3A_94 = arith.constant 0 : i32
      %scan3A_95 = arith.constant 12 : i32
      %scan3A_96 = arith.addi %scan3A_94, %scan3A_95 : i32
      %scan3A_97 = arith.constant 1 : i32
      scf.for %scan3A_134 = %scan3A_94 to %scan3A_96 step %scan3A_97  : i32 {
        %mul3A_135 = arith.constant 2 : i32
        %mul3A_136 = arith.muli %mul3A_135, %scan3A_134 : i32
        %dma_wait3A_137 = arith.constant 2 : i32
        %dma_wait3A_138 = arith.constant 0 : i32
        %dma_wait3A_139 = arith.constant 0 : i32
        %dma_wait3A_140 = arith.constant 0 : i32
        %dma_wait3A_141 = tpu.memref_slice %arg9[%dma_wait3A_138, %dma_wait3A_139, %dma_wait3A_140] : memref<2x80x128xf32, #tpu.memory_space<vmem>> -> memref<1x80x128xf32, #tpu.memory_space<vmem>>
        %dma_wait3A_142 = tpu.memref_squeeze %dma_wait3A_141 : memref<1x80x128xf32, #tpu.memory_space<vmem>> -> memref<80x128xf32, #tpu.memory_space<vmem>>
        %dma_wait3A_143 = arith.constant 0 : i32
        %dma_wait3A_144 = tpu.memref_slice %arg3[%dma_wait3A_137, %mul3A_2, %dma_wait3A_143] : memref<3x320000x128xf32, #tpu.memory_space<hbm>> -> memref<1x80x128xf32, #tpu.memory_space<hbm>>
        %dma_wait3A_145 = tpu.memref_squeeze %dma_wait3A_144 : memref<1x80x128xf32, #tpu.memory_space<hbm>> -> memref<80x128xf32, #tpu.memory_space<hbm>>
        %dma_wait3A_146 = arith.constant 0 : i32
        %dma_wait3A_147 = arith.constant 0 : i32
        %dma_wait3A_148 = tpu.memref_slice %arg9[%dma_wait3A_138, %dma_wait3A_146, %dma_wait3A_147] : memref<2x80x128xf32, #tpu.memory_space<vmem>> -> memref<1x80x128xf32, #tpu.memory_space<vmem>>
        %dma_wait3A_149 = tpu.memref_squeeze %dma_wait3A_148 : memref<1x80x128xf32, #tpu.memory_space<vmem>> -> memref<80x128xf32, #tpu.memory_space<vmem>>
        %dma_wait3A_150 = arith.constant 0 : i32
        %dma_wait3A_151 = tpu.memref_slice %arg3[%dma_wait3A_137, %mul3A_2, %dma_wait3A_150] : memref<3x320000x128xf32, #tpu.memory_space<hbm>> -> memref<1x80x128xf32, #tpu.memory_space<hbm>>
        %dma_wait3A_152 = tpu.memref_squeeze %dma_wait3A_151 : memref<1x80x128xf32, #tpu.memory_space<hbm>> -> memref<80x128xf32, #tpu.memory_space<hbm>>
        tpu.wait_dma2 semaphore(%arg12 : memref<!tpu.dma_semaphore, #tpu.memory_space<semaphore_mem>>) src(%dma_wait3A_152 : memref<80x128xf32, #tpu.memory_space<hbm>>) dst(%dma_wait3A_149 : memref<80x128xf32, #tpu.memory_space<vmem>>)
        %dma_wait3A_153 = arith.constant 0 : i32
        %dma_wait3A_154 = arith.constant 0 : i32
        %dma_wait3A_155 = arith.constant 0 : i32
        %dma_wait3A_156 = tpu.memref_slice %arg10[%dma_wait3A_153, %dma_wait3A_154, %dma_wait3A_155] : memref<2x80x128xf32, #tpu.memory_space<vmem>> -> memref<1x80x128xf32, #tpu.memory_space<vmem>>
        %dma_wait3A_157 = tpu.memref_squeeze %dma_wait3A_156 : memref<1x80x128xf32, #tpu.memory_space<vmem>> -> memref<80x128xf32, #tpu.memory_space<vmem>>
        %dma_wait3A_158 = arith.constant 0 : i32
        %dma_wait3A_159 = tpu.memref_slice %arg7[%mul3A_136, %dma_wait3A_158] : memref<25x80xi32, #tpu.memory_space<vmem>> -> memref<1x80xi32, #tpu.memory_space<vmem>>
        %dma_wait3A_160 = tpu.memref_squeeze %dma_wait3A_159 : memref<1x80xi32, #tpu.memory_space<vmem>> -> memref<80xi32, #tpu.memory_space<vmem>>
        %dma_wait3A_161 = arith.constant 0 : i32
        %dma_wait3A_162 = arith.constant 0 : i32
        %dma_wait3A_163 = tpu.memref_slice %arg2[%dma_wait3A_161, %dma_wait3A_162] : memref<10000x128xf32, #tpu.memory_space<hbm>> -> memref<10000x128xf32, #tpu.memory_space<hbm>>
        tpu.wait_indirect_dma semaphore(%arg14 : memref<!tpu.dma_semaphore, #tpu.memory_space<semaphore_mem>>) src(%dma_wait3A_163 : memref<10000x128xf32, #tpu.memory_space<hbm>>) dst(%dma_wait3A_157 : memref<80x128xf32, #tpu.memory_space<vmem>>)
        %scan3A_164 = arith.constant 0 : i32
        %scan3A_165 = arith.constant 0 : i32
        %scan3A_166 = arith.constant 80 : i32
        %scan3A_167 = arith.addi %scan3A_165, %scan3A_166 : i32
        %scan3A_168 = arith.constant 1 : i32
        scf.for %scan3A_223 = %scan3A_165 to %scan3A_167 step %scan3A_168  : i32 {
          %get3A = arith.constant 0 : i32
          %get3A_224 = arith.index_cast %get3A : i32 to index
          %get3A_225 = arith.index_cast %scan3A_223 : i32 to index
          %get3A_226 = arith.constant 0 : index
          %get3A_227 = tpu.vector_load %arg10[%get3A_224, %get3A_225, %get3A_226] {strides = array<i32>} : memref<2x80x128xf32, #tpu.memory_space<vmem>>, vector<16xf32>,
          %get3A_228 = arith.constant 0 : i32
          %get3A_229 = arith.index_cast %get3A_228 : i32 to index
          %get3A_230 = arith.index_cast %scan3A_223 : i32 to index
          %get3A_231 = arith.constant 0 : index
          %get3A_232 = tpu.vector_load %arg9[%get3A_229, %get3A_230, %get3A_231] {strides = array<i32>} : memref<2x80x128xf32, #tpu.memory_space<vmem>>, vector<16xf32>,
          %add3A_233 = arith.addf %get3A_227, %get3A_232 : vector<16xf32>
          %max3A = arith.constant 0.000000e+00 : f32
          %max3A_234 = vector.broadcast %max3A : f32 to vector<16xf32>
          %max3A_235 = arith.maximumf %add3A_233, %max3A_234 : vector<16xf32>
          %swap3A = arith.constant 0 : i32
          %swap3A_236 = arith.index_cast %swap3A : i32 to index
          %swap3A_237 = arith.index_cast %scan3A_223 : i32 to index
          %swap3A_238 = arith.constant 0 : index
          %swap3A_239 = tpu.vector_load %arg10[%swap3A_236, %swap3A_237, %swap3A_238] {strides = array<i32>} : memref<2x80x128xf32, #tpu.memory_space<vmem>>, vector<16xf32>,
          tpu.vector_store %arg10[%swap3A_236, %swap3A_237, %swap3A_238], %max3A_235 {strides = array<i32>} : memref<2x80x128xf32, #tpu.memory_space<vmem>>, vector<16xf32>,
          %get3A_240 = arith.constant 0 : i32
          %get3A_241 = arith.index_cast %get3A_240 : i32 to index
          %get3A_242 = arith.index_cast %scan3A_223 : i32 to index
          %get3A_243 = arith.constant 16 : index
          %get3A_244 = tpu.vector_load %arg10[%get3A_241, %get3A_242, %get3A_243] {strides = array<i32>} : memref<2x80x128xf32, #tpu.memory_space<vmem>>, vector<16xf32>,
          %get3A_245 = arith.constant 0 : i32
          %get3A_246 = arith.index_cast %get3A_245 : i32 to index
          %get3A_247 = arith.index_cast %scan3A_223 : i32 to index
          %get3A_248 = arith.constant 16 : index
          %get3A_249 = tpu.vector_load %arg9[%get3A_246, %get3A_247, %get3A_248] {strides = array<i32>} : memref<2x80x128xf32, #tpu.memory_space<vmem>>, vector<16xf32>,
          %add3A_250 = arith.addf %get3A_244, %get3A_249 : vector<16xf32>
          %max3A_251 = arith.constant 0.000000e+00 : f32
          %max3A_252 = vector.broadcast %max3A_251 : f32 to vector<16xf32>
          %max3A_253 = arith.maximumf %add3A_250, %max3A_252 : vector<16xf32>
          %swap3A_254 = arith.constant 0 : i32
          %swap3A_255 = arith.index_cast %swap3A_254 : i32 to index
          %swap3A_256 = arith.index_cast %scan3A_223 : i32 to index
          %swap3A_257 = arith.constant 16 : index
          %swap3A_258 = tpu.vector_load %arg10[%swap3A_255, %swap3A_256, %swap3A_257] {strides = array<i32>} : memref<2x80x128xf32, #tpu.memory_space<vmem>>, vector<16xf32>,
          tpu.vector_store %arg10[%swap3A_255, %swap3A_256, %swap3A_257], %max3A_253 {strides = array<i32>} : memref<2x80x128xf32, #tpu.memory_space<vmem>>, vector<16xf32>,
          %get3A_259 = arith.constant 0 : i32
          %get3A_260 = arith.index_cast %get3A_259 : i32 to index
          %get3A_261 = arith.index_cast %scan3A_223 : i32 to index
          %get3A_262 = arith.constant 32 : index
          %get3A_263 = tpu.vector_load %arg10[%get3A_260, %get3A_261, %get3A_262] {strides = array<i32>} : memref<2x80x128xf32, #tpu.memory_space<vmem>>, vector<16xf32>,
          %get3A_264 = arith.constant 0 : i32
          %get3A_265 = arith.index_cast %get3A_264 : i32 to index
          %get3A_266 = arith.index_cast %scan3A_223 : i32 to index
          %get3A_267 = arith.constant 32 : index
          %get3A_268 = tpu.vector_load %arg9[%get3A_265, %get3A_266, %get3A_267] {strides = array<i32>} : memref<2x80x128xf32, #tpu.memory_space<vmem>>, vector<16xf32>,
          %add3A_269 = arith.addf %get3A_263, %get3A_268 : vector<16xf32>
          %max3A_270 = arith.constant 0.000000e+00 : f32
          %max3A_271 = vector.broadcast %max3A_270 : f32 to vector<16xf32>
          %max3A_272 = arith.maximumf %add3A_269, %max3A_271 : vector<16xf32>
          %swap3A_273 = arith.constant 0 : i32
          %swap3A_274 = arith.index_cast %swap3A_273 : i32 to index
          %swap3A_275 = arith.index_cast %scan3A_223 : i32 to index
          %swap3A_276 = arith.constant 32 : index
          %swap3A_277 = tpu.vector_load %arg10[%swap3A_274, %swap3A_275, %swap3A_276] {strides = array<i32>} : memref<2x80x128xf32, #tpu.memory_space<vmem>>, vector<16xf32>,
          tpu.vector_store %arg10[%swap3A_274, %swap3A_275, %swap3A_276], %max3A_272 {strides = array<i32>} : memref<2x80x128xf32, #tpu.memory_space<vmem>>, vector<16xf32>,
          %get3A_278 = arith.constant 0 : i32
          %get3A_279 = arith.index_cast %get3A_278 : i32 to index
          %get3A_280 = arith.index_cast %scan3A_223 : i32 to index
          %get3A_281 = arith.constant 48 : index
          %get3A_282 = tpu.vector_load %arg10[%get3A_279, %get3A_280, %get3A_281] {strides = array<i32>} : memref<2x80x128xf32, #tpu.memory_space<vmem>>, vector<16xf32>,
          %get3A_283 = arith.constant 0 : i32
          %get3A_284 = arith.index_cast %get3A_283 : i32 to index
          %get3A_285 = arith.index_cast %scan3A_223 : i32 to index
          %get3A_286 = arith.constant 48 : index
          %get3A_287 = tpu.vector_load %arg9[%get3A_284, %get3A_285, %get3A_286] {strides = array<i32>} : memref<2x80x128xf32, #tpu.memory_space<vmem>>, vector<16xf32>,
          %add3A_288 = arith.addf %get3A_282, %get3A_287 : vector<16xf32>
          %max3A_289 = arith.constant 0.000000e+00 : f32
          %max3A_290 = vector.broadcast %max3A_289 : f32 to vector<16xf32>
          %max3A_291 = arith.maximumf %add3A_288, %max3A_290 : vector<16xf32>
          %swap3A_292 = arith.constant 0 : i32
          %swap3A_293 = arith.index_cast %swap3A_292 : i32 to index
          %swap3A_294 = arith.index_cast %scan3A_223 : i32 to index
          %swap3A_295 = arith.constant 48 : index
          %swap3A_296 = tpu.vector_load %arg10[%swap3A_293, %swap3A_294, %swap3A_295] {strides = array<i32>} : memref<2x80x128xf32, #tpu.memory_space<vmem>>, vector<16xf32>,
          tpu.vector_store %arg10[%swap3A_293, %swap3A_294, %swap3A_295], %max3A_291 {strides = array<i32>} : memref<2x80x128xf32, #tpu.memory_space<vmem>>, vector<16xf32>,
          %get3A_297 = arith.constant 0 : i32
          %get3A_298 = arith.index_cast %get3A_297 : i32 to index
          %get3A_299 = arith.index_cast %scan3A_223 : i32 to index
          %get3A_300 = arith.constant 64 : index
          %get3A_301 = tpu.vector_load %arg10[%get3A_298, %get3A_299, %get3A_300] {strides = array<i32>} : memref<2x80x128xf32, #tpu.memory_space<vmem>>, vector<16xf32>,
          %get3A_302 = arith.constant 0 : i32
          %get3A_303 = arith.index_cast %get3A_302 : i32 to index
          %get3A_304 = arith.index_cast %scan3A_223 : i32 to index
          %get3A_305 = arith.constant 64 : index
          %get3A_306 = tpu.vector_load %arg9[%get3A_303, %get3A_304, %get3A_305] {strides = array<i32>} : memref<2x80x128xf32, #tpu.memory_space<vmem>>, vector<16xf32>,
          %add3A_307 = arith.addf %get3A_301, %get3A_306 : vector<16xf32>
          %max3A_308 = arith.constant 0.000000e+00 : f32
          %max3A_309 = vector.broadcast %max3A_308 : f32 to vector<16xf32>
          %max3A_310 = arith.maximumf %add3A_307, %max3A_309 : vector<16xf32>
          %swap3A_311 = arith.constant 0 : i32
          %swap3A_312 = arith.index_cast %swap3A_311 : i32 to index
          %swap3A_313 = arith.index_cast %scan3A_223 : i32 to index
          %swap3A_314 = arith.constant 64 : index
          %swap3A_315 = tpu.vector_load %arg10[%swap3A_312, %swap3A_313, %swap3A_314] {strides = array<i32>} : memref<2x80x128xf32, #tpu.memory_space<vmem>>, vector<16xf32>,
          tpu.vector_store %arg10[%swap3A_312, %swap3A_313, %swap3A_314], %max3A_310 {strides = array<i32>} : memref<2x80x128xf32, #tpu.memory_space<vmem>>, vector<16xf32>,
          %get3A_316 = arith.constant 0 : i32
          %get3A_317 = arith.index_cast %get3A_316 : i32 to index
          %get3A_318 = arith.index_cast %scan3A_223 : i32 to index
          %get3A_319 = arith.constant 80 : index
          %get3A_320 = tpu.vector_load %arg10[%get3A_317, %get3A_318, %get3A_319] {strides = array<i32>} : memref<2x80x128xf32, #tpu.memory_space<vmem>>, vector<16xf32>,
          %get3A_321 = arith.constant 0 : i32
          %get3A_322 = arith.index_cast %get3A_321 : i32 to index
          %get3A_323 = arith.index_cast %scan3A_223 : i32 to index
          %get3A_324 = arith.constant 80 : index
          %get3A_325 = tpu.vector_load %arg9[%get3A_322, %get3A_323, %get3A_324] {strides = array<i32>} : memref<2x80x128xf32, #tpu.memory_space<vmem>>, vector<16xf32>,
          %add3A_326 = arith.addf %get3A_320, %get3A_325 : vector<16xf32>
          %max3A_327 = arith.constant 0.000000e+00 : f32
          %max3A_328 = vector.broadcast %max3A_327 : f32 to vector<16xf32>
          %max3A_329 = arith.maximumf %add3A_326, %max3A_328 : vector<16xf32>
          %swap3A_330 = arith.constant 0 : i32
          %swap3A_331 = arith.index_cast %swap3A_330 : i32 to index
          %swap3A_332 = arith.index_cast %scan3A_223 : i32 to index
          %swap3A_333 = arith.constant 80 : index
          %swap3A_334 = tpu.vector_load %arg10[%swap3A_331, %swap3A_332, %swap3A_333] {strides = array<i32>} : memref<2x80x128xf32, #tpu.memory_space<vmem>>, vector<16xf32>,
          tpu.vector_store %arg10[%swap3A_331, %swap3A_332, %swap3A_333], %max3A_329 {strides = array<i32>} : memref<2x80x128xf32, #tpu.memory_space<vmem>>, vector<16xf32>,
          %get3A_335 = arith.constant 0 : i32
          %get3A_336 = arith.index_cast %get3A_335 : i32 to index
          %get3A_337 = arith.index_cast %scan3A_223 : i32 to index
          %get3A_338 = arith.constant 96 : index
          %get3A_339 = tpu.vector_load %arg10[%get3A_336, %get3A_337, %get3A_338] {strides = array<i32>} : memref<2x80x128xf32, #tpu.memory_space<vmem>>, vector<16xf32>,
          %get3A_340 = arith.constant 0 : i32
          %get3A_341 = arith.index_cast %get3A_340 : i32 to index
          %get3A_342 = arith.index_cast %scan3A_223 : i32 to index
          %get3A_343 = arith.constant 96 : index
          %get3A_344 = tpu.vector_load %arg9[%get3A_341, %get3A_342, %get3A_343] {strides = array<i32>} : memref<2x80x128xf32, #tpu.memory_space<vmem>>, vector<16xf32>,
          %add3A_345 = arith.addf %get3A_339, %get3A_344 : vector<16xf32>
          %max3A_346 = arith.constant 0.000000e+00 : f32
          %max3A_347 = vector.broadcast %max3A_346 : f32 to vector<16xf32>
          %max3A_348 = arith.maximumf %add3A_345, %max3A_347 : vector<16xf32>
          %swap3A_349 = arith.constant 0 : i32
          %swap3A_350 = arith.index_cast %swap3A_349 : i32 to index
          %swap3A_351 = arith.index_cast %scan3A_223 : i32 to index
          %swap3A_352 = arith.constant 96 : index
          %swap3A_353 = tpu.vector_load %arg10[%swap3A_350, %swap3A_351, %swap3A_352] {strides = array<i32>} : memref<2x80x128xf32, #tpu.memory_space<vmem>>, vector<16xf32>,
          tpu.vector_store %arg10[%swap3A_350, %swap3A_351, %swap3A_352], %max3A_348 {strides = array<i32>} : memref<2x80x128xf32, #tpu.memory_space<vmem>>, vector<16xf32>,
          %get3A_354 = arith.constant 0 : i32
          %get3A_355 = arith.index_cast %get3A_354 : i32 to index
          %get3A_356 = arith.index_cast %scan3A_223 : i32 to index
          %get3A_357 = arith.constant 112 : index
          %get3A_358 = tpu.vector_load %arg10[%get3A_355, %get3A_356, %get3A_357] {strides = array<i32>} : memref<2x80x128xf32, #tpu.memory_space<vmem>>, vector<16xf32>,
          %get3A_359 = arith.constant 0 : i32
          %get3A_360 = arith.index_cast %get3A_359 : i32 to index
          %get3A_361 = arith.index_cast %scan3A_223 : i32 to index
          %get3A_362 = arith.constant 112 : index
          %get3A_363 = tpu.vector_load %arg9[%get3A_360, %get3A_361, %get3A_362] {strides = array<i32>} : memref<2x80x128xf32, #tpu.memory_space<vmem>>, vector<16xf32>,
          %add3A_364 = arith.addf %get3A_358, %get3A_363 : vector<16xf32>
          %max3A_365 = arith.constant 0.000000e+00 : f32
          %max3A_366 = vector.broadcast %max3A_365 : f32 to vector<16xf32>
          %max3A_367 = arith.maximumf %add3A_364, %max3A_366 : vector<16xf32>
          %swap3A_368 = arith.constant 0 : i32
          %swap3A_369 = arith.index_cast %swap3A_368 : i32 to index
          %swap3A_370 = arith.index_cast %scan3A_223 : i32 to index
          %swap3A_371 = arith.constant 112 : index
          %swap3A_372 = tpu.vector_load %arg10[%swap3A_369, %swap3A_370, %swap3A_371] {strides = array<i32>} : memref<2x80x128xf32, #tpu.memory_space<vmem>>, vector<16xf32>,
          tpu.vector_store %arg10[%swap3A_369, %swap3A_370, %swap3A_371], %max3A_367 {strides = array<i32>} : memref<2x80x128xf32, #tpu.memory_space<vmem>>, vector<16xf32>,
        }
        %scan3A_169 = arith.constant 80 : i32
        %run_scoped3A_170 = arith.constant 0 : i32
        "tpu.region"() ({
          %run_scoped3A_223 = tpu.sem_alloc : memref<!tpu.dma_semaphore, #tpu.memory_space<semaphore_mem>>
          %dma_start3A_224 = arith.constant 0 : i32
          %dma_start3A_225 = arith.constant 0 : i32
          %dma_start3A_226 = tpu.memref_slice %arg10[%run_scoped3A_170, %dma_start3A_224, %dma_start3A_225] : memref<2x80x128xf32, #tpu.memory_space<vmem>> -> memref<1x80x128xf32, #tpu.memory_space<vmem>>
          %dma_start3A_227 = tpu.memref_squeeze %dma_start3A_226 : memref<1x80x128xf32, #tpu.memory_space<vmem>> -> memref<80x128xf32, #tpu.memory_space<vmem>>
          %dma_start3A_228 = arith.constant 0 : i32
          %dma_start3A_229 = tpu.memref_slice %arg8[%mul3A_136, %dma_start3A_228] : memref<25x80xi32, #tpu.memory_space<vmem>> -> memref<1x80xi32, #tpu.memory_space<vmem>>
          %dma_start3A_230 = tpu.memref_squeeze %dma_start3A_229 : memref<1x80xi32, #tpu.memory_space<vmem>> -> memref<80xi32, #tpu.memory_space<vmem>>
          %dma_start3A_231 = arith.constant 0 : i32
          %dma_start3A_232 = arith.constant 0 : i32
          %dma_start3A_233 = tpu.memref_slice %arg11[%dma_start3A_231, %dma_start3A_232] : memref<10000x128xf32, #tpu.memory_space<vmem_shared>> -> memref<10000x128xf32, #tpu.memory_space<vmem_shared>>
          tpu.enqueue_indirect_dma source(%dma_start3A_227 : memref<80x128xf32, #tpu.memory_space<vmem>>) target(%dma_start3A_233 : memref<10000x128xf32, #tpu.memory_space<vmem_shared>>) offsets(%dma_start3A_230 : memref<80xi32, #tpu.memory_space<vmem>>) semaphore(%run_scoped3A_223 : memref<!tpu.dma_semaphore, #tpu.memory_space<semaphore_mem>>) {add = true}
          %dma_wait3A_234 = arith.constant 0 : i32
          %dma_wait3A_235 = arith.constant 0 : i32
          %dma_wait3A_236 = tpu.memref_slice %arg10[%run_scoped3A_170, %dma_wait3A_234, %dma_wait3A_235] : memref<2x80x128xf32, #tpu.memory_space<vmem>> -> memref<1x80x128xf32, #tpu.memory_space<vmem>>
          %dma_wait3A_237 = tpu.memref_squeeze %dma_wait3A_236 : memref<1x80x128xf32, #tpu.memory_space<vmem>> -> memref<80x128xf32, #tpu.memory_space<vmem>>
          %dma_wait3A_238 = arith.constant 0 : i32
          %dma_wait3A_239 = tpu.memref_slice %arg8[%mul3A_136, %dma_wait3A_238] : memref<25x80xi32, #tpu.memory_space<vmem>> -> memref<1x80xi32, #tpu.memory_space<vmem>>
          %dma_wait3A_240 = tpu.memref_squeeze %dma_wait3A_239 : memref<1x80xi32, #tpu.memory_space<vmem>> -> memref<80xi32, #tpu.memory_space<vmem>>
          %dma_wait3A_241 = arith.constant 0 : i32
          %dma_wait3A_242 = arith.constant 0 : i32
          %dma_wait3A_243 = tpu.memref_slice %arg11[%dma_wait3A_241, %dma_wait3A_242] : memref<10000x128xf32, #tpu.memory_space<vmem_shared>> -> memref<10000x128xf32, #tpu.memory_space<vmem_shared>>
          tpu.wait_indirect_dma semaphore(%run_scoped3A_223 : memref<!tpu.dma_semaphore, #tpu.memory_space<semaphore_mem>>) src(%dma_wait3A_237 : memref<80x128xf32, #tpu.memory_space<vmem>>) dst(%dma_wait3A_243 : memref<10000x128xf32, #tpu.memory_space<vmem_shared>>)
          tpu.yield
        }) : () -> ()
        %add3A_171 = arith.constant 2 : i32
        %add3A_172 = arith.addi %mul3A_136, %add3A_171 : i32
        %lt3A_173 = arith.constant 25 : i32
        %lt3A_174 = arith.cmpi slt, %add3A_172, %lt3A_173 : i32
        %convert_element_type3A_175 = arith.extui %lt3A_174 : i1 to i32
        %cond3A_176 = arith.constant 0 : i32
        %cond3A_177 = arith.cmpi ne, %convert_element_type3A_175, %cond3A_176 : i32
        scf.if %cond3A_177 {
          %add3A_223 = arith.constant 2 : i32
          %add3A_224 = arith.addi %mul3A_136, %add3A_223 : i32
          %mul3A_225 = arith.constant 80 : i32
          %mul3A_226 = arith.muli %add3A_224, %mul3A_225 : i32
          %add3A_227 = arith.addi %add3A_31, %mul3A_226 : i32
          %multiple_of3A_228 = tpu.assume_multiple %add3A_227, 8 : i32
          %dma_start3A_229 = arith.constant 2 : i32
          %dma_start3A_230 = arith.constant 0 : i32
          %dma_start3A_231 = arith.constant 0 : i32
          %dma_start3A_232 = arith.constant 0 : i32
          %dma_start3A_233 = tpu.memref_slice %arg9[%dma_start3A_230, %dma_start3A_231, %dma_start3A_232] : memref<2x80x128xf32, #tpu.memory_space<vmem>> -> memref<1x80x128xf32, #tpu.memory_space<vmem>>
          %dma_start3A_234 = tpu.memref_squeeze %dma_start3A_233 : memref<1x80x128xf32, #tpu.memory_space<vmem>> -> memref<80x128xf32, #tpu.memory_space<vmem>>
          %dma_start3A_235 = arith.constant 0 : i32
          %dma_start3A_236 = tpu.memref_slice %arg3[%dma_start3A_229, %multiple_of3A_228, %dma_start3A_235] : memref<3x320000x128xf32, #tpu.memory_space<hbm>> -> memref<1x80x128xf32, #tpu.memory_space<hbm>>
          %dma_start3A_237 = tpu.memref_squeeze %dma_start3A_236 : memref<1x80x128xf32, #tpu.memory_space<hbm>> -> memref<80x128xf32, #tpu.memory_space<hbm>>
          %dma_start3A_238 = arith.constant 0 : i32
          %dma_start3A_239 = arith.constant 0 : i32
          %dma_start3A_240 = tpu.memref_slice %arg9[%dma_start3A_230, %dma_start3A_238, %dma_start3A_239] : memref<2x80x128xf32, #tpu.memory_space<vmem>> -> memref<1x80x128xf32, #tpu.memory_space<vmem>>
          %dma_start3A_241 = tpu.memref_squeeze %dma_start3A_240 : memref<1x80x128xf32, #tpu.memory_space<vmem>> -> memref<80x128xf32, #tpu.memory_space<vmem>>
          %dma_start3A_242 = arith.constant 0 : i32
          %dma_start3A_243 = tpu.memref_slice %arg3[%dma_start3A_229, %multiple_of3A_228, %dma_start3A_242] : memref<3x320000x128xf32, #tpu.memory_space<hbm>> -> memref<1x80x128xf32, #tpu.memory_space<hbm>>
          %dma_start3A_244 = tpu.memref_squeeze %dma_start3A_243 : memref<1x80x128xf32, #tpu.memory_space<hbm>> -> memref<80x128xf32, #tpu.memory_space<hbm>>
          tpu.enqueue_dma source(%dma_start3A_244 : memref<80x128xf32, #tpu.memory_space<hbm>>) target(%dma_start3A_241 : memref<80x128xf32, #tpu.memory_space<vmem>>) target_semaphore(%arg12 : memref<!tpu.dma_semaphore, #tpu.memory_space<semaphore_mem>>)
          %dma_start3A_245 = arith.constant 0 : i32
          %dma_start3A_246 = arith.constant 0 : i32
          %dma_start3A_247 = arith.constant 0 : i32
          %dma_start3A_248 = tpu.memref_slice %arg10[%dma_start3A_245, %dma_start3A_246, %dma_start3A_247] : memref<2x80x128xf32, #tpu.memory_space<vmem>> -> memref<1x80x128xf32, #tpu.memory_space<vmem>>
          %dma_start3A_249 = tpu.memref_squeeze %dma_start3A_248 : memref<1x80x128xf32, #tpu.memory_space<vmem>> -> memref<80x128xf32, #tpu.memory_space<vmem>>
          %dma_start3A_250 = arith.constant 0 : i32
          %dma_start3A_251 = tpu.memref_slice %arg7[%add3A_224, %dma_start3A_250] : memref<25x80xi32, #tpu.memory_space<vmem>> -> memref<1x80xi32, #tpu.memory_space<vmem>>
          %dma_start3A_252 = tpu.memref_squeeze %dma_start3A_251 : memref<1x80xi32, #tpu.memory_space<vmem>> -> memref<80xi32, #tpu.memory_space<vmem>>
          %dma_start3A_253 = arith.constant 0 : i32
          %dma_start3A_254 = arith.constant 0 : i32
          %dma_start3A_255 = tpu.memref_slice %arg2[%dma_start3A_253, %dma_start3A_254] : memref<10000x128xf32, #tpu.memory_space<hbm>> -> memref<10000x128xf32, #tpu.memory_space<hbm>>
          tpu.enqueue_indirect_dma source(%dma_start3A_255 : memref<10000x128xf32, #tpu.memory_space<hbm>>) target(%dma_start3A_249 : memref<80x128xf32, #tpu.memory_space<vmem>>) offsets(%dma_start3A_252 : memref<80xi32, #tpu.memory_space<vmem>>) semaphore(%arg14 : memref<!tpu.dma_semaphore, #tpu.memory_space<semaphore_mem>>)
        } else {
        }
        %mul3A_178 = arith.constant 2 : i32
        %mul3A_179 = arith.muli %mul3A_178, %scan3A_134 : i32
        %add3A_180 = arith.constant 1 : i32
        %add3A_181 = arith.addi %mul3A_179, %add3A_180 : i32
        %dma_wait3A_182 = arith.constant 2 : i32
        %dma_wait3A_183 = arith.constant 1 : i32
        %dma_wait3A_184 = arith.constant 0 : i32
        %dma_wait3A_185 = arith.constant 0 : i32
        %dma_wait3A_186 = tpu.memref_slice %arg9[%dma_wait3A_183, %dma_wait3A_184, %dma_wait3A_185] : memref<2x80x128xf32, #tpu.memory_space<vmem>> -> memref<1x80x128xf32, #tpu.memory_space<vmem>>
        %dma_wait3A_187 = tpu.memref_squeeze %dma_wait3A_186 : memref<1x80x128xf32, #tpu.memory_space<vmem>> -> memref<80x128xf32, #tpu.memory_space<vmem>>
        %dma_wait3A_188 = arith.constant 0 : i32
        %dma_wait3A_189 = tpu.memref_slice %arg3[%dma_wait3A_182, %mul3A_2, %dma_wait3A_188] : memref<3x320000x128xf32, #tpu.memory_space<hbm>> -> memref<1x80x128xf32, #tpu.memory_space<hbm>>
        %dma_wait3A_190 = tpu.memref_squeeze %dma_wait3A_189 : memref<1x80x128xf32, #tpu.memory_space<hbm>> -> memref<80x128xf32, #tpu.memory_space<hbm>>
        %dma_wait3A_191 = arith.constant 0 : i32
        %dma_wait3A_192 = arith.constant 0 : i32
        %dma_wait3A_193 = tpu.memref_slice %arg9[%dma_wait3A_183, %dma_wait3A_191, %dma_wait3A_192] : memref<2x80x128xf32, #tpu.memory_space<vmem>> -> memref<1x80x128xf32, #tpu.memory_space<vmem>>
        %dma_wait3A_194 = tpu.memref_squeeze %dma_wait3A_193 : memref<1x80x128xf32, #tpu.memory_space<vmem>> -> memref<80x128xf32, #tpu.memory_space<vmem>>
        %dma_wait3A_195 = arith.constant 0 : i32
        %dma_wait3A_196 = tpu.memref_slice %arg3[%dma_wait3A_182, %mul3A_2, %dma_wait3A_195] : memref<3x320000x128xf32, #tpu.memory_space<hbm>> -> memref<1x80x128xf32, #tpu.memory_space<hbm>>
        %dma_wait3A_197 = tpu.memref_squeeze %dma_wait3A_196 : memref<1x80x128xf32, #tpu.memory_space<hbm>> -> memref<80x128xf32, #tpu.memory_space<hbm>>
        tpu.wait_dma2 semaphore(%arg13 : memref<!tpu.dma_semaphore, #tpu.memory_space<semaphore_mem>>) src(%dma_wait3A_197 : memref<80x128xf32, #tpu.memory_space<hbm>>) dst(%dma_wait3A_194 : memref<80x128xf32, #tpu.memory_space<vmem>>)
        %dma_wait3A_198 = arith.constant 1 : i32
        %dma_wait3A_199 = arith.constant 0 : i32
        %dma_wait3A_200 = arith.constant 0 : i32
        %dma_wait3A_201 = tpu.memref_slice %arg10[%dma_wait3A_198, %dma_wait3A_199, %dma_wait3A_200] : memref<2x80x128xf32, #tpu.memory_space<vmem>> -> memref<1x80x128xf32, #tpu.memory_space<vmem>>
        %dma_wait3A_202 = tpu.memref_squeeze %dma_wait3A_201 : memref<1x80x128xf32, #tpu.memory_space<vmem>> -> memref<80x128xf32, #tpu.memory_space<vmem>>
        %dma_wait3A_203 = arith.constant 0 : i32
        %dma_wait3A_204 = tpu.memref_slice %arg7[%add3A_181, %dma_wait3A_203] : memref<25x80xi32, #tpu.memory_space<vmem>> -> memref<1x80xi32, #tpu.memory_space<vmem>>
        %dma_wait3A_205 = tpu.memref_squeeze %dma_wait3A_204 : memref<1x80xi32, #tpu.memory_space<vmem>> -> memref<80xi32, #tpu.memory_space<vmem>>
        %dma_wait3A_206 = arith.constant 0 : i32
        %dma_wait3A_207 = arith.constant 0 : i32
        %dma_wait3A_208 = tpu.memref_slice %arg2[%dma_wait3A_206, %dma_wait3A_207] : memref<10000x128xf32, #tpu.memory_space<hbm>> -> memref<10000x128xf32, #tpu.memory_space<hbm>>
        tpu.wait_indirect_dma semaphore(%arg15 : memref<!tpu.dma_semaphore, #tpu.memory_space<semaphore_mem>>) src(%dma_wait3A_208 : memref<10000x128xf32, #tpu.memory_space<hbm>>) dst(%dma_wait3A_202 : memref<80x128xf32, #tpu.memory_space<vmem>>)
        %scan3A_209 = arith.constant 0 : i32
        %scan3A_210 = arith.constant 0 : i32
        %scan3A_211 = arith.constant 80 : i32
        %scan3A_212 = arith.addi %scan3A_210, %scan3A_211 : i32
        %scan3A_213 = arith.constant 1 : i32
        scf.for %scan3A_223 = %scan3A_210 to %scan3A_212 step %scan3A_213  : i32 {
          %get3A = arith.constant 1 : i32
          %get3A_224 = arith.index_cast %get3A : i32 to index
          %get3A_225 = arith.index_cast %scan3A_223 : i32 to index
          %get3A_226 = arith.constant 0 : index
          %get3A_227 = tpu.vector_load %arg10[%get3A_224, %get3A_225, %get3A_226] {strides = array<i32>} : memref<2x80x128xf32, #tpu.memory_space<vmem>>, vector<16xf32>,
          %get3A_228 = arith.constant 1 : i32
          %get3A_229 = arith.index_cast %get3A_228 : i32 to index
          %get3A_230 = arith.index_cast %scan3A_223 : i32 to index
          %get3A_231 = arith.constant 0 : index
          %get3A_232 = tpu.vector_load %arg9[%get3A_229, %get3A_230, %get3A_231] {strides = array<i32>} : memref<2x80x128xf32, #tpu.memory_space<vmem>>, vector<16xf32>,
          %add3A_233 = arith.addf %get3A_227, %get3A_232 : vector<16xf32>
          %max3A = arith.constant 0.000000e+00 : f32
          %max3A_234 = vector.broadcast %max3A : f32 to vector<16xf32>
          %max3A_235 = arith.maximumf %add3A_233, %max3A_234 : vector<16xf32>
          %swap3A = arith.constant 1 : i32
          %swap3A_236 = arith.index_cast %swap3A : i32 to index
          %swap3A_237 = arith.index_cast %scan3A_223 : i32 to index
          %swap3A_238 = arith.constant 0 : index
          %swap3A_239 = tpu.vector_load %arg10[%swap3A_236, %swap3A_237, %swap3A_238] {strides = array<i32>} : memref<2x80x128xf32, #tpu.memory_space<vmem>>, vector<16xf32>,
          tpu.vector_store %arg10[%swap3A_236, %swap3A_237, %swap3A_238], %max3A_235 {strides = array<i32>} : memref<2x80x128xf32, #tpu.memory_space<vmem>>, vector<16xf32>,
          %get3A_240 = arith.constant 1 : i32
          %get3A_241 = arith.index_cast %get3A_240 : i32 to index
          %get3A_242 = arith.index_cast %scan3A_223 : i32 to index
          %get3A_243 = arith.constant 16 : index
          %get3A_244 = tpu.vector_load %arg10[%get3A_241, %get3A_242, %get3A_243] {strides = array<i32>} : memref<2x80x128xf32, #tpu.memory_space<vmem>>, vector<16xf32>,
          %get3A_245 = arith.constant 1 : i32
          %get3A_246 = arith.index_cast %get3A_245 : i32 to index
          %get3A_247 = arith.index_cast %scan3A_223 : i32 to index
          %get3A_248 = arith.constant 16 : index
          %get3A_249 = tpu.vector_load %arg9[%get3A_246, %get3A_247, %get3A_248] {strides = array<i32>} : memref<2x80x128xf32, #tpu.memory_space<vmem>>, vector<16xf32>,
          %add3A_250 = arith.addf %get3A_244, %get3A_249 : vector<16xf32>
          %max3A_251 = arith.constant 0.000000e+00 : f32
          %max3A_252 = vector.broadcast %max3A_251 : f32 to vector<16xf32>
          %max3A_253 = arith.maximumf %add3A_250, %max3A_252 : vector<16xf32>
          %swap3A_254 = arith.constant 1 : i32
          %swap3A_255 = arith.index_cast %swap3A_254 : i32 to index
          %swap3A_256 = arith.index_cast %scan3A_223 : i32 to index
          %swap3A_257 = arith.constant 16 : index
          %swap3A_258 = tpu.vector_load %arg10[%swap3A_255, %swap3A_256, %swap3A_257] {strides = array<i32>} : memref<2x80x128xf32, #tpu.memory_space<vmem>>, vector<16xf32>,
          tpu.vector_store %arg10[%swap3A_255, %swap3A_256, %swap3A_257], %max3A_253 {strides = array<i32>} : memref<2x80x128xf32, #tpu.memory_space<vmem>>, vector<16xf32>,
          %get3A_259 = arith.constant 1 : i32
          %get3A_260 = arith.index_cast %get3A_259 : i32 to index
          %get3A_261 = arith.index_cast %scan3A_223 : i32 to index
          %get3A_262 = arith.constant 32 : index
          %get3A_263 = tpu.vector_load %arg10[%get3A_260, %get3A_261, %get3A_262] {strides = array<i32>} : memref<2x80x128xf32, #tpu.memory_space<vmem>>, vector<16xf32>,
          %get3A_264 = arith.constant 1 : i32
          %get3A_265 = arith.index_cast %get3A_264 : i32 to index
          %get3A_266 = arith.index_cast %scan3A_223 : i32 to index
          %get3A_267 = arith.constant 32 : index
          %get3A_268 = tpu.vector_load %arg9[%get3A_265, %get3A_266, %get3A_267] {strides = array<i32>} : memref<2x80x128xf32, #tpu.memory_space<vmem>>, vector<16xf32>,
          %add3A_269 = arith.addf %get3A_263, %get3A_268 : vector<16xf32>
          %max3A_270 = arith.constant 0.000000e+00 : f32
          %max3A_271 = vector.broadcast %max3A_270 : f32 to vector<16xf32>
          %max3A_272 = arith.maximumf %add3A_269, %max3A_271 : vector<16xf32>
          %swap3A_273 = arith.constant 1 : i32
          %swap3A_274 = arith.index_cast %swap3A_273 : i32 to index
          %swap3A_275 = arith.index_cast %scan3A_223 : i32 to index
          %swap3A_276 = arith.constant 32 : index
          %swap3A_277 = tpu.vector_load %arg10[%swap3A_274, %swap3A_275, %swap3A_276] {strides = array<i32>} : memref<2x80x128xf32, #tpu.memory_space<vmem>>, vector<16xf32>,
          tpu.vector_store %arg10[%swap3A_274, %swap3A_275, %swap3A_276], %max3A_272 {strides = array<i32>} : memref<2x80x128xf32, #tpu.memory_space<vmem>>, vector<16xf32>,
          %get3A_278 = arith.constant 1 : i32
          %get3A_279 = arith.index_cast %get3A_278 : i32 to index
          %get3A_280 = arith.index_cast %scan3A_223 : i32 to index
          %get3A_281 = arith.constant 48 : index
          %get3A_282 = tpu.vector_load %arg10[%get3A_279, %get3A_280, %get3A_281] {strides = array<i32>} : memref<2x80x128xf32, #tpu.memory_space<vmem>>, vector<16xf32>,
          %get3A_283 = arith.constant 1 : i32
          %get3A_284 = arith.index_cast %get3A_283 : i32 to index
          %get3A_285 = arith.index_cast %scan3A_223 : i32 to index
          %get3A_286 = arith.constant 48 : index
          %get3A_287 = tpu.vector_load %arg9[%get3A_284, %get3A_285, %get3A_286] {strides = array<i32>} : memref<2x80x128xf32, #tpu.memory_space<vmem>>, vector<16xf32>,
          %add3A_288 = arith.addf %get3A_282, %get3A_287 : vector<16xf32>
          %max3A_289 = arith.constant 0.000000e+00 : f32
          %max3A_290 = vector.broadcast %max3A_289 : f32 to vector<16xf32>
          %max3A_291 = arith.maximumf %add3A_288, %max3A_290 : vector<16xf32>
          %swap3A_292 = arith.constant 1 : i32
          %swap3A_293 = arith.index_cast %swap3A_292 : i32 to index
          %swap3A_294 = arith.index_cast %scan3A_223 : i32 to index
          %swap3A_295 = arith.constant 48 : index
          %swap3A_296 = tpu.vector_load %arg10[%swap3A_293, %swap3A_294, %swap3A_295] {strides = array<i32>} : memref<2x80x128xf32, #tpu.memory_space<vmem>>, vector<16xf32>,
          tpu.vector_store %arg10[%swap3A_293, %swap3A_294, %swap3A_295], %max3A_291 {strides = array<i32>} : memref<2x80x128xf32, #tpu.memory_space<vmem>>, vector<16xf32>,
          %get3A_297 = arith.constant 1 : i32
          %get3A_298 = arith.index_cast %get3A_297 : i32 to index
          %get3A_299 = arith.index_cast %scan3A_223 : i32 to index
          %get3A_300 = arith.constant 64 : index
          %get3A_301 = tpu.vector_load %arg10[%get3A_298, %get3A_299, %get3A_300] {strides = array<i32>} : memref<2x80x128xf32, #tpu.memory_space<vmem>>, vector<16xf32>,
          %get3A_302 = arith.constant 1 : i32
          %get3A_303 = arith.index_cast %get3A_302 : i32 to index
          %get3A_304 = arith.index_cast %scan3A_223 : i32 to index
          %get3A_305 = arith.constant 64 : index
          %get3A_306 = tpu.vector_load %arg9[%get3A_303, %get3A_304, %get3A_305] {strides = array<i32>} : memref<2x80x128xf32, #tpu.memory_space<vmem>>, vector<16xf32>,
          %add3A_307 = arith.addf %get3A_301, %get3A_306 : vector<16xf32>
          %max3A_308 = arith.constant 0.000000e+00 : f32
          %max3A_309 = vector.broadcast %max3A_308 : f32 to vector<16xf32>
          %max3A_310 = arith.maximumf %add3A_307, %max3A_309 : vector<16xf32>
          %swap3A_311 = arith.constant 1 : i32
          %swap3A_312 = arith.index_cast %swap3A_311 : i32 to index
          %swap3A_313 = arith.index_cast %scan3A_223 : i32 to index
          %swap3A_314 = arith.constant 64 : index
          %swap3A_315 = tpu.vector_load %arg10[%swap3A_312, %swap3A_313, %swap3A_314] {strides = array<i32>} : memref<2x80x128xf32, #tpu.memory_space<vmem>>, vector<16xf32>,
          tpu.vector_store %arg10[%swap3A_312, %swap3A_313, %swap3A_314], %max3A_310 {strides = array<i32>} : memref<2x80x128xf32, #tpu.memory_space<vmem>>, vector<16xf32>,
          %get3A_316 = arith.constant 1 : i32
          %get3A_317 = arith.index_cast %get3A_316 : i32 to index
          %get3A_318 = arith.index_cast %scan3A_223 : i32 to index
          %get3A_319 = arith.constant 80 : index
          %get3A_320 = tpu.vector_load %arg10[%get3A_317, %get3A_318, %get3A_319] {strides = array<i32>} : memref<2x80x128xf32, #tpu.memory_space<vmem>>, vector<16xf32>,
          %get3A_321 = arith.constant 1 : i32
          %get3A_322 = arith.index_cast %get3A_321 : i32 to index
          %get3A_323 = arith.index_cast %scan3A_223 : i32 to index
          %get3A_324 = arith.constant 80 : index
          %get3A_325 = tpu.vector_load %arg9[%get3A_322, %get3A_323, %get3A_324] {strides = array<i32>} : memref<2x80x128xf32, #tpu.memory_space<vmem>>, vector<16xf32>,
          %add3A_326 = arith.addf %get3A_320, %get3A_325 : vector<16xf32>
          %max3A_327 = arith.constant 0.000000e+00 : f32
          %max3A_328 = vector.broadcast %max3A_327 : f32 to vector<16xf32>
          %max3A_329 = arith.maximumf %add3A_326, %max3A_328 : vector<16xf32>
          %swap3A_330 = arith.constant 1 : i32
          %swap3A_331 = arith.index_cast %swap3A_330 : i32 to index
          %swap3A_332 = arith.index_cast %scan3A_223 : i32 to index
          %swap3A_333 = arith.constant 80 : index
          %swap3A_334 = tpu.vector_load %arg10[%swap3A_331, %swap3A_332, %swap3A_333] {strides = array<i32>} : memref<2x80x128xf32, #tpu.memory_space<vmem>>, vector<16xf32>,
          tpu.vector_store %arg10[%swap3A_331, %swap3A_332, %swap3A_333], %max3A_329 {strides = array<i32>} : memref<2x80x128xf32, #tpu.memory_space<vmem>>, vector<16xf32>,
          %get3A_335 = arith.constant 1 : i32
          %get3A_336 = arith.index_cast %get3A_335 : i32 to index
          %get3A_337 = arith.index_cast %scan3A_223 : i32 to index
          %get3A_338 = arith.constant 96 : index
          %get3A_339 = tpu.vector_load %arg10[%get3A_336, %get3A_337, %get3A_338] {strides = array<i32>} : memref<2x80x128xf32, #tpu.memory_space<vmem>>, vector<16xf32>,
          %get3A_340 = arith.constant 1 : i32
          %get3A_341 = arith.index_cast %get3A_340 : i32 to index
          %get3A_342 = arith.index_cast %scan3A_223 : i32 to index
          %get3A_343 = arith.constant 96 : index
          %get3A_344 = tpu.vector_load %arg9[%get3A_341, %get3A_342, %get3A_343] {strides = array<i32>} : memref<2x80x128xf32, #tpu.memory_space<vmem>>, vector<16xf32>,
          %add3A_345 = arith.addf %get3A_339, %get3A_344 : vector<16xf32>
          %max3A_346 = arith.constant 0.000000e+00 : f32
          %max3A_347 = vector.broadcast %max3A_346 : f32 to vector<16xf32>
          %max3A_348 = arith.maximumf %add3A_345, %max3A_347 : vector<16xf32>
          %swap3A_349 = arith.constant 1 : i32
          %swap3A_350 = arith.index_cast %swap3A_349 : i32 to index
          %swap3A_351 = arith.index_cast %scan3A_223 : i32 to index
          %swap3A_352 = arith.constant 96 : index
          %swap3A_353 = tpu.vector_load %arg10[%swap3A_350, %swap3A_351, %swap3A_352] {strides = array<i32>} : memref<2x80x128xf32, #tpu.memory_space<vmem>>, vector<16xf32>,
          tpu.vector_store %arg10[%swap3A_350, %swap3A_351, %swap3A_352], %max3A_348 {strides = array<i32>} : memref<2x80x128xf32, #tpu.memory_space<vmem>>, vector<16xf32>,
          %get3A_354 = arith.constant 1 : i32
          %get3A_355 = arith.index_cast %get3A_354 : i32 to index
          %get3A_356 = arith.index_cast %scan3A_223 : i32 to index
          %get3A_357 = arith.constant 112 : index
          %get3A_358 = tpu.vector_load %arg10[%get3A_355, %get3A_356, %get3A_357] {strides = array<i32>} : memref<2x80x128xf32, #tpu.memory_space<vmem>>, vector<16xf32>,
          %get3A_359 = arith.constant 1 : i32
          %get3A_360 = arith.index_cast %get3A_359 : i32 to index
          %get3A_361 = arith.index_cast %scan3A_223 : i32 to index
          %get3A_362 = arith.constant 112 : index
          %get3A_363 = tpu.vector_load %arg9[%get3A_360, %get3A_361, %get3A_362] {strides = array<i32>} : memref<2x80x128xf32, #tpu.memory_space<vmem>>, vector<16xf32>,
          %add3A_364 = arith.addf %get3A_358, %get3A_363 : vector<16xf32>
          %max3A_365 = arith.constant 0.000000e+00 : f32
          %max3A_366 = vector.broadcast %max3A_365 : f32 to vector<16xf32>
          %max3A_367 = arith.maximumf %add3A_364, %max3A_366 : vector<16xf32>
          %swap3A_368 = arith.constant 1 : i32
          %swap3A_369 = arith.index_cast %swap3A_368 : i32 to index
          %swap3A_370 = arith.index_cast %scan3A_223 : i32 to index
          %swap3A_371 = arith.constant 112 : index
          %swap3A_372 = tpu.vector_load %arg10[%swap3A_369, %swap3A_370, %swap3A_371] {strides = array<i32>} : memref<2x80x128xf32, #tpu.memory_space<vmem>>, vector<16xf32>,
          tpu.vector_store %arg10[%swap3A_369, %swap3A_370, %swap3A_371], %max3A_367 {strides = array<i32>} : memref<2x80x128xf32, #tpu.memory_space<vmem>>, vector<16xf32>,
        }
        %scan3A_214 = arith.constant 80 : i32
        %run_scoped3A_215 = arith.constant 1 : i32
        "tpu.region"() ({
          %run_scoped3A_223 = tpu.sem_alloc : memref<!tpu.dma_semaphore, #tpu.memory_space<semaphore_mem>>
          %dma_start3A_224 = arith.constant 0 : i32
          %dma_start3A_225 = arith.constant 0 : i32
          %dma_start3A_226 = tpu.memref_slice %arg10[%run_scoped3A_215, %dma_start3A_224, %dma_start3A_225] : memref<2x80x128xf32, #tpu.memory_space<vmem>> -> memref<1x80x128xf32, #tpu.memory_space<vmem>>
          %dma_start3A_227 = tpu.memref_squeeze %dma_start3A_226 : memref<1x80x128xf32, #tpu.memory_space<vmem>> -> memref<80x128xf32, #tpu.memory_space<vmem>>
          %dma_start3A_228 = arith.constant 0 : i32
          %dma_start3A_229 = tpu.memref_slice %arg8[%add3A_181, %dma_start3A_228] : memref<25x80xi32, #tpu.memory_space<vmem>> -> memref<1x80xi32, #tpu.memory_space<vmem>>
          %dma_start3A_230 = tpu.memref_squeeze %dma_start3A_229 : memref<1x80xi32, #tpu.memory_space<vmem>> -> memref<80xi32, #tpu.memory_space<vmem>>
          %dma_start3A_231 = arith.constant 0 : i32
          %dma_start3A_232 = arith.constant 0 : i32
          %dma_start3A_233 = tpu.memref_slice %arg11[%dma_start3A_231, %dma_start3A_232] : memref<10000x128xf32, #tpu.memory_space<vmem_shared>> -> memref<10000x128xf32, #tpu.memory_space<vmem_shared>>
          tpu.enqueue_indirect_dma source(%dma_start3A_227 : memref<80x128xf32, #tpu.memory_space<vmem>>) target(%dma_start3A_233 : memref<10000x128xf32, #tpu.memory_space<vmem_shared>>) offsets(%dma_start3A_230 : memref<80xi32, #tpu.memory_space<vmem>>) semaphore(%run_scoped3A_223 : memref<!tpu.dma_semaphore, #tpu.memory_space<semaphore_mem>>) {add = true}
          %dma_wait3A_234 = arith.constant 0 : i32
          %dma_wait3A_235 = arith.constant 0 : i32
          %dma_wait3A_236 = tpu.memref_slice %arg10[%run_scoped3A_215, %dma_wait3A_234, %dma_wait3A_235] : memref<2x80x128xf32, #tpu.memory_space<vmem>> -> memref<1x80x128xf32, #tpu.memory_space<vmem>>
          %dma_wait3A_237 = tpu.memref_squeeze %dma_wait3A_236 : memref<1x80x128xf32, #tpu.memory_space<vmem>> -> memref<80x128xf32, #tpu.memory_space<vmem>>
          %dma_wait3A_238 = arith.constant 0 : i32
          %dma_wait3A_239 = tpu.memref_slice %arg8[%add3A_181, %dma_wait3A_238] : memref<25x80xi32, #tpu.memory_space<vmem>> -> memref<1x80xi32, #tpu.memory_space<vmem>>
          %dma_wait3A_240 = tpu.memref_squeeze %dma_wait3A_239 : memref<1x80xi32, #tpu.memory_space<vmem>> -> memref<80xi32, #tpu.memory_space<vmem>>
          %dma_wait3A_241 = arith.constant 0 : i32
          %dma_wait3A_242 = arith.constant 0 : i32
          %dma_wait3A_243 = tpu.memref_slice %arg11[%dma_wait3A_241, %dma_wait3A_242] : memref<10000x128xf32, #tpu.memory_space<vmem_shared>> -> memref<10000x128xf32, #tpu.memory_space<vmem_shared>>
          tpu.wait_indirect_dma semaphore(%run_scoped3A_223 : memref<!tpu.dma_semaphore, #tpu.memory_space<semaphore_mem>>) src(%dma_wait3A_237 : memref<80x128xf32, #tpu.memory_space<vmem>>) dst(%dma_wait3A_243 : memref<10000x128xf32, #tpu.memory_space<vmem_shared>>)
          tpu.yield
        }) : () -> ()
        %add3A_216 = arith.constant 2 : i32
        %add3A_217 = arith.addi %add3A_181, %add3A_216 : i32
        %lt3A_218 = arith.constant 25 : i32
        %lt3A_219 = arith.cmpi slt, %add3A_217, %lt3A_218 : i32
        %convert_element_type3A_220 = arith.extui %lt3A_219 : i1 to i32
        %cond3A_221 = arith.constant 0 : i32
        %cond3A_222 = arith.cmpi ne, %convert_element_type3A_220, %cond3A_221 : i32
        scf.if %cond3A_222 {
          %add3A_223 = arith.constant 2 : i32
          %add3A_224 = arith.addi %add3A_181, %add3A_223 : i32
          %mul3A_225 = arith.constant 80 : i32
          %mul3A_226 = arith.muli %add3A_224, %mul3A_225 : i32
          %add3A_227 = arith.addi %add3A_31, %mul3A_226 : i32
          %multiple_of3A_228 = tpu.assume_multiple %add3A_227, 8 : i32
          %dma_start3A_229 = arith.constant 2 : i32
          %dma_start3A_230 = arith.constant 1 : i32
          %dma_start3A_231 = arith.constant 0 : i32
          %dma_start3A_232 = arith.constant 0 : i32
          %dma_start3A_233 = tpu.memref_slice %arg9[%dma_start3A_230, %dma_start3A_231, %dma_start3A_232] : memref<2x80x128xf32, #tpu.memory_space<vmem>> -> memref<1x80x128xf32, #tpu.memory_space<vmem>>
          %dma_start3A_234 = tpu.memref_squeeze %dma_start3A_233 : memref<1x80x128xf32, #tpu.memory_space<vmem>> -> memref<80x128xf32, #tpu.memory_space<vmem>>
          %dma_start3A_235 = arith.constant 0 : i32
          %dma_start3A_236 = tpu.memref_slice %arg3[%dma_start3A_229, %multiple_of3A_228, %dma_start3A_235] : memref<3x320000x128xf32, #tpu.memory_space<hbm>> -> memref<1x80x128xf32, #tpu.memory_space<hbm>>
          %dma_start3A_237 = tpu.memref_squeeze %dma_start3A_236 : memref<1x80x128xf32, #tpu.memory_space<hbm>> -> memref<80x128xf32, #tpu.memory_space<hbm>>
          %dma_start3A_238 = arith.constant 0 : i32
          %dma_start3A_239 = arith.constant 0 : i32
          %dma_start3A_240 = tpu.memref_slice %arg9[%dma_start3A_230, %dma_start3A_238, %dma_start3A_239] : memref<2x80x128xf32, #tpu.memory_space<vmem>> -> memref<1x80x128xf32, #tpu.memory_space<vmem>>
          %dma_start3A_241 = tpu.memref_squeeze %dma_start3A_240 : memref<1x80x128xf32, #tpu.memory_space<vmem>> -> memref<80x128xf32, #tpu.memory_space<vmem>>
          %dma_start3A_242 = arith.constant 0 : i32
          %dma_start3A_243 = tpu.memref_slice %arg3[%dma_start3A_229, %multiple_of3A_228, %dma_start3A_242] : memref<3x320000x128xf32, #tpu.memory_space<hbm>> -> memref<1x80x128xf32, #tpu.memory_space<hbm>>
          %dma_start3A_244 = tpu.memref_squeeze %dma_start3A_243 : memref<1x80x128xf32, #tpu.memory_space<hbm>> -> memref<80x128xf32, #tpu.memory_space<hbm>>
          tpu.enqueue_dma source(%dma_start3A_244 : memref<80x128xf32, #tpu.memory_space<hbm>>) target(%dma_start3A_241 : memref<80x128xf32, #tpu.memory_space<vmem>>) target_semaphore(%arg13 : memref<!tpu.dma_semaphore, #tpu.memory_space<semaphore_mem>>)
          %dma_start3A_245 = arith.constant 1 : i32
          %dma_start3A_246 = arith.constant 0 : i32
          %dma_start3A_247 = arith.constant 0 : i32
          %dma_start3A_248 = tpu.memref_slice %arg10[%dma_start3A_245, %dma_start3A_246, %dma_start3A_247] : memref<2x80x128xf32, #tpu.memory_space<vmem>> -> memref<1x80x128xf32, #tpu.memory_space<vmem>>
          %dma_start3A_249 = tpu.memref_squeeze %dma_start3A_248 : memref<1x80x128xf32, #tpu.memory_space<vmem>> -> memref<80x128xf32, #tpu.memory_space<vmem>>
          %dma_start3A_250 = arith.constant 0 : i32
          %dma_start3A_251 = tpu.memref_slice %arg7[%add3A_224, %dma_start3A_250] : memref<25x80xi32, #tpu.memory_space<vmem>> -> memref<1x80xi32, #tpu.memory_space<vmem>>
          %dma_start3A_252 = tpu.memref_squeeze %dma_start3A_251 : memref<1x80xi32, #tpu.memory_space<vmem>> -> memref<80xi32, #tpu.memory_space<vmem>>
          %dma_start3A_253 = arith.constant 0 : i32
          %dma_start3A_254 = arith.constant 0 : i32
          %dma_start3A_255 = tpu.memref_slice %arg2[%dma_start3A_253, %dma_start3A_254] : memref<10000x128xf32, #tpu.memory_space<hbm>> -> memref<10000x128xf32, #tpu.memory_space<hbm>>
          tpu.enqueue_indirect_dma source(%dma_start3A_255 : memref<10000x128xf32, #tpu.memory_space<hbm>>) target(%dma_start3A_249 : memref<80x128xf32, #tpu.memory_space<vmem>>) offsets(%dma_start3A_252 : memref<80xi32, #tpu.memory_space<vmem>>) semaphore(%arg15 : memref<!tpu.dma_semaphore, #tpu.memory_space<semaphore_mem>>)
        } else {
        }
      }
      %scan3A_98 = arith.constant 12 : i32
      %dma_wait3A = arith.constant 2 : i32
      %dma_wait3A_99 = arith.constant 0 : i32
      %dma_wait3A_100 = arith.constant 0 : i32
      %dma_wait3A_101 = arith.constant 0 : i32
      %dma_wait3A_102 = tpu.memref_slice %arg9[%dma_wait3A_99, %dma_wait3A_100, %dma_wait3A_101] : memref<2x80x128xf32, #tpu.memory_space<vmem>> -> memref<1x80x128xf32, #tpu.memory_space<vmem>>
      %dma_wait3A_103 = tpu.memref_squeeze %dma_wait3A_102 : memref<1x80x128xf32, #tpu.memory_space<vmem>> -> memref<80x128xf32, #tpu.memory_space<vmem>>
      %dma_wait3A_104 = arith.constant 0 : i32
      %dma_wait3A_105 = tpu.memref_slice %arg3[%dma_wait3A, %mul3A_2, %dma_wait3A_104] : memref<3x320000x128xf32, #tpu.memory_space<hbm>> -> memref<1x80x128xf32, #tpu.memory_space<hbm>>
      %dma_wait3A_106 = tpu.memref_squeeze %dma_wait3A_105 : memref<1x80x128xf32, #tpu.memory_space<hbm>> -> memref<80x128xf32, #tpu.memory_space<hbm>>
      %dma_wait3A_107 = arith.constant 0 : i32
      %dma_wait3A_108 = arith.constant 0 : i32
      %dma_wait3A_109 = tpu.memref_slice %arg9[%dma_wait3A_99, %dma_wait3A_107, %dma_wait3A_108] : memref<2x80x128xf32, #tpu.memory_space<vmem>> -> memref<1x80x128xf32, #tpu.memory_space<vmem>>
      %dma_wait3A_110 = tpu.memref_squeeze %dma_wait3A_109 : memref<1x80x128xf32, #tpu.memory_space<vmem>> -> memref<80x128xf32, #tpu.memory_space<vmem>>
      %dma_wait3A_111 = arith.constant 0 : i32
      %dma_wait3A_112 = tpu.memref_slice %arg3[%dma_wait3A, %mul3A_2, %dma_wait3A_111] : memref<3x320000x128xf32, #tpu.memory_space<hbm>> -> memref<1x80x128xf32, #tpu.memory_space<hbm>>
      %dma_wait3A_113 = tpu.memref_squeeze %dma_wait3A_112 : memref<1x80x128xf32, #tpu.memory_space<hbm>> -> memref<80x128xf32, #tpu.memory_space<hbm>>
      tpu.wait_dma2 semaphore(%arg12 : memref<!tpu.dma_semaphore, #tpu.memory_space<semaphore_mem>>) src(%dma_wait3A_113 : memref<80x128xf32, #tpu.memory_space<hbm>>) dst(%dma_wait3A_110 : memref<80x128xf32, #tpu.memory_space<vmem>>)
      %dma_wait3A_114 = arith.constant 24 : i32
      %dma_wait3A_115 = arith.constant 0 : i32
      %dma_wait3A_116 = arith.constant 0 : i32
      %dma_wait3A_117 = arith.constant 0 : i32
      %dma_wait3A_118 = tpu.memref_slice %arg10[%dma_wait3A_115, %dma_wait3A_116, %dma_wait3A_117] : memref<2x80x128xf32, #tpu.memory_space<vmem>> -> memref<1x80x128xf32, #tpu.memory_space<vmem>>
      %dma_wait3A_119 = tpu.memref_squeeze %dma_wait3A_118 : memref<1x80x128xf32, #tpu.memory_space<vmem>> -> memref<80x128xf32, #tpu.memory_space<vmem>>
      %dma_wait3A_120 = arith.constant 0 : i32
      %dma_wait3A_121 = tpu.memref_slice %arg7[%dma_wait3A_114, %dma_wait3A_120] : memref<25x80xi32, #tpu.memory_space<vmem>> -> memref<1x80xi32, #tpu.memory_space<vmem>>
      %dma_wait3A_122 = tpu.memref_squeeze %dma_wait3A_121 : memref<1x80xi32, #tpu.memory_space<vmem>> -> memref<80xi32, #tpu.memory_space<vmem>>
      %dma_wait3A_123 = arith.constant 0 : i32
      %dma_wait3A_124 = arith.constant 0 : i32
      %dma_wait3A_125 = tpu.memref_slice %arg2[%dma_wait3A_123, %dma_wait3A_124] : memref<10000x128xf32, #tpu.memory_space<hbm>> -> memref<10000x128xf32, #tpu.memory_space<hbm>>
      tpu.wait_indirect_dma semaphore(%arg14 : memref<!tpu.dma_semaphore, #tpu.memory_space<semaphore_mem>>) src(%dma_wait3A_125 : memref<10000x128xf32, #tpu.memory_space<hbm>>) dst(%dma_wait3A_119 : memref<80x128xf32, #tpu.memory_space<vmem>>)
      %scan3A_126 = arith.constant 0 : i32
      %scan3A_127 = arith.constant 0 : i32
      %scan3A_128 = arith.constant 80 : i32
      %scan3A_129 = arith.addi %scan3A_127, %scan3A_128 : i32
      %scan3A_130 = arith.constant 1 : i32
      scf.for %scan3A_134 = %scan3A_127 to %scan3A_129 step %scan3A_130  : i32 {
        %get3A = arith.constant 0 : i32
        %get3A_135 = arith.index_cast %get3A : i32 to index
        %get3A_136 = arith.index_cast %scan3A_134 : i32 to index
        %get3A_137 = arith.constant 0 : index
        %get3A_138 = tpu.vector_load %arg10[%get3A_135, %get3A_136, %get3A_137] {strides = array<i32>} : memref<2x80x128xf32, #tpu.memory_space<vmem>>, vector<16xf32>,
        %get3A_139 = arith.constant 0 : i32
        %get3A_140 = arith.index_cast %get3A_139 : i32 to index
        %get3A_141 = arith.index_cast %scan3A_134 : i32 to index
        %get3A_142 = arith.constant 0 : index
        %get3A_143 = tpu.vector_load %arg9[%get3A_140, %get3A_141, %get3A_142] {strides = array<i32>} : memref<2x80x128xf32, #tpu.memory_space<vmem>>, vector<16xf32>,
        %add3A_144 = arith.addf %get3A_138, %get3A_143 : vector<16xf32>
        %max3A = arith.constant 0.000000e+00 : f32
        %max3A_145 = vector.broadcast %max3A : f32 to vector<16xf32>
        %max3A_146 = arith.maximumf %add3A_144, %max3A_145 : vector<16xf32>
        %swap3A = arith.constant 0 : i32
        %swap3A_147 = arith.index_cast %swap3A : i32 to index
        %swap3A_148 = arith.index_cast %scan3A_134 : i32 to index
        %swap3A_149 = arith.constant 0 : index
        %swap3A_150 = tpu.vector_load %arg10[%swap3A_147, %swap3A_148, %swap3A_149] {strides = array<i32>} : memref<2x80x128xf32, #tpu.memory_space<vmem>>, vector<16xf32>,
        tpu.vector_store %arg10[%swap3A_147, %swap3A_148, %swap3A_149], %max3A_146 {strides = array<i32>} : memref<2x80x128xf32, #tpu.memory_space<vmem>>, vector<16xf32>,
        %get3A_151 = arith.constant 0 : i32
        %get3A_152 = arith.index_cast %get3A_151 : i32 to index
        %get3A_153 = arith.index_cast %scan3A_134 : i32 to index
        %get3A_154 = arith.constant 16 : index
        %get3A_155 = tpu.vector_load %arg10[%get3A_152, %get3A_153, %get3A_154] {strides = array<i32>} : memref<2x80x128xf32, #tpu.memory_space<vmem>>, vector<16xf32>,
        %get3A_156 = arith.constant 0 : i32
        %get3A_157 = arith.index_cast %get3A_156 : i32 to index
        %get3A_158 = arith.index_cast %scan3A_134 : i32 to index
        %get3A_159 = arith.constant 16 : index
        %get3A_160 = tpu.vector_load %arg9[%get3A_157, %get3A_158, %get3A_159] {strides = array<i32>} : memref<2x80x128xf32, #tpu.memory_space<vmem>>, vector<16xf32>,
        %add3A_161 = arith.addf %get3A_155, %get3A_160 : vector<16xf32>
        %max3A_162 = arith.constant 0.000000e+00 : f32
        %max3A_163 = vector.broadcast %max3A_162 : f32 to vector<16xf32>
        %max3A_164 = arith.maximumf %add3A_161, %max3A_163 : vector<16xf32>
        %swap3A_165 = arith.constant 0 : i32
        %swap3A_166 = arith.index_cast %swap3A_165 : i32 to index
        %swap3A_167 = arith.index_cast %scan3A_134 : i32 to index
        %swap3A_168 = arith.constant 16 : index
        %swap3A_169 = tpu.vector_load %arg10[%swap3A_166, %swap3A_167, %swap3A_168] {strides = array<i32>} : memref<2x80x128xf32, #tpu.memory_space<vmem>>, vector<16xf32>,
        tpu.vector_store %arg10[%swap3A_166, %swap3A_167, %swap3A_168], %max3A_164 {strides = array<i32>} : memref<2x80x128xf32, #tpu.memory_space<vmem>>, vector<16xf32>,
        %get3A_170 = arith.constant 0 : i32
        %get3A_171 = arith.index_cast %get3A_170 : i32 to index
        %get3A_172 = arith.index_cast %scan3A_134 : i32 to index
        %get3A_173 = arith.constant 32 : index
        %get3A_174 = tpu.vector_load %arg10[%get3A_171, %get3A_172, %get3A_173] {strides = array<i32>} : memref<2x80x128xf32, #tpu.memory_space<vmem>>, vector<16xf32>,
        %get3A_175 = arith.constant 0 : i32
        %get3A_176 = arith.index_cast %get3A_175 : i32 to index
        %get3A_177 = arith.index_cast %scan3A_134 : i32 to index
        %get3A_178 = arith.constant 32 : index
        %get3A_179 = tpu.vector_load %arg9[%get3A_176, %get3A_177, %get3A_178] {strides = array<i32>} : memref<2x80x128xf32, #tpu.memory_space<vmem>>, vector<16xf32>,
        %add3A_180 = arith.addf %get3A_174, %get3A_179 : vector<16xf32>
        %max3A_181 = arith.constant 0.000000e+00 : f32
        %max3A_182 = vector.broadcast %max3A_181 : f32 to vector<16xf32>
        %max3A_183 = arith.maximumf %add3A_180, %max3A_182 : vector<16xf32>
        %swap3A_184 = arith.constant 0 : i32
        %swap3A_185 = arith.index_cast %swap3A_184 : i32 to index
        %swap3A_186 = arith.index_cast %scan3A_134 : i32 to index
        %swap3A_187 = arith.constant 32 : index
        %swap3A_188 = tpu.vector_load %arg10[%swap3A_185, %swap3A_186, %swap3A_187] {strides = array<i32>} : memref<2x80x128xf32, #tpu.memory_space<vmem>>, vector<16xf32>,
        tpu.vector_store %arg10[%swap3A_185, %swap3A_186, %swap3A_187], %max3A_183 {strides = array<i32>} : memref<2x80x128xf32, #tpu.memory_space<vmem>>, vector<16xf32>,
        %get3A_189 = arith.constant 0 : i32
        %get3A_190 = arith.index_cast %get3A_189 : i32 to index
        %get3A_191 = arith.index_cast %scan3A_134 : i32 to index
        %get3A_192 = arith.constant 48 : index
        %get3A_193 = tpu.vector_load %arg10[%get3A_190, %get3A_191, %get3A_192] {strides = array<i32>} : memref<2x80x128xf32, #tpu.memory_space<vmem>>, vector<16xf32>,
        %get3A_194 = arith.constant 0 : i32
        %get3A_195 = arith.index_cast %get3A_194 : i32 to index
        %get3A_196 = arith.index_cast %scan3A_134 : i32 to index
        %get3A_197 = arith.constant 48 : index
        %get3A_198 = tpu.vector_load %arg9[%get3A_195, %get3A_196, %get3A_197] {strides = array<i32>} : memref<2x80x128xf32, #tpu.memory_space<vmem>>, vector<16xf32>,
        %add3A_199 = arith.addf %get3A_193, %get3A_198 : vector<16xf32>
        %max3A_200 = arith.constant 0.000000e+00 : f32
        %max3A_201 = vector.broadcast %max3A_200 : f32 to vector<16xf32>
        %max3A_202 = arith.maximumf %add3A_199, %max3A_201 : vector<16xf32>
        %swap3A_203 = arith.constant 0 : i32
        %swap3A_204 = arith.index_cast %swap3A_203 : i32 to index
        %swap3A_205 = arith.index_cast %scan3A_134 : i32 to index
        %swap3A_206 = arith.constant 48 : index
        %swap3A_207 = tpu.vector_load %arg10[%swap3A_204, %swap3A_205, %swap3A_206] {strides = array<i32>} : memref<2x80x128xf32, #tpu.memory_space<vmem>>, vector<16xf32>,
        tpu.vector_store %arg10[%swap3A_204, %swap3A_205, %swap3A_206], %max3A_202 {strides = array<i32>} : memref<2x80x128xf32, #tpu.memory_space<vmem>>, vector<16xf32>,
        %get3A_208 = arith.constant 0 : i32
        %get3A_209 = arith.index_cast %get3A_208 : i32 to index
        %get3A_210 = arith.index_cast %scan3A_134 : i32 to index
        %get3A_211 = arith.constant 64 : index
        %get3A_212 = tpu.vector_load %arg10[%get3A_209, %get3A_210, %get3A_211] {strides = array<i32>} : memref<2x80x128xf32, #tpu.memory_space<vmem>>, vector<16xf32>,
        %get3A_213 = arith.constant 0 : i32
        %get3A_214 = arith.index_cast %get3A_213 : i32 to index
        %get3A_215 = arith.index_cast %scan3A_134 : i32 to index
        %get3A_216 = arith.constant 64 : index
        %get3A_217 = tpu.vector_load %arg9[%get3A_214, %get3A_215, %get3A_216] {strides = array<i32>} : memref<2x80x128xf32, #tpu.memory_space<vmem>>, vector<16xf32>,
        %add3A_218 = arith.addf %get3A_212, %get3A_217 : vector<16xf32>
        %max3A_219 = arith.constant 0.000000e+00 : f32
        %max3A_220 = vector.broadcast %max3A_219 : f32 to vector<16xf32>
        %max3A_221 = arith.maximumf %add3A_218, %max3A_220 : vector<16xf32>
        %swap3A_222 = arith.constant 0 : i32
        %swap3A_223 = arith.index_cast %swap3A_222 : i32 to index
        %swap3A_224 = arith.index_cast %scan3A_134 : i32 to index
        %swap3A_225 = arith.constant 64 : index
        %swap3A_226 = tpu.vector_load %arg10[%swap3A_223, %swap3A_224, %swap3A_225] {strides = array<i32>} : memref<2x80x128xf32, #tpu.memory_space<vmem>>, vector<16xf32>,
        tpu.vector_store %arg10[%swap3A_223, %swap3A_224, %swap3A_225], %max3A_221 {strides = array<i32>} : memref<2x80x128xf32, #tpu.memory_space<vmem>>, vector<16xf32>,
        %get3A_227 = arith.constant 0 : i32
        %get3A_228 = arith.index_cast %get3A_227 : i32 to index
        %get3A_229 = arith.index_cast %scan3A_134 : i32 to index
        %get3A_230 = arith.constant 80 : index
        %get3A_231 = tpu.vector_load %arg10[%get3A_228, %get3A_229, %get3A_230] {strides = array<i32>} : memref<2x80x128xf32, #tpu.memory_space<vmem>>, vector<16xf32>,
        %get3A_232 = arith.constant 0 : i32
        %get3A_233 = arith.index_cast %get3A_232 : i32 to index
        %get3A_234 = arith.index_cast %scan3A_134 : i32 to index
        %get3A_235 = arith.constant 80 : index
        %get3A_236 = tpu.vector_load %arg9[%get3A_233, %get3A_234, %get3A_235] {strides = array<i32>} : memref<2x80x128xf32, #tpu.memory_space<vmem>>, vector<16xf32>,
        %add3A_237 = arith.addf %get3A_231, %get3A_236 : vector<16xf32>
        %max3A_238 = arith.constant 0.000000e+00 : f32
        %max3A_239 = vector.broadcast %max3A_238 : f32 to vector<16xf32>
        %max3A_240 = arith.maximumf %add3A_237, %max3A_239 : vector<16xf32>
        %swap3A_241 = arith.constant 0 : i32
        %swap3A_242 = arith.index_cast %swap3A_241 : i32 to index
        %swap3A_243 = arith.index_cast %scan3A_134 : i32 to index
        %swap3A_244 = arith.constant 80 : index
        %swap3A_245 = tpu.vector_load %arg10[%swap3A_242, %swap3A_243, %swap3A_244] {strides = array<i32>} : memref<2x80x128xf32, #tpu.memory_space<vmem>>, vector<16xf32>,
        tpu.vector_store %arg10[%swap3A_242, %swap3A_243, %swap3A_244], %max3A_240 {strides = array<i32>} : memref<2x80x128xf32, #tpu.memory_space<vmem>>, vector<16xf32>,
        %get3A_246 = arith.constant 0 : i32
        %get3A_247 = arith.index_cast %get3A_246 : i32 to index
        %get3A_248 = arith.index_cast %scan3A_134 : i32 to index
        %get3A_249 = arith.constant 96 : index
        %get3A_250 = tpu.vector_load %arg10[%get3A_247, %get3A_248, %get3A_249] {strides = array<i32>} : memref<2x80x128xf32, #tpu.memory_space<vmem>>, vector<16xf32>,
        %get3A_251 = arith.constant 0 : i32
        %get3A_252 = arith.index_cast %get3A_251 : i32 to index
        %get3A_253 = arith.index_cast %scan3A_134 : i32 to index
        %get3A_254 = arith.constant 96 : index
        %get3A_255 = tpu.vector_load %arg9[%get3A_252, %get3A_253, %get3A_254] {strides = array<i32>} : memref<2x80x128xf32, #tpu.memory_space<vmem>>, vector<16xf32>,
        %add3A_256 = arith.addf %get3A_250, %get3A_255 : vector<16xf32>
        %max3A_257 = arith.constant 0.000000e+00 : f32
        %max3A_258 = vector.broadcast %max3A_257 : f32 to vector<16xf32>
        %max3A_259 = arith.maximumf %add3A_256, %max3A_258 : vector<16xf32>
        %swap3A_260 = arith.constant 0 : i32
        %swap3A_261 = arith.index_cast %swap3A_260 : i32 to index
        %swap3A_262 = arith.index_cast %scan3A_134 : i32 to index
        %swap3A_263 = arith.constant 96 : index
        %swap3A_264 = tpu.vector_load %arg10[%swap3A_261, %swap3A_262, %swap3A_263] {strides = array<i32>} : memref<2x80x128xf32, #tpu.memory_space<vmem>>, vector<16xf32>,
        tpu.vector_store %arg10[%swap3A_261, %swap3A_262, %swap3A_263], %max3A_259 {strides = array<i32>} : memref<2x80x128xf32, #tpu.memory_space<vmem>>, vector<16xf32>,
        %get3A_265 = arith.constant 0 : i32
        %get3A_266 = arith.index_cast %get3A_265 : i32 to index
        %get3A_267 = arith.index_cast %scan3A_134 : i32 to index
        %get3A_268 = arith.constant 112 : index
        %get3A_269 = tpu.vector_load %arg10[%get3A_266, %get3A_267, %get3A_268] {strides = array<i32>} : memref<2x80x128xf32, #tpu.memory_space<vmem>>, vector<16xf32>,
        %get3A_270 = arith.constant 0 : i32
        %get3A_271 = arith.index_cast %get3A_270 : i32 to index
        %get3A_272 = arith.index_cast %scan3A_134 : i32 to index
        %get3A_273 = arith.constant 112 : index
        %get3A_274 = tpu.vector_load %arg9[%get3A_271, %get3A_272, %get3A_273] {strides = array<i32>} : memref<2x80x128xf32, #tpu.memory_space<vmem>>, vector<16xf32>,
        %add3A_275 = arith.addf %get3A_269, %get3A_274 : vector<16xf32>
        %max3A_276 = arith.constant 0.000000e+00 : f32
        %max3A_277 = vector.broadcast %max3A_276 : f32 to vector<16xf32>
        %max3A_278 = arith.maximumf %add3A_275, %max3A_277 : vector<16xf32>
        %swap3A_279 = arith.constant 0 : i32
        %swap3A_280 = arith.index_cast %swap3A_279 : i32 to index
        %swap3A_281 = arith.index_cast %scan3A_134 : i32 to index
        %swap3A_282 = arith.constant 112 : index
        %swap3A_283 = tpu.vector_load %arg10[%swap3A_280, %swap3A_281, %swap3A_282] {strides = array<i32>} : memref<2x80x128xf32, #tpu.memory_space<vmem>>, vector<16xf32>,
        tpu.vector_store %arg10[%swap3A_280, %swap3A_281, %swap3A_282], %max3A_278 {strides = array<i32>} : memref<2x80x128xf32, #tpu.memory_space<vmem>>, vector<16xf32>,
      }
      %scan3A_131 = arith.constant 80 : i32
      %run_scoped3A_132 = arith.constant 0 : i32
      %run_scoped3A_133 = arith.constant 24 : i32
      "tpu.region"() ({
        %run_scoped3A_134 = tpu.sem_alloc : memref<!tpu.dma_semaphore, #tpu.memory_space<semaphore_mem>>
        %dma_start3A_135 = arith.constant 0 : i32
        %dma_start3A_136 = arith.constant 0 : i32
        %dma_start3A_137 = tpu.memref_slice %arg10[%run_scoped3A_132, %dma_start3A_135, %dma_start3A_136] : memref<2x80x128xf32, #tpu.memory_space<vmem>> -> memref<1x80x128xf32, #tpu.memory_space<vmem>>
        %dma_start3A_138 = tpu.memref_squeeze %dma_start3A_137 : memref<1x80x128xf32, #tpu.memory_space<vmem>> -> memref<80x128xf32, #tpu.memory_space<vmem>>
        %dma_start3A_139 = arith.constant 0 : i32
        %dma_start3A_140 = tpu.memref_slice %arg8[%run_scoped3A_133, %dma_start3A_139] : memref<25x80xi32, #tpu.memory_space<vmem>> -> memref<1x80xi32, #tpu.memory_space<vmem>>
        %dma_start3A_141 = tpu.memref_squeeze %dma_start3A_140 : memref<1x80xi32, #tpu.memory_space<vmem>> -> memref<80xi32, #tpu.memory_space<vmem>>
        %dma_start3A_142 = arith.constant 0 : i32
        %dma_start3A_143 = arith.constant 0 : i32
        %dma_start3A_144 = tpu.memref_slice %arg11[%dma_start3A_142, %dma_start3A_143] : memref<10000x128xf32, #tpu.memory_space<vmem_shared>> -> memref<10000x128xf32, #tpu.memory_space<vmem_shared>>
        tpu.enqueue_indirect_dma source(%dma_start3A_138 : memref<80x128xf32, #tpu.memory_space<vmem>>) target(%dma_start3A_144 : memref<10000x128xf32, #tpu.memory_space<vmem_shared>>) offsets(%dma_start3A_141 : memref<80xi32, #tpu.memory_space<vmem>>) semaphore(%run_scoped3A_134 : memref<!tpu.dma_semaphore, #tpu.memory_space<semaphore_mem>>) {add = true}
        %dma_wait3A_145 = arith.constant 0 : i32
        %dma_wait3A_146 = arith.constant 0 : i32
        %dma_wait3A_147 = tpu.memref_slice %arg10[%run_scoped3A_132, %dma_wait3A_145, %dma_wait3A_146] : memref<2x80x128xf32, #tpu.memory_space<vmem>> -> memref<1x80x128xf32, #tpu.memory_space<vmem>>
        %dma_wait3A_148 = tpu.memref_squeeze %dma_wait3A_147 : memref<1x80x128xf32, #tpu.memory_space<vmem>> -> memref<80x128xf32, #tpu.memory_space<vmem>>
        %dma_wait3A_149 = arith.constant 0 : i32
        %dma_wait3A_150 = tpu.memref_slice %arg8[%run_scoped3A_133, %dma_wait3A_149] : memref<25x80xi32, #tpu.memory_space<vmem>> -> memref<1x80xi32, #tpu.memory_space<vmem>>
        %dma_wait3A_151 = tpu.memref_squeeze %dma_wait3A_150 : memref<1x80xi32, #tpu.memory_space<vmem>> -> memref<80xi32, #tpu.memory_space<vmem>>
        %dma_wait3A_152 = arith.constant 0 : i32
        %dma_wait3A_153 = arith.constant 0 : i32
        %dma_wait3A_154 = tpu.memref_slice %arg11[%dma_wait3A_152, %dma_wait3A_153] : memref<10000x128xf32, #tpu.memory_space<vmem_shared>> -> memref<10000x128xf32, #tpu.memory_space<vmem_shared>>
        tpu.wait_indirect_dma semaphore(%run_scoped3A_134 : memref<!tpu.dma_semaphore, #tpu.memory_space<semaphore_mem>>) src(%dma_wait3A_148 : memref<80x128xf32, #tpu.memory_space<vmem>>) dst(%dma_wait3A_154 : memref<10000x128xf32, #tpu.memory_space<vmem_shared>>)
        tpu.yield
      }) : () -> ()
    }
    %scan3A_15 = arith.constant 5 : i32
    %barrier3A_16 = arith.constant 0 : index
    tpu.barrier barrier_id(%barrier3A_16)
    %lt3A_17 = arith.constant 15 : i32
    %lt3A_18 = arith.cmpi slt, %arg1, %lt3A_17 : i32
    %convert_element_type3A_19 = arith.extui %lt3A_18 : i1 to i32
    %cond3A_20 = arith.constant 0 : i32
    %cond3A_21 = arith.cmpi ne, %convert_element_type3A_19, %cond3A_20 : i32
    scf.if %cond3A_21 {
      "tpu.region"() ({
        %run_scoped3A = tpu.sem_alloc : memref<!tpu.dma_semaphore, #tpu.memory_space<semaphore_mem>>
        %dma_start3A = arith.constant 0 : i32
        %dma_start3A_27 = tpu.memref_slice %arg6[%arg0, %multiple_of3A, %dma_start3A] : memref<2x10000x128xf32, #tpu.memory_space<hbm>> -> memref<1x640x128xf32, #tpu.memory_space<hbm>>
        %dma_start3A_28 = tpu.memref_squeeze %dma_start3A_27 : memref<1x640x128xf32, #tpu.memory_space<hbm>> -> memref<640x128xf32, #tpu.memory_space<hbm>>
        %dma_start3A_29 = arith.constant 0 : i32
        %dma_start3A_30 = tpu.memref_slice %arg11[%multiple_of3A, %dma_start3A_29] : memref<10000x128xf32, #tpu.memory_space<vmem_shared>> -> memref<640x128xf32, #tpu.memory_space<vmem_shared>>
        tpu.enqueue_dma source(%dma_start3A_30 : memref<640x128xf32, #tpu.memory_space<vmem_shared>>) target(%dma_start3A_28 : memref<640x128xf32, #tpu.memory_space<hbm>>) target_semaphore(%run_scoped3A : memref<!tpu.dma_semaphore, #tpu.memory_space<semaphore_mem>>)
        %dma_wait3A = arith.constant 0 : i32
        %dma_wait3A_31 = tpu.memref_slice %arg6[%arg0, %multiple_of3A, %dma_wait3A] : memref<2x10000x128xf32, #tpu.memory_space<hbm>> -> memref<1x640x128xf32, #tpu.memory_space<hbm>>
        %dma_wait3A_32 = tpu.memref_squeeze %dma_wait3A_31 : memref<1x640x128xf32, #tpu.memory_space<hbm>> -> memref<640x128xf32, #tpu.memory_space<hbm>>
        %dma_wait3A_33 = arith.constant 0 : i32
        %dma_wait3A_34 = tpu.memref_slice %arg11[%multiple_of3A, %dma_wait3A_33] : memref<10000x128xf32, #tpu.memory_space<vmem_shared>> -> memref<640x128xf32, #tpu.memory_space<vmem_shared>>
        tpu.wait_dma2 semaphore(%run_scoped3A : memref<!tpu.dma_semaphore, #tpu.memory_space<semaphore_mem>>) src(%dma_wait3A_34 : memref<640x128xf32, #tpu.memory_space<vmem_shared>>) dst(%dma_wait3A_32 : memref<640x128xf32, #tpu.memory_space<hbm>>)
        tpu.yield
      }) : () -> ()
    } else {
    }
    %eq3A_22 = arith.constant 15 : i32
    %eq3A_23 = arith.cmpi eq, %arg1, %eq3A_22 : i32
    %convert_element_type3A_24 = arith.extui %eq3A_23 : i1 to i32
    %cond3A_25 = arith.constant 0 : i32
    %cond3A_26 = arith.cmpi ne, %convert_element_type3A_24, %cond3A_25 : i32
    scf.if %cond3A_26 {
      "tpu.region"() ({
        %run_scoped3A = tpu.sem_alloc : memref<!tpu.dma_semaphore, #tpu.memory_space<semaphore_mem>>
        %dma_start3A = arith.constant 9600 : i32
        %dma_start3A_27 = arith.constant 0 : i32
        %dma_start3A_28 = tpu.memref_slice %arg6[%arg0, %dma_start3A, %dma_start3A_27] : memref<2x10000x128xf32, #tpu.memory_space<hbm>> -> memref<1x400x128xf32, #tpu.memory_space<hbm>>
        %dma_start3A_29 = tpu.memref_squeeze %dma_start3A_28 : memref<1x400x128xf32, #tpu.memory_space<hbm>> -> memref<400x128xf32, #tpu.memory_space<hbm>>
        %dma_start3A_30 = arith.constant 9600 : i32
        %dma_start3A_31 = arith.constant 0 : i32
        %dma_start3A_32 = tpu.memref_slice %arg11[%dma_start3A_30, %dma_start3A_31] : memref<10000x128xf32, #tpu.memory_space<vmem_shared>> -> memref<400x128xf32, #tpu.memory_space<vmem_shared>>
        tpu.enqueue_dma source(%dma_start3A_32 : memref<400x128xf32, #tpu.memory_space<vmem_shared>>) target(%dma_start3A_29 : memref<400x128xf32, #tpu.memory_space<hbm>>) target_semaphore(%run_scoped3A : memref<!tpu.dma_semaphore, #tpu.memory_space<semaphore_mem>>)
        %dma_wait3A = arith.constant 9600 : i32
        %dma_wait3A_33 = arith.constant 0 : i32
        %dma_wait3A_34 = tpu.memref_slice %arg6[%arg0, %dma_wait3A, %dma_wait3A_33] : memref<2x10000x128xf32, #tpu.memory_space<hbm>> -> memref<1x400x128xf32, #tpu.memory_space<hbm>>
        %dma_wait3A_35 = tpu.memref_squeeze %dma_wait3A_34 : memref<1x400x128xf32, #tpu.memory_space<hbm>> -> memref<400x128xf32, #tpu.memory_space<hbm>>
        %dma_wait3A_36 = arith.constant 9600 : i32
        %dma_wait3A_37 = arith.constant 0 : i32
        %dma_wait3A_38 = tpu.memref_slice %arg11[%dma_wait3A_36, %dma_wait3A_37] : memref<10000x128xf32, #tpu.memory_space<vmem_shared>> -> memref<400x128xf32, #tpu.memory_space<vmem_shared>>
        tpu.wait_dma2 semaphore(%run_scoped3A : memref<!tpu.dma_semaphore, #tpu.memory_space<semaphore_mem>>) src(%dma_wait3A_38 : memref<400x128xf32, #tpu.memory_space<vmem_shared>>) dst(%dma_wait3A_35 : memref<400x128xf32, #tpu.memory_space<hbm>>)
        tpu.yield
      }) : () -> ()
    } else {
    }
    return
  }
}

#map = affine_map<(d0, d1) -> (0, 0)>
#map1 = affine_map<(d0, d1) -> (0, 0, 0)>
#map2 = affine_map<(d0, d1) -> (0, 0, 0, 0, 0)>
module attributes {stable_mosaic.version = 14 : i64} {
  func.func @_sc_edge_body(%arg0: i32, %arg1: i32, %arg2: memref<10000x128xf32, #tpu.memory_space<hbm>>, %arg3: memref<3x320000x128xf32, #tpu.memory_space<hbm>>, %arg4: memref<2x32x5x25x80xi32, #tpu.memory_space<hbm>>, %arg5: memref<10000x128xf32, #tpu.memory_space<hbm>>, %arg6: memref<2x10000x128xf32, #tpu.memory_space<hbm>>, %arg7: memref<25x80xi32, #tpu.memory_space<vmem>>, %arg8: memref<25x80xi32, #tpu.memory_space<vmem>>, %arg9: memref<2x80x128xf32, #tpu.memory_space<vmem>>, %arg10: memref<2x80x128xf32, #tpu.memory_space<vmem>>, %arg11: memref<10000x128xf32, #tpu.memory_space<vmem_shared>>, %arg12: memref<!tpu.dma_semaphore, #tpu.memory_space<semaphore_mem>>, %arg13: memref<!tpu.dma_semaphore, #tpu.memory_space<semaphore_mem>>, %arg14: memref<!tpu.dma_semaphore, #tpu.memory_space<semaphore_mem>>, %arg15: memref<!tpu.dma_semaphore, #tpu.memory_space<semaphore_mem>>) attributes {dimension_semantics = [#tpu.dimension_semantics<core_parallel>, #tpu.dimension_semantics<subcore_parallel>], iteration_bounds = array<i64: 2, 16>, scalar_prefetch = 0 : i64, scratch_operands = 9 : i64, tpu.core_type = #tpu.core_type<sc_vector_subcore>, window_params = [{transform_indices = #map}, {transform_indices = #map1}, {transform_indices = #map2}, {transform_indices = #map}, {transform_indices = #map1}]} {
    %mul3A = arith.constant 16 : i32
    %mul3A_0 = arith.muli %arg0, %mul3A : i32
    %add3A = arith.addi %mul3A_0, %arg1 : i32
    %mul3A_1 = arith.constant 10000 : i32
    %mul3A_2 = arith.muli %add3A, %mul3A_1 : i32
    %mul3A_3 = arith.constant 640 : i32
    %mul3A_4 = arith.muli %arg1, %mul3A_3 : i32
    %multiple_of3A = tpu.assume_multiple %mul3A_4, 8 : i32
    %lt3A = arith.constant 15 : i32
    %lt3A_5 = arith.cmpi slt, %arg1, %lt3A : i32
    %convert_element_type3A = arith.extui %lt3A_5 : i1 to i32
    %cond3A = arith.constant 0 : i32
    %cond3A_6 = arith.cmpi ne, %convert_element_type3A, %cond3A : i32
    scf.if %cond3A_6 {
      "tpu.region"() ({
        %run_scoped3A = tpu.sem_alloc : memref<!tpu.dma_semaphore, #tpu.memory_space<semaphore_mem>>
        %dma_start3A = arith.constant 0 : i32
        %dma_start3A_27 = tpu.memref_slice %arg11[%multiple_of3A, %dma_start3A] : memref<10000x128xf32, #tpu.memory_space<vmem_shared>> -> memref<640x128xf32, #tpu.memory_space<vmem_shared>>
        %dma_start3A_28 = arith.constant 0 : i32
        %dma_start3A_29 = tpu.memref_slice %arg5[%multiple_of3A, %dma_start3A_28] : memref<10000x128xf32, #tpu.memory_space<hbm>> -> memref<640x128xf32, #tpu.memory_space<hbm>>
        tpu.enqueue_dma source(%dma_start3A_29 : memref<640x128xf32, #tpu.memory_space<hbm>>) target(%dma_start3A_27 : memref<640x128xf32, #tpu.memory_space<vmem_shared>>) target_semaphore(%run_scoped3A : memref<!tpu.dma_semaphore, #tpu.memory_space<semaphore_mem>>)
        %dma_wait3A = arith.constant 0 : i32
        %dma_wait3A_30 = tpu.memref_slice %arg11[%multiple_of3A, %dma_wait3A] : memref<10000x128xf32, #tpu.memory_space<vmem_shared>> -> memref<640x128xf32, #tpu.memory_space<vmem_shared>>
        %dma_wait3A_31 = arith.constant 0 : i32
        %dma_wait3A_32 = tpu.memref_slice %arg5[%multiple_of3A, %dma_wait3A_31] : memref<10000x128xf32, #tpu.memory_space<hbm>> -> memref<640x128xf32, #tpu.memory_space<hbm>>
        tpu.wait_dma2 semaphore(%run_scoped3A : memref<!tpu.dma_semaphore, #tpu.memory_space<semaphore_mem>>) src(%dma_wait3A_32 : memref<640x128xf32, #tpu.memory_space<hbm>>) dst(%dma_wait3A_30 : memref<640x128xf32, #tpu.memory_space<vmem_shared>>)
        tpu.yield
      }) : () -> ()
    } else {
    }
    %eq3A = arith.constant 15 : i32
    %eq3A_7 = arith.cmpi eq, %arg1, %eq3A : i32
    %convert_element_type3A_8 = arith.extui %eq3A_7 : i1 to i32
    %cond3A_9 = arith.constant 0 : i32
    %cond3A_10 = arith.cmpi ne, %convert_element_type3A_8, %cond3A_9 : i32
    scf.if %cond3A_10 {
      "tpu.region"() ({
        %run_scoped3A = tpu.sem_alloc : memref<!tpu.dma_semaphore, #tpu.memory_space<semaphore_mem>>
        %dma_start3A = arith.constant 9600 : i32
        %dma_start3A_27 = arith.constant 0 : i32
        %dma_start3A_28 = tpu.memref_slice %arg11[%dma_start3A, %dma_start3A_27] : memref<10000x128xf32, #tpu.memory_space<vmem_shared>> -> memref<400x128xf32, #tpu.memory_space<vmem_shared>>
        %dma_start3A_29 = arith.constant 9600 : i32
        %dma_start3A_30 = arith.constant 0 : i32
        %dma_start3A_31 = tpu.memref_slice %arg5[%dma_start3A_29, %dma_start3A_30] : memref<10000x128xf32, #tpu.memory_space<hbm>> -> memref<400x128xf32, #tpu.memory_space<hbm>>
        tpu.enqueue_dma source(%dma_start3A_31 : memref<400x128xf32, #tpu.memory_space<hbm>>) target(%dma_start3A_28 : memref<400x128xf32, #tpu.memory_space<vmem_shared>>) target_semaphore(%run_scoped3A : memref<!tpu.dma_semaphore, #tpu.memory_space<semaphore_mem>>)
        %dma_wait3A = arith.constant 9600 : i32
        %dma_wait3A_32 = arith.constant 0 : i32
        %dma_wait3A_33 = tpu.memref_slice %arg11[%dma_wait3A, %dma_wait3A_32] : memref<10000x128xf32, #tpu.memory_space<vmem_shared>> -> memref<400x128xf32, #tpu.memory_space<vmem_shared>>
        %dma_wait3A_34 = arith.constant 9600 : i32
        %dma_wait3A_35 = arith.constant 0 : i32
        %dma_wait3A_36 = tpu.memref_slice %arg5[%dma_wait3A_34, %dma_wait3A_35] : memref<10000x128xf32, #tpu.memory_space<hbm>> -> memref<400x128xf32, #tpu.memory_space<hbm>>
        tpu.wait_dma2 semaphore(%run_scoped3A : memref<!tpu.dma_semaphore, #tpu.memory_space<semaphore_mem>>) src(%dma_wait3A_36 : memref<400x128xf32, #tpu.memory_space<hbm>>) dst(%dma_wait3A_33 : memref<400x128xf32, #tpu.memory_space<vmem_shared>>)
        tpu.yield
      }) : () -> ()
    } else {
    }
    %barrier3A = arith.constant 0 : index
    tpu.barrier barrier_id(%barrier3A)
    %scan3A = arith.constant 0 : i32
    %scan3A_11 = arith.constant 0 : i32
    %scan3A_12 = arith.constant 5 : i32
    %scan3A_13 = arith.addi %scan3A_11, %scan3A_12 : i32
    %scan3A_14 = arith.constant 1 : i32
    scf.for %scan3A_27 = %scan3A_11 to %scan3A_13 step %scan3A_14  : i32 {
      %run_scoped3A = arith.constant 0 : i32
      "tpu.region"() ({
        %run_scoped3A_134 = tpu.sem_alloc : memref<!tpu.dma_semaphore, #tpu.memory_space<semaphore_mem>>
        %dma_start3A_135 = arith.constant 0 : i32
        %dma_start3A_136 = arith.constant 0 : i32
        %dma_start3A_137 = tpu.memref_slice %arg4[%run_scoped3A, %add3A, %scan3A_27, %dma_start3A_135, %dma_start3A_136] : memref<2x32x5x25x80xi32, #tpu.memory_space<hbm>> -> memref<1x1x1x25x80xi32, #tpu.memory_space<hbm>>
        %dma_start3A_138 = tpu.memref_squeeze %dma_start3A_137 : memref<1x1x1x25x80xi32, #tpu.memory_space<hbm>> -> memref<25x80xi32, #tpu.memory_space<hbm>>
        %dma_start3A_139 = arith.constant 0 : i32
        %dma_start3A_140 = arith.constant 0 : i32
        %dma_start3A_141 = tpu.memref_slice %arg4[%run_scoped3A, %add3A, %scan3A_27, %dma_start3A_139, %dma_start3A_140] : memref<2x32x5x25x80xi32, #tpu.memory_space<hbm>> -> memref<1x1x1x25x80xi32, #tpu.memory_space<hbm>>
        %dma_start3A_142 = tpu.memref_squeeze %dma_start3A_141 : memref<1x1x1x25x80xi32, #tpu.memory_space<hbm>> -> memref<25x80xi32, #tpu.memory_space<hbm>>
        tpu.enqueue_dma source(%dma_start3A_142 : memref<25x80xi32, #tpu.memory_space<hbm>>) target(%arg7 : memref<25x80xi32, #tpu.memory_space<vmem>>) target_semaphore(%run_scoped3A_134 : memref<!tpu.dma_semaphore, #tpu.memory_space<semaphore_mem>>)
        %dma_wait3A_143 = arith.constant 0 : i32
        %dma_wait3A_144 = arith.constant 0 : i32
        %dma_wait3A_145 = tpu.memref_slice %arg4[%run_scoped3A, %add3A, %scan3A_27, %dma_wait3A_143, %dma_wait3A_144] : memref<2x32x5x25x80xi32, #tpu.memory_space<hbm>> -> memref<1x1x1x25x80xi32, #tpu.memory_space<hbm>>
        %dma_wait3A_146 = tpu.memref_squeeze %dma_wait3A_145 : memref<1x1x1x25x80xi32, #tpu.memory_space<hbm>> -> memref<25x80xi32, #tpu.memory_space<hbm>>
        %dma_wait3A_147 = arith.constant 0 : i32
        %dma_wait3A_148 = arith.constant 0 : i32
        %dma_wait3A_149 = tpu.memref_slice %arg4[%run_scoped3A, %add3A, %scan3A_27, %dma_wait3A_147, %dma_wait3A_148] : memref<2x32x5x25x80xi32, #tpu.memory_space<hbm>> -> memref<1x1x1x25x80xi32, #tpu.memory_space<hbm>>
        %dma_wait3A_150 = tpu.memref_squeeze %dma_wait3A_149 : memref<1x1x1x25x80xi32, #tpu.memory_space<hbm>> -> memref<25x80xi32, #tpu.memory_space<hbm>>
        tpu.wait_dma2 semaphore(%run_scoped3A_134 : memref<!tpu.dma_semaphore, #tpu.memory_space<semaphore_mem>>) src(%dma_wait3A_150 : memref<25x80xi32, #tpu.memory_space<hbm>>) dst(%arg7 : memref<25x80xi32, #tpu.memory_space<vmem>>)
        tpu.yield
      }) : () -> ()
      %run_scoped3A_28 = arith.constant 1 : i32
      "tpu.region"() ({
        %run_scoped3A_134 = tpu.sem_alloc : memref<!tpu.dma_semaphore, #tpu.memory_space<semaphore_mem>>
        %dma_start3A_135 = arith.constant 0 : i32
        %dma_start3A_136 = arith.constant 0 : i32
        %dma_start3A_137 = tpu.memref_slice %arg4[%run_scoped3A_28, %add3A, %scan3A_27, %dma_start3A_135, %dma_start3A_136] : memref<2x32x5x25x80xi32, #tpu.memory_space<hbm>> -> memref<1x1x1x25x80xi32, #tpu.memory_space<hbm>>
        %dma_start3A_138 = tpu.memref_squeeze %dma_start3A_137 : memref<1x1x1x25x80xi32, #tpu.memory_space<hbm>> -> memref<25x80xi32, #tpu.memory_space<hbm>>
        %dma_start3A_139 = arith.constant 0 : i32
        %dma_start3A_140 = arith.constant 0 : i32
        %dma_start3A_141 = tpu.memref_slice %arg4[%run_scoped3A_28, %add3A, %scan3A_27, %dma_start3A_139, %dma_start3A_140] : memref<2x32x5x25x80xi32, #tpu.memory_space<hbm>> -> memref<1x1x1x25x80xi32, #tpu.memory_space<hbm>>
        %dma_start3A_142 = tpu.memref_squeeze %dma_start3A_141 : memref<1x1x1x25x80xi32, #tpu.memory_space<hbm>> -> memref<25x80xi32, #tpu.memory_space<hbm>>
        tpu.enqueue_dma source(%dma_start3A_142 : memref<25x80xi32, #tpu.memory_space<hbm>>) target(%arg8 : memref<25x80xi32, #tpu.memory_space<vmem>>) target_semaphore(%run_scoped3A_134 : memref<!tpu.dma_semaphore, #tpu.memory_space<semaphore_mem>>)
        %dma_wait3A_143 = arith.constant 0 : i32
        %dma_wait3A_144 = arith.constant 0 : i32
        %dma_wait3A_145 = tpu.memref_slice %arg4[%run_scoped3A_28, %add3A, %scan3A_27, %dma_wait3A_143, %dma_wait3A_144] : memref<2x32x5x25x80xi32, #tpu.memory_space<hbm>> -> memref<1x1x1x25x80xi32, #tpu.memory_space<hbm>>
        %dma_wait3A_146 = tpu.memref_squeeze %dma_wait3A_145 : memref<1x1x1x25x80xi32, #tpu.memory_space<hbm>> -> memref<25x80xi32, #tpu.memory_space<hbm>>
        %dma_wait3A_147 = arith.constant 0 : i32
        %dma_wait3A_148 = arith.constant 0 : i32
        %dma_wait3A_149 = tpu.memref_slice %arg4[%run_scoped3A_28, %add3A, %scan3A_27, %dma_wait3A_147, %dma_wait3A_148] : memref<2x32x5x25x80xi32, #tpu.memory_space<hbm>> -> memref<1x1x1x25x80xi32, #tpu.memory_space<hbm>>
        %dma_wait3A_150 = tpu.memref_squeeze %dma_wait3A_149 : memref<1x1x1x25x80xi32, #tpu.memory_space<hbm>> -> memref<25x80xi32, #tpu.memory_space<hbm>>
        tpu.wait_dma2 semaphore(%run_scoped3A_134 : memref<!tpu.dma_semaphore, #tpu.memory_space<semaphore_mem>>) src(%dma_wait3A_150 : memref<25x80xi32, #tpu.memory_space<hbm>>) dst(%arg8 : memref<25x80xi32, #tpu.memory_space<vmem>>)
        tpu.yield
      }) : () -> ()
      %mul3A_29 = arith.constant 2000 : i32
      %mul3A_30 = arith.muli %scan3A_27, %mul3A_29 : i32
      %add3A_31 = arith.addi %mul3A_2, %mul3A_30 : i32
      %add3A_32 = arith.constant 0 : i32
      %add3A_33 = arith.addi %add3A_31, %add3A_32 : i32
      %multiple_of3A_34 = tpu.assume_multiple %add3A_33, 8 : i32
      %dma_start3A = arith.constant 1 : i32
      %dma_start3A_35 = arith.constant 0 : i32
      %dma_start3A_36 = arith.constant 0 : i32
      %dma_start3A_37 = arith.constant 0 : i32
      %dma_start3A_38 = tpu.memref_slice %arg9[%dma_start3A_35, %dma_start3A_36, %dma_start3A_37] : memref<2x80x128xf32, #tpu.memory_space<vmem>> -> memref<1x80x128xf32, #tpu.memory_space<vmem>>
      %dma_start3A_39 = tpu.memref_squeeze %dma_start3A_38 : memref<1x80x128xf32, #tpu.memory_space<vmem>> -> memref<80x128xf32, #tpu.memory_space<vmem>>
      %dma_start3A_40 = arith.constant 0 : i32
      %dma_start3A_41 = tpu.memref_slice %arg3[%dma_start3A, %multiple_of3A_34, %dma_start3A_40] : memref<3x320000x128xf32, #tpu.memory_space<hbm>> -> memref<1x80x128xf32, #tpu.memory_space<hbm>>
      %dma_start3A_42 = tpu.memref_squeeze %dma_start3A_41 : memref<1x80x128xf32, #tpu.memory_space<hbm>> -> memref<80x128xf32, #tpu.memory_space<hbm>>
      %dma_start3A_43 = arith.constant 0 : i32
      %dma_start3A_44 = arith.constant 0 : i32
      %dma_start3A_45 = tpu.memref_slice %arg9[%dma_start3A_35, %dma_start3A_43, %dma_start3A_44] : memref<2x80x128xf32, #tpu.memory_space<vmem>> -> memref<1x80x128xf32, #tpu.memory_space<vmem>>
      %dma_start3A_46 = tpu.memref_squeeze %dma_start3A_45 : memref<1x80x128xf32, #tpu.memory_space<vmem>> -> memref<80x128xf32, #tpu.memory_space<vmem>>
      %dma_start3A_47 = arith.constant 0 : i32
      %dma_start3A_48 = tpu.memref_slice %arg3[%dma_start3A, %multiple_of3A_34, %dma_start3A_47] : memref<3x320000x128xf32, #tpu.memory_space<hbm>> -> memref<1x80x128xf32, #tpu.memory_space<hbm>>
      %dma_start3A_49 = tpu.memref_squeeze %dma_start3A_48 : memref<1x80x128xf32, #tpu.memory_space<hbm>> -> memref<80x128xf32, #tpu.memory_space<hbm>>
      tpu.enqueue_dma source(%dma_start3A_49 : memref<80x128xf32, #tpu.memory_space<hbm>>) target(%dma_start3A_46 : memref<80x128xf32, #tpu.memory_space<vmem>>) target_semaphore(%arg12 : memref<!tpu.dma_semaphore, #tpu.memory_space<semaphore_mem>>)
      %dma_start3A_50 = arith.constant 0 : i32
      %dma_start3A_51 = arith.constant 0 : i32
      %dma_start3A_52 = arith.constant 0 : i32
      %dma_start3A_53 = arith.constant 0 : i32
      %dma_start3A_54 = tpu.memref_slice %arg10[%dma_start3A_51, %dma_start3A_52, %dma_start3A_53] : memref<2x80x128xf32, #tpu.memory_space<vmem>> -> memref<1x80x128xf32, #tpu.memory_space<vmem>>
      %dma_start3A_55 = tpu.memref_squeeze %dma_start3A_54 : memref<1x80x128xf32, #tpu.memory_space<vmem>> -> memref<80x128xf32, #tpu.memory_space<vmem>>
      %dma_start3A_56 = arith.constant 0 : i32
      %dma_start3A_57 = tpu.memref_slice %arg7[%dma_start3A_50, %dma_start3A_56] : memref<25x80xi32, #tpu.memory_space<vmem>> -> memref<1x80xi32, #tpu.memory_space<vmem>>
      %dma_start3A_58 = tpu.memref_squeeze %dma_start3A_57 : memref<1x80xi32, #tpu.memory_space<vmem>> -> memref<80xi32, #tpu.memory_space<vmem>>
      %dma_start3A_59 = arith.constant 0 : i32
      %dma_start3A_60 = arith.constant 0 : i32
      %dma_start3A_61 = tpu.memref_slice %arg2[%dma_start3A_59, %dma_start3A_60] : memref<10000x128xf32, #tpu.memory_space<hbm>> -> memref<10000x128xf32, #tpu.memory_space<hbm>>
      tpu.enqueue_indirect_dma source(%dma_start3A_61 : memref<10000x128xf32, #tpu.memory_space<hbm>>) target(%dma_start3A_55 : memref<80x128xf32, #tpu.memory_space<vmem>>) offsets(%dma_start3A_58 : memref<80xi32, #tpu.memory_space<vmem>>) semaphore(%arg14 : memref<!tpu.dma_semaphore, #tpu.memory_space<semaphore_mem>>)
      %add3A_62 = arith.constant 80 : i32
      %add3A_63 = arith.addi %add3A_31, %add3A_62 : i32
      %multiple_of3A_64 = tpu.assume_multiple %add3A_63, 8 : i32
      %dma_start3A_65 = arith.constant 1 : i32
      %dma_start3A_66 = arith.constant 1 : i32
      %dma_start3A_67 = arith.constant 0 : i32
      %dma_start3A_68 = arith.constant 0 : i32
      %dma_start3A_69 = tpu.memref_slice %arg9[%dma_start3A_66, %dma_start3A_67, %dma_start3A_68] : memref<2x80x128xf32, #tpu.memory_space<vmem>> -> memref<1x80x128xf32, #tpu.memory_space<vmem>>
      %dma_start3A_70 = tpu.memref_squeeze %dma_start3A_69 : memref<1x80x128xf32, #tpu.memory_space<vmem>> -> memref<80x128xf32, #tpu.memory_space<vmem>>
      %dma_start3A_71 = arith.constant 0 : i32
      %dma_start3A_72 = tpu.memref_slice %arg3[%dma_start3A_65, %multiple_of3A_64, %dma_start3A_71] : memref<3x320000x128xf32, #tpu.memory_space<hbm>> -> memref<1x80x128xf32, #tpu.memory_space<hbm>>
      %dma_start3A_73 = tpu.memref_squeeze %dma_start3A_72 : memref<1x80x128xf32, #tpu.memory_space<hbm>> -> memref<80x128xf32, #tpu.memory_space<hbm>>
      %dma_start3A_74 = arith.constant 0 : i32
      %dma_start3A_75 = arith.constant 0 : i32
      %dma_start3A_76 = tpu.memref_slice %arg9[%dma_start3A_66, %dma_start3A_74, %dma_start3A_75] : memref<2x80x128xf32, #tpu.memory_space<vmem>> -> memref<1x80x128xf32, #tpu.memory_space<vmem>>
      %dma_start3A_77 = tpu.memref_squeeze %dma_start3A_76 : memref<1x80x128xf32, #tpu.memory_space<vmem>> -> memref<80x128xf32, #tpu.memory_space<vmem>>
      %dma_start3A_78 = arith.constant 0 : i32
      %dma_start3A_79 = tpu.memref_slice %arg3[%dma_start3A_65, %multiple_of3A_64, %dma_start3A_78] : memref<3x320000x128xf32, #tpu.memory_space<hbm>> -> memref<1x80x128xf32, #tpu.memory_space<hbm>>
      %dma_start3A_80 = tpu.memref_squeeze %dma_start3A_79 : memref<1x80x128xf32, #tpu.memory_space<hbm>> -> memref<80x128xf32, #tpu.memory_space<hbm>>
      tpu.enqueue_dma source(%dma_start3A_80 : memref<80x128xf32, #tpu.memory_space<hbm>>) target(%dma_start3A_77 : memref<80x128xf32, #tpu.memory_space<vmem>>) target_semaphore(%arg13 : memref<!tpu.dma_semaphore, #tpu.memory_space<semaphore_mem>>)
      %dma_start3A_81 = arith.constant 1 : i32
      %dma_start3A_82 = arith.constant 1 : i32
      %dma_start3A_83 = arith.constant 0 : i32
      %dma_start3A_84 = arith.constant 0 : i32
      %dma_start3A_85 = tpu.memref_slice %arg10[%dma_start3A_82, %dma_start3A_83, %dma_start3A_84] : memref<2x80x128xf32, #tpu.memory_space<vmem>> -> memref<1x80x128xf32, #tpu.memory_space<vmem>>
      %dma_start3A_86 = tpu.memref_squeeze %dma_start3A_85 : memref<1x80x128xf32, #tpu.memory_space<vmem>> -> memref<80x128xf32, #tpu.memory_space<vmem>>
      %dma_start3A_87 = arith.constant 0 : i32
      %dma_start3A_88 = tpu.memref_slice %arg7[%dma_start3A_81, %dma_start3A_87] : memref<25x80xi32, #tpu.memory_space<vmem>> -> memref<1x80xi32, #tpu.memory_space<vmem>>
      %dma_start3A_89 = tpu.memref_squeeze %dma_start3A_88 : memref<1x80xi32, #tpu.memory_space<vmem>> -> memref<80xi32, #tpu.memory_space<vmem>>
      %dma_start3A_90 = arith.constant 0 : i32
      %dma_start3A_91 = arith.constant 0 : i32
      %dma_start3A_92 = tpu.memref_slice %arg2[%dma_start3A_90, %dma_start3A_91] : memref<10000x128xf32, #tpu.memory_space<hbm>> -> memref<10000x128xf32, #tpu.memory_space<hbm>>
      tpu.enqueue_indirect_dma source(%dma_start3A_92 : memref<10000x128xf32, #tpu.memory_space<hbm>>) target(%dma_start3A_86 : memref<80x128xf32, #tpu.memory_space<vmem>>) offsets(%dma_start3A_89 : memref<80xi32, #tpu.memory_space<vmem>>) semaphore(%arg15 : memref<!tpu.dma_semaphore, #tpu.memory_space<semaphore_mem>>)
      %scan3A_93 = arith.constant 0 : i32
      %scan3A_94 = arith.constant 0 : i32
      %scan3A_95 = arith.constant 12 : i32
      %scan3A_96 = arith.addi %scan3A_94, %scan3A_95 : i32
      %scan3A_97 = arith.constant 1 : i32
      scf.for %scan3A_134 = %scan3A_94 to %scan3A_96 step %scan3A_97  : i32 {
        %mul3A_135 = arith.constant 2 : i32
        %mul3A_136 = arith.muli %mul3A_135, %scan3A_134 : i32
        %dma_wait3A_137 = arith.constant 1 : i32
        %dma_wait3A_138 = arith.constant 0 : i32
        %dma_wait3A_139 = arith.constant 0 : i32
        %dma_wait3A_140 = arith.constant 0 : i32
        %dma_wait3A_141 = tpu.memref_slice %arg9[%dma_wait3A_138, %dma_wait3A_139, %dma_wait3A_140] : memref<2x80x128xf32, #tpu.memory_space<vmem>> -> memref<1x80x128xf32, #tpu.memory_space<vmem>>
        %dma_wait3A_142 = tpu.memref_squeeze %dma_wait3A_141 : memref<1x80x128xf32, #tpu.memory_space<vmem>> -> memref<80x128xf32, #tpu.memory_space<vmem>>
        %dma_wait3A_143 = arith.constant 0 : i32
        %dma_wait3A_144 = tpu.memref_slice %arg3[%dma_wait3A_137, %mul3A_2, %dma_wait3A_143] : memref<3x320000x128xf32, #tpu.memory_space<hbm>> -> memref<1x80x128xf32, #tpu.memory_space<hbm>>
        %dma_wait3A_145 = tpu.memref_squeeze %dma_wait3A_144 : memref<1x80x128xf32, #tpu.memory_space<hbm>> -> memref<80x128xf32, #tpu.memory_space<hbm>>
        %dma_wait3A_146 = arith.constant 0 : i32
        %dma_wait3A_147 = arith.constant 0 : i32
        %dma_wait3A_148 = tpu.memref_slice %arg9[%dma_wait3A_138, %dma_wait3A_146, %dma_wait3A_147] : memref<2x80x128xf32, #tpu.memory_space<vmem>> -> memref<1x80x128xf32, #tpu.memory_space<vmem>>
        %dma_wait3A_149 = tpu.memref_squeeze %dma_wait3A_148 : memref<1x80x128xf32, #tpu.memory_space<vmem>> -> memref<80x128xf32, #tpu.memory_space<vmem>>
        %dma_wait3A_150 = arith.constant 0 : i32
        %dma_wait3A_151 = tpu.memref_slice %arg3[%dma_wait3A_137, %mul3A_2, %dma_wait3A_150] : memref<3x320000x128xf32, #tpu.memory_space<hbm>> -> memref<1x80x128xf32, #tpu.memory_space<hbm>>
        %dma_wait3A_152 = tpu.memref_squeeze %dma_wait3A_151 : memref<1x80x128xf32, #tpu.memory_space<hbm>> -> memref<80x128xf32, #tpu.memory_space<hbm>>
        tpu.wait_dma2 semaphore(%arg12 : memref<!tpu.dma_semaphore, #tpu.memory_space<semaphore_mem>>) src(%dma_wait3A_152 : memref<80x128xf32, #tpu.memory_space<hbm>>) dst(%dma_wait3A_149 : memref<80x128xf32, #tpu.memory_space<vmem>>)
        %dma_wait3A_153 = arith.constant 0 : i32
        %dma_wait3A_154 = arith.constant 0 : i32
        %dma_wait3A_155 = arith.constant 0 : i32
        %dma_wait3A_156 = tpu.memref_slice %arg10[%dma_wait3A_153, %dma_wait3A_154, %dma_wait3A_155] : memref<2x80x128xf32, #tpu.memory_space<vmem>> -> memref<1x80x128xf32, #tpu.memory_space<vmem>>
        %dma_wait3A_157 = tpu.memref_squeeze %dma_wait3A_156 : memref<1x80x128xf32, #tpu.memory_space<vmem>> -> memref<80x128xf32, #tpu.memory_space<vmem>>
        %dma_wait3A_158 = arith.constant 0 : i32
        %dma_wait3A_159 = tpu.memref_slice %arg7[%mul3A_136, %dma_wait3A_158] : memref<25x80xi32, #tpu.memory_space<vmem>> -> memref<1x80xi32, #tpu.memory_space<vmem>>
        %dma_wait3A_160 = tpu.memref_squeeze %dma_wait3A_159 : memref<1x80xi32, #tpu.memory_space<vmem>> -> memref<80xi32, #tpu.memory_space<vmem>>
        %dma_wait3A_161 = arith.constant 0 : i32
        %dma_wait3A_162 = arith.constant 0 : i32
        %dma_wait3A_163 = tpu.memref_slice %arg2[%dma_wait3A_161, %dma_wait3A_162] : memref<10000x128xf32, #tpu.memory_space<hbm>> -> memref<10000x128xf32, #tpu.memory_space<hbm>>
        tpu.wait_indirect_dma semaphore(%arg14 : memref<!tpu.dma_semaphore, #tpu.memory_space<semaphore_mem>>) src(%dma_wait3A_163 : memref<10000x128xf32, #tpu.memory_space<hbm>>) dst(%dma_wait3A_157 : memref<80x128xf32, #tpu.memory_space<vmem>>)
        %scan3A_164 = arith.constant 0 : i32
        %scan3A_165 = arith.constant 0 : i32
        %scan3A_166 = arith.constant 80 : i32
        %scan3A_167 = arith.addi %scan3A_165, %scan3A_166 : i32
        %scan3A_168 = arith.constant 1 : i32
        scf.for %scan3A_223 = %scan3A_165 to %scan3A_167 step %scan3A_168  : i32 {
          %get3A = arith.constant 0 : i32
          %get3A_224 = arith.index_cast %get3A : i32 to index
          %get3A_225 = arith.index_cast %scan3A_223 : i32 to index
          %get3A_226 = arith.constant 0 : index
          %get3A_227 = tpu.vector_load %arg10[%get3A_224, %get3A_225, %get3A_226] {strides = array<i32>} : memref<2x80x128xf32, #tpu.memory_space<vmem>>, vector<16xf32>,
          %get3A_228 = arith.constant 0 : i32
          %get3A_229 = arith.index_cast %get3A_228 : i32 to index
          %get3A_230 = arith.index_cast %scan3A_223 : i32 to index
          %get3A_231 = arith.constant 0 : index
          %get3A_232 = tpu.vector_load %arg9[%get3A_229, %get3A_230, %get3A_231] {strides = array<i32>} : memref<2x80x128xf32, #tpu.memory_space<vmem>>, vector<16xf32>,
          %add3A_233 = arith.addf %get3A_227, %get3A_232 : vector<16xf32>
          %max3A = arith.constant 0.000000e+00 : f32
          %max3A_234 = vector.broadcast %max3A : f32 to vector<16xf32>
          %max3A_235 = arith.maximumf %add3A_233, %max3A_234 : vector<16xf32>
          %swap3A = arith.constant 0 : i32
          %swap3A_236 = arith.index_cast %swap3A : i32 to index
          %swap3A_237 = arith.index_cast %scan3A_223 : i32 to index
          %swap3A_238 = arith.constant 0 : index
          %swap3A_239 = tpu.vector_load %arg10[%swap3A_236, %swap3A_237, %swap3A_238] {strides = array<i32>} : memref<2x80x128xf32, #tpu.memory_space<vmem>>, vector<16xf32>,
          tpu.vector_store %arg10[%swap3A_236, %swap3A_237, %swap3A_238], %max3A_235 {strides = array<i32>} : memref<2x80x128xf32, #tpu.memory_space<vmem>>, vector<16xf32>,
          %get3A_240 = arith.constant 0 : i32
          %get3A_241 = arith.index_cast %get3A_240 : i32 to index
          %get3A_242 = arith.index_cast %scan3A_223 : i32 to index
          %get3A_243 = arith.constant 16 : index
          %get3A_244 = tpu.vector_load %arg10[%get3A_241, %get3A_242, %get3A_243] {strides = array<i32>} : memref<2x80x128xf32, #tpu.memory_space<vmem>>, vector<16xf32>,
          %get3A_245 = arith.constant 0 : i32
          %get3A_246 = arith.index_cast %get3A_245 : i32 to index
          %get3A_247 = arith.index_cast %scan3A_223 : i32 to index
          %get3A_248 = arith.constant 16 : index
          %get3A_249 = tpu.vector_load %arg9[%get3A_246, %get3A_247, %get3A_248] {strides = array<i32>} : memref<2x80x128xf32, #tpu.memory_space<vmem>>, vector<16xf32>,
          %add3A_250 = arith.addf %get3A_244, %get3A_249 : vector<16xf32>
          %max3A_251 = arith.constant 0.000000e+00 : f32
          %max3A_252 = vector.broadcast %max3A_251 : f32 to vector<16xf32>
          %max3A_253 = arith.maximumf %add3A_250, %max3A_252 : vector<16xf32>
          %swap3A_254 = arith.constant 0 : i32
          %swap3A_255 = arith.index_cast %swap3A_254 : i32 to index
          %swap3A_256 = arith.index_cast %scan3A_223 : i32 to index
          %swap3A_257 = arith.constant 16 : index
          %swap3A_258 = tpu.vector_load %arg10[%swap3A_255, %swap3A_256, %swap3A_257] {strides = array<i32>} : memref<2x80x128xf32, #tpu.memory_space<vmem>>, vector<16xf32>,
          tpu.vector_store %arg10[%swap3A_255, %swap3A_256, %swap3A_257], %max3A_253 {strides = array<i32>} : memref<2x80x128xf32, #tpu.memory_space<vmem>>, vector<16xf32>,
          %get3A_259 = arith.constant 0 : i32
          %get3A_260 = arith.index_cast %get3A_259 : i32 to index
          %get3A_261 = arith.index_cast %scan3A_223 : i32 to index
          %get3A_262 = arith.constant 32 : index
          %get3A_263 = tpu.vector_load %arg10[%get3A_260, %get3A_261, %get3A_262] {strides = array<i32>} : memref<2x80x128xf32, #tpu.memory_space<vmem>>, vector<16xf32>,
          %get3A_264 = arith.constant 0 : i32
          %get3A_265 = arith.index_cast %get3A_264 : i32 to index
          %get3A_266 = arith.index_cast %scan3A_223 : i32 to index
          %get3A_267 = arith.constant 32 : index
          %get3A_268 = tpu.vector_load %arg9[%get3A_265, %get3A_266, %get3A_267] {strides = array<i32>} : memref<2x80x128xf32, #tpu.memory_space<vmem>>, vector<16xf32>,
          %add3A_269 = arith.addf %get3A_263, %get3A_268 : vector<16xf32>
          %max3A_270 = arith.constant 0.000000e+00 : f32
          %max3A_271 = vector.broadcast %max3A_270 : f32 to vector<16xf32>
          %max3A_272 = arith.maximumf %add3A_269, %max3A_271 : vector<16xf32>
          %swap3A_273 = arith.constant 0 : i32
          %swap3A_274 = arith.index_cast %swap3A_273 : i32 to index
          %swap3A_275 = arith.index_cast %scan3A_223 : i32 to index
          %swap3A_276 = arith.constant 32 : index
          %swap3A_277 = tpu.vector_load %arg10[%swap3A_274, %swap3A_275, %swap3A_276] {strides = array<i32>} : memref<2x80x128xf32, #tpu.memory_space<vmem>>, vector<16xf32>,
          tpu.vector_store %arg10[%swap3A_274, %swap3A_275, %swap3A_276], %max3A_272 {strides = array<i32>} : memref<2x80x128xf32, #tpu.memory_space<vmem>>, vector<16xf32>,
          %get3A_278 = arith.constant 0 : i32
          %get3A_279 = arith.index_cast %get3A_278 : i32 to index
          %get3A_280 = arith.index_cast %scan3A_223 : i32 to index
          %get3A_281 = arith.constant 48 : index
          %get3A_282 = tpu.vector_load %arg10[%get3A_279, %get3A_280, %get3A_281] {strides = array<i32>} : memref<2x80x128xf32, #tpu.memory_space<vmem>>, vector<16xf32>,
          %get3A_283 = arith.constant 0 : i32
          %get3A_284 = arith.index_cast %get3A_283 : i32 to index
          %get3A_285 = arith.index_cast %scan3A_223 : i32 to index
          %get3A_286 = arith.constant 48 : index
          %get3A_287 = tpu.vector_load %arg9[%get3A_284, %get3A_285, %get3A_286] {strides = array<i32>} : memref<2x80x128xf32, #tpu.memory_space<vmem>>, vector<16xf32>,
          %add3A_288 = arith.addf %get3A_282, %get3A_287 : vector<16xf32>
          %max3A_289 = arith.constant 0.000000e+00 : f32
          %max3A_290 = vector.broadcast %max3A_289 : f32 to vector<16xf32>
          %max3A_291 = arith.maximumf %add3A_288, %max3A_290 : vector<16xf32>
          %swap3A_292 = arith.constant 0 : i32
          %swap3A_293 = arith.index_cast %swap3A_292 : i32 to index
          %swap3A_294 = arith.index_cast %scan3A_223 : i32 to index
          %swap3A_295 = arith.constant 48 : index
          %swap3A_296 = tpu.vector_load %arg10[%swap3A_293, %swap3A_294, %swap3A_295] {strides = array<i32>} : memref<2x80x128xf32, #tpu.memory_space<vmem>>, vector<16xf32>,
          tpu.vector_store %arg10[%swap3A_293, %swap3A_294, %swap3A_295], %max3A_291 {strides = array<i32>} : memref<2x80x128xf32, #tpu.memory_space<vmem>>, vector<16xf32>,
          %get3A_297 = arith.constant 0 : i32
          %get3A_298 = arith.index_cast %get3A_297 : i32 to index
          %get3A_299 = arith.index_cast %scan3A_223 : i32 to index
          %get3A_300 = arith.constant 64 : index
          %get3A_301 = tpu.vector_load %arg10[%get3A_298, %get3A_299, %get3A_300] {strides = array<i32>} : memref<2x80x128xf32, #tpu.memory_space<vmem>>, vector<16xf32>,
          %get3A_302 = arith.constant 0 : i32
          %get3A_303 = arith.index_cast %get3A_302 : i32 to index
          %get3A_304 = arith.index_cast %scan3A_223 : i32 to index
          %get3A_305 = arith.constant 64 : index
          %get3A_306 = tpu.vector_load %arg9[%get3A_303, %get3A_304, %get3A_305] {strides = array<i32>} : memref<2x80x128xf32, #tpu.memory_space<vmem>>, vector<16xf32>,
          %add3A_307 = arith.addf %get3A_301, %get3A_306 : vector<16xf32>
          %max3A_308 = arith.constant 0.000000e+00 : f32
          %max3A_309 = vector.broadcast %max3A_308 : f32 to vector<16xf32>
          %max3A_310 = arith.maximumf %add3A_307, %max3A_309 : vector<16xf32>
          %swap3A_311 = arith.constant 0 : i32
          %swap3A_312 = arith.index_cast %swap3A_311 : i32 to index
          %swap3A_313 = arith.index_cast %scan3A_223 : i32 to index
          %swap3A_314 = arith.constant 64 : index
          %swap3A_315 = tpu.vector_load %arg10[%swap3A_312, %swap3A_313, %swap3A_314] {strides = array<i32>} : memref<2x80x128xf32, #tpu.memory_space<vmem>>, vector<16xf32>,
          tpu.vector_store %arg10[%swap3A_312, %swap3A_313, %swap3A_314], %max3A_310 {strides = array<i32>} : memref<2x80x128xf32, #tpu.memory_space<vmem>>, vector<16xf32>,
          %get3A_316 = arith.constant 0 : i32
          %get3A_317 = arith.index_cast %get3A_316 : i32 to index
          %get3A_318 = arith.index_cast %scan3A_223 : i32 to index
          %get3A_319 = arith.constant 80 : index
          %get3A_320 = tpu.vector_load %arg10[%get3A_317, %get3A_318, %get3A_319] {strides = array<i32>} : memref<2x80x128xf32, #tpu.memory_space<vmem>>, vector<16xf32>,
          %get3A_321 = arith.constant 0 : i32
          %get3A_322 = arith.index_cast %get3A_321 : i32 to index
          %get3A_323 = arith.index_cast %scan3A_223 : i32 to index
          %get3A_324 = arith.constant 80 : index
          %get3A_325 = tpu.vector_load %arg9[%get3A_322, %get3A_323, %get3A_324] {strides = array<i32>} : memref<2x80x128xf32, #tpu.memory_space<vmem>>, vector<16xf32>,
          %add3A_326 = arith.addf %get3A_320, %get3A_325 : vector<16xf32>
          %max3A_327 = arith.constant 0.000000e+00 : f32
          %max3A_328 = vector.broadcast %max3A_327 : f32 to vector<16xf32>
          %max3A_329 = arith.maximumf %add3A_326, %max3A_328 : vector<16xf32>
          %swap3A_330 = arith.constant 0 : i32
          %swap3A_331 = arith.index_cast %swap3A_330 : i32 to index
          %swap3A_332 = arith.index_cast %scan3A_223 : i32 to index
          %swap3A_333 = arith.constant 80 : index
          %swap3A_334 = tpu.vector_load %arg10[%swap3A_331, %swap3A_332, %swap3A_333] {strides = array<i32>} : memref<2x80x128xf32, #tpu.memory_space<vmem>>, vector<16xf32>,
          tpu.vector_store %arg10[%swap3A_331, %swap3A_332, %swap3A_333], %max3A_329 {strides = array<i32>} : memref<2x80x128xf32, #tpu.memory_space<vmem>>, vector<16xf32>,
          %get3A_335 = arith.constant 0 : i32
          %get3A_336 = arith.index_cast %get3A_335 : i32 to index
          %get3A_337 = arith.index_cast %scan3A_223 : i32 to index
          %get3A_338 = arith.constant 96 : index
          %get3A_339 = tpu.vector_load %arg10[%get3A_336, %get3A_337, %get3A_338] {strides = array<i32>} : memref<2x80x128xf32, #tpu.memory_space<vmem>>, vector<16xf32>,
          %get3A_340 = arith.constant 0 : i32
          %get3A_341 = arith.index_cast %get3A_340 : i32 to index
          %get3A_342 = arith.index_cast %scan3A_223 : i32 to index
          %get3A_343 = arith.constant 96 : index
          %get3A_344 = tpu.vector_load %arg9[%get3A_341, %get3A_342, %get3A_343] {strides = array<i32>} : memref<2x80x128xf32, #tpu.memory_space<vmem>>, vector<16xf32>,
          %add3A_345 = arith.addf %get3A_339, %get3A_344 : vector<16xf32>
          %max3A_346 = arith.constant 0.000000e+00 : f32
          %max3A_347 = vector.broadcast %max3A_346 : f32 to vector<16xf32>
          %max3A_348 = arith.maximumf %add3A_345, %max3A_347 : vector<16xf32>
          %swap3A_349 = arith.constant 0 : i32
          %swap3A_350 = arith.index_cast %swap3A_349 : i32 to index
          %swap3A_351 = arith.index_cast %scan3A_223 : i32 to index
          %swap3A_352 = arith.constant 96 : index
          %swap3A_353 = tpu.vector_load %arg10[%swap3A_350, %swap3A_351, %swap3A_352] {strides = array<i32>} : memref<2x80x128xf32, #tpu.memory_space<vmem>>, vector<16xf32>,
          tpu.vector_store %arg10[%swap3A_350, %swap3A_351, %swap3A_352], %max3A_348 {strides = array<i32>} : memref<2x80x128xf32, #tpu.memory_space<vmem>>, vector<16xf32>,
          %get3A_354 = arith.constant 0 : i32
          %get3A_355 = arith.index_cast %get3A_354 : i32 to index
          %get3A_356 = arith.index_cast %scan3A_223 : i32 to index
          %get3A_357 = arith.constant 112 : index
          %get3A_358 = tpu.vector_load %arg10[%get3A_355, %get3A_356, %get3A_357] {strides = array<i32>} : memref<2x80x128xf32, #tpu.memory_space<vmem>>, vector<16xf32>,
          %get3A_359 = arith.constant 0 : i32
          %get3A_360 = arith.index_cast %get3A_359 : i32 to index
          %get3A_361 = arith.index_cast %scan3A_223 : i32 to index
          %get3A_362 = arith.constant 112 : index
          %get3A_363 = tpu.vector_load %arg9[%get3A_360, %get3A_361, %get3A_362] {strides = array<i32>} : memref<2x80x128xf32, #tpu.memory_space<vmem>>, vector<16xf32>,
          %add3A_364 = arith.addf %get3A_358, %get3A_363 : vector<16xf32>
          %max3A_365 = arith.constant 0.000000e+00 : f32
          %max3A_366 = vector.broadcast %max3A_365 : f32 to vector<16xf32>
          %max3A_367 = arith.maximumf %add3A_364, %max3A_366 : vector<16xf32>
          %swap3A_368 = arith.constant 0 : i32
          %swap3A_369 = arith.index_cast %swap3A_368 : i32 to index
          %swap3A_370 = arith.index_cast %scan3A_223 : i32 to index
          %swap3A_371 = arith.constant 112 : index
          %swap3A_372 = tpu.vector_load %arg10[%swap3A_369, %swap3A_370, %swap3A_371] {strides = array<i32>} : memref<2x80x128xf32, #tpu.memory_space<vmem>>, vector<16xf32>,
          tpu.vector_store %arg10[%swap3A_369, %swap3A_370, %swap3A_371], %max3A_367 {strides = array<i32>} : memref<2x80x128xf32, #tpu.memory_space<vmem>>, vector<16xf32>,
        }
        %scan3A_169 = arith.constant 80 : i32
        %run_scoped3A_170 = arith.constant 0 : i32
        "tpu.region"() ({
          %run_scoped3A_223 = tpu.sem_alloc : memref<!tpu.dma_semaphore, #tpu.memory_space<semaphore_mem>>
          %dma_start3A_224 = arith.constant 0 : i32
          %dma_start3A_225 = arith.constant 0 : i32
          %dma_start3A_226 = tpu.memref_slice %arg10[%run_scoped3A_170, %dma_start3A_224, %dma_start3A_225] : memref<2x80x128xf32, #tpu.memory_space<vmem>> -> memref<1x80x128xf32, #tpu.memory_space<vmem>>
          %dma_start3A_227 = tpu.memref_squeeze %dma_start3A_226 : memref<1x80x128xf32, #tpu.memory_space<vmem>> -> memref<80x128xf32, #tpu.memory_space<vmem>>
          %dma_start3A_228 = arith.constant 0 : i32
          %dma_start3A_229 = tpu.memref_slice %arg8[%mul3A_136, %dma_start3A_228] : memref<25x80xi32, #tpu.memory_space<vmem>> -> memref<1x80xi32, #tpu.memory_space<vmem>>
          %dma_start3A_230 = tpu.memref_squeeze %dma_start3A_229 : memref<1x80xi32, #tpu.memory_space<vmem>> -> memref<80xi32, #tpu.memory_space<vmem>>
          %dma_start3A_231 = arith.constant 0 : i32
          %dma_start3A_232 = arith.constant 0 : i32
          %dma_start3A_233 = tpu.memref_slice %arg11[%dma_start3A_231, %dma_start3A_232] : memref<10000x128xf32, #tpu.memory_space<vmem_shared>> -> memref<10000x128xf32, #tpu.memory_space<vmem_shared>>
          tpu.enqueue_indirect_dma source(%dma_start3A_227 : memref<80x128xf32, #tpu.memory_space<vmem>>) target(%dma_start3A_233 : memref<10000x128xf32, #tpu.memory_space<vmem_shared>>) offsets(%dma_start3A_230 : memref<80xi32, #tpu.memory_space<vmem>>) semaphore(%run_scoped3A_223 : memref<!tpu.dma_semaphore, #tpu.memory_space<semaphore_mem>>) {add = true}
          %dma_wait3A_234 = arith.constant 0 : i32
          %dma_wait3A_235 = arith.constant 0 : i32
          %dma_wait3A_236 = tpu.memref_slice %arg10[%run_scoped3A_170, %dma_wait3A_234, %dma_wait3A_235] : memref<2x80x128xf32, #tpu.memory_space<vmem>> -> memref<1x80x128xf32, #tpu.memory_space<vmem>>
          %dma_wait3A_237 = tpu.memref_squeeze %dma_wait3A_236 : memref<1x80x128xf32, #tpu.memory_space<vmem>> -> memref<80x128xf32, #tpu.memory_space<vmem>>
          %dma_wait3A_238 = arith.constant 0 : i32
          %dma_wait3A_239 = tpu.memref_slice %arg8[%mul3A_136, %dma_wait3A_238] : memref<25x80xi32, #tpu.memory_space<vmem>> -> memref<1x80xi32, #tpu.memory_space<vmem>>
          %dma_wait3A_240 = tpu.memref_squeeze %dma_wait3A_239 : memref<1x80xi32, #tpu.memory_space<vmem>> -> memref<80xi32, #tpu.memory_space<vmem>>
          %dma_wait3A_241 = arith.constant 0 : i32
          %dma_wait3A_242 = arith.constant 0 : i32
          %dma_wait3A_243 = tpu.memref_slice %arg11[%dma_wait3A_241, %dma_wait3A_242] : memref<10000x128xf32, #tpu.memory_space<vmem_shared>> -> memref<10000x128xf32, #tpu.memory_space<vmem_shared>>
          tpu.wait_indirect_dma semaphore(%run_scoped3A_223 : memref<!tpu.dma_semaphore, #tpu.memory_space<semaphore_mem>>) src(%dma_wait3A_237 : memref<80x128xf32, #tpu.memory_space<vmem>>) dst(%dma_wait3A_243 : memref<10000x128xf32, #tpu.memory_space<vmem_shared>>)
          tpu.yield
        }) : () -> ()
        %add3A_171 = arith.constant 2 : i32
        %add3A_172 = arith.addi %mul3A_136, %add3A_171 : i32
        %lt3A_173 = arith.constant 25 : i32
        %lt3A_174 = arith.cmpi slt, %add3A_172, %lt3A_173 : i32
        %convert_element_type3A_175 = arith.extui %lt3A_174 : i1 to i32
        %cond3A_176 = arith.constant 0 : i32
        %cond3A_177 = arith.cmpi ne, %convert_element_type3A_175, %cond3A_176 : i32
        scf.if %cond3A_177 {
          %add3A_223 = arith.constant 2 : i32
          %add3A_224 = arith.addi %mul3A_136, %add3A_223 : i32
          %mul3A_225 = arith.constant 80 : i32
          %mul3A_226 = arith.muli %add3A_224, %mul3A_225 : i32
          %add3A_227 = arith.addi %add3A_31, %mul3A_226 : i32
          %multiple_of3A_228 = tpu.assume_multiple %add3A_227, 8 : i32
          %dma_start3A_229 = arith.constant 1 : i32
          %dma_start3A_230 = arith.constant 0 : i32
          %dma_start3A_231 = arith.constant 0 : i32
          %dma_start3A_232 = arith.constant 0 : i32
          %dma_start3A_233 = tpu.memref_slice %arg9[%dma_start3A_230, %dma_start3A_231, %dma_start3A_232] : memref<2x80x128xf32, #tpu.memory_space<vmem>> -> memref<1x80x128xf32, #tpu.memory_space<vmem>>
          %dma_start3A_234 = tpu.memref_squeeze %dma_start3A_233 : memref<1x80x128xf32, #tpu.memory_space<vmem>> -> memref<80x128xf32, #tpu.memory_space<vmem>>
          %dma_start3A_235 = arith.constant 0 : i32
          %dma_start3A_236 = tpu.memref_slice %arg3[%dma_start3A_229, %multiple_of3A_228, %dma_start3A_235] : memref<3x320000x128xf32, #tpu.memory_space<hbm>> -> memref<1x80x128xf32, #tpu.memory_space<hbm>>
          %dma_start3A_237 = tpu.memref_squeeze %dma_start3A_236 : memref<1x80x128xf32, #tpu.memory_space<hbm>> -> memref<80x128xf32, #tpu.memory_space<hbm>>
          %dma_start3A_238 = arith.constant 0 : i32
          %dma_start3A_239 = arith.constant 0 : i32
          %dma_start3A_240 = tpu.memref_slice %arg9[%dma_start3A_230, %dma_start3A_238, %dma_start3A_239] : memref<2x80x128xf32, #tpu.memory_space<vmem>> -> memref<1x80x128xf32, #tpu.memory_space<vmem>>
          %dma_start3A_241 = tpu.memref_squeeze %dma_start3A_240 : memref<1x80x128xf32, #tpu.memory_space<vmem>> -> memref<80x128xf32, #tpu.memory_space<vmem>>
          %dma_start3A_242 = arith.constant 0 : i32
          %dma_start3A_243 = tpu.memref_slice %arg3[%dma_start3A_229, %multiple_of3A_228, %dma_start3A_242] : memref<3x320000x128xf32, #tpu.memory_space<hbm>> -> memref<1x80x128xf32, #tpu.memory_space<hbm>>
          %dma_start3A_244 = tpu.memref_squeeze %dma_start3A_243 : memref<1x80x128xf32, #tpu.memory_space<hbm>> -> memref<80x128xf32, #tpu.memory_space<hbm>>
          tpu.enqueue_dma source(%dma_start3A_244 : memref<80x128xf32, #tpu.memory_space<hbm>>) target(%dma_start3A_241 : memref<80x128xf32, #tpu.memory_space<vmem>>) target_semaphore(%arg12 : memref<!tpu.dma_semaphore, #tpu.memory_space<semaphore_mem>>)
          %dma_start3A_245 = arith.constant 0 : i32
          %dma_start3A_246 = arith.constant 0 : i32
          %dma_start3A_247 = arith.constant 0 : i32
          %dma_start3A_248 = tpu.memref_slice %arg10[%dma_start3A_245, %dma_start3A_246, %dma_start3A_247] : memref<2x80x128xf32, #tpu.memory_space<vmem>> -> memref<1x80x128xf32, #tpu.memory_space<vmem>>
          %dma_start3A_249 = tpu.memref_squeeze %dma_start3A_248 : memref<1x80x128xf32, #tpu.memory_space<vmem>> -> memref<80x128xf32, #tpu.memory_space<vmem>>
          %dma_start3A_250 = arith.constant 0 : i32
          %dma_start3A_251 = tpu.memref_slice %arg7[%add3A_224, %dma_start3A_250] : memref<25x80xi32, #tpu.memory_space<vmem>> -> memref<1x80xi32, #tpu.memory_space<vmem>>
          %dma_start3A_252 = tpu.memref_squeeze %dma_start3A_251 : memref<1x80xi32, #tpu.memory_space<vmem>> -> memref<80xi32, #tpu.memory_space<vmem>>
          %dma_start3A_253 = arith.constant 0 : i32
          %dma_start3A_254 = arith.constant 0 : i32
          %dma_start3A_255 = tpu.memref_slice %arg2[%dma_start3A_253, %dma_start3A_254] : memref<10000x128xf32, #tpu.memory_space<hbm>> -> memref<10000x128xf32, #tpu.memory_space<hbm>>
          tpu.enqueue_indirect_dma source(%dma_start3A_255 : memref<10000x128xf32, #tpu.memory_space<hbm>>) target(%dma_start3A_249 : memref<80x128xf32, #tpu.memory_space<vmem>>) offsets(%dma_start3A_252 : memref<80xi32, #tpu.memory_space<vmem>>) semaphore(%arg14 : memref<!tpu.dma_semaphore, #tpu.memory_space<semaphore_mem>>)
        } else {
        }
        %mul3A_178 = arith.constant 2 : i32
        %mul3A_179 = arith.muli %mul3A_178, %scan3A_134 : i32
        %add3A_180 = arith.constant 1 : i32
        %add3A_181 = arith.addi %mul3A_179, %add3A_180 : i32
        %dma_wait3A_182 = arith.constant 1 : i32
        %dma_wait3A_183 = arith.constant 1 : i32
        %dma_wait3A_184 = arith.constant 0 : i32
        %dma_wait3A_185 = arith.constant 0 : i32
        %dma_wait3A_186 = tpu.memref_slice %arg9[%dma_wait3A_183, %dma_wait3A_184, %dma_wait3A_185] : memref<2x80x128xf32, #tpu.memory_space<vmem>> -> memref<1x80x128xf32, #tpu.memory_space<vmem>>
        %dma_wait3A_187 = tpu.memref_squeeze %dma_wait3A_186 : memref<1x80x128xf32, #tpu.memory_space<vmem>> -> memref<80x128xf32, #tpu.memory_space<vmem>>
        %dma_wait3A_188 = arith.constant 0 : i32
        %dma_wait3A_189 = tpu.memref_slice %arg3[%dma_wait3A_182, %mul3A_2, %dma_wait3A_188] : memref<3x320000x128xf32, #tpu.memory_space<hbm>> -> memref<1x80x128xf32, #tpu.memory_space<hbm>>
        %dma_wait3A_190 = tpu.memref_squeeze %dma_wait3A_189 : memref<1x80x128xf32, #tpu.memory_space<hbm>> -> memref<80x128xf32, #tpu.memory_space<hbm>>
        %dma_wait3A_191 = arith.constant 0 : i32
        %dma_wait3A_192 = arith.constant 0 : i32
        %dma_wait3A_193 = tpu.memref_slice %arg9[%dma_wait3A_183, %dma_wait3A_191, %dma_wait3A_192] : memref<2x80x128xf32, #tpu.memory_space<vmem>> -> memref<1x80x128xf32, #tpu.memory_space<vmem>>
        %dma_wait3A_194 = tpu.memref_squeeze %dma_wait3A_193 : memref<1x80x128xf32, #tpu.memory_space<vmem>> -> memref<80x128xf32, #tpu.memory_space<vmem>>
        %dma_wait3A_195 = arith.constant 0 : i32
        %dma_wait3A_196 = tpu.memref_slice %arg3[%dma_wait3A_182, %mul3A_2, %dma_wait3A_195] : memref<3x320000x128xf32, #tpu.memory_space<hbm>> -> memref<1x80x128xf32, #tpu.memory_space<hbm>>
        %dma_wait3A_197 = tpu.memref_squeeze %dma_wait3A_196 : memref<1x80x128xf32, #tpu.memory_space<hbm>> -> memref<80x128xf32, #tpu.memory_space<hbm>>
        tpu.wait_dma2 semaphore(%arg13 : memref<!tpu.dma_semaphore, #tpu.memory_space<semaphore_mem>>) src(%dma_wait3A_197 : memref<80x128xf32, #tpu.memory_space<hbm>>) dst(%dma_wait3A_194 : memref<80x128xf32, #tpu.memory_space<vmem>>)
        %dma_wait3A_198 = arith.constant 1 : i32
        %dma_wait3A_199 = arith.constant 0 : i32
        %dma_wait3A_200 = arith.constant 0 : i32
        %dma_wait3A_201 = tpu.memref_slice %arg10[%dma_wait3A_198, %dma_wait3A_199, %dma_wait3A_200] : memref<2x80x128xf32, #tpu.memory_space<vmem>> -> memref<1x80x128xf32, #tpu.memory_space<vmem>>
        %dma_wait3A_202 = tpu.memref_squeeze %dma_wait3A_201 : memref<1x80x128xf32, #tpu.memory_space<vmem>> -> memref<80x128xf32, #tpu.memory_space<vmem>>
        %dma_wait3A_203 = arith.constant 0 : i32
        %dma_wait3A_204 = tpu.memref_slice %arg7[%add3A_181, %dma_wait3A_203] : memref<25x80xi32, #tpu.memory_space<vmem>> -> memref<1x80xi32, #tpu.memory_space<vmem>>
        %dma_wait3A_205 = tpu.memref_squeeze %dma_wait3A_204 : memref<1x80xi32, #tpu.memory_space<vmem>> -> memref<80xi32, #tpu.memory_space<vmem>>
        %dma_wait3A_206 = arith.constant 0 : i32
        %dma_wait3A_207 = arith.constant 0 : i32
        %dma_wait3A_208 = tpu.memref_slice %arg2[%dma_wait3A_206, %dma_wait3A_207] : memref<10000x128xf32, #tpu.memory_space<hbm>> -> memref<10000x128xf32, #tpu.memory_space<hbm>>
        tpu.wait_indirect_dma semaphore(%arg15 : memref<!tpu.dma_semaphore, #tpu.memory_space<semaphore_mem>>) src(%dma_wait3A_208 : memref<10000x128xf32, #tpu.memory_space<hbm>>) dst(%dma_wait3A_202 : memref<80x128xf32, #tpu.memory_space<vmem>>)
        %scan3A_209 = arith.constant 0 : i32
        %scan3A_210 = arith.constant 0 : i32
        %scan3A_211 = arith.constant 80 : i32
        %scan3A_212 = arith.addi %scan3A_210, %scan3A_211 : i32
        %scan3A_213 = arith.constant 1 : i32
        scf.for %scan3A_223 = %scan3A_210 to %scan3A_212 step %scan3A_213  : i32 {
          %get3A = arith.constant 1 : i32
          %get3A_224 = arith.index_cast %get3A : i32 to index
          %get3A_225 = arith.index_cast %scan3A_223 : i32 to index
          %get3A_226 = arith.constant 0 : index
          %get3A_227 = tpu.vector_load %arg10[%get3A_224, %get3A_225, %get3A_226] {strides = array<i32>} : memref<2x80x128xf32, #tpu.memory_space<vmem>>, vector<16xf32>,
          %get3A_228 = arith.constant 1 : i32
          %get3A_229 = arith.index_cast %get3A_228 : i32 to index
          %get3A_230 = arith.index_cast %scan3A_223 : i32 to index
          %get3A_231 = arith.constant 0 : index
          %get3A_232 = tpu.vector_load %arg9[%get3A_229, %get3A_230, %get3A_231] {strides = array<i32>} : memref<2x80x128xf32, #tpu.memory_space<vmem>>, vector<16xf32>,
          %add3A_233 = arith.addf %get3A_227, %get3A_232 : vector<16xf32>
          %max3A = arith.constant 0.000000e+00 : f32
          %max3A_234 = vector.broadcast %max3A : f32 to vector<16xf32>
          %max3A_235 = arith.maximumf %add3A_233, %max3A_234 : vector<16xf32>
          %swap3A = arith.constant 1 : i32
          %swap3A_236 = arith.index_cast %swap3A : i32 to index
          %swap3A_237 = arith.index_cast %scan3A_223 : i32 to index
          %swap3A_238 = arith.constant 0 : index
          %swap3A_239 = tpu.vector_load %arg10[%swap3A_236, %swap3A_237, %swap3A_238] {strides = array<i32>} : memref<2x80x128xf32, #tpu.memory_space<vmem>>, vector<16xf32>,
          tpu.vector_store %arg10[%swap3A_236, %swap3A_237, %swap3A_238], %max3A_235 {strides = array<i32>} : memref<2x80x128xf32, #tpu.memory_space<vmem>>, vector<16xf32>,
          %get3A_240 = arith.constant 1 : i32
          %get3A_241 = arith.index_cast %get3A_240 : i32 to index
          %get3A_242 = arith.index_cast %scan3A_223 : i32 to index
          %get3A_243 = arith.constant 16 : index
          %get3A_244 = tpu.vector_load %arg10[%get3A_241, %get3A_242, %get3A_243] {strides = array<i32>} : memref<2x80x128xf32, #tpu.memory_space<vmem>>, vector<16xf32>,
          %get3A_245 = arith.constant 1 : i32
          %get3A_246 = arith.index_cast %get3A_245 : i32 to index
          %get3A_247 = arith.index_cast %scan3A_223 : i32 to index
          %get3A_248 = arith.constant 16 : index
          %get3A_249 = tpu.vector_load %arg9[%get3A_246, %get3A_247, %get3A_248] {strides = array<i32>} : memref<2x80x128xf32, #tpu.memory_space<vmem>>, vector<16xf32>,
          %add3A_250 = arith.addf %get3A_244, %get3A_249 : vector<16xf32>
          %max3A_251 = arith.constant 0.000000e+00 : f32
          %max3A_252 = vector.broadcast %max3A_251 : f32 to vector<16xf32>
          %max3A_253 = arith.maximumf %add3A_250, %max3A_252 : vector<16xf32>
          %swap3A_254 = arith.constant 1 : i32
          %swap3A_255 = arith.index_cast %swap3A_254 : i32 to index
          %swap3A_256 = arith.index_cast %scan3A_223 : i32 to index
          %swap3A_257 = arith.constant 16 : index
          %swap3A_258 = tpu.vector_load %arg10[%swap3A_255, %swap3A_256, %swap3A_257] {strides = array<i32>} : memref<2x80x128xf32, #tpu.memory_space<vmem>>, vector<16xf32>,
          tpu.vector_store %arg10[%swap3A_255, %swap3A_256, %swap3A_257], %max3A_253 {strides = array<i32>} : memref<2x80x128xf32, #tpu.memory_space<vmem>>, vector<16xf32>,
          %get3A_259 = arith.constant 1 : i32
          %get3A_260 = arith.index_cast %get3A_259 : i32 to index
          %get3A_261 = arith.index_cast %scan3A_223 : i32 to index
          %get3A_262 = arith.constant 32 : index
          %get3A_263 = tpu.vector_load %arg10[%get3A_260, %get3A_261, %get3A_262] {strides = array<i32>} : memref<2x80x128xf32, #tpu.memory_space<vmem>>, vector<16xf32>,
          %get3A_264 = arith.constant 1 : i32
          %get3A_265 = arith.index_cast %get3A_264 : i32 to index
          %get3A_266 = arith.index_cast %scan3A_223 : i32 to index
          %get3A_267 = arith.constant 32 : index
          %get3A_268 = tpu.vector_load %arg9[%get3A_265, %get3A_266, %get3A_267] {strides = array<i32>} : memref<2x80x128xf32, #tpu.memory_space<vmem>>, vector<16xf32>,
          %add3A_269 = arith.addf %get3A_263, %get3A_268 : vector<16xf32>
          %max3A_270 = arith.constant 0.000000e+00 : f32
          %max3A_271 = vector.broadcast %max3A_270 : f32 to vector<16xf32>
          %max3A_272 = arith.maximumf %add3A_269, %max3A_271 : vector<16xf32>
          %swap3A_273 = arith.constant 1 : i32
          %swap3A_274 = arith.index_cast %swap3A_273 : i32 to index
          %swap3A_275 = arith.index_cast %scan3A_223 : i32 to index
          %swap3A_276 = arith.constant 32 : index
          %swap3A_277 = tpu.vector_load %arg10[%swap3A_274, %swap3A_275, %swap3A_276] {strides = array<i32>} : memref<2x80x128xf32, #tpu.memory_space<vmem>>, vector<16xf32>,
          tpu.vector_store %arg10[%swap3A_274, %swap3A_275, %swap3A_276], %max3A_272 {strides = array<i32>} : memref<2x80x128xf32, #tpu.memory_space<vmem>>, vector<16xf32>,
          %get3A_278 = arith.constant 1 : i32
          %get3A_279 = arith.index_cast %get3A_278 : i32 to index
          %get3A_280 = arith.index_cast %scan3A_223 : i32 to index
          %get3A_281 = arith.constant 48 : index
          %get3A_282 = tpu.vector_load %arg10[%get3A_279, %get3A_280, %get3A_281] {strides = array<i32>} : memref<2x80x128xf32, #tpu.memory_space<vmem>>, vector<16xf32>,
          %get3A_283 = arith.constant 1 : i32
          %get3A_284 = arith.index_cast %get3A_283 : i32 to index
          %get3A_285 = arith.index_cast %scan3A_223 : i32 to index
          %get3A_286 = arith.constant 48 : index
          %get3A_287 = tpu.vector_load %arg9[%get3A_284, %get3A_285, %get3A_286] {strides = array<i32>} : memref<2x80x128xf32, #tpu.memory_space<vmem>>, vector<16xf32>,
          %add3A_288 = arith.addf %get3A_282, %get3A_287 : vector<16xf32>
          %max3A_289 = arith.constant 0.000000e+00 : f32
          %max3A_290 = vector.broadcast %max3A_289 : f32 to vector<16xf32>
          %max3A_291 = arith.maximumf %add3A_288, %max3A_290 : vector<16xf32>
          %swap3A_292 = arith.constant 1 : i32
          %swap3A_293 = arith.index_cast %swap3A_292 : i32 to index
          %swap3A_294 = arith.index_cast %scan3A_223 : i32 to index
          %swap3A_295 = arith.constant 48 : index
          %swap3A_296 = tpu.vector_load %arg10[%swap3A_293, %swap3A_294, %swap3A_295] {strides = array<i32>} : memref<2x80x128xf32, #tpu.memory_space<vmem>>, vector<16xf32>,
          tpu.vector_store %arg10[%swap3A_293, %swap3A_294, %swap3A_295], %max3A_291 {strides = array<i32>} : memref<2x80x128xf32, #tpu.memory_space<vmem>>, vector<16xf32>,
          %get3A_297 = arith.constant 1 : i32
          %get3A_298 = arith.index_cast %get3A_297 : i32 to index
          %get3A_299 = arith.index_cast %scan3A_223 : i32 to index
          %get3A_300 = arith.constant 64 : index
          %get3A_301 = tpu.vector_load %arg10[%get3A_298, %get3A_299, %get3A_300] {strides = array<i32>} : memref<2x80x128xf32, #tpu.memory_space<vmem>>, vector<16xf32>,
          %get3A_302 = arith.constant 1 : i32
          %get3A_303 = arith.index_cast %get3A_302 : i32 to index
          %get3A_304 = arith.index_cast %scan3A_223 : i32 to index
          %get3A_305 = arith.constant 64 : index
          %get3A_306 = tpu.vector_load %arg9[%get3A_303, %get3A_304, %get3A_305] {strides = array<i32>} : memref<2x80x128xf32, #tpu.memory_space<vmem>>, vector<16xf32>,
          %add3A_307 = arith.addf %get3A_301, %get3A_306 : vector<16xf32>
          %max3A_308 = arith.constant 0.000000e+00 : f32
          %max3A_309 = vector.broadcast %max3A_308 : f32 to vector<16xf32>
          %max3A_310 = arith.maximumf %add3A_307, %max3A_309 : vector<16xf32>
          %swap3A_311 = arith.constant 1 : i32
          %swap3A_312 = arith.index_cast %swap3A_311 : i32 to index
          %swap3A_313 = arith.index_cast %scan3A_223 : i32 to index
          %swap3A_314 = arith.constant 64 : index
          %swap3A_315 = tpu.vector_load %arg10[%swap3A_312, %swap3A_313, %swap3A_314] {strides = array<i32>} : memref<2x80x128xf32, #tpu.memory_space<vmem>>, vector<16xf32>,
          tpu.vector_store %arg10[%swap3A_312, %swap3A_313, %swap3A_314], %max3A_310 {strides = array<i32>} : memref<2x80x128xf32, #tpu.memory_space<vmem>>, vector<16xf32>,
          %get3A_316 = arith.constant 1 : i32
          %get3A_317 = arith.index_cast %get3A_316 : i32 to index
          %get3A_318 = arith.index_cast %scan3A_223 : i32 to index
          %get3A_319 = arith.constant 80 : index
          %get3A_320 = tpu.vector_load %arg10[%get3A_317, %get3A_318, %get3A_319] {strides = array<i32>} : memref<2x80x128xf32, #tpu.memory_space<vmem>>, vector<16xf32>,
          %get3A_321 = arith.constant 1 : i32
          %get3A_322 = arith.index_cast %get3A_321 : i32 to index
          %get3A_323 = arith.index_cast %scan3A_223 : i32 to index
          %get3A_324 = arith.constant 80 : index
          %get3A_325 = tpu.vector_load %arg9[%get3A_322, %get3A_323, %get3A_324] {strides = array<i32>} : memref<2x80x128xf32, #tpu.memory_space<vmem>>, vector<16xf32>,
          %add3A_326 = arith.addf %get3A_320, %get3A_325 : vector<16xf32>
          %max3A_327 = arith.constant 0.000000e+00 : f32
          %max3A_328 = vector.broadcast %max3A_327 : f32 to vector<16xf32>
          %max3A_329 = arith.maximumf %add3A_326, %max3A_328 : vector<16xf32>
          %swap3A_330 = arith.constant 1 : i32
          %swap3A_331 = arith.index_cast %swap3A_330 : i32 to index
          %swap3A_332 = arith.index_cast %scan3A_223 : i32 to index
          %swap3A_333 = arith.constant 80 : index
          %swap3A_334 = tpu.vector_load %arg10[%swap3A_331, %swap3A_332, %swap3A_333] {strides = array<i32>} : memref<2x80x128xf32, #tpu.memory_space<vmem>>, vector<16xf32>,
          tpu.vector_store %arg10[%swap3A_331, %swap3A_332, %swap3A_333], %max3A_329 {strides = array<i32>} : memref<2x80x128xf32, #tpu.memory_space<vmem>>, vector<16xf32>,
          %get3A_335 = arith.constant 1 : i32
          %get3A_336 = arith.index_cast %get3A_335 : i32 to index
          %get3A_337 = arith.index_cast %scan3A_223 : i32 to index
          %get3A_338 = arith.constant 96 : index
          %get3A_339 = tpu.vector_load %arg10[%get3A_336, %get3A_337, %get3A_338] {strides = array<i32>} : memref<2x80x128xf32, #tpu.memory_space<vmem>>, vector<16xf32>,
          %get3A_340 = arith.constant 1 : i32
          %get3A_341 = arith.index_cast %get3A_340 : i32 to index
          %get3A_342 = arith.index_cast %scan3A_223 : i32 to index
          %get3A_343 = arith.constant 96 : index
          %get3A_344 = tpu.vector_load %arg9[%get3A_341, %get3A_342, %get3A_343] {strides = array<i32>} : memref<2x80x128xf32, #tpu.memory_space<vmem>>, vector<16xf32>,
          %add3A_345 = arith.addf %get3A_339, %get3A_344 : vector<16xf32>
          %max3A_346 = arith.constant 0.000000e+00 : f32
          %max3A_347 = vector.broadcast %max3A_346 : f32 to vector<16xf32>
          %max3A_348 = arith.maximumf %add3A_345, %max3A_347 : vector<16xf32>
          %swap3A_349 = arith.constant 1 : i32
          %swap3A_350 = arith.index_cast %swap3A_349 : i32 to index
          %swap3A_351 = arith.index_cast %scan3A_223 : i32 to index
          %swap3A_352 = arith.constant 96 : index
          %swap3A_353 = tpu.vector_load %arg10[%swap3A_350, %swap3A_351, %swap3A_352] {strides = array<i32>} : memref<2x80x128xf32, #tpu.memory_space<vmem>>, vector<16xf32>,
          tpu.vector_store %arg10[%swap3A_350, %swap3A_351, %swap3A_352], %max3A_348 {strides = array<i32>} : memref<2x80x128xf32, #tpu.memory_space<vmem>>, vector<16xf32>,
          %get3A_354 = arith.constant 1 : i32
          %get3A_355 = arith.index_cast %get3A_354 : i32 to index
          %get3A_356 = arith.index_cast %scan3A_223 : i32 to index
          %get3A_357 = arith.constant 112 : index
          %get3A_358 = tpu.vector_load %arg10[%get3A_355, %get3A_356, %get3A_357] {strides = array<i32>} : memref<2x80x128xf32, #tpu.memory_space<vmem>>, vector<16xf32>,
          %get3A_359 = arith.constant 1 : i32
          %get3A_360 = arith.index_cast %get3A_359 : i32 to index
          %get3A_361 = arith.index_cast %scan3A_223 : i32 to index
          %get3A_362 = arith.constant 112 : index
          %get3A_363 = tpu.vector_load %arg9[%get3A_360, %get3A_361, %get3A_362] {strides = array<i32>} : memref<2x80x128xf32, #tpu.memory_space<vmem>>, vector<16xf32>,
          %add3A_364 = arith.addf %get3A_358, %get3A_363 : vector<16xf32>
          %max3A_365 = arith.constant 0.000000e+00 : f32
          %max3A_366 = vector.broadcast %max3A_365 : f32 to vector<16xf32>
          %max3A_367 = arith.maximumf %add3A_364, %max3A_366 : vector<16xf32>
          %swap3A_368 = arith.constant 1 : i32
          %swap3A_369 = arith.index_cast %swap3A_368 : i32 to index
          %swap3A_370 = arith.index_cast %scan3A_223 : i32 to index
          %swap3A_371 = arith.constant 112 : index
          %swap3A_372 = tpu.vector_load %arg10[%swap3A_369, %swap3A_370, %swap3A_371] {strides = array<i32>} : memref<2x80x128xf32, #tpu.memory_space<vmem>>, vector<16xf32>,
          tpu.vector_store %arg10[%swap3A_369, %swap3A_370, %swap3A_371], %max3A_367 {strides = array<i32>} : memref<2x80x128xf32, #tpu.memory_space<vmem>>, vector<16xf32>,
        }
        %scan3A_214 = arith.constant 80 : i32
        %run_scoped3A_215 = arith.constant 1 : i32
        "tpu.region"() ({
          %run_scoped3A_223 = tpu.sem_alloc : memref<!tpu.dma_semaphore, #tpu.memory_space<semaphore_mem>>
          %dma_start3A_224 = arith.constant 0 : i32
          %dma_start3A_225 = arith.constant 0 : i32
          %dma_start3A_226 = tpu.memref_slice %arg10[%run_scoped3A_215, %dma_start3A_224, %dma_start3A_225] : memref<2x80x128xf32, #tpu.memory_space<vmem>> -> memref<1x80x128xf32, #tpu.memory_space<vmem>>
          %dma_start3A_227 = tpu.memref_squeeze %dma_start3A_226 : memref<1x80x128xf32, #tpu.memory_space<vmem>> -> memref<80x128xf32, #tpu.memory_space<vmem>>
          %dma_start3A_228 = arith.constant 0 : i32
          %dma_start3A_229 = tpu.memref_slice %arg8[%add3A_181, %dma_start3A_228] : memref<25x80xi32, #tpu.memory_space<vmem>> -> memref<1x80xi32, #tpu.memory_space<vmem>>
          %dma_start3A_230 = tpu.memref_squeeze %dma_start3A_229 : memref<1x80xi32, #tpu.memory_space<vmem>> -> memref<80xi32, #tpu.memory_space<vmem>>
          %dma_start3A_231 = arith.constant 0 : i32
          %dma_start3A_232 = arith.constant 0 : i32
          %dma_start3A_233 = tpu.memref_slice %arg11[%dma_start3A_231, %dma_start3A_232] : memref<10000x128xf32, #tpu.memory_space<vmem_shared>> -> memref<10000x128xf32, #tpu.memory_space<vmem_shared>>
          tpu.enqueue_indirect_dma source(%dma_start3A_227 : memref<80x128xf32, #tpu.memory_space<vmem>>) target(%dma_start3A_233 : memref<10000x128xf32, #tpu.memory_space<vmem_shared>>) offsets(%dma_start3A_230 : memref<80xi32, #tpu.memory_space<vmem>>) semaphore(%run_scoped3A_223 : memref<!tpu.dma_semaphore, #tpu.memory_space<semaphore_mem>>) {add = true}
          %dma_wait3A_234 = arith.constant 0 : i32
          %dma_wait3A_235 = arith.constant 0 : i32
          %dma_wait3A_236 = tpu.memref_slice %arg10[%run_scoped3A_215, %dma_wait3A_234, %dma_wait3A_235] : memref<2x80x128xf32, #tpu.memory_space<vmem>> -> memref<1x80x128xf32, #tpu.memory_space<vmem>>
          %dma_wait3A_237 = tpu.memref_squeeze %dma_wait3A_236 : memref<1x80x128xf32, #tpu.memory_space<vmem>> -> memref<80x128xf32, #tpu.memory_space<vmem>>
          %dma_wait3A_238 = arith.constant 0 : i32
          %dma_wait3A_239 = tpu.memref_slice %arg8[%add3A_181, %dma_wait3A_238] : memref<25x80xi32, #tpu.memory_space<vmem>> -> memref<1x80xi32, #tpu.memory_space<vmem>>
          %dma_wait3A_240 = tpu.memref_squeeze %dma_wait3A_239 : memref<1x80xi32, #tpu.memory_space<vmem>> -> memref<80xi32, #tpu.memory_space<vmem>>
          %dma_wait3A_241 = arith.constant 0 : i32
          %dma_wait3A_242 = arith.constant 0 : i32
          %dma_wait3A_243 = tpu.memref_slice %arg11[%dma_wait3A_241, %dma_wait3A_242] : memref<10000x128xf32, #tpu.memory_space<vmem_shared>> -> memref<10000x128xf32, #tpu.memory_space<vmem_shared>>
          tpu.wait_indirect_dma semaphore(%run_scoped3A_223 : memref<!tpu.dma_semaphore, #tpu.memory_space<semaphore_mem>>) src(%dma_wait3A_237 : memref<80x128xf32, #tpu.memory_space<vmem>>) dst(%dma_wait3A_243 : memref<10000x128xf32, #tpu.memory_space<vmem_shared>>)
          tpu.yield
        }) : () -> ()
        %add3A_216 = arith.constant 2 : i32
        %add3A_217 = arith.addi %add3A_181, %add3A_216 : i32
        %lt3A_218 = arith.constant 25 : i32
        %lt3A_219 = arith.cmpi slt, %add3A_217, %lt3A_218 : i32
        %convert_element_type3A_220 = arith.extui %lt3A_219 : i1 to i32
        %cond3A_221 = arith.constant 0 : i32
        %cond3A_222 = arith.cmpi ne, %convert_element_type3A_220, %cond3A_221 : i32
        scf.if %cond3A_222 {
          %add3A_223 = arith.constant 2 : i32
          %add3A_224 = arith.addi %add3A_181, %add3A_223 : i32
          %mul3A_225 = arith.constant 80 : i32
          %mul3A_226 = arith.muli %add3A_224, %mul3A_225 : i32
          %add3A_227 = arith.addi %add3A_31, %mul3A_226 : i32
          %multiple_of3A_228 = tpu.assume_multiple %add3A_227, 8 : i32
          %dma_start3A_229 = arith.constant 1 : i32
          %dma_start3A_230 = arith.constant 1 : i32
          %dma_start3A_231 = arith.constant 0 : i32
          %dma_start3A_232 = arith.constant 0 : i32
          %dma_start3A_233 = tpu.memref_slice %arg9[%dma_start3A_230, %dma_start3A_231, %dma_start3A_232] : memref<2x80x128xf32, #tpu.memory_space<vmem>> -> memref<1x80x128xf32, #tpu.memory_space<vmem>>
          %dma_start3A_234 = tpu.memref_squeeze %dma_start3A_233 : memref<1x80x128xf32, #tpu.memory_space<vmem>> -> memref<80x128xf32, #tpu.memory_space<vmem>>
          %dma_start3A_235 = arith.constant 0 : i32
          %dma_start3A_236 = tpu.memref_slice %arg3[%dma_start3A_229, %multiple_of3A_228, %dma_start3A_235] : memref<3x320000x128xf32, #tpu.memory_space<hbm>> -> memref<1x80x128xf32, #tpu.memory_space<hbm>>
          %dma_start3A_237 = tpu.memref_squeeze %dma_start3A_236 : memref<1x80x128xf32, #tpu.memory_space<hbm>> -> memref<80x128xf32, #tpu.memory_space<hbm>>
          %dma_start3A_238 = arith.constant 0 : i32
          %dma_start3A_239 = arith.constant 0 : i32
          %dma_start3A_240 = tpu.memref_slice %arg9[%dma_start3A_230, %dma_start3A_238, %dma_start3A_239] : memref<2x80x128xf32, #tpu.memory_space<vmem>> -> memref<1x80x128xf32, #tpu.memory_space<vmem>>
          %dma_start3A_241 = tpu.memref_squeeze %dma_start3A_240 : memref<1x80x128xf32, #tpu.memory_space<vmem>> -> memref<80x128xf32, #tpu.memory_space<vmem>>
          %dma_start3A_242 = arith.constant 0 : i32
          %dma_start3A_243 = tpu.memref_slice %arg3[%dma_start3A_229, %multiple_of3A_228, %dma_start3A_242] : memref<3x320000x128xf32, #tpu.memory_space<hbm>> -> memref<1x80x128xf32, #tpu.memory_space<hbm>>
          %dma_start3A_244 = tpu.memref_squeeze %dma_start3A_243 : memref<1x80x128xf32, #tpu.memory_space<hbm>> -> memref<80x128xf32, #tpu.memory_space<hbm>>
          tpu.enqueue_dma source(%dma_start3A_244 : memref<80x128xf32, #tpu.memory_space<hbm>>) target(%dma_start3A_241 : memref<80x128xf32, #tpu.memory_space<vmem>>) target_semaphore(%arg13 : memref<!tpu.dma_semaphore, #tpu.memory_space<semaphore_mem>>)
          %dma_start3A_245 = arith.constant 1 : i32
          %dma_start3A_246 = arith.constant 0 : i32
          %dma_start3A_247 = arith.constant 0 : i32
          %dma_start3A_248 = tpu.memref_slice %arg10[%dma_start3A_245, %dma_start3A_246, %dma_start3A_247] : memref<2x80x128xf32, #tpu.memory_space<vmem>> -> memref<1x80x128xf32, #tpu.memory_space<vmem>>
          %dma_start3A_249 = tpu.memref_squeeze %dma_start3A_248 : memref<1x80x128xf32, #tpu.memory_space<vmem>> -> memref<80x128xf32, #tpu.memory_space<vmem>>
          %dma_start3A_250 = arith.constant 0 : i32
          %dma_start3A_251 = tpu.memref_slice %arg7[%add3A_224, %dma_start3A_250] : memref<25x80xi32, #tpu.memory_space<vmem>> -> memref<1x80xi32, #tpu.memory_space<vmem>>
          %dma_start3A_252 = tpu.memref_squeeze %dma_start3A_251 : memref<1x80xi32, #tpu.memory_space<vmem>> -> memref<80xi32, #tpu.memory_space<vmem>>
          %dma_start3A_253 = arith.constant 0 : i32
          %dma_start3A_254 = arith.constant 0 : i32
          %dma_start3A_255 = tpu.memref_slice %arg2[%dma_start3A_253, %dma_start3A_254] : memref<10000x128xf32, #tpu.memory_space<hbm>> -> memref<10000x128xf32, #tpu.memory_space<hbm>>
          tpu.enqueue_indirect_dma source(%dma_start3A_255 : memref<10000x128xf32, #tpu.memory_space<hbm>>) target(%dma_start3A_249 : memref<80x128xf32, #tpu.memory_space<vmem>>) offsets(%dma_start3A_252 : memref<80xi32, #tpu.memory_space<vmem>>) semaphore(%arg15 : memref<!tpu.dma_semaphore, #tpu.memory_space<semaphore_mem>>)
        } else {
        }
      }
      %scan3A_98 = arith.constant 12 : i32
      %dma_wait3A = arith.constant 1 : i32
      %dma_wait3A_99 = arith.constant 0 : i32
      %dma_wait3A_100 = arith.constant 0 : i32
      %dma_wait3A_101 = arith.constant 0 : i32
      %dma_wait3A_102 = tpu.memref_slice %arg9[%dma_wait3A_99, %dma_wait3A_100, %dma_wait3A_101] : memref<2x80x128xf32, #tpu.memory_space<vmem>> -> memref<1x80x128xf32, #tpu.memory_space<vmem>>
      %dma_wait3A_103 = tpu.memref_squeeze %dma_wait3A_102 : memref<1x80x128xf32, #tpu.memory_space<vmem>> -> memref<80x128xf32, #tpu.memory_space<vmem>>
      %dma_wait3A_104 = arith.constant 0 : i32
      %dma_wait3A_105 = tpu.memref_slice %arg3[%dma_wait3A, %mul3A_2, %dma_wait3A_104] : memref<3x320000x128xf32, #tpu.memory_space<hbm>> -> memref<1x80x128xf32, #tpu.memory_space<hbm>>
      %dma_wait3A_106 = tpu.memref_squeeze %dma_wait3A_105 : memref<1x80x128xf32, #tpu.memory_space<hbm>> -> memref<80x128xf32, #tpu.memory_space<hbm>>
      %dma_wait3A_107 = arith.constant 0 : i32
      %dma_wait3A_108 = arith.constant 0 : i32
      %dma_wait3A_109 = tpu.memref_slice %arg9[%dma_wait3A_99, %dma_wait3A_107, %dma_wait3A_108] : memref<2x80x128xf32, #tpu.memory_space<vmem>> -> memref<1x80x128xf32, #tpu.memory_space<vmem>>
      %dma_wait3A_110 = tpu.memref_squeeze %dma_wait3A_109 : memref<1x80x128xf32, #tpu.memory_space<vmem>> -> memref<80x128xf32, #tpu.memory_space<vmem>>
      %dma_wait3A_111 = arith.constant 0 : i32
      %dma_wait3A_112 = tpu.memref_slice %arg3[%dma_wait3A, %mul3A_2, %dma_wait3A_111] : memref<3x320000x128xf32, #tpu.memory_space<hbm>> -> memref<1x80x128xf32, #tpu.memory_space<hbm>>
      %dma_wait3A_113 = tpu.memref_squeeze %dma_wait3A_112 : memref<1x80x128xf32, #tpu.memory_space<hbm>> -> memref<80x128xf32, #tpu.memory_space<hbm>>
      tpu.wait_dma2 semaphore(%arg12 : memref<!tpu.dma_semaphore, #tpu.memory_space<semaphore_mem>>) src(%dma_wait3A_113 : memref<80x128xf32, #tpu.memory_space<hbm>>) dst(%dma_wait3A_110 : memref<80x128xf32, #tpu.memory_space<vmem>>)
      %dma_wait3A_114 = arith.constant 24 : i32
      %dma_wait3A_115 = arith.constant 0 : i32
      %dma_wait3A_116 = arith.constant 0 : i32
      %dma_wait3A_117 = arith.constant 0 : i32
      %dma_wait3A_118 = tpu.memref_slice %arg10[%dma_wait3A_115, %dma_wait3A_116, %dma_wait3A_117] : memref<2x80x128xf32, #tpu.memory_space<vmem>> -> memref<1x80x128xf32, #tpu.memory_space<vmem>>
      %dma_wait3A_119 = tpu.memref_squeeze %dma_wait3A_118 : memref<1x80x128xf32, #tpu.memory_space<vmem>> -> memref<80x128xf32, #tpu.memory_space<vmem>>
      %dma_wait3A_120 = arith.constant 0 : i32
      %dma_wait3A_121 = tpu.memref_slice %arg7[%dma_wait3A_114, %dma_wait3A_120] : memref<25x80xi32, #tpu.memory_space<vmem>> -> memref<1x80xi32, #tpu.memory_space<vmem>>
      %dma_wait3A_122 = tpu.memref_squeeze %dma_wait3A_121 : memref<1x80xi32, #tpu.memory_space<vmem>> -> memref<80xi32, #tpu.memory_space<vmem>>
      %dma_wait3A_123 = arith.constant 0 : i32
      %dma_wait3A_124 = arith.constant 0 : i32
      %dma_wait3A_125 = tpu.memref_slice %arg2[%dma_wait3A_123, %dma_wait3A_124] : memref<10000x128xf32, #tpu.memory_space<hbm>> -> memref<10000x128xf32, #tpu.memory_space<hbm>>
      tpu.wait_indirect_dma semaphore(%arg14 : memref<!tpu.dma_semaphore, #tpu.memory_space<semaphore_mem>>) src(%dma_wait3A_125 : memref<10000x128xf32, #tpu.memory_space<hbm>>) dst(%dma_wait3A_119 : memref<80x128xf32, #tpu.memory_space<vmem>>)
      %scan3A_126 = arith.constant 0 : i32
      %scan3A_127 = arith.constant 0 : i32
      %scan3A_128 = arith.constant 80 : i32
      %scan3A_129 = arith.addi %scan3A_127, %scan3A_128 : i32
      %scan3A_130 = arith.constant 1 : i32
      scf.for %scan3A_134 = %scan3A_127 to %scan3A_129 step %scan3A_130  : i32 {
        %get3A = arith.constant 0 : i32
        %get3A_135 = arith.index_cast %get3A : i32 to index
        %get3A_136 = arith.index_cast %scan3A_134 : i32 to index
        %get3A_137 = arith.constant 0 : index
        %get3A_138 = tpu.vector_load %arg10[%get3A_135, %get3A_136, %get3A_137] {strides = array<i32>} : memref<2x80x128xf32, #tpu.memory_space<vmem>>, vector<16xf32>,
        %get3A_139 = arith.constant 0 : i32
        %get3A_140 = arith.index_cast %get3A_139 : i32 to index
        %get3A_141 = arith.index_cast %scan3A_134 : i32 to index
        %get3A_142 = arith.constant 0 : index
        %get3A_143 = tpu.vector_load %arg9[%get3A_140, %get3A_141, %get3A_142] {strides = array<i32>} : memref<2x80x128xf32, #tpu.memory_space<vmem>>, vector<16xf32>,
        %add3A_144 = arith.addf %get3A_138, %get3A_143 : vector<16xf32>
        %max3A = arith.constant 0.000000e+00 : f32
        %max3A_145 = vector.broadcast %max3A : f32 to vector<16xf32>
        %max3A_146 = arith.maximumf %add3A_144, %max3A_145 : vector<16xf32>
        %swap3A = arith.constant 0 : i32
        %swap3A_147 = arith.index_cast %swap3A : i32 to index
        %swap3A_148 = arith.index_cast %scan3A_134 : i32 to index
        %swap3A_149 = arith.constant 0 : index
        %swap3A_150 = tpu.vector_load %arg10[%swap3A_147, %swap3A_148, %swap3A_149] {strides = array<i32>} : memref<2x80x128xf32, #tpu.memory_space<vmem>>, vector<16xf32>,
        tpu.vector_store %arg10[%swap3A_147, %swap3A_148, %swap3A_149], %max3A_146 {strides = array<i32>} : memref<2x80x128xf32, #tpu.memory_space<vmem>>, vector<16xf32>,
        %get3A_151 = arith.constant 0 : i32
        %get3A_152 = arith.index_cast %get3A_151 : i32 to index
        %get3A_153 = arith.index_cast %scan3A_134 : i32 to index
        %get3A_154 = arith.constant 16 : index
        %get3A_155 = tpu.vector_load %arg10[%get3A_152, %get3A_153, %get3A_154] {strides = array<i32>} : memref<2x80x128xf32, #tpu.memory_space<vmem>>, vector<16xf32>,
        %get3A_156 = arith.constant 0 : i32
        %get3A_157 = arith.index_cast %get3A_156 : i32 to index
        %get3A_158 = arith.index_cast %scan3A_134 : i32 to index
        %get3A_159 = arith.constant 16 : index
        %get3A_160 = tpu.vector_load %arg9[%get3A_157, %get3A_158, %get3A_159] {strides = array<i32>} : memref<2x80x128xf32, #tpu.memory_space<vmem>>, vector<16xf32>,
        %add3A_161 = arith.addf %get3A_155, %get3A_160 : vector<16xf32>
        %max3A_162 = arith.constant 0.000000e+00 : f32
        %max3A_163 = vector.broadcast %max3A_162 : f32 to vector<16xf32>
        %max3A_164 = arith.maximumf %add3A_161, %max3A_163 : vector<16xf32>
        %swap3A_165 = arith.constant 0 : i32
        %swap3A_166 = arith.index_cast %swap3A_165 : i32 to index
        %swap3A_167 = arith.index_cast %scan3A_134 : i32 to index
        %swap3A_168 = arith.constant 16 : index
        %swap3A_169 = tpu.vector_load %arg10[%swap3A_166, %swap3A_167, %swap3A_168] {strides = array<i32>} : memref<2x80x128xf32, #tpu.memory_space<vmem>>, vector<16xf32>,
        tpu.vector_store %arg10[%swap3A_166, %swap3A_167, %swap3A_168], %max3A_164 {strides = array<i32>} : memref<2x80x128xf32, #tpu.memory_space<vmem>>, vector<16xf32>,
        %get3A_170 = arith.constant 0 : i32
        %get3A_171 = arith.index_cast %get3A_170 : i32 to index
        %get3A_172 = arith.index_cast %scan3A_134 : i32 to index
        %get3A_173 = arith.constant 32 : index
        %get3A_174 = tpu.vector_load %arg10[%get3A_171, %get3A_172, %get3A_173] {strides = array<i32>} : memref<2x80x128xf32, #tpu.memory_space<vmem>>, vector<16xf32>,
        %get3A_175 = arith.constant 0 : i32
        %get3A_176 = arith.index_cast %get3A_175 : i32 to index
        %get3A_177 = arith.index_cast %scan3A_134 : i32 to index
        %get3A_178 = arith.constant 32 : index
        %get3A_179 = tpu.vector_load %arg9[%get3A_176, %get3A_177, %get3A_178] {strides = array<i32>} : memref<2x80x128xf32, #tpu.memory_space<vmem>>, vector<16xf32>,
        %add3A_180 = arith.addf %get3A_174, %get3A_179 : vector<16xf32>
        %max3A_181 = arith.constant 0.000000e+00 : f32
        %max3A_182 = vector.broadcast %max3A_181 : f32 to vector<16xf32>
        %max3A_183 = arith.maximumf %add3A_180, %max3A_182 : vector<16xf32>
        %swap3A_184 = arith.constant 0 : i32
        %swap3A_185 = arith.index_cast %swap3A_184 : i32 to index
        %swap3A_186 = arith.index_cast %scan3A_134 : i32 to index
        %swap3A_187 = arith.constant 32 : index
        %swap3A_188 = tpu.vector_load %arg10[%swap3A_185, %swap3A_186, %swap3A_187] {strides = array<i32>} : memref<2x80x128xf32, #tpu.memory_space<vmem>>, vector<16xf32>,
        tpu.vector_store %arg10[%swap3A_185, %swap3A_186, %swap3A_187], %max3A_183 {strides = array<i32>} : memref<2x80x128xf32, #tpu.memory_space<vmem>>, vector<16xf32>,
        %get3A_189 = arith.constant 0 : i32
        %get3A_190 = arith.index_cast %get3A_189 : i32 to index
        %get3A_191 = arith.index_cast %scan3A_134 : i32 to index
        %get3A_192 = arith.constant 48 : index
        %get3A_193 = tpu.vector_load %arg10[%get3A_190, %get3A_191, %get3A_192] {strides = array<i32>} : memref<2x80x128xf32, #tpu.memory_space<vmem>>, vector<16xf32>,
        %get3A_194 = arith.constant 0 : i32
        %get3A_195 = arith.index_cast %get3A_194 : i32 to index
        %get3A_196 = arith.index_cast %scan3A_134 : i32 to index
        %get3A_197 = arith.constant 48 : index
        %get3A_198 = tpu.vector_load %arg9[%get3A_195, %get3A_196, %get3A_197] {strides = array<i32>} : memref<2x80x128xf32, #tpu.memory_space<vmem>>, vector<16xf32>,
        %add3A_199 = arith.addf %get3A_193, %get3A_198 : vector<16xf32>
        %max3A_200 = arith.constant 0.000000e+00 : f32
        %max3A_201 = vector.broadcast %max3A_200 : f32 to vector<16xf32>
        %max3A_202 = arith.maximumf %add3A_199, %max3A_201 : vector<16xf32>
        %swap3A_203 = arith.constant 0 : i32
        %swap3A_204 = arith.index_cast %swap3A_203 : i32 to index
        %swap3A_205 = arith.index_cast %scan3A_134 : i32 to index
        %swap3A_206 = arith.constant 48 : index
        %swap3A_207 = tpu.vector_load %arg10[%swap3A_204, %swap3A_205, %swap3A_206] {strides = array<i32>} : memref<2x80x128xf32, #tpu.memory_space<vmem>>, vector<16xf32>,
        tpu.vector_store %arg10[%swap3A_204, %swap3A_205, %swap3A_206], %max3A_202 {strides = array<i32>} : memref<2x80x128xf32, #tpu.memory_space<vmem>>, vector<16xf32>,
        %get3A_208 = arith.constant 0 : i32
        %get3A_209 = arith.index_cast %get3A_208 : i32 to index
        %get3A_210 = arith.index_cast %scan3A_134 : i32 to index
        %get3A_211 = arith.constant 64 : index
        %get3A_212 = tpu.vector_load %arg10[%get3A_209, %get3A_210, %get3A_211] {strides = array<i32>} : memref<2x80x128xf32, #tpu.memory_space<vmem>>, vector<16xf32>,
        %get3A_213 = arith.constant 0 : i32
        %get3A_214 = arith.index_cast %get3A_213 : i32 to index
        %get3A_215 = arith.index_cast %scan3A_134 : i32 to index
        %get3A_216 = arith.constant 64 : index
        %get3A_217 = tpu.vector_load %arg9[%get3A_214, %get3A_215, %get3A_216] {strides = array<i32>} : memref<2x80x128xf32, #tpu.memory_space<vmem>>, vector<16xf32>,
        %add3A_218 = arith.addf %get3A_212, %get3A_217 : vector<16xf32>
        %max3A_219 = arith.constant 0.000000e+00 : f32
        %max3A_220 = vector.broadcast %max3A_219 : f32 to vector<16xf32>
        %max3A_221 = arith.maximumf %add3A_218, %max3A_220 : vector<16xf32>
        %swap3A_222 = arith.constant 0 : i32
        %swap3A_223 = arith.index_cast %swap3A_222 : i32 to index
        %swap3A_224 = arith.index_cast %scan3A_134 : i32 to index
        %swap3A_225 = arith.constant 64 : index
        %swap3A_226 = tpu.vector_load %arg10[%swap3A_223, %swap3A_224, %swap3A_225] {strides = array<i32>} : memref<2x80x128xf32, #tpu.memory_space<vmem>>, vector<16xf32>,
        tpu.vector_store %arg10[%swap3A_223, %swap3A_224, %swap3A_225], %max3A_221 {strides = array<i32>} : memref<2x80x128xf32, #tpu.memory_space<vmem>>, vector<16xf32>,
        %get3A_227 = arith.constant 0 : i32
        %get3A_228 = arith.index_cast %get3A_227 : i32 to index
        %get3A_229 = arith.index_cast %scan3A_134 : i32 to index
        %get3A_230 = arith.constant 80 : index
        %get3A_231 = tpu.vector_load %arg10[%get3A_228, %get3A_229, %get3A_230] {strides = array<i32>} : memref<2x80x128xf32, #tpu.memory_space<vmem>>, vector<16xf32>,
        %get3A_232 = arith.constant 0 : i32
        %get3A_233 = arith.index_cast %get3A_232 : i32 to index
        %get3A_234 = arith.index_cast %scan3A_134 : i32 to index
        %get3A_235 = arith.constant 80 : index
        %get3A_236 = tpu.vector_load %arg9[%get3A_233, %get3A_234, %get3A_235] {strides = array<i32>} : memref<2x80x128xf32, #tpu.memory_space<vmem>>, vector<16xf32>,
        %add3A_237 = arith.addf %get3A_231, %get3A_236 : vector<16xf32>
        %max3A_238 = arith.constant 0.000000e+00 : f32
        %max3A_239 = vector.broadcast %max3A_238 : f32 to vector<16xf32>
        %max3A_240 = arith.maximumf %add3A_237, %max3A_239 : vector<16xf32>
        %swap3A_241 = arith.constant 0 : i32
        %swap3A_242 = arith.index_cast %swap3A_241 : i32 to index
        %swap3A_243 = arith.index_cast %scan3A_134 : i32 to index
        %swap3A_244 = arith.constant 80 : index
        %swap3A_245 = tpu.vector_load %arg10[%swap3A_242, %swap3A_243, %swap3A_244] {strides = array<i32>} : memref<2x80x128xf32, #tpu.memory_space<vmem>>, vector<16xf32>,
        tpu.vector_store %arg10[%swap3A_242, %swap3A_243, %swap3A_244], %max3A_240 {strides = array<i32>} : memref<2x80x128xf32, #tpu.memory_space<vmem>>, vector<16xf32>,
        %get3A_246 = arith.constant 0 : i32
        %get3A_247 = arith.index_cast %get3A_246 : i32 to index
        %get3A_248 = arith.index_cast %scan3A_134 : i32 to index
        %get3A_249 = arith.constant 96 : index
        %get3A_250 = tpu.vector_load %arg10[%get3A_247, %get3A_248, %get3A_249] {strides = array<i32>} : memref<2x80x128xf32, #tpu.memory_space<vmem>>, vector<16xf32>,
        %get3A_251 = arith.constant 0 : i32
        %get3A_252 = arith.index_cast %get3A_251 : i32 to index
        %get3A_253 = arith.index_cast %scan3A_134 : i32 to index
        %get3A_254 = arith.constant 96 : index
        %get3A_255 = tpu.vector_load %arg9[%get3A_252, %get3A_253, %get3A_254] {strides = array<i32>} : memref<2x80x128xf32, #tpu.memory_space<vmem>>, vector<16xf32>,
        %add3A_256 = arith.addf %get3A_250, %get3A_255 : vector<16xf32>
        %max3A_257 = arith.constant 0.000000e+00 : f32
        %max3A_258 = vector.broadcast %max3A_257 : f32 to vector<16xf32>
        %max3A_259 = arith.maximumf %add3A_256, %max3A_258 : vector<16xf32>
        %swap3A_260 = arith.constant 0 : i32
        %swap3A_261 = arith.index_cast %swap3A_260 : i32 to index
        %swap3A_262 = arith.index_cast %scan3A_134 : i32 to index
        %swap3A_263 = arith.constant 96 : index
        %swap3A_264 = tpu.vector_load %arg10[%swap3A_261, %swap3A_262, %swap3A_263] {strides = array<i32>} : memref<2x80x128xf32, #tpu.memory_space<vmem>>, vector<16xf32>,
        tpu.vector_store %arg10[%swap3A_261, %swap3A_262, %swap3A_263], %max3A_259 {strides = array<i32>} : memref<2x80x128xf32, #tpu.memory_space<vmem>>, vector<16xf32>,
        %get3A_265 = arith.constant 0 : i32
        %get3A_266 = arith.index_cast %get3A_265 : i32 to index
        %get3A_267 = arith.index_cast %scan3A_134 : i32 to index
        %get3A_268 = arith.constant 112 : index
        %get3A_269 = tpu.vector_load %arg10[%get3A_266, %get3A_267, %get3A_268] {strides = array<i32>} : memref<2x80x128xf32, #tpu.memory_space<vmem>>, vector<16xf32>,
        %get3A_270 = arith.constant 0 : i32
        %get3A_271 = arith.index_cast %get3A_270 : i32 to index
        %get3A_272 = arith.index_cast %scan3A_134 : i32 to index
        %get3A_273 = arith.constant 112 : index
        %get3A_274 = tpu.vector_load %arg9[%get3A_271, %get3A_272, %get3A_273] {strides = array<i32>} : memref<2x80x128xf32, #tpu.memory_space<vmem>>, vector<16xf32>,
        %add3A_275 = arith.addf %get3A_269, %get3A_274 : vector<16xf32>
        %max3A_276 = arith.constant 0.000000e+00 : f32
        %max3A_277 = vector.broadcast %max3A_276 : f32 to vector<16xf32>
        %max3A_278 = arith.maximumf %add3A_275, %max3A_277 : vector<16xf32>
        %swap3A_279 = arith.constant 0 : i32
        %swap3A_280 = arith.index_cast %swap3A_279 : i32 to index
        %swap3A_281 = arith.index_cast %scan3A_134 : i32 to index
        %swap3A_282 = arith.constant 112 : index
        %swap3A_283 = tpu.vector_load %arg10[%swap3A_280, %swap3A_281, %swap3A_282] {strides = array<i32>} : memref<2x80x128xf32, #tpu.memory_space<vmem>>, vector<16xf32>,
        tpu.vector_store %arg10[%swap3A_280, %swap3A_281, %swap3A_282], %max3A_278 {strides = array<i32>} : memref<2x80x128xf32, #tpu.memory_space<vmem>>, vector<16xf32>,
      }
      %scan3A_131 = arith.constant 80 : i32
      %run_scoped3A_132 = arith.constant 0 : i32
      %run_scoped3A_133 = arith.constant 24 : i32
      "tpu.region"() ({
        %run_scoped3A_134 = tpu.sem_alloc : memref<!tpu.dma_semaphore, #tpu.memory_space<semaphore_mem>>
        %dma_start3A_135 = arith.constant 0 : i32
        %dma_start3A_136 = arith.constant 0 : i32
        %dma_start3A_137 = tpu.memref_slice %arg10[%run_scoped3A_132, %dma_start3A_135, %dma_start3A_136] : memref<2x80x128xf32, #tpu.memory_space<vmem>> -> memref<1x80x128xf32, #tpu.memory_space<vmem>>
        %dma_start3A_138 = tpu.memref_squeeze %dma_start3A_137 : memref<1x80x128xf32, #tpu.memory_space<vmem>> -> memref<80x128xf32, #tpu.memory_space<vmem>>
        %dma_start3A_139 = arith.constant 0 : i32
        %dma_start3A_140 = tpu.memref_slice %arg8[%run_scoped3A_133, %dma_start3A_139] : memref<25x80xi32, #tpu.memory_space<vmem>> -> memref<1x80xi32, #tpu.memory_space<vmem>>
        %dma_start3A_141 = tpu.memref_squeeze %dma_start3A_140 : memref<1x80xi32, #tpu.memory_space<vmem>> -> memref<80xi32, #tpu.memory_space<vmem>>
        %dma_start3A_142 = arith.constant 0 : i32
        %dma_start3A_143 = arith.constant 0 : i32
        %dma_start3A_144 = tpu.memref_slice %arg11[%dma_start3A_142, %dma_start3A_143] : memref<10000x128xf32, #tpu.memory_space<vmem_shared>> -> memref<10000x128xf32, #tpu.memory_space<vmem_shared>>
        tpu.enqueue_indirect_dma source(%dma_start3A_138 : memref<80x128xf32, #tpu.memory_space<vmem>>) target(%dma_start3A_144 : memref<10000x128xf32, #tpu.memory_space<vmem_shared>>) offsets(%dma_start3A_141 : memref<80xi32, #tpu.memory_space<vmem>>) semaphore(%run_scoped3A_134 : memref<!tpu.dma_semaphore, #tpu.memory_space<semaphore_mem>>) {add = true}
        %dma_wait3A_145 = arith.constant 0 : i32
        %dma_wait3A_146 = arith.constant 0 : i32
        %dma_wait3A_147 = tpu.memref_slice %arg10[%run_scoped3A_132, %dma_wait3A_145, %dma_wait3A_146] : memref<2x80x128xf32, #tpu.memory_space<vmem>> -> memref<1x80x128xf32, #tpu.memory_space<vmem>>
        %dma_wait3A_148 = tpu.memref_squeeze %dma_wait3A_147 : memref<1x80x128xf32, #tpu.memory_space<vmem>> -> memref<80x128xf32, #tpu.memory_space<vmem>>
        %dma_wait3A_149 = arith.constant 0 : i32
        %dma_wait3A_150 = tpu.memref_slice %arg8[%run_scoped3A_133, %dma_wait3A_149] : memref<25x80xi32, #tpu.memory_space<vmem>> -> memref<1x80xi32, #tpu.memory_space<vmem>>
        %dma_wait3A_151 = tpu.memref_squeeze %dma_wait3A_150 : memref<1x80xi32, #tpu.memory_space<vmem>> -> memref<80xi32, #tpu.memory_space<vmem>>
        %dma_wait3A_152 = arith.constant 0 : i32
        %dma_wait3A_153 = arith.constant 0 : i32
        %dma_wait3A_154 = tpu.memref_slice %arg11[%dma_wait3A_152, %dma_wait3A_153] : memref<10000x128xf32, #tpu.memory_space<vmem_shared>> -> memref<10000x128xf32, #tpu.memory_space<vmem_shared>>
        tpu.wait_indirect_dma semaphore(%run_scoped3A_134 : memref<!tpu.dma_semaphore, #tpu.memory_space<semaphore_mem>>) src(%dma_wait3A_148 : memref<80x128xf32, #tpu.memory_space<vmem>>) dst(%dma_wait3A_154 : memref<10000x128xf32, #tpu.memory_space<vmem_shared>>)
        tpu.yield
      }) : () -> ()
    }
    %scan3A_15 = arith.constant 5 : i32
    %barrier3A_16 = arith.constant 0 : index
    tpu.barrier barrier_id(%barrier3A_16)
    %lt3A_17 = arith.constant 15 : i32
    %lt3A_18 = arith.cmpi slt, %arg1, %lt3A_17 : i32
    %convert_element_type3A_19 = arith.extui %lt3A_18 : i1 to i32
    %cond3A_20 = arith.constant 0 : i32
    %cond3A_21 = arith.cmpi ne, %convert_element_type3A_19, %cond3A_20 : i32
    scf.if %cond3A_21 {
      "tpu.region"() ({
        %run_scoped3A = tpu.sem_alloc : memref<!tpu.dma_semaphore, #tpu.memory_space<semaphore_mem>>
        %dma_start3A = arith.constant 0 : i32
        %dma_start3A_27 = tpu.memref_slice %arg6[%arg0, %multiple_of3A, %dma_start3A] : memref<2x10000x128xf32, #tpu.memory_space<hbm>> -> memref<1x640x128xf32, #tpu.memory_space<hbm>>
        %dma_start3A_28 = tpu.memref_squeeze %dma_start3A_27 : memref<1x640x128xf32, #tpu.memory_space<hbm>> -> memref<640x128xf32, #tpu.memory_space<hbm>>
        %dma_start3A_29 = arith.constant 0 : i32
        %dma_start3A_30 = tpu.memref_slice %arg11[%multiple_of3A, %dma_start3A_29] : memref<10000x128xf32, #tpu.memory_space<vmem_shared>> -> memref<640x128xf32, #tpu.memory_space<vmem_shared>>
        tpu.enqueue_dma source(%dma_start3A_30 : memref<640x128xf32, #tpu.memory_space<vmem_shared>>) target(%dma_start3A_28 : memref<640x128xf32, #tpu.memory_space<hbm>>) target_semaphore(%run_scoped3A : memref<!tpu.dma_semaphore, #tpu.memory_space<semaphore_mem>>)
        %dma_wait3A = arith.constant 0 : i32
        %dma_wait3A_31 = tpu.memref_slice %arg6[%arg0, %multiple_of3A, %dma_wait3A] : memref<2x10000x128xf32, #tpu.memory_space<hbm>> -> memref<1x640x128xf32, #tpu.memory_space<hbm>>
        %dma_wait3A_32 = tpu.memref_squeeze %dma_wait3A_31 : memref<1x640x128xf32, #tpu.memory_space<hbm>> -> memref<640x128xf32, #tpu.memory_space<hbm>>
        %dma_wait3A_33 = arith.constant 0 : i32
        %dma_wait3A_34 = tpu.memref_slice %arg11[%multiple_of3A, %dma_wait3A_33] : memref<10000x128xf32, #tpu.memory_space<vmem_shared>> -> memref<640x128xf32, #tpu.memory_space<vmem_shared>>
        tpu.wait_dma2 semaphore(%run_scoped3A : memref<!tpu.dma_semaphore, #tpu.memory_space<semaphore_mem>>) src(%dma_wait3A_34 : memref<640x128xf32, #tpu.memory_space<vmem_shared>>) dst(%dma_wait3A_32 : memref<640x128xf32, #tpu.memory_space<hbm>>)
        tpu.yield
      }) : () -> ()
    } else {
    }
    %eq3A_22 = arith.constant 15 : i32
    %eq3A_23 = arith.cmpi eq, %arg1, %eq3A_22 : i32
    %convert_element_type3A_24 = arith.extui %eq3A_23 : i1 to i32
    %cond3A_25 = arith.constant 0 : i32
    %cond3A_26 = arith.cmpi ne, %convert_element_type3A_24, %cond3A_25 : i32
    scf.if %cond3A_26 {
      "tpu.region"() ({
        %run_scoped3A = tpu.sem_alloc : memref<!tpu.dma_semaphore, #tpu.memory_space<semaphore_mem>>
        %dma_start3A = arith.constant 9600 : i32
        %dma_start3A_27 = arith.constant 0 : i32
        %dma_start3A_28 = tpu.memref_slice %arg6[%arg0, %dma_start3A, %dma_start3A_27] : memref<2x10000x128xf32, #tpu.memory_space<hbm>> -> memref<1x400x128xf32, #tpu.memory_space<hbm>>
        %dma_start3A_29 = tpu.memref_squeeze %dma_start3A_28 : memref<1x400x128xf32, #tpu.memory_space<hbm>> -> memref<400x128xf32, #tpu.memory_space<hbm>>
        %dma_start3A_30 = arith.constant 9600 : i32
        %dma_start3A_31 = arith.constant 0 : i32
        %dma_start3A_32 = tpu.memref_slice %arg11[%dma_start3A_30, %dma_start3A_31] : memref<10000x128xf32, #tpu.memory_space<vmem_shared>> -> memref<400x128xf32, #tpu.memory_space<vmem_shared>>
        tpu.enqueue_dma source(%dma_start3A_32 : memref<400x128xf32, #tpu.memory_space<vmem_shared>>) target(%dma_start3A_29 : memref<400x128xf32, #tpu.memory_space<hbm>>) target_semaphore(%run_scoped3A : memref<!tpu.dma_semaphore, #tpu.memory_space<semaphore_mem>>)
        %dma_wait3A = arith.constant 9600 : i32
        %dma_wait3A_33 = arith.constant 0 : i32
        %dma_wait3A_34 = tpu.memref_slice %arg6[%arg0, %dma_wait3A, %dma_wait3A_33] : memref<2x10000x128xf32, #tpu.memory_space<hbm>> -> memref<1x400x128xf32, #tpu.memory_space<hbm>>
        %dma_wait3A_35 = tpu.memref_squeeze %dma_wait3A_34 : memref<1x400x128xf32, #tpu.memory_space<hbm>> -> memref<400x128xf32, #tpu.memory_space<hbm>>
        %dma_wait3A_36 = arith.constant 9600 : i32
        %dma_wait3A_37 = arith.constant 0 : i32
        %dma_wait3A_38 = tpu.memref_slice %arg11[%dma_wait3A_36, %dma_wait3A_37] : memref<10000x128xf32, #tpu.memory_space<vmem_shared>> -> memref<400x128xf32, #tpu.memory_space<vmem_shared>>
        tpu.wait_dma2 semaphore(%run_scoped3A : memref<!tpu.dma_semaphore, #tpu.memory_space<semaphore_mem>>) src(%dma_wait3A_38 : memref<400x128xf32, #tpu.memory_space<vmem_shared>>) dst(%dma_wait3A_35 : memref<400x128xf32, #tpu.memory_space<hbm>>)
        tpu.yield
      }) : () -> ()
    } else {
    }
    return
  }
}

module attributes {stable_mosaic.version = 14 : i64} {
  func.func @_edge_pre_body(%arg0: i32, %arg1: memref<4000x16xf32, #tpu.memory_space<vmem>>, %arg2: memref<16x16xf32, #tpu.memory_space<vmem>>, %arg3: memref<1x16xf32, #tpu.memory_space<vmem>>, %arg4: memref<16x384xf32, #tpu.memory_space<vmem>>, %arg5: memref<1x384xf32, #tpu.memory_space<vmem>>, %arg6: memref<3x4000x128xf32, #tpu.memory_space<vmem>>) attributes {dimension_semantics = [#tpu.dimension_semantics<arbitrary>], iteration_bounds = array<i64: 80>, scalar_prefetch = 0 : i64, scratch_operands = 0 : i64, tpu.core_type = #tpu.core_type<tc>, window_params = [{transform_indices = @transform_0, window_bounds = array<i64: 4000, 16>}, {pipeline_mode = #tpu.pipeline_mode<synchronous>, transform_indices = @transform_1, window_bounds = array<i64: 16, 16>}, {pipeline_mode = #tpu.pipeline_mode<synchronous>, transform_indices = @transform_2, window_bounds = array<i64: 1, 16>}, {pipeline_mode = #tpu.pipeline_mode<synchronous>, transform_indices = @transform_3, window_bounds = array<i64: 16, 384>}, {pipeline_mode = #tpu.pipeline_mode<synchronous>, transform_indices = @transform_4, window_bounds = array<i64: 1, 384>}, {transform_indices = @transform_5, window_bounds = array<i64: 3, 4000, 128>}]} {
    %get3A = arith.constant 0 : index
    %get3A_0 = arith.constant 0 : index
    %get3A_1 = vector.load %arg1[%get3A, %get3A_0] : memref<4000x16xf32, #tpu.memory_space<vmem>>, vector<4000x16xf32>
    %get3A_2 = arith.constant 0 : index
    %get3A_3 = arith.constant 0 : index
    %get3A_4 = vector.load %arg2[%get3A_2, %get3A_3] : memref<16x16xf32, #tpu.memory_space<vmem>>, vector<16x16xf32>
    %dot_general3A = arith.constant dense<0.000000e+00> : vector<4000x16xf32>
    %dot_general3A_5 = tpu.matmul %get3A_1, %get3A_4, %dot_general3A {dimension_numbers = #tpu.dot_dimension_numbers<[1], [0], [0], [1], [0, 0, 1, 1], [], []>, transpose_lhs_hint = false} : vector<4000x16xf32>, vector<16x16xf32>, vector<4000x16xf32> -> vector<4000x16xf32>
    %get3A_6 = arith.constant 0 : index
    %get3A_7 = arith.constant 0 : index
    %get3A_8 = vector.load %arg3[%get3A_6, %get3A_7] : memref<1x16xf32, #tpu.memory_space<vmem>>, vector<1x16xf32>
    %add3A = vector.broadcast %get3A_8 : vector<1x16xf32> to vector<4000x16xf32>
    %add3A_9 = arith.addf %dot_general3A_5, %add3A : vector<4000x16xf32>
    %max3A = arith.constant 0.000000e+00 : f32
    %max3A_10 = vector.broadcast %max3A : f32 to vector<4000x16xf32>
    %max3A_11 = arith.maximumf %add3A_9, %max3A_10 : vector<4000x16xf32>
    %get3A_12 = arith.constant 0 : index
    %get3A_13 = arith.constant 0 : index
    %get3A_14 = vector.load %arg4[%get3A_12, %get3A_13] : memref<16x384xf32, #tpu.memory_space<vmem>>, vector<16x384xf32>
    %dot_general3A_15 = arith.constant dense<0.000000e+00> : vector<4000x384xf32>
    %dot_general3A_16 = tpu.matmul %max3A_11, %get3A_14, %dot_general3A_15 {dimension_numbers = #tpu.dot_dimension_numbers<[1], [0], [0], [1], [0, 0, 1, 1], [], []>, transpose_lhs_hint = false} : vector<4000x16xf32>, vector<16x384xf32>, vector<4000x384xf32> -> vector<4000x384xf32>
    %get3A_17 = arith.constant 0 : index
    %get3A_18 = arith.constant 0 : index
    %get3A_19 = vector.load %arg5[%get3A_17, %get3A_18] : memref<1x384xf32, #tpu.memory_space<vmem>>, vector<1x384xf32>
    %add3A_20 = vector.broadcast %get3A_19 : vector<1x384xf32> to vector<4000x384xf32>
    %add3A_21 = arith.addf %dot_general3A_16, %add3A_20 : vector<4000x384xf32>
    %slice3A = vector.extract_strided_slice %add3A_21 {offsets = [0, 0], sizes = [4000, 128], strides = [1, 1]} : vector<4000x384xf32> to vector<4000x128xf32>
    %swap3A = arith.constant 0 : index
    %swap3A_22 = arith.constant 0 : index
    %swap3A_23 = arith.constant 0 : index
    %swap3A_24 = vector.load %arg6[%swap3A, %swap3A_22, %swap3A_23] : memref<3x4000x128xf32, #tpu.memory_space<vmem>>, vector<1x4000x128xf32>
    %swap3A_25 = vector.shape_cast %swap3A_24 : vector<1x4000x128xf32> to vector<4000x128xf32>
    %swap3A_26 = vector.shape_cast %slice3A : vector<4000x128xf32> to vector<1x4000x128xf32>
    tpu.vector_store %arg6[%swap3A, %swap3A_22, %swap3A_23], %swap3A_26 {strides = array<i32>} : memref<3x4000x128xf32, #tpu.memory_space<vmem>>, vector<1x4000x128xf32>,
    %slice3A_27 = vector.extract_strided_slice %add3A_21 {offsets = [0, 128], sizes = [4000, 128], strides = [1, 1]} : vector<4000x384xf32> to vector<4000x128xf32>
    %swap3A_28 = arith.constant 1 : index
    %swap3A_29 = arith.constant 0 : index
    %swap3A_30 = arith.constant 0 : index
    %swap3A_31 = vector.load %arg6[%swap3A_28, %swap3A_29, %swap3A_30] : memref<3x4000x128xf32, #tpu.memory_space<vmem>>, vector<1x4000x128xf32>
    %swap3A_32 = vector.shape_cast %swap3A_31 : vector<1x4000x128xf32> to vector<4000x128xf32>
    %swap3A_33 = vector.shape_cast %slice3A_27 : vector<4000x128xf32> to vector<1x4000x128xf32>
    tpu.vector_store %arg6[%swap3A_28, %swap3A_29, %swap3A_30], %swap3A_33 {strides = array<i32>} : memref<3x4000x128xf32, #tpu.memory_space<vmem>>, vector<1x4000x128xf32>,
    %slice3A_34 = vector.extract_strided_slice %add3A_21 {offsets = [0, 256], sizes = [4000, 128], strides = [1, 1]} : vector<4000x384xf32> to vector<4000x128xf32>
    %swap3A_35 = arith.constant 2 : index
    %swap3A_36 = arith.constant 0 : index
    %swap3A_37 = arith.constant 0 : index
    %swap3A_38 = vector.load %arg6[%swap3A_35, %swap3A_36, %swap3A_37] : memref<3x4000x128xf32, #tpu.memory_space<vmem>>, vector<1x4000x128xf32>
    %swap3A_39 = vector.shape_cast %swap3A_38 : vector<1x4000x128xf32> to vector<4000x128xf32>
    %swap3A_40 = vector.shape_cast %slice3A_34 : vector<4000x128xf32> to vector<1x4000x128xf32>
    tpu.vector_store %arg6[%swap3A_35, %swap3A_36, %swap3A_37], %swap3A_40 {strides = array<i32>} : memref<3x4000x128xf32, #tpu.memory_space<vmem>>, vector<1x4000x128xf32>,
    return
  }
  func.func @transform_0(%arg0: i32) -> (i32, i32) {
    %c0_i32 = arith.constant 0 : i32
    %c0_i32_0 = arith.constant 0 : i32
    return %arg0, %c0_i32 : i32, i32
  }
  func.func @transform_1(%arg0: i32) -> (i32, i32) {
    %c0_i32 = arith.constant 0 : i32
    %c0_i32_0 = arith.constant 0 : i32
    %c0_i32_1 = arith.constant 0 : i32
    return %c0_i32, %c0_i32_0 : i32, i32
  }
  func.func @transform_2(%arg0: i32) -> (i32, i32) {
    %c0_i32 = arith.constant 0 : i32
    %c0_i32_0 = arith.constant 0 : i32
    %c0_i32_1 = arith.constant 0 : i32
    return %c0_i32, %c0_i32_0 : i32, i32
  }
  func.func @transform_3(%arg0: i32) -> (i32, i32) {
    %c0_i32 = arith.constant 0 : i32
    %c0_i32_0 = arith.constant 0 : i32
    %c0_i32_1 = arith.constant 0 : i32
    return %c0_i32, %c0_i32_0 : i32, i32
  }
  func.func @transform_4(%arg0: i32) -> (i32, i32) {
    %c0_i32 = arith.constant 0 : i32
    %c0_i32_0 = arith.constant 0 : i32
    %c0_i32_1 = arith.constant 0 : i32
    return %c0_i32, %c0_i32_0 : i32, i32
  }
  func.func @transform_5(%arg0: i32) -> (i32, i32, i32) {
    %c0_i32 = arith.constant 0 : i32
    %c0_i32_0 = arith.constant 0 : i32
    %c0_i32_1 = arith.constant 0 : i32
    return %c0_i32, %arg0, %c0_i32_0 : i32, i32, i32
  }
}

module attributes {stable_mosaic.version = 14 : i64} {
  func.func @_node0_body(%arg0: i32, %arg1: memref<2000x128xf32, #tpu.memory_space<vmem>>, %arg2: memref<128x128xf32, #tpu.memory_space<vmem>>, %arg3: memref<1x128xf32, #tpu.memory_space<vmem>>, %arg4: memref<128x128xf32, #tpu.memory_space<vmem>>, %arg5: memref<2000x128xf32, #tpu.memory_space<vmem>>, %arg6: memref<2000x128xf32, #tpu.memory_space<vmem>>) attributes {dimension_semantics = [#tpu.dimension_semantics<arbitrary>], iteration_bounds = array<i64: 5>, scalar_prefetch = 0 : i64, scratch_operands = 0 : i64, tpu.core_type = #tpu.core_type<tc>, window_params = [{transform_indices = @transform_0, window_bounds = array<i64: 2000, 128>}, {pipeline_mode = #tpu.pipeline_mode<synchronous>, transform_indices = @transform_1, window_bounds = array<i64: 128, 128>}, {pipeline_mode = #tpu.pipeline_mode<synchronous>, transform_indices = @transform_2, window_bounds = array<i64: 1, 128>}, {pipeline_mode = #tpu.pipeline_mode<synchronous>, transform_indices = @transform_3, window_bounds = array<i64: 128, 128>}, {transform_indices = @transform_4, window_bounds = array<i64: 2000, 128>}, {transform_indices = @transform_5, window_bounds = array<i64: 2000, 128>}]} {
    %get3A = arith.constant 0 : index
    %get3A_0 = arith.constant 0 : index
    %get3A_1 = vector.load %arg1[%get3A, %get3A_0] : memref<2000x128xf32, #tpu.memory_space<vmem>>, vector<2000x128xf32>
    %get3A_2 = arith.constant 0 : index
    %get3A_3 = arith.constant 0 : index
    %get3A_4 = vector.load %arg2[%get3A_2, %get3A_3] : memref<128x128xf32, #tpu.memory_space<vmem>>, vector<128x128xf32>
    %dot_general3A = arith.constant dense<0.000000e+00> : vector<2000x128xf32>
    %dot_general3A_5 = tpu.matmul %get3A_1, %get3A_4, %dot_general3A {dimension_numbers = #tpu.dot_dimension_numbers<[1], [0], [0], [1], [0, 0, 1, 1], [], []>, transpose_lhs_hint = false} : vector<2000x128xf32>, vector<128x128xf32>, vector<2000x128xf32> -> vector<2000x128xf32>
    %get3A_6 = arith.constant 0 : index
    %get3A_7 = arith.constant 0 : index
    %get3A_8 = vector.load %arg3[%get3A_6, %get3A_7] : memref<1x128xf32, #tpu.memory_space<vmem>>, vector<1x128xf32>
    %add3A = vector.broadcast %get3A_8 : vector<1x128xf32> to vector<2000x128xf32>
    %add3A_9 = arith.addf %dot_general3A_5, %add3A : vector<2000x128xf32>
    %max3A = arith.constant 0.000000e+00 : f32
    %max3A_10 = vector.broadcast %max3A : f32 to vector<2000x128xf32>
    %max3A_11 = arith.maximumf %add3A_9, %max3A_10 : vector<2000x128xf32>
    %swap3A = arith.constant 0 : index
    %swap3A_12 = arith.constant 0 : index
    %swap3A_13 = vector.load %arg5[%swap3A, %swap3A_12] : memref<2000x128xf32, #tpu.memory_space<vmem>>, vector<2000x128xf32>
    tpu.vector_store %arg5[%swap3A, %swap3A_12], %max3A_11 {strides = array<i32>} : memref<2000x128xf32, #tpu.memory_space<vmem>>, vector<2000x128xf32>,
    %get3A_14 = arith.constant 0 : index
    %get3A_15 = arith.constant 0 : index
    %get3A_16 = vector.load %arg4[%get3A_14, %get3A_15] : memref<128x128xf32, #tpu.memory_space<vmem>>, vector<128x128xf32>
    %dot_general3A_17 = arith.constant dense<0.000000e+00> : vector<2000x128xf32>
    %dot_general3A_18 = tpu.matmul %max3A_11, %get3A_16, %dot_general3A_17 {dimension_numbers = #tpu.dot_dimension_numbers<[1], [0], [0], [1], [0, 0, 1, 1], [], []>, transpose_lhs_hint = false} : vector<2000x128xf32>, vector<128x128xf32>, vector<2000x128xf32> -> vector<2000x128xf32>
    %swap3A_19 = arith.constant 0 : index
    %swap3A_20 = arith.constant 0 : index
    %swap3A_21 = vector.load %arg6[%swap3A_19, %swap3A_20] : memref<2000x128xf32, #tpu.memory_space<vmem>>, vector<2000x128xf32>
    tpu.vector_store %arg6[%swap3A_19, %swap3A_20], %dot_general3A_18 {strides = array<i32>} : memref<2000x128xf32, #tpu.memory_space<vmem>>, vector<2000x128xf32>,
    return
  }
  func.func @transform_0(%arg0: i32) -> (i32, i32) {
    %c0_i32 = arith.constant 0 : i32
    %c0_i32_0 = arith.constant 0 : i32
    return %arg0, %c0_i32 : i32, i32
  }
  func.func @transform_1(%arg0: i32) -> (i32, i32) {
    %c0_i32 = arith.constant 0 : i32
    %c0_i32_0 = arith.constant 0 : i32
    %c0_i32_1 = arith.constant 0 : i32
    return %c0_i32, %c0_i32_0 : i32, i32
  }
  func.func @transform_2(%arg0: i32) -> (i32, i32) {
    %c0_i32 = arith.constant 0 : i32
    %c0_i32_0 = arith.constant 0 : i32
    %c0_i32_1 = arith.constant 0 : i32
    return %c0_i32, %c0_i32_0 : i32, i32
  }
  func.func @transform_3(%arg0: i32) -> (i32, i32) {
    %c0_i32 = arith.constant 0 : i32
    %c0_i32_0 = arith.constant 0 : i32
    %c0_i32_1 = arith.constant 0 : i32
    return %c0_i32, %c0_i32_0 : i32, i32
  }
  func.func @transform_4(%arg0: i32) -> (i32, i32) {
    %c0_i32 = arith.constant 0 : i32
    %c0_i32_0 = arith.constant 0 : i32
    return %arg0, %c0_i32 : i32, i32
  }
  func.func @transform_5(%arg0: i32) -> (i32, i32) {
    %c0_i32 = arith.constant 0 : i32
    %c0_i32_0 = arith.constant 0 : i32
    return %arg0, %c0_i32 : i32, i32
  }
}

module attributes {stable_mosaic.version = 14 : i64} {
  func.func @_upd_body(%arg0: i32, %arg1: memref<2000x128xf32, #tpu.memory_space<vmem>>, %arg2: memref<2x2000x128xf32, #tpu.memory_space<vmem>>, %arg3: memref<128x128xf32, #tpu.memory_space<vmem>>, %arg4: memref<1x128xf32, #tpu.memory_space<vmem>>, %arg5: memref<128x128xf32, #tpu.memory_space<vmem>>, %arg6: memref<2000x128xf32, #tpu.memory_space<vmem>>, %arg7: memref<2000x128xf32, #tpu.memory_space<vmem>>) attributes {dimension_semantics = [#tpu.dimension_semantics<arbitrary>], iteration_bounds = array<i64: 5>, scalar_prefetch = 0 : i64, scratch_operands = 0 : i64, tpu.core_type = #tpu.core_type<tc>, window_params = [{transform_indices = @transform_0, window_bounds = array<i64: 2000, 128>}, {transform_indices = @transform_1, window_bounds = array<i64: 2, 2000, 128>}, {pipeline_mode = #tpu.pipeline_mode<synchronous>, transform_indices = @transform_2, window_bounds = array<i64: 128, 128>}, {pipeline_mode = #tpu.pipeline_mode<synchronous>, transform_indices = @transform_3, window_bounds = array<i64: 1, 128>}, {pipeline_mode = #tpu.pipeline_mode<synchronous>, transform_indices = @transform_4, window_bounds = array<i64: 128, 128>}, {transform_indices = @transform_5, window_bounds = array<i64: 2000, 128>}, {transform_indices = @transform_6, window_bounds = array<i64: 2000, 128>}]} {
    %get3A = arith.constant 0 : index
    %get3A_0 = arith.constant 0 : index
    %get3A_1 = arith.constant 0 : index
    %get3A_2 = vector.load %arg2[%get3A, %get3A_0, %get3A_1] : memref<2x2000x128xf32, #tpu.memory_space<vmem>>, vector<1x2000x128xf32>
    %get3A_3 = vector.shape_cast %get3A_2 : vector<1x2000x128xf32> to vector<2000x128xf32>
    %get3A_4 = arith.constant 1 : index
    %get3A_5 = arith.constant 0 : index
    %get3A_6 = arith.constant 0 : index
    %get3A_7 = vector.load %arg2[%get3A_4, %get3A_5, %get3A_6] : memref<2x2000x128xf32, #tpu.memory_space<vmem>>, vector<1x2000x128xf32>
    %get3A_8 = vector.shape_cast %get3A_7 : vector<1x2000x128xf32> to vector<2000x128xf32>
    %add3A = arith.addf %get3A_3, %get3A_8 : vector<2000x128xf32>
    %get3A_9 = arith.constant 0 : index
    %get3A_10 = arith.constant 0 : index
    %get3A_11 = vector.load %arg1[%get3A_9, %get3A_10] : memref<2000x128xf32, #tpu.memory_space<vmem>>, vector<2000x128xf32>
    %get3A_12 = arith.constant 0 : index
    %get3A_13 = arith.constant 0 : index
    %get3A_14 = vector.load %arg3[%get3A_12, %get3A_13] : memref<128x128xf32, #tpu.memory_space<vmem>>, vector<128x128xf32>
    %dot_general3A = arith.constant dense<0.000000e+00> : vector<2000x128xf32>
    %dot_general3A_15 = tpu.matmul %add3A, %get3A_14, %dot_general3A {dimension_numbers = #tpu.dot_dimension_numbers<[1], [0], [0], [1], [0, 0, 1, 1], [], []>, transpose_lhs_hint = false} : vector<2000x128xf32>, vector<128x128xf32>, vector<2000x128xf32> -> vector<2000x128xf32>
    %add3A_16 = arith.addf %get3A_11, %dot_general3A_15 : vector<2000x128xf32>
    %get3A_17 = arith.constant 0 : index
    %get3A_18 = arith.constant 0 : index
    %get3A_19 = vector.load %arg4[%get3A_17, %get3A_18] : memref<1x128xf32, #tpu.memory_space<vmem>>, vector<1x128xf32>
    %add3A_20 = vector.broadcast %get3A_19 : vector<1x128xf32> to vector<2000x128xf32>
    %add3A_21 = arith.addf %add3A_16, %add3A_20 : vector<2000x128xf32>
    %max3A = arith.constant 0.000000e+00 : f32
    %max3A_22 = vector.broadcast %max3A : f32 to vector<2000x128xf32>
    %max3A_23 = arith.maximumf %add3A_21, %max3A_22 : vector<2000x128xf32>
    %swap3A = arith.constant 0 : index
    %swap3A_24 = arith.constant 0 : index
    %swap3A_25 = vector.load %arg6[%swap3A, %swap3A_24] : memref<2000x128xf32, #tpu.memory_space<vmem>>, vector<2000x128xf32>
    tpu.vector_store %arg6[%swap3A, %swap3A_24], %max3A_23 {strides = array<i32>} : memref<2000x128xf32, #tpu.memory_space<vmem>>, vector<2000x128xf32>,
    %get3A_26 = arith.constant 0 : index
    %get3A_27 = arith.constant 0 : index
    %get3A_28 = vector.load %arg5[%get3A_26, %get3A_27] : memref<128x128xf32, #tpu.memory_space<vmem>>, vector<128x128xf32>
    %dot_general3A_29 = arith.constant dense<0.000000e+00> : vector<2000x128xf32>
    %dot_general3A_30 = tpu.matmul %max3A_23, %get3A_28, %dot_general3A_29 {dimension_numbers = #tpu.dot_dimension_numbers<[1], [0], [0], [1], [0, 0, 1, 1], [], []>, transpose_lhs_hint = false} : vector<2000x128xf32>, vector<128x128xf32>, vector<2000x128xf32> -> vector<2000x128xf32>
    %swap3A_31 = arith.constant 0 : index
    %swap3A_32 = arith.constant 0 : index
    %swap3A_33 = vector.load %arg7[%swap3A_31, %swap3A_32] : memref<2000x128xf32, #tpu.memory_space<vmem>>, vector<2000x128xf32>
    tpu.vector_store %arg7[%swap3A_31, %swap3A_32], %dot_general3A_30 {strides = array<i32>} : memref<2000x128xf32, #tpu.memory_space<vmem>>, vector<2000x128xf32>,
    return
  }
  func.func @transform_0(%arg0: i32) -> (i32, i32) {
    %c0_i32 = arith.constant 0 : i32
    %c0_i32_0 = arith.constant 0 : i32
    return %arg0, %c0_i32 : i32, i32
  }
  func.func @transform_1(%arg0: i32) -> (i32, i32, i32) {
    %c0_i32 = arith.constant 0 : i32
    %c0_i32_0 = arith.constant 0 : i32
    %c0_i32_1 = arith.constant 0 : i32
    return %c0_i32, %arg0, %c0_i32_0 : i32, i32, i32
  }
  func.func @transform_2(%arg0: i32) -> (i32, i32) {
    %c0_i32 = arith.constant 0 : i32
    %c0_i32_0 = arith.constant 0 : i32
    %c0_i32_1 = arith.constant 0 : i32
    return %c0_i32, %c0_i32_0 : i32, i32
  }
  func.func @transform_3(%arg0: i32) -> (i32, i32) {
    %c0_i32 = arith.constant 0 : i32
    %c0_i32_0 = arith.constant 0 : i32
    %c0_i32_1 = arith.constant 0 : i32
    return %c0_i32, %c0_i32_0 : i32, i32
  }
  func.func @transform_4(%arg0: i32) -> (i32, i32) {
    %c0_i32 = arith.constant 0 : i32
    %c0_i32_0 = arith.constant 0 : i32
    %c0_i32_1 = arith.constant 0 : i32
    return %c0_i32, %c0_i32_0 : i32, i32
  }
  func.func @transform_5(%arg0: i32) -> (i32, i32) {
    %c0_i32 = arith.constant 0 : i32
    %c0_i32_0 = arith.constant 0 : i32
    return %arg0, %c0_i32 : i32, i32
  }
  func.func @transform_6(%arg0: i32) -> (i32, i32) {
    %c0_i32 = arith.constant 0 : i32
    %c0_i32_0 = arith.constant 0 : i32
    return %arg0, %c0_i32 : i32, i32
  }
}

module attributes {stable_mosaic.version = 14 : i64} {
  func.func @_final_body(%arg0: memref<10000x128xf32, #tpu.memory_space<vmem>>, %arg1: memref<2x10000x128xf32, #tpu.memory_space<vmem>>, %arg2: memref<128x128xf32, #tpu.memory_space<vmem>>, %arg3: memref<1x128xf32, #tpu.memory_space<vmem>>, %arg4: memref<10000x1xi32, #tpu.memory_space<vmem>>, %arg5: memref<256x512xf32, #tpu.memory_space<vmem>>, %arg6: memref<128x512xf32, #tpu.memory_space<vmem>>, %arg7: memref<1x512xf32, #tpu.memory_space<vmem>>, %arg8: memref<128x512xf32, #tpu.memory_space<vmem>>, %arg9: memref<128x512xf32, #tpu.memory_space<vmem>>, %arg10: memref<1x512xf32, #tpu.memory_space<vmem>>, %arg11: memref<256x128xf32, #tpu.memory_space<vmem>>, %arg12: memref<1x128xf32, #tpu.memory_space<vmem>>, %arg13: memref<128x1xf32, #tpu.memory_space<vmem>>, %arg14: memref<1x1xf32, #tpu.memory_space<vmem>>, %arg15: memref<64x1xf32, #tpu.memory_space<vmem>>) attributes {dimension_semantics = [], scalar_prefetch = 0 : i64, scratch_operands = 0 : i64, tpu.core_type = #tpu.core_type<tc>} {
    %get3A = arith.constant 0 : index
    %get3A_0 = arith.constant 0 : index
    %get3A_1 = arith.constant 0 : index
    %get3A_2 = vector.load %arg1[%get3A, %get3A_0, %get3A_1] : memref<2x10000x128xf32, #tpu.memory_space<vmem>>, vector<1x10000x128xf32>
    %get3A_3 = vector.shape_cast %get3A_2 : vector<1x10000x128xf32> to vector<10000x128xf32>
    %get3A_4 = arith.constant 1 : index
    %get3A_5 = arith.constant 0 : index
    %get3A_6 = arith.constant 0 : index
    %get3A_7 = vector.load %arg1[%get3A_4, %get3A_5, %get3A_6] : memref<2x10000x128xf32, #tpu.memory_space<vmem>>, vector<1x10000x128xf32>
    %get3A_8 = vector.shape_cast %get3A_7 : vector<1x10000x128xf32> to vector<10000x128xf32>
    %add3A = arith.addf %get3A_3, %get3A_8 : vector<10000x128xf32>
    %get3A_9 = arith.constant 0 : index
    %get3A_10 = arith.constant 0 : index
    %get3A_11 = vector.load %arg0[%get3A_9, %get3A_10] : memref<10000x128xf32, #tpu.memory_space<vmem>>, vector<10000x128xf32>
    %get3A_12 = arith.constant 0 : index
    %get3A_13 = arith.constant 0 : index
    %get3A_14 = vector.load %arg2[%get3A_12, %get3A_13] : memref<128x128xf32, #tpu.memory_space<vmem>>, vector<128x128xf32>
    %dot_general3A = arith.constant dense<0.000000e+00> : vector<10000x128xf32>
    %dot_general3A_15 = tpu.matmul %add3A, %get3A_14, %dot_general3A {dimension_numbers = #tpu.dot_dimension_numbers<[1], [0], [0], [1], [0, 0, 1, 1], [], []>, transpose_lhs_hint = false} : vector<10000x128xf32>, vector<128x128xf32>, vector<10000x128xf32> -> vector<10000x128xf32>
    %add3A_16 = arith.addf %get3A_11, %dot_general3A_15 : vector<10000x128xf32>
    %get3A_17 = arith.constant 0 : index
    %get3A_18 = arith.constant 0 : index
    %get3A_19 = vector.load %arg3[%get3A_17, %get3A_18] : memref<1x128xf32, #tpu.memory_space<vmem>>, vector<1x128xf32>
    %add3A_20 = vector.broadcast %get3A_19 : vector<1x128xf32> to vector<10000x128xf32>
    %add3A_21 = arith.addf %add3A_16, %add3A_20 : vector<10000x128xf32>
    %max3A = arith.constant 0.000000e+00 : f32
    %max3A_22 = vector.broadcast %max3A : f32 to vector<10000x128xf32>
    %max3A_23 = arith.maximumf %add3A_21, %max3A_22 : vector<10000x128xf32>
    %iota3A = tpu.iota {dimensions = array<i32: 1>} : vector<10000x64xi32>
    %get3A_24 = arith.constant 0 : index
    %get3A_25 = arith.constant 0 : index
    %get3A_26 = vector.load %arg4[%get3A_24, %get3A_25] : memref<10000x1xi32, #tpu.memory_space<vmem>>, vector<10000x1xi32>
    %eq3A = vector.broadcast %get3A_26 : vector<10000x1xi32> to vector<10000x64xi32>
    %eq3A_27 = arith.cmpi eq, %eq3A, %iota3A : vector<10000x64xi32>
    %convert_element_type3A = arith.extui %eq3A_27 : vector<10000x64xi1> to vector<10000x64xi32>
    %convert_element_type3A_28 = arith.sitofp %convert_element_type3A : vector<10000x64xi32> to vector<10000x64xf32>
    %broadcast_in_dim3A = arith.constant 0.000000e+00 : f32
    %broadcast_in_dim3A_29 = vector.broadcast %broadcast_in_dim3A : f32 to vector<64x256xf32>
    %broadcast_in_dim3A_30 = arith.constant 0.000000e+00 : f32
    %broadcast_in_dim3A_31 = vector.broadcast %broadcast_in_dim3A_30 : f32 to vector<64x128xf32>
    %broadcast_in_dim3A_32 = arith.constant 0.000000e+00 : f32
    %broadcast_in_dim3A_33 = vector.broadcast %broadcast_in_dim3A_32 : f32 to vector<64x128xf32>
    %broadcast_in_dim3A_34 = arith.constant 0.000000e+00 : f32
    %broadcast_in_dim3A_35 = vector.broadcast %broadcast_in_dim3A_34 : f32 to vector<64x128xf32>
    %broadcast_in_dim3A_36 = arith.constant 0.000000e+00 : f32
    %broadcast_in_dim3A_37 = vector.broadcast %broadcast_in_dim3A_36 : f32 to vector<64x128xf32>
    %get3A_38 = arith.constant 0 : index
    %get3A_39 = arith.constant 0 : index
    %get3A_40 = vector.load %arg5[%get3A_38, %get3A_39] : memref<256x512xf32, #tpu.memory_space<vmem>>, vector<256x512xf32>
    %dot_general3A_41 = arith.constant dense<0.000000e+00> : vector<64x512xf32>
    %dot_general3A_42 = tpu.matmul %broadcast_in_dim3A_29, %get3A_40, %dot_general3A_41 {dimension_numbers = #tpu.dot_dimension_numbers<[1], [0], [0], [1], [0, 0, 1, 1], [], []>, transpose_lhs_hint = false} : vector<64x256xf32>, vector<256x512xf32>, vector<64x512xf32> -> vector<64x512xf32>
    %get3A_43 = arith.constant 0 : index
    %get3A_44 = arith.constant 0 : index
    %get3A_45 = vector.load %arg6[%get3A_43, %get3A_44] : memref<128x512xf32, #tpu.memory_space<vmem>>, vector<128x512xf32>
    %dot_general3A_46 = arith.constant dense<0.000000e+00> : vector<64x512xf32>
    %dot_general3A_47 = tpu.matmul %broadcast_in_dim3A_31, %get3A_45, %dot_general3A_46 {dimension_numbers = #tpu.dot_dimension_numbers<[1], [0], [0], [1], [0, 0, 1, 1], [], []>, transpose_lhs_hint = false} : vector<64x128xf32>, vector<128x512xf32>, vector<64x512xf32> -> vector<64x512xf32>
    %add3A_48 = arith.addf %dot_general3A_42, %dot_general3A_47 : vector<64x512xf32>
    %get3A_49 = arith.constant 0 : index
    %get3A_50 = arith.constant 0 : index
    %get3A_51 = vector.load %arg7[%get3A_49, %get3A_50] : memref<1x512xf32, #tpu.memory_space<vmem>>, vector<1x512xf32>
    %add3A_52 = vector.broadcast %get3A_51 : vector<1x512xf32> to vector<64x512xf32>
    %add3A_53 = arith.addf %add3A_48, %add3A_52 : vector<64x512xf32>
    %slice3A = vector.extract_strided_slice %add3A_53 {offsets = [0, 0], sizes = [64, 128], strides = [1, 1]} : vector<64x512xf32> to vector<64x128xf32>
    %slice3A_54 = vector.extract_strided_slice %add3A_53 {offsets = [0, 128], sizes = [64, 128], strides = [1, 1]} : vector<64x512xf32> to vector<64x128xf32>
    %slice3A_55 = vector.extract_strided_slice %add3A_53 {offsets = [0, 256], sizes = [64, 128], strides = [1, 1]} : vector<64x512xf32> to vector<64x128xf32>
    %slice3A_56 = vector.extract_strided_slice %add3A_53 {offsets = [0, 384], sizes = [64, 128], strides = [1, 1]} : vector<64x512xf32> to vector<64x128xf32>
    %neg3A = arith.constant 0.000000e+00 : f32
    %neg3A_57 = vector.broadcast %neg3A : f32 to vector<64x128xf32>
    %neg3A_58 = arith.subf %neg3A_57, %slice3A_54 : vector<64x128xf32>
    %exp3A = math.exp %neg3A_58 : vector<64x128xf32>
    %add3A_59 = arith.constant 1.000000e+00 : f32
    %add3A_60 = vector.broadcast %add3A_59 : f32 to vector<64x128xf32>
    %add3A_61 = arith.addf %add3A_60, %exp3A : vector<64x128xf32>
    %div3A = arith.constant 1.000000e+00 : f32
    %div3A_62 = vector.broadcast %div3A : f32 to vector<64x128xf32>
    %div3A_63 = arith.divf %div3A_62, %add3A_61 : vector<64x128xf32>
    %mul3A = arith.mulf %div3A_63, %broadcast_in_dim3A_33 : vector<64x128xf32>
    %neg3A_64 = arith.constant 0.000000e+00 : f32
    %neg3A_65 = vector.broadcast %neg3A_64 : f32 to vector<64x128xf32>
    %neg3A_66 = arith.subf %neg3A_65, %slice3A : vector<64x128xf32>
    %exp3A_67 = math.exp %neg3A_66 : vector<64x128xf32>
    %add3A_68 = arith.constant 1.000000e+00 : f32
    %add3A_69 = vector.broadcast %add3A_68 : f32 to vector<64x128xf32>
    %add3A_70 = arith.addf %add3A_69, %exp3A_67 : vector<64x128xf32>
    %div3A_71 = arith.constant 1.000000e+00 : f32
    %div3A_72 = vector.broadcast %div3A_71 : f32 to vector<64x128xf32>
    %div3A_73 = arith.divf %div3A_72, %add3A_70 : vector<64x128xf32>
    %tanh3A = math.tanh %slice3A_55 : vector<64x128xf32>
    %mul3A_74 = arith.mulf %div3A_73, %tanh3A : vector<64x128xf32>
    %add3A_75 = arith.addf %mul3A, %mul3A_74 : vector<64x128xf32>
    %neg3A_76 = arith.constant 0.000000e+00 : f32
    %neg3A_77 = vector.broadcast %neg3A_76 : f32 to vector<64x128xf32>
    %neg3A_78 = arith.subf %neg3A_77, %slice3A_56 : vector<64x128xf32>
    %exp3A_79 = math.exp %neg3A_78 : vector<64x128xf32>
    %add3A_80 = arith.constant 1.000000e+00 : f32
    %add3A_81 = vector.broadcast %add3A_80 : f32 to vector<64x128xf32>
    %add3A_82 = arith.addf %add3A_81, %exp3A_79 : vector<64x128xf32>
    %div3A_83 = arith.constant 1.000000e+00 : f32
    %div3A_84 = vector.broadcast %div3A_83 : f32 to vector<64x128xf32>
    %div3A_85 = arith.divf %div3A_84, %add3A_82 : vector<64x128xf32>
    %tanh3A_86 = math.tanh %add3A_75 : vector<64x128xf32>
    %mul3A_87 = arith.mulf %div3A_85, %tanh3A_86 : vector<64x128xf32>
    %get3A_88 = arith.constant 0 : index
    %get3A_89 = arith.constant 0 : index
    %get3A_90 = vector.load %arg8[%get3A_88, %get3A_89] : memref<128x512xf32, #tpu.memory_space<vmem>>, vector<128x512xf32>
    %dot_general3A_91 = arith.constant dense<0.000000e+00> : vector<64x512xf32>
    %dot_general3A_92 = tpu.matmul %mul3A_87, %get3A_90, %dot_general3A_91 {dimension_numbers = #tpu.dot_dimension_numbers<[1], [0], [0], [1], [0, 0, 1, 1], [], []>, transpose_lhs_hint = false} : vector<64x128xf32>, vector<128x512xf32>, vector<64x512xf32> -> vector<64x512xf32>
    %get3A_93 = arith.constant 0 : index
    %get3A_94 = arith.constant 0 : index
    %get3A_95 = vector.load %arg9[%get3A_93, %get3A_94] : memref<128x512xf32, #tpu.memory_space<vmem>>, vector<128x512xf32>
    %dot_general3A_96 = arith.constant dense<0.000000e+00> : vector<64x512xf32>
    %dot_general3A_97 = tpu.matmul %broadcast_in_dim3A_35, %get3A_95, %dot_general3A_96 {dimension_numbers = #tpu.dot_dimension_numbers<[1], [0], [0], [1], [0, 0, 1, 1], [], []>, transpose_lhs_hint = false} : vector<64x128xf32>, vector<128x512xf32>, vector<64x512xf32> -> vector<64x512xf32>
    %add3A_98 = arith.addf %dot_general3A_92, %dot_general3A_97 : vector<64x512xf32>
    %get3A_99 = arith.constant 0 : index
    %get3A_100 = arith.constant 0 : index
    %get3A_101 = vector.load %arg10[%get3A_99, %get3A_100] : memref<1x512xf32, #tpu.memory_space<vmem>>, vector<1x512xf32>
    %add3A_102 = vector.broadcast %get3A_101 : vector<1x512xf32> to vector<64x512xf32>
    %add3A_103 = arith.addf %add3A_98, %add3A_102 : vector<64x512xf32>
    %slice3A_104 = vector.extract_strided_slice %add3A_103 {offsets = [0, 0], sizes = [64, 128], strides = [1, 1]} : vector<64x512xf32> to vector<64x128xf32>
    %slice3A_105 = vector.extract_strided_slice %add3A_103 {offsets = [0, 128], sizes = [64, 128], strides = [1, 1]} : vector<64x512xf32> to vector<64x128xf32>
    %slice3A_106 = vector.extract_strided_slice %add3A_103 {offsets = [0, 256], sizes = [64, 128], strides = [1, 1]} : vector<64x512xf32> to vector<64x128xf32>
    %slice3A_107 = vector.extract_strided_slice %add3A_103 {offsets = [0, 384], sizes = [64, 128], strides = [1, 1]} : vector<64x512xf32> to vector<64x128xf32>
    %neg3A_108 = arith.constant 0.000000e+00 : f32
    %neg3A_109 = vector.broadcast %neg3A_108 : f32 to vector<64x128xf32>
    %neg3A_110 = arith.subf %neg3A_109, %slice3A_105 : vector<64x128xf32>
    %exp3A_111 = math.exp %neg3A_110 : vector<64x128xf32>
    %add3A_112 = arith.constant 1.000000e+00 : f32
    %add3A_113 = vector.broadcast %add3A_112 : f32 to vector<64x128xf32>
    %add3A_114 = arith.addf %add3A_113, %exp3A_111 : vector<64x128xf32>
    %div3A_115 = arith.constant 1.000000e+00 : f32
    %div3A_116 = vector.broadcast %div3A_115 : f32 to vector<64x128xf32>
    %div3A_117 = arith.divf %div3A_116, %add3A_114 : vector<64x128xf32>
    %mul3A_118 = arith.mulf %div3A_117, %broadcast_in_dim3A_37 : vector<64x128xf32>
    %neg3A_119 = arith.constant 0.000000e+00 : f32
    %neg3A_120 = vector.broadcast %neg3A_119 : f32 to vector<64x128xf32>
    %neg3A_121 = arith.subf %neg3A_120, %slice3A_104 : vector<64x128xf32>
    %exp3A_122 = math.exp %neg3A_121 : vector<64x128xf32>
    %add3A_123 = arith.constant 1.000000e+00 : f32
    %add3A_124 = vector.broadcast %add3A_123 : f32 to vector<64x128xf32>
    %add3A_125 = arith.addf %add3A_124, %exp3A_122 : vector<64x128xf32>
    %div3A_126 = arith.constant 1.000000e+00 : f32
    %div3A_127 = vector.broadcast %div3A_126 : f32 to vector<64x128xf32>
    %div3A_128 = arith.divf %div3A_127, %add3A_125 : vector<64x128xf32>
    %tanh3A_129 = math.tanh %slice3A_106 : vector<64x128xf32>
    %mul3A_130 = arith.mulf %div3A_128, %tanh3A_129 : vector<64x128xf32>
    %add3A_131 = arith.addf %mul3A_118, %mul3A_130 : vector<64x128xf32>
    %neg3A_132 = arith.constant 0.000000e+00 : f32
    %neg3A_133 = vector.broadcast %neg3A_132 : f32 to vector<64x128xf32>
    %neg3A_134 = arith.subf %neg3A_133, %slice3A_107 : vector<64x128xf32>
    %exp3A_135 = math.exp %neg3A_134 : vector<64x128xf32>
    %add3A_136 = arith.constant 1.000000e+00 : f32
    %add3A_137 = vector.broadcast %add3A_136 : f32 to vector<64x128xf32>
    %add3A_138 = arith.addf %add3A_137, %exp3A_135 : vector<64x128xf32>
    %div3A_139 = arith.constant 1.000000e+00 : f32
    %div3A_140 = vector.broadcast %div3A_139 : f32 to vector<64x128xf32>
    %div3A_141 = arith.divf %div3A_140, %add3A_138 : vector<64x128xf32>
    %tanh3A_142 = math.tanh %add3A_131 : vector<64x128xf32>
    %mul3A_143 = arith.mulf %div3A_141, %tanh3A_142 : vector<64x128xf32>
    %dot_general3A_144 = arith.constant dense<0.000000e+00> : vector<10000x128xf32>
    %dot_general3A_145 = tpu.matmul %convert_element_type3A_28, %mul3A_143, %dot_general3A_144 {dimension_numbers = #tpu.dot_dimension_numbers<[1], [0], [0], [1], [0, 0, 1, 1], [], []>, transpose_lhs_hint = false} : vector<10000x64xf32>, vector<64x128xf32>, vector<10000x128xf32> -> vector<10000x128xf32>
    %mul3A_146 = arith.mulf %max3A_23, %dot_general3A_145 : vector<10000x128xf32>
    %reduce_sum3A = arith.constant dense<0.000000e+00> : vector<10000xf32>
    %reduce_sum3A_147 = vector.multi_reduction <add>, %mul3A_146, %reduce_sum3A [1] : vector<10000x128xf32> to vector<10000xf32>
    %broadcast_in_dim3A_148 = vector.shape_cast %reduce_sum3A_147 : vector<10000xf32> to vector<10000x1xf32>
    %gt3A = arith.constant 0.000000e+00 : f32
    %gt3A_149 = vector.broadcast %gt3A : f32 to vector<10000x64xf32>
    %gt3A_150 = arith.cmpf ogt, %convert_element_type3A_28, %gt3A_149 : vector<10000x64xf32>
    %jit3A = arith.constant -1.000000e+30 : f32
    %broadcast_in_dim3A_151 = vector.shape_cast %broadcast_in_dim3A_148 : vector<10000x1xf32> to vector<10000x1xf32>
    %broadcast_in_dim3A_152 = vector.broadcast %broadcast_in_dim3A_151 : vector<10000x1xf32> to vector<10000x64xf32>
    %broadcast_in_dim3A_153 = vector.broadcast %jit3A : f32 to vector<10000x64xf32>
    %select_n3A = arith.select %gt3A_150, %broadcast_in_dim3A_152, %broadcast_in_dim3A_153 : vector<10000x64xi1>, vector<10000x64xf32>
    %reduce_max3A = arith.constant dense<0xFF800000> : vector<64xf32>
    %reduce_max3A_154 = vector.multi_reduction <maximumf>, %select_n3A, %reduce_max3A [0] : vector<10000x64xf32> to vector<64xf32>
    %broadcast_in_dim3A_155 = vector.shape_cast %reduce_max3A_154 : vector<64xf32> to vector<1x64xf32>
    %gt3A_156 = arith.constant -1.000000e+29 : f32
    %gt3A_157 = vector.broadcast %gt3A_156 : f32 to vector<1x64xf32>
    %gt3A_158 = arith.cmpf ogt, %broadcast_in_dim3A_155, %gt3A_157 : vector<1x64xf32>
    %jit3A_159 = arith.constant 0.000000e+00 : f32
    %broadcast_in_dim3A_160 = vector.broadcast %jit3A_159 : f32 to vector<1x64xf32>
    %select_n3A_161 = arith.select %gt3A_158, %broadcast_in_dim3A_155, %broadcast_in_dim3A_160 : vector<1x64xi1>, vector<1x64xf32>
    %dot_general3A_162 = arith.constant dense<0.000000e+00> : vector<10000x1xf32>
    %dot_general3A_163 = tpu.matmul %convert_element_type3A_28, %select_n3A_161, %dot_general3A_162 {dimension_numbers = #tpu.dot_dimension_numbers<[1], [1], [0], [0], [0, 0, 1, 0], [], []>, transpose_lhs_hint = false} : vector<10000x64xf32>, vector<1x64xf32>, vector<10000x1xf32> -> vector<10000x1xf32>
    %sub3A = arith.subf %broadcast_in_dim3A_148, %dot_general3A_163 : vector<10000x1xf32>
    %exp3A_164 = math.exp %sub3A : vector<10000x1xf32>
    %dot_general3A_165 = arith.constant dense<0.000000e+00> : vector<64x1xf32>
    %dot_general3A_166 = tpu.matmul %convert_element_type3A_28, %exp3A_164, %dot_general3A_165 {dimension_numbers = #tpu.dot_dimension_numbers<[0], [0], [1], [1], [0, 1, 1, 1], [], []>, transpose_lhs_hint = false} : vector<10000x64xf32>, vector<10000x1xf32>, vector<64x1xf32> -> vector<64x1xf32>
    %dot_general3A_167 = arith.constant dense<0.000000e+00> : vector<10000x1xf32>
    %dot_general3A_168 = tpu.matmul %convert_element_type3A_28, %dot_general3A_166, %dot_general3A_167 {dimension_numbers = #tpu.dot_dimension_numbers<[1], [0], [0], [1], [0, 0, 1, 1], [], []>, transpose_lhs_hint = false} : vector<10000x64xf32>, vector<64x1xf32>, vector<10000x1xf32> -> vector<10000x1xf32>
    %div3A_169 = arith.divf %exp3A_164, %dot_general3A_168 : vector<10000x1xf32>
    %mul3A_170 = vector.broadcast %div3A_169 : vector<10000x1xf32> to vector<10000x128xf32>
    %mul3A_171 = arith.mulf %mul3A_170, %max3A_23 : vector<10000x128xf32>
    %dot_general3A_172 = arith.constant dense<0.000000e+00> : vector<64x128xf32>
    %dot_general3A_173 = tpu.matmul %convert_element_type3A_28, %mul3A_171, %dot_general3A_172 {dimension_numbers = #tpu.dot_dimension_numbers<[0], [0], [1], [1], [0, 1, 1, 1], [], []>, transpose_lhs_hint = false} : vector<10000x64xf32>, vector<10000x128xf32>, vector<64x128xf32> -> vector<64x128xf32>
    %concatenate3A = tpu.concatenate %mul3A_143, %dot_general3A_173 in 1 : vector<64x128xf32>, vector<64x128xf32> -> vector<64x256xf32>
    %get3A_174 = arith.constant 0 : index
    %get3A_175 = arith.constant 0 : index
    %get3A_176 = vector.load %arg5[%get3A_174, %get3A_175] : memref<256x512xf32, #tpu.memory_space<vmem>>, vector<256x512xf32>
    %dot_general3A_177 = arith.constant dense<0.000000e+00> : vector<64x512xf32>
    %dot_general3A_178 = tpu.matmul %concatenate3A, %get3A_176, %dot_general3A_177 {dimension_numbers = #tpu.dot_dimension_numbers<[1], [0], [0], [1], [0, 0, 1, 1], [], []>, transpose_lhs_hint = false} : vector<64x256xf32>, vector<256x512xf32>, vector<64x512xf32> -> vector<64x512xf32>
    %get3A_179 = arith.constant 0 : index
    %get3A_180 = arith.constant 0 : index
    %get3A_181 = vector.load %arg6[%get3A_179, %get3A_180] : memref<128x512xf32, #tpu.memory_space<vmem>>, vector<128x512xf32>
    %dot_general3A_182 = arith.constant dense<0.000000e+00> : vector<64x512xf32>
    %dot_general3A_183 = tpu.matmul %mul3A_87, %get3A_181, %dot_general3A_182 {dimension_numbers = #tpu.dot_dimension_numbers<[1], [0], [0], [1], [0, 0, 1, 1], [], []>, transpose_lhs_hint = false} : vector<64x128xf32>, vector<128x512xf32>, vector<64x512xf32> -> vector<64x512xf32>
    %add3A_184 = arith.addf %dot_general3A_178, %dot_general3A_183 : vector<64x512xf32>
    %get3A_185 = arith.constant 0 : index
    %get3A_186 = arith.constant 0 : index
    %get3A_187 = vector.load %arg7[%get3A_185, %get3A_186] : memref<1x512xf32, #tpu.memory_space<vmem>>, vector<1x512xf32>
    %add3A_188 = vector.broadcast %get3A_187 : vector<1x512xf32> to vector<64x512xf32>
    %add3A_189 = arith.addf %add3A_184, %add3A_188 : vector<64x512xf32>
    %slice3A_190 = vector.extract_strided_slice %add3A_189 {offsets = [0, 0], sizes = [64, 128], strides = [1, 1]} : vector<64x512xf32> to vector<64x128xf32>
    %slice3A_191 = vector.extract_strided_slice %add3A_189 {offsets = [0, 128], sizes = [64, 128], strides = [1, 1]} : vector<64x512xf32> to vector<64x128xf32>
    %slice3A_192 = vector.extract_strided_slice %add3A_189 {offsets = [0, 256], sizes = [64, 128], strides = [1, 1]} : vector<64x512xf32> to vector<64x128xf32>
    %slice3A_193 = vector.extract_strided_slice %add3A_189 {offsets = [0, 384], sizes = [64, 128], strides = [1, 1]} : vector<64x512xf32> to vector<64x128xf32>
    %neg3A_194 = arith.constant 0.000000e+00 : f32
    %neg3A_195 = vector.broadcast %neg3A_194 : f32 to vector<64x128xf32>
    %neg3A_196 = arith.subf %neg3A_195, %slice3A_191 : vector<64x128xf32>
    %exp3A_197 = math.exp %neg3A_196 : vector<64x128xf32>
    %add3A_198 = arith.constant 1.000000e+00 : f32
    %add3A_199 = vector.broadcast %add3A_198 : f32 to vector<64x128xf32>
    %add3A_200 = arith.addf %add3A_199, %exp3A_197 : vector<64x128xf32>
    %div3A_201 = arith.constant 1.000000e+00 : f32
    %div3A_202 = vector.broadcast %div3A_201 : f32 to vector<64x128xf32>
    %div3A_203 = arith.divf %div3A_202, %add3A_200 : vector<64x128xf32>
    %mul3A_204 = arith.mulf %div3A_203, %add3A_75 : vector<64x128xf32>
    %neg3A_205 = arith.constant 0.000000e+00 : f32
    %neg3A_206 = vector.broadcast %neg3A_205 : f32 to vector<64x128xf32>
    %neg3A_207 = arith.subf %neg3A_206, %slice3A_190 : vector<64x128xf32>
    %exp3A_208 = math.exp %neg3A_207 : vector<64x128xf32>
    %add3A_209 = arith.constant 1.000000e+00 : f32
    %add3A_210 = vector.broadcast %add3A_209 : f32 to vector<64x128xf32>
    %add3A_211 = arith.addf %add3A_210, %exp3A_208 : vector<64x128xf32>
    %div3A_212 = arith.constant 1.000000e+00 : f32
    %div3A_213 = vector.broadcast %div3A_212 : f32 to vector<64x128xf32>
    %div3A_214 = arith.divf %div3A_213, %add3A_211 : vector<64x128xf32>
    %tanh3A_215 = math.tanh %slice3A_192 : vector<64x128xf32>
    %mul3A_216 = arith.mulf %div3A_214, %tanh3A_215 : vector<64x128xf32>
    %add3A_217 = arith.addf %mul3A_204, %mul3A_216 : vector<64x128xf32>
    %neg3A_218 = arith.constant 0.000000e+00 : f32
    %neg3A_219 = vector.broadcast %neg3A_218 : f32 to vector<64x128xf32>
    %neg3A_220 = arith.subf %neg3A_219, %slice3A_193 : vector<64x128xf32>
    %exp3A_221 = math.exp %neg3A_220 : vector<64x128xf32>
    %add3A_222 = arith.constant 1.000000e+00 : f32
    %add3A_223 = vector.broadcast %add3A_222 : f32 to vector<64x128xf32>
    %add3A_224 = arith.addf %add3A_223, %exp3A_221 : vector<64x128xf32>
    %div3A_225 = arith.constant 1.000000e+00 : f32
    %div3A_226 = vector.broadcast %div3A_225 : f32 to vector<64x128xf32>
    %div3A_227 = arith.divf %div3A_226, %add3A_224 : vector<64x128xf32>
    %tanh3A_228 = math.tanh %add3A_217 : vector<64x128xf32>
    %mul3A_229 = arith.mulf %div3A_227, %tanh3A_228 : vector<64x128xf32>
    %get3A_230 = arith.constant 0 : index
    %get3A_231 = arith.constant 0 : index
    %get3A_232 = vector.load %arg8[%get3A_230, %get3A_231] : memref<128x512xf32, #tpu.memory_space<vmem>>, vector<128x512xf32>
    %dot_general3A_233 = arith.constant dense<0.000000e+00> : vector<64x512xf32>
    %dot_general3A_234 = tpu.matmul %mul3A_229, %get3A_232, %dot_general3A_233 {dimension_numbers = #tpu.dot_dimension_numbers<[1], [0], [0], [1], [0, 0, 1, 1], [], []>, transpose_lhs_hint = false} : vector<64x128xf32>, vector<128x512xf32>, vector<64x512xf32> -> vector<64x512xf32>
    %get3A_235 = arith.constant 0 : index
    %get3A_236 = arith.constant 0 : index
    %get3A_237 = vector.load %arg9[%get3A_235, %get3A_236] : memref<128x512xf32, #tpu.memory_space<vmem>>, vector<128x512xf32>
    %dot_general3A_238 = arith.constant dense<0.000000e+00> : vector<64x512xf32>
    %dot_general3A_239 = tpu.matmul %mul3A_143, %get3A_237, %dot_general3A_238 {dimension_numbers = #tpu.dot_dimension_numbers<[1], [0], [0], [1], [0, 0, 1, 1], [], []>, transpose_lhs_hint = false} : vector<64x128xf32>, vector<128x512xf32>, vector<64x512xf32> -> vector<64x512xf32>
    %add3A_240 = arith.addf %dot_general3A_234, %dot_general3A_239 : vector<64x512xf32>
    %get3A_241 = arith.constant 0 : index
    %get3A_242 = arith.constant 0 : index
    %get3A_243 = vector.load %arg10[%get3A_241, %get3A_242] : memref<1x512xf32, #tpu.memory_space<vmem>>, vector<1x512xf32>
    %add3A_244 = vector.broadcast %get3A_243 : vector<1x512xf32> to vector<64x512xf32>
    %add3A_245 = arith.addf %add3A_240, %add3A_244 : vector<64x512xf32>
    %slice3A_246 = vector.extract_strided_slice %add3A_245 {offsets = [0, 0], sizes = [64, 128], strides = [1, 1]} : vector<64x512xf32> to vector<64x128xf32>
    %slice3A_247 = vector.extract_strided_slice %add3A_245 {offsets = [0, 128], sizes = [64, 128], strides = [1, 1]} : vector<64x512xf32> to vector<64x128xf32>
    %slice3A_248 = vector.extract_strided_slice %add3A_245 {offsets = [0, 256], sizes = [64, 128], strides = [1, 1]} : vector<64x512xf32> to vector<64x128xf32>
    %slice3A_249 = vector.extract_strided_slice %add3A_245 {offsets = [0, 384], sizes = [64, 128], strides = [1, 1]} : vector<64x512xf32> to vector<64x128xf32>
    %neg3A_250 = arith.constant 0.000000e+00 : f32
    %neg3A_251 = vector.broadcast %neg3A_250 : f32 to vector<64x128xf32>
    %neg3A_252 = arith.subf %neg3A_251, %slice3A_247 : vector<64x128xf32>
    %exp3A_253 = math.exp %neg3A_252 : vector<64x128xf32>
    %add3A_254 = arith.constant 1.000000e+00 : f32
    %add3A_255 = vector.broadcast %add3A_254 : f32 to vector<64x128xf32>
    %add3A_256 = arith.addf %add3A_255, %exp3A_253 : vector<64x128xf32>
    %div3A_257 = arith.constant 1.000000e+00 : f32
    %div3A_258 = vector.broadcast %div3A_257 : f32 to vector<64x128xf32>
    %div3A_259 = arith.divf %div3A_258, %add3A_256 : vector<64x128xf32>
    %mul3A_260 = arith.mulf %div3A_259, %add3A_131 : vector<64x128xf32>
    %neg3A_261 = arith.constant 0.000000e+00 : f32
    %neg3A_262 = vector.broadcast %neg3A_261 : f32 to vector<64x128xf32>
    %neg3A_263 = arith.subf %neg3A_262, %slice3A_246 : vector<64x128xf32>
    %exp3A_264 = math.exp %neg3A_263 : vector<64x128xf32>
    %add3A_265 = arith.constant 1.000000e+00 : f32
    %add3A_266 = vector.broadcast %add3A_265 : f32 to vector<64x128xf32>
    %add3A_267 = arith.addf %add3A_266, %exp3A_264 : vector<64x128xf32>
    %div3A_268 = arith.constant 1.000000e+00 : f32
    %div3A_269 = vector.broadcast %div3A_268 : f32 to vector<64x128xf32>
    %div3A_270 = arith.divf %div3A_269, %add3A_267 : vector<64x128xf32>
    %tanh3A_271 = math.tanh %slice3A_248 : vector<64x128xf32>
    %mul3A_272 = arith.mulf %div3A_270, %tanh3A_271 : vector<64x128xf32>
    %add3A_273 = arith.addf %mul3A_260, %mul3A_272 : vector<64x128xf32>
    %neg3A_274 = arith.constant 0.000000e+00 : f32
    %neg3A_275 = vector.broadcast %neg3A_274 : f32 to vector<64x128xf32>
    %neg3A_276 = arith.subf %neg3A_275, %slice3A_249 : vector<64x128xf32>
    %exp3A_277 = math.exp %neg3A_276 : vector<64x128xf32>
    %add3A_278 = arith.constant 1.000000e+00 : f32
    %add3A_279 = vector.broadcast %add3A_278 : f32 to vector<64x128xf32>
    %add3A_280 = arith.addf %add3A_279, %exp3A_277 : vector<64x128xf32>
    %div3A_281 = arith.constant 1.000000e+00 : f32
    %div3A_282 = vector.broadcast %div3A_281 : f32 to vector<64x128xf32>
    %div3A_283 = arith.divf %div3A_282, %add3A_280 : vector<64x128xf32>
    %tanh3A_284 = math.tanh %add3A_273 : vector<64x128xf32>
    %mul3A_285 = arith.mulf %div3A_283, %tanh3A_284 : vector<64x128xf32>
    %dot_general3A_286 = arith.constant dense<0.000000e+00> : vector<10000x128xf32>
    %dot_general3A_287 = tpu.matmul %convert_element_type3A_28, %mul3A_285, %dot_general3A_286 {dimension_numbers = #tpu.dot_dimension_numbers<[1], [0], [0], [1], [0, 0, 1, 1], [], []>, transpose_lhs_hint = false} : vector<10000x64xf32>, vector<64x128xf32>, vector<10000x128xf32> -> vector<10000x128xf32>
    %mul3A_288 = arith.mulf %max3A_23, %dot_general3A_287 : vector<10000x128xf32>
    %reduce_sum3A_289 = arith.constant dense<0.000000e+00> : vector<10000xf32>
    %reduce_sum3A_290 = vector.multi_reduction <add>, %mul3A_288, %reduce_sum3A_289 [1] : vector<10000x128xf32> to vector<10000xf32>
    %broadcast_in_dim3A_291 = vector.shape_cast %reduce_sum3A_290 : vector<10000xf32> to vector<10000x1xf32>
    %gt3A_292 = arith.constant 0.000000e+00 : f32
    %gt3A_293 = vector.broadcast %gt3A_292 : f32 to vector<10000x64xf32>
    %gt3A_294 = arith.cmpf ogt, %convert_element_type3A_28, %gt3A_293 : vector<10000x64xf32>
    %jit3A_295 = arith.constant -1.000000e+30 : f32
    %broadcast_in_dim3A_296 = vector.shape_cast %broadcast_in_dim3A_291 : vector<10000x1xf32> to vector<10000x1xf32>
    %broadcast_in_dim3A_297 = vector.broadcast %broadcast_in_dim3A_296 : vector<10000x1xf32> to vector<10000x64xf32>
    %broadcast_in_dim3A_298 = vector.broadcast %jit3A_295 : f32 to vector<10000x64xf32>
    %select_n3A_299 = arith.select %gt3A_294, %broadcast_in_dim3A_297, %broadcast_in_dim3A_298 : vector<10000x64xi1>, vector<10000x64xf32>
    %reduce_max3A_300 = arith.constant dense<0xFF800000> : vector<64xf32>
    %reduce_max3A_301 = vector.multi_reduction <maximumf>, %select_n3A_299, %reduce_max3A_300 [0] : vector<10000x64xf32> to vector<64xf32>
    %broadcast_in_dim3A_302 = vector.shape_cast %reduce_max3A_301 : vector<64xf32> to vector<1x64xf32>
    %gt3A_303 = arith.constant -1.000000e+29 : f32
    %gt3A_304 = vector.broadcast %gt3A_303 : f32 to vector<1x64xf32>
    %gt3A_305 = arith.cmpf ogt, %broadcast_in_dim3A_302, %gt3A_304 : vector<1x64xf32>
    %jit3A_306 = arith.constant 0.000000e+00 : f32
    %broadcast_in_dim3A_307 = vector.broadcast %jit3A_306 : f32 to vector<1x64xf32>
    %select_n3A_308 = arith.select %gt3A_305, %broadcast_in_dim3A_302, %broadcast_in_dim3A_307 : vector<1x64xi1>, vector<1x64xf32>
    %dot_general3A_309 = arith.constant dense<0.000000e+00> : vector<10000x1xf32>
    %dot_general3A_310 = tpu.matmul %convert_element_type3A_28, %select_n3A_308, %dot_general3A_309 {dimension_numbers = #tpu.dot_dimension_numbers<[1], [1], [0], [0], [0, 0, 1, 0], [], []>, transpose_lhs_hint = false} : vector<10000x64xf32>, vector<1x64xf32>, vector<10000x1xf32> -> vector<10000x1xf32>
    %sub3A_311 = arith.subf %broadcast_in_dim3A_291, %dot_general3A_310 : vector<10000x1xf32>
    %exp3A_312 = math.exp %sub3A_311 : vector<10000x1xf32>
    %dot_general3A_313 = arith.constant dense<0.000000e+00> : vector<64x1xf32>
    %dot_general3A_314 = tpu.matmul %convert_element_type3A_28, %exp3A_312, %dot_general3A_313 {dimension_numbers = #tpu.dot_dimension_numbers<[0], [0], [1], [1], [0, 1, 1, 1], [], []>, transpose_lhs_hint = false} : vector<10000x64xf32>, vector<10000x1xf32>, vector<64x1xf32> -> vector<64x1xf32>
    %dot_general3A_315 = arith.constant dense<0.000000e+00> : vector<10000x1xf32>
    %dot_general3A_316 = tpu.matmul %convert_element_type3A_28, %dot_general3A_314, %dot_general3A_315 {dimension_numbers = #tpu.dot_dimension_numbers<[1], [0], [0], [1], [0, 0, 1, 1], [], []>, transpose_lhs_hint = false} : vector<10000x64xf32>, vector<64x1xf32>, vector<10000x1xf32> -> vector<10000x1xf32>
    %div3A_317 = arith.divf %exp3A_312, %dot_general3A_316 : vector<10000x1xf32>
    %mul3A_318 = vector.broadcast %div3A_317 : vector<10000x1xf32> to vector<10000x128xf32>
    %mul3A_319 = arith.mulf %mul3A_318, %max3A_23 : vector<10000x128xf32>
    %dot_general3A_320 = arith.constant dense<0.000000e+00> : vector<64x128xf32>
    %dot_general3A_321 = tpu.matmul %convert_element_type3A_28, %mul3A_319, %dot_general3A_320 {dimension_numbers = #tpu.dot_dimension_numbers<[0], [0], [1], [1], [0, 1, 1, 1], [], []>, transpose_lhs_hint = false} : vector<10000x64xf32>, vector<10000x128xf32>, vector<64x128xf32> -> vector<64x128xf32>
    %concatenate3A_322 = tpu.concatenate %mul3A_285, %dot_general3A_321 in 1 : vector<64x128xf32>, vector<64x128xf32> -> vector<64x256xf32>
    %get3A_323 = arith.constant 0 : index
    %get3A_324 = arith.constant 0 : index
    %get3A_325 = vector.load %arg5[%get3A_323, %get3A_324] : memref<256x512xf32, #tpu.memory_space<vmem>>, vector<256x512xf32>
    %dot_general3A_326 = arith.constant dense<0.000000e+00> : vector<64x512xf32>
    %dot_general3A_327 = tpu.matmul %concatenate3A_322, %get3A_325, %dot_general3A_326 {dimension_numbers = #tpu.dot_dimension_numbers<[1], [0], [0], [1], [0, 0, 1, 1], [], []>, transpose_lhs_hint = false} : vector<64x256xf32>, vector<256x512xf32>, vector<64x512xf32> -> vector<64x512xf32>
    %get3A_328 = arith.constant 0 : index
    %get3A_329 = arith.constant 0 : index
    %get3A_330 = vector.load %arg6[%get3A_328, %get3A_329] : memref<128x512xf32, #tpu.memory_space<vmem>>, vector<128x512xf32>
    %dot_general3A_331 = arith.constant dense<0.000000e+00> : vector<64x512xf32>
    %dot_general3A_332 = tpu.matmul %mul3A_229, %get3A_330, %dot_general3A_331 {dimension_numbers = #tpu.dot_dimension_numbers<[1], [0], [0], [1], [0, 0, 1, 1], [], []>, transpose_lhs_hint = false} : vector<64x128xf32>, vector<128x512xf32>, vector<64x512xf32> -> vector<64x512xf32>
    %add3A_333 = arith.addf %dot_general3A_327, %dot_general3A_332 : vector<64x512xf32>
    %get3A_334 = arith.constant 0 : index
    %get3A_335 = arith.constant 0 : index
    %get3A_336 = vector.load %arg7[%get3A_334, %get3A_335] : memref<1x512xf32, #tpu.memory_space<vmem>>, vector<1x512xf32>
    %add3A_337 = vector.broadcast %get3A_336 : vector<1x512xf32> to vector<64x512xf32>
    %add3A_338 = arith.addf %add3A_333, %add3A_337 : vector<64x512xf32>
    %slice3A_339 = vector.extract_strided_slice %add3A_338 {offsets = [0, 0], sizes = [64, 128], strides = [1, 1]} : vector<64x512xf32> to vector<64x128xf32>
    %slice3A_340 = vector.extract_strided_slice %add3A_338 {offsets = [0, 128], sizes = [64, 128], strides = [1, 1]} : vector<64x512xf32> to vector<64x128xf32>
    %slice3A_341 = vector.extract_strided_slice %add3A_338 {offsets = [0, 256], sizes = [64, 128], strides = [1, 1]} : vector<64x512xf32> to vector<64x128xf32>
    %slice3A_342 = vector.extract_strided_slice %add3A_338 {offsets = [0, 384], sizes = [64, 128], strides = [1, 1]} : vector<64x512xf32> to vector<64x128xf32>
    %neg3A_343 = arith.constant 0.000000e+00 : f32
    %neg3A_344 = vector.broadcast %neg3A_343 : f32 to vector<64x128xf32>
    %neg3A_345 = arith.subf %neg3A_344, %slice3A_340 : vector<64x128xf32>
    %exp3A_346 = math.exp %neg3A_345 : vector<64x128xf32>
    %add3A_347 = arith.constant 1.000000e+00 : f32
    %add3A_348 = vector.broadcast %add3A_347 : f32 to vector<64x128xf32>
    %add3A_349 = arith.addf %add3A_348, %exp3A_346 : vector<64x128xf32>
    %div3A_350 = arith.constant 1.000000e+00 : f32
    %div3A_351 = vector.broadcast %div3A_350 : f32 to vector<64x128xf32>
    %div3A_352 = arith.divf %div3A_351, %add3A_349 : vector<64x128xf32>
    %mul3A_353 = arith.mulf %div3A_352, %add3A_217 : vector<64x128xf32>
    %neg3A_354 = arith.constant 0.000000e+00 : f32
    %neg3A_355 = vector.broadcast %neg3A_354 : f32 to vector<64x128xf32>
    %neg3A_356 = arith.subf %neg3A_355, %slice3A_339 : vector<64x128xf32>
    %exp3A_357 = math.exp %neg3A_356 : vector<64x128xf32>
    %add3A_358 = arith.constant 1.000000e+00 : f32
    %add3A_359 = vector.broadcast %add3A_358 : f32 to vector<64x128xf32>
    %add3A_360 = arith.addf %add3A_359, %exp3A_357 : vector<64x128xf32>
    %div3A_361 = arith.constant 1.000000e+00 : f32
    %div3A_362 = vector.broadcast %div3A_361 : f32 to vector<64x128xf32>
    %div3A_363 = arith.divf %div3A_362, %add3A_360 : vector<64x128xf32>
    %tanh3A_364 = math.tanh %slice3A_341 : vector<64x128xf32>
    %mul3A_365 = arith.mulf %div3A_363, %tanh3A_364 : vector<64x128xf32>
    %add3A_366 = arith.addf %mul3A_353, %mul3A_365 : vector<64x128xf32>
    %neg3A_367 = arith.constant 0.000000e+00 : f32
    %neg3A_368 = vector.broadcast %neg3A_367 : f32 to vector<64x128xf32>
    %neg3A_369 = arith.subf %neg3A_368, %slice3A_342 : vector<64x128xf32>
    %exp3A_370 = math.exp %neg3A_369 : vector<64x128xf32>
    %add3A_371 = arith.constant 1.000000e+00 : f32
    %add3A_372 = vector.broadcast %add3A_371 : f32 to vector<64x128xf32>
    %add3A_373 = arith.addf %add3A_372, %exp3A_370 : vector<64x128xf32>
    %div3A_374 = arith.constant 1.000000e+00 : f32
    %div3A_375 = vector.broadcast %div3A_374 : f32 to vector<64x128xf32>
    %div3A_376 = arith.divf %div3A_375, %add3A_373 : vector<64x128xf32>
    %tanh3A_377 = math.tanh %add3A_366 : vector<64x128xf32>
    %mul3A_378 = arith.mulf %div3A_376, %tanh3A_377 : vector<64x128xf32>
    %get3A_379 = arith.constant 0 : index
    %get3A_380 = arith.constant 0 : index
    %get3A_381 = vector.load %arg8[%get3A_379, %get3A_380] : memref<128x512xf32, #tpu.memory_space<vmem>>, vector<128x512xf32>
    %dot_general3A_382 = arith.constant dense<0.000000e+00> : vector<64x512xf32>
    %dot_general3A_383 = tpu.matmul %mul3A_378, %get3A_381, %dot_general3A_382 {dimension_numbers = #tpu.dot_dimension_numbers<[1], [0], [0], [1], [0, 0, 1, 1], [], []>, transpose_lhs_hint = false} : vector<64x128xf32>, vector<128x512xf32>, vector<64x512xf32> -> vector<64x512xf32>
    %get3A_384 = arith.constant 0 : index
    %get3A_385 = arith.constant 0 : index
    %get3A_386 = vector.load %arg9[%get3A_384, %get3A_385] : memref<128x512xf32, #tpu.memory_space<vmem>>, vector<128x512xf32>
    %dot_general3A_387 = arith.constant dense<0.000000e+00> : vector<64x512xf32>
    %dot_general3A_388 = tpu.matmul %mul3A_285, %get3A_386, %dot_general3A_387 {dimension_numbers = #tpu.dot_dimension_numbers<[1], [0], [0], [1], [0, 0, 1, 1], [], []>, transpose_lhs_hint = false} : vector<64x128xf32>, vector<128x512xf32>, vector<64x512xf32> -> vector<64x512xf32>
    %add3A_389 = arith.addf %dot_general3A_383, %dot_general3A_388 : vector<64x512xf32>
    %get3A_390 = arith.constant 0 : index
    %get3A_391 = arith.constant 0 : index
    %get3A_392 = vector.load %arg10[%get3A_390, %get3A_391] : memref<1x512xf32, #tpu.memory_space<vmem>>, vector<1x512xf32>
    %add3A_393 = vector.broadcast %get3A_392 : vector<1x512xf32> to vector<64x512xf32>
    %add3A_394 = arith.addf %add3A_389, %add3A_393 : vector<64x512xf32>
    %slice3A_395 = vector.extract_strided_slice %add3A_394 {offsets = [0, 0], sizes = [64, 128], strides = [1, 1]} : vector<64x512xf32> to vector<64x128xf32>
    %slice3A_396 = vector.extract_strided_slice %add3A_394 {offsets = [0, 128], sizes = [64, 128], strides = [1, 1]} : vector<64x512xf32> to vector<64x128xf32>
    %slice3A_397 = vector.extract_strided_slice %add3A_394 {offsets = [0, 256], sizes = [64, 128], strides = [1, 1]} : vector<64x512xf32> to vector<64x128xf32>
    %slice3A_398 = vector.extract_strided_slice %add3A_394 {offsets = [0, 384], sizes = [64, 128], strides = [1, 1]} : vector<64x512xf32> to vector<64x128xf32>
    %neg3A_399 = arith.constant 0.000000e+00 : f32
    %neg3A_400 = vector.broadcast %neg3A_399 : f32 to vector<64x128xf32>
    %neg3A_401 = arith.subf %neg3A_400, %slice3A_396 : vector<64x128xf32>
    %exp3A_402 = math.exp %neg3A_401 : vector<64x128xf32>
    %add3A_403 = arith.constant 1.000000e+00 : f32
    %add3A_404 = vector.broadcast %add3A_403 : f32 to vector<64x128xf32>
    %add3A_405 = arith.addf %add3A_404, %exp3A_402 : vector<64x128xf32>
    %div3A_406 = arith.constant 1.000000e+00 : f32
    %div3A_407 = vector.broadcast %div3A_406 : f32 to vector<64x128xf32>
    %div3A_408 = arith.divf %div3A_407, %add3A_405 : vector<64x128xf32>
    %mul3A_409 = arith.mulf %div3A_408, %add3A_273 : vector<64x128xf32>
    %neg3A_410 = arith.constant 0.000000e+00 : f32
    %neg3A_411 = vector.broadcast %neg3A_410 : f32 to vector<64x128xf32>
    %neg3A_412 = arith.subf %neg3A_411, %slice3A_395 : vector<64x128xf32>
    %exp3A_413 = math.exp %neg3A_412 : vector<64x128xf32>
    %add3A_414 = arith.constant 1.000000e+00 : f32
    %add3A_415 = vector.broadcast %add3A_414 : f32 to vector<64x128xf32>
    %add3A_416 = arith.addf %add3A_415, %exp3A_413 : vector<64x128xf32>
    %div3A_417 = arith.constant 1.000000e+00 : f32
    %div3A_418 = vector.broadcast %div3A_417 : f32 to vector<64x128xf32>
    %div3A_419 = arith.divf %div3A_418, %add3A_416 : vector<64x128xf32>
    %tanh3A_420 = math.tanh %slice3A_397 : vector<64x128xf32>
    %mul3A_421 = arith.mulf %div3A_419, %tanh3A_420 : vector<64x128xf32>
    %add3A_422 = arith.addf %mul3A_409, %mul3A_421 : vector<64x128xf32>
    %neg3A_423 = arith.constant 0.000000e+00 : f32
    %neg3A_424 = vector.broadcast %neg3A_423 : f32 to vector<64x128xf32>
    %neg3A_425 = arith.subf %neg3A_424, %slice3A_398 : vector<64x128xf32>
    %exp3A_426 = math.exp %neg3A_425 : vector<64x128xf32>
    %add3A_427 = arith.constant 1.000000e+00 : f32
    %add3A_428 = vector.broadcast %add3A_427 : f32 to vector<64x128xf32>
    %add3A_429 = arith.addf %add3A_428, %exp3A_426 : vector<64x128xf32>
    %div3A_430 = arith.constant 1.000000e+00 : f32
    %div3A_431 = vector.broadcast %div3A_430 : f32 to vector<64x128xf32>
    %div3A_432 = arith.divf %div3A_431, %add3A_429 : vector<64x128xf32>
    %tanh3A_433 = math.tanh %add3A_422 : vector<64x128xf32>
    %mul3A_434 = arith.mulf %div3A_432, %tanh3A_433 : vector<64x128xf32>
    %dot_general3A_435 = arith.constant dense<0.000000e+00> : vector<10000x128xf32>
    %dot_general3A_436 = tpu.matmul %convert_element_type3A_28, %mul3A_434, %dot_general3A_435 {dimension_numbers = #tpu.dot_dimension_numbers<[1], [0], [0], [1], [0, 0, 1, 1], [], []>, transpose_lhs_hint = false} : vector<10000x64xf32>, vector<64x128xf32>, vector<10000x128xf32> -> vector<10000x128xf32>
    %mul3A_437 = arith.mulf %max3A_23, %dot_general3A_436 : vector<10000x128xf32>
    %reduce_sum3A_438 = arith.constant dense<0.000000e+00> : vector<10000xf32>
    %reduce_sum3A_439 = vector.multi_reduction <add>, %mul3A_437, %reduce_sum3A_438 [1] : vector<10000x128xf32> to vector<10000xf32>
    %broadcast_in_dim3A_440 = vector.shape_cast %reduce_sum3A_439 : vector<10000xf32> to vector<10000x1xf32>
    %gt3A_441 = arith.constant 0.000000e+00 : f32
    %gt3A_442 = vector.broadcast %gt3A_441 : f32 to vector<10000x64xf32>
    %gt3A_443 = arith.cmpf ogt, %convert_element_type3A_28, %gt3A_442 : vector<10000x64xf32>
    %jit3A_444 = arith.constant -1.000000e+30 : f32
    %broadcast_in_dim3A_445 = vector.shape_cast %broadcast_in_dim3A_440 : vector<10000x1xf32> to vector<10000x1xf32>
    %broadcast_in_dim3A_446 = vector.broadcast %broadcast_in_dim3A_445 : vector<10000x1xf32> to vector<10000x64xf32>
    %broadcast_in_dim3A_447 = vector.broadcast %jit3A_444 : f32 to vector<10000x64xf32>
    %select_n3A_448 = arith.select %gt3A_443, %broadcast_in_dim3A_446, %broadcast_in_dim3A_447 : vector<10000x64xi1>, vector<10000x64xf32>
    %reduce_max3A_449 = arith.constant dense<0xFF800000> : vector<64xf32>
    %reduce_max3A_450 = vector.multi_reduction <maximumf>, %select_n3A_448, %reduce_max3A_449 [0] : vector<10000x64xf32> to vector<64xf32>
    %broadcast_in_dim3A_451 = vector.shape_cast %reduce_max3A_450 : vector<64xf32> to vector<1x64xf32>
    %gt3A_452 = arith.constant -1.000000e+29 : f32
    %gt3A_453 = vector.broadcast %gt3A_452 : f32 to vector<1x64xf32>
    %gt3A_454 = arith.cmpf ogt, %broadcast_in_dim3A_451, %gt3A_453 : vector<1x64xf32>
    %jit3A_455 = arith.constant 0.000000e+00 : f32
    %broadcast_in_dim3A_456 = vector.broadcast %jit3A_455 : f32 to vector<1x64xf32>
    %select_n3A_457 = arith.select %gt3A_454, %broadcast_in_dim3A_451, %broadcast_in_dim3A_456 : vector<1x64xi1>, vector<1x64xf32>
    %dot_general3A_458 = arith.constant dense<0.000000e+00> : vector<10000x1xf32>
    %dot_general3A_459 = tpu.matmul %convert_element_type3A_28, %select_n3A_457, %dot_general3A_458 {dimension_numbers = #tpu.dot_dimension_numbers<[1], [1], [0], [0], [0, 0, 1, 0], [], []>, transpose_lhs_hint = false} : vector<10000x64xf32>, vector<1x64xf32>, vector<10000x1xf32> -> vector<10000x1xf32>
    %sub3A_460 = arith.subf %broadcast_in_dim3A_440, %dot_general3A_459 : vector<10000x1xf32>
    %exp3A_461 = math.exp %sub3A_460 : vector<10000x1xf32>
    %dot_general3A_462 = arith.constant dense<0.000000e+00> : vector<64x1xf32>
    %dot_general3A_463 = tpu.matmul %convert_element_type3A_28, %exp3A_461, %dot_general3A_462 {dimension_numbers = #tpu.dot_dimension_numbers<[0], [0], [1], [1], [0, 1, 1, 1], [], []>, transpose_lhs_hint = false} : vector<10000x64xf32>, vector<10000x1xf32>, vector<64x1xf32> -> vector<64x1xf32>
    %dot_general3A_464 = arith.constant dense<0.000000e+00> : vector<10000x1xf32>
    %dot_general3A_465 = tpu.matmul %convert_element_type3A_28, %dot_general3A_463, %dot_general3A_464 {dimension_numbers = #tpu.dot_dimension_numbers<[1], [0], [0], [1], [0, 0, 1, 1], [], []>, transpose_lhs_hint = false} : vector<10000x64xf32>, vector<64x1xf32>, vector<10000x1xf32> -> vector<10000x1xf32>
    %div3A_466 = arith.divf %exp3A_461, %dot_general3A_465 : vector<10000x1xf32>
    %mul3A_467 = vector.broadcast %div3A_466 : vector<10000x1xf32> to vector<10000x128xf32>
    %mul3A_468 = arith.mulf %mul3A_467, %max3A_23 : vector<10000x128xf32>
    %dot_general3A_469 = arith.constant dense<0.000000e+00> : vector<64x128xf32>
    %dot_general3A_470 = tpu.matmul %convert_element_type3A_28, %mul3A_468, %dot_general3A_469 {dimension_numbers = #tpu.dot_dimension_numbers<[0], [0], [1], [1], [0, 1, 1, 1], [], []>, transpose_lhs_hint = false} : vector<10000x64xf32>, vector<10000x128xf32>, vector<64x128xf32> -> vector<64x128xf32>
    %concatenate3A_471 = tpu.concatenate %mul3A_434, %dot_general3A_470 in 1 : vector<64x128xf32>, vector<64x128xf32> -> vector<64x256xf32>
    %get3A_472 = arith.constant 0 : index
    %get3A_473 = arith.constant 0 : index
    %get3A_474 = vector.load %arg5[%get3A_472, %get3A_473] : memref<256x512xf32, #tpu.memory_space<vmem>>, vector<256x512xf32>
    %dot_general3A_475 = arith.constant dense<0.000000e+00> : vector<64x512xf32>
    %dot_general3A_476 = tpu.matmul %concatenate3A_471, %get3A_474, %dot_general3A_475 {dimension_numbers = #tpu.dot_dimension_numbers<[1], [0], [0], [1], [0, 0, 1, 1], [], []>, transpose_lhs_hint = false} : vector<64x256xf32>, vector<256x512xf32>, vector<64x512xf32> -> vector<64x512xf32>
    %get3A_477 = arith.constant 0 : index
    %get3A_478 = arith.constant 0 : index
    %get3A_479 = vector.load %arg6[%get3A_477, %get3A_478] : memref<128x512xf32, #tpu.memory_space<vmem>>, vector<128x512xf32>
    %dot_general3A_480 = arith.constant dense<0.000000e+00> : vector<64x512xf32>
    %dot_general3A_481 = tpu.matmul %mul3A_378, %get3A_479, %dot_general3A_480 {dimension_numbers = #tpu.dot_dimension_numbers<[1], [0], [0], [1], [0, 0, 1, 1], [], []>, transpose_lhs_hint = false} : vector<64x128xf32>, vector<128x512xf32>, vector<64x512xf32> -> vector<64x512xf32>
    %add3A_482 = arith.addf %dot_general3A_476, %dot_general3A_481 : vector<64x512xf32>
    %get3A_483 = arith.constant 0 : index
    %get3A_484 = arith.constant 0 : index
    %get3A_485 = vector.load %arg7[%get3A_483, %get3A_484] : memref<1x512xf32, #tpu.memory_space<vmem>>, vector<1x512xf32>
    %add3A_486 = vector.broadcast %get3A_485 : vector<1x512xf32> to vector<64x512xf32>
    %add3A_487 = arith.addf %add3A_482, %add3A_486 : vector<64x512xf32>
    %slice3A_488 = vector.extract_strided_slice %add3A_487 {offsets = [0, 0], sizes = [64, 128], strides = [1, 1]} : vector<64x512xf32> to vector<64x128xf32>
    %slice3A_489 = vector.extract_strided_slice %add3A_487 {offsets = [0, 128], sizes = [64, 128], strides = [1, 1]} : vector<64x512xf32> to vector<64x128xf32>
    %slice3A_490 = vector.extract_strided_slice %add3A_487 {offsets = [0, 256], sizes = [64, 128], strides = [1, 1]} : vector<64x512xf32> to vector<64x128xf32>
    %slice3A_491 = vector.extract_strided_slice %add3A_487 {offsets = [0, 384], sizes = [64, 128], strides = [1, 1]} : vector<64x512xf32> to vector<64x128xf32>
    %neg3A_492 = arith.constant 0.000000e+00 : f32
    %neg3A_493 = vector.broadcast %neg3A_492 : f32 to vector<64x128xf32>
    %neg3A_494 = arith.subf %neg3A_493, %slice3A_489 : vector<64x128xf32>
    %exp3A_495 = math.exp %neg3A_494 : vector<64x128xf32>
    %add3A_496 = arith.constant 1.000000e+00 : f32
    %add3A_497 = vector.broadcast %add3A_496 : f32 to vector<64x128xf32>
    %add3A_498 = arith.addf %add3A_497, %exp3A_495 : vector<64x128xf32>
    %div3A_499 = arith.constant 1.000000e+00 : f32
    %div3A_500 = vector.broadcast %div3A_499 : f32 to vector<64x128xf32>
    %div3A_501 = arith.divf %div3A_500, %add3A_498 : vector<64x128xf32>
    %mul3A_502 = arith.mulf %div3A_501, %add3A_366 : vector<64x128xf32>
    %neg3A_503 = arith.constant 0.000000e+00 : f32
    %neg3A_504 = vector.broadcast %neg3A_503 : f32 to vector<64x128xf32>
    %neg3A_505 = arith.subf %neg3A_504, %slice3A_488 : vector<64x128xf32>
    %exp3A_506 = math.exp %neg3A_505 : vector<64x128xf32>
    %add3A_507 = arith.constant 1.000000e+00 : f32
    %add3A_508 = vector.broadcast %add3A_507 : f32 to vector<64x128xf32>
    %add3A_509 = arith.addf %add3A_508, %exp3A_506 : vector<64x128xf32>
    %div3A_510 = arith.constant 1.000000e+00 : f32
    %div3A_511 = vector.broadcast %div3A_510 : f32 to vector<64x128xf32>
    %div3A_512 = arith.divf %div3A_511, %add3A_509 : vector<64x128xf32>
    %tanh3A_513 = math.tanh %slice3A_490 : vector<64x128xf32>
    %mul3A_514 = arith.mulf %div3A_512, %tanh3A_513 : vector<64x128xf32>
    %add3A_515 = arith.addf %mul3A_502, %mul3A_514 : vector<64x128xf32>
    %neg3A_516 = arith.constant 0.000000e+00 : f32
    %neg3A_517 = vector.broadcast %neg3A_516 : f32 to vector<64x128xf32>
    %neg3A_518 = arith.subf %neg3A_517, %slice3A_491 : vector<64x128xf32>
    %exp3A_519 = math.exp %neg3A_518 : vector<64x128xf32>
    %add3A_520 = arith.constant 1.000000e+00 : f32
    %add3A_521 = vector.broadcast %add3A_520 : f32 to vector<64x128xf32>
    %add3A_522 = arith.addf %add3A_521, %exp3A_519 : vector<64x128xf32>
    %div3A_523 = arith.constant 1.000000e+00 : f32
    %div3A_524 = vector.broadcast %div3A_523 : f32 to vector<64x128xf32>
    %div3A_525 = arith.divf %div3A_524, %add3A_522 : vector<64x128xf32>
    %tanh3A_526 = math.tanh %add3A_515 : vector<64x128xf32>
    %mul3A_527 = arith.mulf %div3A_525, %tanh3A_526 : vector<64x128xf32>
    %get3A_528 = arith.constant 0 : index
    %get3A_529 = arith.constant 0 : index
    %get3A_530 = vector.load %arg8[%get3A_528, %get3A_529] : memref<128x512xf32, #tpu.memory_space<vmem>>, vector<128x512xf32>
    %dot_general3A_531 = arith.constant dense<0.000000e+00> : vector<64x512xf32>
    %dot_general3A_532 = tpu.matmul %mul3A_527, %get3A_530, %dot_general3A_531 {dimension_numbers = #tpu.dot_dimension_numbers<[1], [0], [0], [1], [0, 0, 1, 1], [], []>, transpose_lhs_hint = false} : vector<64x128xf32>, vector<128x512xf32>, vector<64x512xf32> -> vector<64x512xf32>
    %get3A_533 = arith.constant 0 : index
    %get3A_534 = arith.constant 0 : index
    %get3A_535 = vector.load %arg9[%get3A_533, %get3A_534] : memref<128x512xf32, #tpu.memory_space<vmem>>, vector<128x512xf32>
    %dot_general3A_536 = arith.constant dense<0.000000e+00> : vector<64x512xf32>
    %dot_general3A_537 = tpu.matmul %mul3A_434, %get3A_535, %dot_general3A_536 {dimension_numbers = #tpu.dot_dimension_numbers<[1], [0], [0], [1], [0, 0, 1, 1], [], []>, transpose_lhs_hint = false} : vector<64x128xf32>, vector<128x512xf32>, vector<64x512xf32> -> vector<64x512xf32>
    %add3A_538 = arith.addf %dot_general3A_532, %dot_general3A_537 : vector<64x512xf32>
    %get3A_539 = arith.constant 0 : index
    %get3A_540 = arith.constant 0 : index
    %get3A_541 = vector.load %arg10[%get3A_539, %get3A_540] : memref<1x512xf32, #tpu.memory_space<vmem>>, vector<1x512xf32>
    %add3A_542 = vector.broadcast %get3A_541 : vector<1x512xf32> to vector<64x512xf32>
    %add3A_543 = arith.addf %add3A_538, %add3A_542 : vector<64x512xf32>
    %slice3A_544 = vector.extract_strided_slice %add3A_543 {offsets = [0, 0], sizes = [64, 128], strides = [1, 1]} : vector<64x512xf32> to vector<64x128xf32>
    %slice3A_545 = vector.extract_strided_slice %add3A_543 {offsets = [0, 128], sizes = [64, 128], strides = [1, 1]} : vector<64x512xf32> to vector<64x128xf32>
    %slice3A_546 = vector.extract_strided_slice %add3A_543 {offsets = [0, 256], sizes = [64, 128], strides = [1, 1]} : vector<64x512xf32> to vector<64x128xf32>
    %slice3A_547 = vector.extract_strided_slice %add3A_543 {offsets = [0, 384], sizes = [64, 128], strides = [1, 1]} : vector<64x512xf32> to vector<64x128xf32>
    %neg3A_548 = arith.constant 0.000000e+00 : f32
    %neg3A_549 = vector.broadcast %neg3A_548 : f32 to vector<64x128xf32>
    %neg3A_550 = arith.subf %neg3A_549, %slice3A_545 : vector<64x128xf32>
    %exp3A_551 = math.exp %neg3A_550 : vector<64x128xf32>
    %add3A_552 = arith.constant 1.000000e+00 : f32
    %add3A_553 = vector.broadcast %add3A_552 : f32 to vector<64x128xf32>
    %add3A_554 = arith.addf %add3A_553, %exp3A_551 : vector<64x128xf32>
    %div3A_555 = arith.constant 1.000000e+00 : f32
    %div3A_556 = vector.broadcast %div3A_555 : f32 to vector<64x128xf32>
    %div3A_557 = arith.divf %div3A_556, %add3A_554 : vector<64x128xf32>
    %mul3A_558 = arith.mulf %div3A_557, %add3A_422 : vector<64x128xf32>
    %neg3A_559 = arith.constant 0.000000e+00 : f32
    %neg3A_560 = vector.broadcast %neg3A_559 : f32 to vector<64x128xf32>
    %neg3A_561 = arith.subf %neg3A_560, %slice3A_544 : vector<64x128xf32>
    %exp3A_562 = math.exp %neg3A_561 : vector<64x128xf32>
    %add3A_563 = arith.constant 1.000000e+00 : f32
    %add3A_564 = vector.broadcast %add3A_563 : f32 to vector<64x128xf32>
    %add3A_565 = arith.addf %add3A_564, %exp3A_562 : vector<64x128xf32>
    %div3A_566 = arith.constant 1.000000e+00 : f32
    %div3A_567 = vector.broadcast %div3A_566 : f32 to vector<64x128xf32>
    %div3A_568 = arith.divf %div3A_567, %add3A_565 : vector<64x128xf32>
    %tanh3A_569 = math.tanh %slice3A_546 : vector<64x128xf32>
    %mul3A_570 = arith.mulf %div3A_568, %tanh3A_569 : vector<64x128xf32>
    %add3A_571 = arith.addf %mul3A_558, %mul3A_570 : vector<64x128xf32>
    %neg3A_572 = arith.constant 0.000000e+00 : f32
    %neg3A_573 = vector.broadcast %neg3A_572 : f32 to vector<64x128xf32>
    %neg3A_574 = arith.subf %neg3A_573, %slice3A_547 : vector<64x128xf32>
    %exp3A_575 = math.exp %neg3A_574 : vector<64x128xf32>
    %add3A_576 = arith.constant 1.000000e+00 : f32
    %add3A_577 = vector.broadcast %add3A_576 : f32 to vector<64x128xf32>
    %add3A_578 = arith.addf %add3A_577, %exp3A_575 : vector<64x128xf32>
    %div3A_579 = arith.constant 1.000000e+00 : f32
    %div3A_580 = vector.broadcast %div3A_579 : f32 to vector<64x128xf32>
    %div3A_581 = arith.divf %div3A_580, %add3A_578 : vector<64x128xf32>
    %tanh3A_582 = math.tanh %add3A_571 : vector<64x128xf32>
    %mul3A_583 = arith.mulf %div3A_581, %tanh3A_582 : vector<64x128xf32>
    %dot_general3A_584 = arith.constant dense<0.000000e+00> : vector<10000x128xf32>
    %dot_general3A_585 = tpu.matmul %convert_element_type3A_28, %mul3A_583, %dot_general3A_584 {dimension_numbers = #tpu.dot_dimension_numbers<[1], [0], [0], [1], [0, 0, 1, 1], [], []>, transpose_lhs_hint = false} : vector<10000x64xf32>, vector<64x128xf32>, vector<10000x128xf32> -> vector<10000x128xf32>
    %mul3A_586 = arith.mulf %max3A_23, %dot_general3A_585 : vector<10000x128xf32>
    %reduce_sum3A_587 = arith.constant dense<0.000000e+00> : vector<10000xf32>
    %reduce_sum3A_588 = vector.multi_reduction <add>, %mul3A_586, %reduce_sum3A_587 [1] : vector<10000x128xf32> to vector<10000xf32>
    %broadcast_in_dim3A_589 = vector.shape_cast %reduce_sum3A_588 : vector<10000xf32> to vector<10000x1xf32>
    %gt3A_590 = arith.constant 0.000000e+00 : f32
    %gt3A_591 = vector.broadcast %gt3A_590 : f32 to vector<10000x64xf32>
    %gt3A_592 = arith.cmpf ogt, %convert_element_type3A_28, %gt3A_591 : vector<10000x64xf32>
    %jit3A_593 = arith.constant -1.000000e+30 : f32
    %broadcast_in_dim3A_594 = vector.shape_cast %broadcast_in_dim3A_589 : vector<10000x1xf32> to vector<10000x1xf32>
    %broadcast_in_dim3A_595 = vector.broadcast %broadcast_in_dim3A_594 : vector<10000x1xf32> to vector<10000x64xf32>
    %broadcast_in_dim3A_596 = vector.broadcast %jit3A_593 : f32 to vector<10000x64xf32>
    %select_n3A_597 = arith.select %gt3A_592, %broadcast_in_dim3A_595, %broadcast_in_dim3A_596 : vector<10000x64xi1>, vector<10000x64xf32>
    %reduce_max3A_598 = arith.constant dense<0xFF800000> : vector<64xf32>
    %reduce_max3A_599 = vector.multi_reduction <maximumf>, %select_n3A_597, %reduce_max3A_598 [0] : vector<10000x64xf32> to vector<64xf32>
    %broadcast_in_dim3A_600 = vector.shape_cast %reduce_max3A_599 : vector<64xf32> to vector<1x64xf32>
    %gt3A_601 = arith.constant -1.000000e+29 : f32
    %gt3A_602 = vector.broadcast %gt3A_601 : f32 to vector<1x64xf32>
    %gt3A_603 = arith.cmpf ogt, %broadcast_in_dim3A_600, %gt3A_602 : vector<1x64xf32>
    %jit3A_604 = arith.constant 0.000000e+00 : f32
    %broadcast_in_dim3A_605 = vector.broadcast %jit3A_604 : f32 to vector<1x64xf32>
    %select_n3A_606 = arith.select %gt3A_603, %broadcast_in_dim3A_600, %broadcast_in_dim3A_605 : vector<1x64xi1>, vector<1x64xf32>
    %dot_general3A_607 = arith.constant dense<0.000000e+00> : vector<10000x1xf32>
    %dot_general3A_608 = tpu.matmul %convert_element_type3A_28, %select_n3A_606, %dot_general3A_607 {dimension_numbers = #tpu.dot_dimension_numbers<[1], [1], [0], [0], [0, 0, 1, 0], [], []>, transpose_lhs_hint = false} : vector<10000x64xf32>, vector<1x64xf32>, vector<10000x1xf32> -> vector<10000x1xf32>
    %sub3A_609 = arith.subf %broadcast_in_dim3A_589, %dot_general3A_608 : vector<10000x1xf32>
    %exp3A_610 = math.exp %sub3A_609 : vector<10000x1xf32>
    %dot_general3A_611 = arith.constant dense<0.000000e+00> : vector<64x1xf32>
    %dot_general3A_612 = tpu.matmul %convert_element_type3A_28, %exp3A_610, %dot_general3A_611 {dimension_numbers = #tpu.dot_dimension_numbers<[0], [0], [1], [1], [0, 1, 1, 1], [], []>, transpose_lhs_hint = false} : vector<10000x64xf32>, vector<10000x1xf32>, vector<64x1xf32> -> vector<64x1xf32>
    %dot_general3A_613 = arith.constant dense<0.000000e+00> : vector<10000x1xf32>
    %dot_general3A_614 = tpu.matmul %convert_element_type3A_28, %dot_general3A_612, %dot_general3A_613 {dimension_numbers = #tpu.dot_dimension_numbers<[1], [0], [0], [1], [0, 0, 1, 1], [], []>, transpose_lhs_hint = false} : vector<10000x64xf32>, vector<64x1xf32>, vector<10000x1xf32> -> vector<10000x1xf32>
    %div3A_615 = arith.divf %exp3A_610, %dot_general3A_614 : vector<10000x1xf32>
    %mul3A_616 = vector.broadcast %div3A_615 : vector<10000x1xf32> to vector<10000x128xf32>
    %mul3A_617 = arith.mulf %mul3A_616, %max3A_23 : vector<10000x128xf32>
    %dot_general3A_618 = arith.constant dense<0.000000e+00> : vector<64x128xf32>
    %dot_general3A_619 = tpu.matmul %convert_element_type3A_28, %mul3A_617, %dot_general3A_618 {dimension_numbers = #tpu.dot_dimension_numbers<[0], [0], [1], [1], [0, 1, 1, 1], [], []>, transpose_lhs_hint = false} : vector<10000x64xf32>, vector<10000x128xf32>, vector<64x128xf32> -> vector<64x128xf32>
    %concatenate3A_620 = tpu.concatenate %mul3A_583, %dot_general3A_619 in 1 : vector<64x128xf32>, vector<64x128xf32> -> vector<64x256xf32>
    %get3A_621 = arith.constant 0 : index
    %get3A_622 = arith.constant 0 : index
    %get3A_623 = vector.load %arg5[%get3A_621, %get3A_622] : memref<256x512xf32, #tpu.memory_space<vmem>>, vector<256x512xf32>
    %dot_general3A_624 = arith.constant dense<0.000000e+00> : vector<64x512xf32>
    %dot_general3A_625 = tpu.matmul %concatenate3A_620, %get3A_623, %dot_general3A_624 {dimension_numbers = #tpu.dot_dimension_numbers<[1], [0], [0], [1], [0, 0, 1, 1], [], []>, transpose_lhs_hint = false} : vector<64x256xf32>, vector<256x512xf32>, vector<64x512xf32> -> vector<64x512xf32>
    %get3A_626 = arith.constant 0 : index
    %get3A_627 = arith.constant 0 : index
    %get3A_628 = vector.load %arg6[%get3A_626, %get3A_627] : memref<128x512xf32, #tpu.memory_space<vmem>>, vector<128x512xf32>
    %dot_general3A_629 = arith.constant dense<0.000000e+00> : vector<64x512xf32>
    %dot_general3A_630 = tpu.matmul %mul3A_527, %get3A_628, %dot_general3A_629 {dimension_numbers = #tpu.dot_dimension_numbers<[1], [0], [0], [1], [0, 0, 1, 1], [], []>, transpose_lhs_hint = false} : vector<64x128xf32>, vector<128x512xf32>, vector<64x512xf32> -> vector<64x512xf32>
    %add3A_631 = arith.addf %dot_general3A_625, %dot_general3A_630 : vector<64x512xf32>
    %get3A_632 = arith.constant 0 : index
    %get3A_633 = arith.constant 0 : index
    %get3A_634 = vector.load %arg7[%get3A_632, %get3A_633] : memref<1x512xf32, #tpu.memory_space<vmem>>, vector<1x512xf32>
    %add3A_635 = vector.broadcast %get3A_634 : vector<1x512xf32> to vector<64x512xf32>
    %add3A_636 = arith.addf %add3A_631, %add3A_635 : vector<64x512xf32>
    %slice3A_637 = vector.extract_strided_slice %add3A_636 {offsets = [0, 0], sizes = [64, 128], strides = [1, 1]} : vector<64x512xf32> to vector<64x128xf32>
    %slice3A_638 = vector.extract_strided_slice %add3A_636 {offsets = [0, 128], sizes = [64, 128], strides = [1, 1]} : vector<64x512xf32> to vector<64x128xf32>
    %slice3A_639 = vector.extract_strided_slice %add3A_636 {offsets = [0, 256], sizes = [64, 128], strides = [1, 1]} : vector<64x512xf32> to vector<64x128xf32>
    %slice3A_640 = vector.extract_strided_slice %add3A_636 {offsets = [0, 384], sizes = [64, 128], strides = [1, 1]} : vector<64x512xf32> to vector<64x128xf32>
    %neg3A_641 = arith.constant 0.000000e+00 : f32
    %neg3A_642 = vector.broadcast %neg3A_641 : f32 to vector<64x128xf32>
    %neg3A_643 = arith.subf %neg3A_642, %slice3A_638 : vector<64x128xf32>
    %exp3A_644 = math.exp %neg3A_643 : vector<64x128xf32>
    %add3A_645 = arith.constant 1.000000e+00 : f32
    %add3A_646 = vector.broadcast %add3A_645 : f32 to vector<64x128xf32>
    %add3A_647 = arith.addf %add3A_646, %exp3A_644 : vector<64x128xf32>
    %div3A_648 = arith.constant 1.000000e+00 : f32
    %div3A_649 = vector.broadcast %div3A_648 : f32 to vector<64x128xf32>
    %div3A_650 = arith.divf %div3A_649, %add3A_647 : vector<64x128xf32>
    %mul3A_651 = arith.mulf %div3A_650, %add3A_515 : vector<64x128xf32>
    %neg3A_652 = arith.constant 0.000000e+00 : f32
    %neg3A_653 = vector.broadcast %neg3A_652 : f32 to vector<64x128xf32>
    %neg3A_654 = arith.subf %neg3A_653, %slice3A_637 : vector<64x128xf32>
    %exp3A_655 = math.exp %neg3A_654 : vector<64x128xf32>
    %add3A_656 = arith.constant 1.000000e+00 : f32
    %add3A_657 = vector.broadcast %add3A_656 : f32 to vector<64x128xf32>
    %add3A_658 = arith.addf %add3A_657, %exp3A_655 : vector<64x128xf32>
    %div3A_659 = arith.constant 1.000000e+00 : f32
    %div3A_660 = vector.broadcast %div3A_659 : f32 to vector<64x128xf32>
    %div3A_661 = arith.divf %div3A_660, %add3A_658 : vector<64x128xf32>
    %tanh3A_662 = math.tanh %slice3A_639 : vector<64x128xf32>
    %mul3A_663 = arith.mulf %div3A_661, %tanh3A_662 : vector<64x128xf32>
    %add3A_664 = arith.addf %mul3A_651, %mul3A_663 : vector<64x128xf32>
    %neg3A_665 = arith.constant 0.000000e+00 : f32
    %neg3A_666 = vector.broadcast %neg3A_665 : f32 to vector<64x128xf32>
    %neg3A_667 = arith.subf %neg3A_666, %slice3A_640 : vector<64x128xf32>
    %exp3A_668 = math.exp %neg3A_667 : vector<64x128xf32>
    %add3A_669 = arith.constant 1.000000e+00 : f32
    %add3A_670 = vector.broadcast %add3A_669 : f32 to vector<64x128xf32>
    %add3A_671 = arith.addf %add3A_670, %exp3A_668 : vector<64x128xf32>
    %div3A_672 = arith.constant 1.000000e+00 : f32
    %div3A_673 = vector.broadcast %div3A_672 : f32 to vector<64x128xf32>
    %div3A_674 = arith.divf %div3A_673, %add3A_671 : vector<64x128xf32>
    %tanh3A_675 = math.tanh %add3A_664 : vector<64x128xf32>
    %mul3A_676 = arith.mulf %div3A_674, %tanh3A_675 : vector<64x128xf32>
    %get3A_677 = arith.constant 0 : index
    %get3A_678 = arith.constant 0 : index
    %get3A_679 = vector.load %arg8[%get3A_677, %get3A_678] : memref<128x512xf32, #tpu.memory_space<vmem>>, vector<128x512xf32>
    %dot_general3A_680 = arith.constant dense<0.000000e+00> : vector<64x512xf32>
    %dot_general3A_681 = tpu.matmul %mul3A_676, %get3A_679, %dot_general3A_680 {dimension_numbers = #tpu.dot_dimension_numbers<[1], [0], [0], [1], [0, 0, 1, 1], [], []>, transpose_lhs_hint = false} : vector<64x128xf32>, vector<128x512xf32>, vector<64x512xf32> -> vector<64x512xf32>
    %get3A_682 = arith.constant 0 : index
    %get3A_683 = arith.constant 0 : index
    %get3A_684 = vector.load %arg9[%get3A_682, %get3A_683] : memref<128x512xf32, #tpu.memory_space<vmem>>, vector<128x512xf32>
    %dot_general3A_685 = arith.constant dense<0.000000e+00> : vector<64x512xf32>
    %dot_general3A_686 = tpu.matmul %mul3A_583, %get3A_684, %dot_general3A_685 {dimension_numbers = #tpu.dot_dimension_numbers<[1], [0], [0], [1], [0, 0, 1, 1], [], []>, transpose_lhs_hint = false} : vector<64x128xf32>, vector<128x512xf32>, vector<64x512xf32> -> vector<64x512xf32>
    %add3A_687 = arith.addf %dot_general3A_681, %dot_general3A_686 : vector<64x512xf32>
    %get3A_688 = arith.constant 0 : index
    %get3A_689 = arith.constant 0 : index
    %get3A_690 = vector.load %arg10[%get3A_688, %get3A_689] : memref<1x512xf32, #tpu.memory_space<vmem>>, vector<1x512xf32>
    %add3A_691 = vector.broadcast %get3A_690 : vector<1x512xf32> to vector<64x512xf32>
    %add3A_692 = arith.addf %add3A_687, %add3A_691 : vector<64x512xf32>
    %slice3A_693 = vector.extract_strided_slice %add3A_692 {offsets = [0, 0], sizes = [64, 128], strides = [1, 1]} : vector<64x512xf32> to vector<64x128xf32>
    %slice3A_694 = vector.extract_strided_slice %add3A_692 {offsets = [0, 128], sizes = [64, 128], strides = [1, 1]} : vector<64x512xf32> to vector<64x128xf32>
    %slice3A_695 = vector.extract_strided_slice %add3A_692 {offsets = [0, 256], sizes = [64, 128], strides = [1, 1]} : vector<64x512xf32> to vector<64x128xf32>
    %slice3A_696 = vector.extract_strided_slice %add3A_692 {offsets = [0, 384], sizes = [64, 128], strides = [1, 1]} : vector<64x512xf32> to vector<64x128xf32>
    %neg3A_697 = arith.constant 0.000000e+00 : f32
    %neg3A_698 = vector.broadcast %neg3A_697 : f32 to vector<64x128xf32>
    %neg3A_699 = arith.subf %neg3A_698, %slice3A_694 : vector<64x128xf32>
    %exp3A_700 = math.exp %neg3A_699 : vector<64x128xf32>
    %add3A_701 = arith.constant 1.000000e+00 : f32
    %add3A_702 = vector.broadcast %add3A_701 : f32 to vector<64x128xf32>
    %add3A_703 = arith.addf %add3A_702, %exp3A_700 : vector<64x128xf32>
    %div3A_704 = arith.constant 1.000000e+00 : f32
    %div3A_705 = vector.broadcast %div3A_704 : f32 to vector<64x128xf32>
    %div3A_706 = arith.divf %div3A_705, %add3A_703 : vector<64x128xf32>
    %mul3A_707 = arith.mulf %div3A_706, %add3A_571 : vector<64x128xf32>
    %neg3A_708 = arith.constant 0.000000e+00 : f32
    %neg3A_709 = vector.broadcast %neg3A_708 : f32 to vector<64x128xf32>
    %neg3A_710 = arith.subf %neg3A_709, %slice3A_693 : vector<64x128xf32>
    %exp3A_711 = math.exp %neg3A_710 : vector<64x128xf32>
    %add3A_712 = arith.constant 1.000000e+00 : f32
    %add3A_713 = vector.broadcast %add3A_712 : f32 to vector<64x128xf32>
    %add3A_714 = arith.addf %add3A_713, %exp3A_711 : vector<64x128xf32>
    %div3A_715 = arith.constant 1.000000e+00 : f32
    %div3A_716 = vector.broadcast %div3A_715 : f32 to vector<64x128xf32>
    %div3A_717 = arith.divf %div3A_716, %add3A_714 : vector<64x128xf32>
    %tanh3A_718 = math.tanh %slice3A_695 : vector<64x128xf32>
    %mul3A_719 = arith.mulf %div3A_717, %tanh3A_718 : vector<64x128xf32>
    %add3A_720 = arith.addf %mul3A_707, %mul3A_719 : vector<64x128xf32>
    %neg3A_721 = arith.constant 0.000000e+00 : f32
    %neg3A_722 = vector.broadcast %neg3A_721 : f32 to vector<64x128xf32>
    %neg3A_723 = arith.subf %neg3A_722, %slice3A_696 : vector<64x128xf32>
    %exp3A_724 = math.exp %neg3A_723 : vector<64x128xf32>
    %add3A_725 = arith.constant 1.000000e+00 : f32
    %add3A_726 = vector.broadcast %add3A_725 : f32 to vector<64x128xf32>
    %add3A_727 = arith.addf %add3A_726, %exp3A_724 : vector<64x128xf32>
    %div3A_728 = arith.constant 1.000000e+00 : f32
    %div3A_729 = vector.broadcast %div3A_728 : f32 to vector<64x128xf32>
    %div3A_730 = arith.divf %div3A_729, %add3A_727 : vector<64x128xf32>
    %tanh3A_731 = math.tanh %add3A_720 : vector<64x128xf32>
    %mul3A_732 = arith.mulf %div3A_730, %tanh3A_731 : vector<64x128xf32>
    %dot_general3A_733 = arith.constant dense<0.000000e+00> : vector<10000x128xf32>
    %dot_general3A_734 = tpu.matmul %convert_element_type3A_28, %mul3A_732, %dot_general3A_733 {dimension_numbers = #tpu.dot_dimension_numbers<[1], [0], [0], [1], [0, 0, 1, 1], [], []>, transpose_lhs_hint = false} : vector<10000x64xf32>, vector<64x128xf32>, vector<10000x128xf32> -> vector<10000x128xf32>
    %mul3A_735 = arith.mulf %max3A_23, %dot_general3A_734 : vector<10000x128xf32>
    %reduce_sum3A_736 = arith.constant dense<0.000000e+00> : vector<10000xf32>
    %reduce_sum3A_737 = vector.multi_reduction <add>, %mul3A_735, %reduce_sum3A_736 [1] : vector<10000x128xf32> to vector<10000xf32>
    %broadcast_in_dim3A_738 = vector.shape_cast %reduce_sum3A_737 : vector<10000xf32> to vector<10000x1xf32>
    %gt3A_739 = arith.constant 0.000000e+00 : f32
    %gt3A_740 = vector.broadcast %gt3A_739 : f32 to vector<10000x64xf32>
    %gt3A_741 = arith.cmpf ogt, %convert_element_type3A_28, %gt3A_740 : vector<10000x64xf32>
    %jit3A_742 = arith.constant -1.000000e+30 : f32
    %broadcast_in_dim3A_743 = vector.shape_cast %broadcast_in_dim3A_738 : vector<10000x1xf32> to vector<10000x1xf32>
    %broadcast_in_dim3A_744 = vector.broadcast %broadcast_in_dim3A_743 : vector<10000x1xf32> to vector<10000x64xf32>
    %broadcast_in_dim3A_745 = vector.broadcast %jit3A_742 : f32 to vector<10000x64xf32>
    %select_n3A_746 = arith.select %gt3A_741, %broadcast_in_dim3A_744, %broadcast_in_dim3A_745 : vector<10000x64xi1>, vector<10000x64xf32>
    %reduce_max3A_747 = arith.constant dense<0xFF800000> : vector<64xf32>
    %reduce_max3A_748 = vector.multi_reduction <maximumf>, %select_n3A_746, %reduce_max3A_747 [0] : vector<10000x64xf32> to vector<64xf32>
    %broadcast_in_dim3A_749 = vector.shape_cast %reduce_max3A_748 : vector<64xf32> to vector<1x64xf32>
    %gt3A_750 = arith.constant -1.000000e+29 : f32
    %gt3A_751 = vector.broadcast %gt3A_750 : f32 to vector<1x64xf32>
    %gt3A_752 = arith.cmpf ogt, %broadcast_in_dim3A_749, %gt3A_751 : vector<1x64xf32>
    %jit3A_753 = arith.constant 0.000000e+00 : f32
    %broadcast_in_dim3A_754 = vector.broadcast %jit3A_753 : f32 to vector<1x64xf32>
    %select_n3A_755 = arith.select %gt3A_752, %broadcast_in_dim3A_749, %broadcast_in_dim3A_754 : vector<1x64xi1>, vector<1x64xf32>
    %dot_general3A_756 = arith.constant dense<0.000000e+00> : vector<10000x1xf32>
    %dot_general3A_757 = tpu.matmul %convert_element_type3A_28, %select_n3A_755, %dot_general3A_756 {dimension_numbers = #tpu.dot_dimension_numbers<[1], [1], [0], [0], [0, 0, 1, 0], [], []>, transpose_lhs_hint = false} : vector<10000x64xf32>, vector<1x64xf32>, vector<10000x1xf32> -> vector<10000x1xf32>
    %sub3A_758 = arith.subf %broadcast_in_dim3A_738, %dot_general3A_757 : vector<10000x1xf32>
    %exp3A_759 = math.exp %sub3A_758 : vector<10000x1xf32>
    %dot_general3A_760 = arith.constant dense<0.000000e+00> : vector<64x1xf32>
    %dot_general3A_761 = tpu.matmul %convert_element_type3A_28, %exp3A_759, %dot_general3A_760 {dimension_numbers = #tpu.dot_dimension_numbers<[0], [0], [1], [1], [0, 1, 1, 1], [], []>, transpose_lhs_hint = false} : vector<10000x64xf32>, vector<10000x1xf32>, vector<64x1xf32> -> vector<64x1xf32>
    %dot_general3A_762 = arith.constant dense<0.000000e+00> : vector<10000x1xf32>
    %dot_general3A_763 = tpu.matmul %convert_element_type3A_28, %dot_general3A_761, %dot_general3A_762 {dimension_numbers = #tpu.dot_dimension_numbers<[1], [0], [0], [1], [0, 0, 1, 1], [], []>, transpose_lhs_hint = false} : vector<10000x64xf32>, vector<64x1xf32>, vector<10000x1xf32> -> vector<10000x1xf32>
    %div3A_764 = arith.divf %exp3A_759, %dot_general3A_763 : vector<10000x1xf32>
    %mul3A_765 = vector.broadcast %div3A_764 : vector<10000x1xf32> to vector<10000x128xf32>
    %mul3A_766 = arith.mulf %mul3A_765, %max3A_23 : vector<10000x128xf32>
    %dot_general3A_767 = arith.constant dense<0.000000e+00> : vector<64x128xf32>
    %dot_general3A_768 = tpu.matmul %convert_element_type3A_28, %mul3A_766, %dot_general3A_767 {dimension_numbers = #tpu.dot_dimension_numbers<[0], [0], [1], [1], [0, 1, 1, 1], [], []>, transpose_lhs_hint = false} : vector<10000x64xf32>, vector<10000x128xf32>, vector<64x128xf32> -> vector<64x128xf32>
    %concatenate3A_769 = tpu.concatenate %mul3A_732, %dot_general3A_768 in 1 : vector<64x128xf32>, vector<64x128xf32> -> vector<64x256xf32>
    %get3A_770 = arith.constant 0 : index
    %get3A_771 = arith.constant 0 : index
    %get3A_772 = vector.load %arg5[%get3A_770, %get3A_771] : memref<256x512xf32, #tpu.memory_space<vmem>>, vector<256x512xf32>
    %dot_general3A_773 = arith.constant dense<0.000000e+00> : vector<64x512xf32>
    %dot_general3A_774 = tpu.matmul %concatenate3A_769, %get3A_772, %dot_general3A_773 {dimension_numbers = #tpu.dot_dimension_numbers<[1], [0], [0], [1], [0, 0, 1, 1], [], []>, transpose_lhs_hint = false} : vector<64x256xf32>, vector<256x512xf32>, vector<64x512xf32> -> vector<64x512xf32>
    %get3A_775 = arith.constant 0 : index
    %get3A_776 = arith.constant 0 : index
    %get3A_777 = vector.load %arg6[%get3A_775, %get3A_776] : memref<128x512xf32, #tpu.memory_space<vmem>>, vector<128x512xf32>
    %dot_general3A_778 = arith.constant dense<0.000000e+00> : vector<64x512xf32>
    %dot_general3A_779 = tpu.matmul %mul3A_676, %get3A_777, %dot_general3A_778 {dimension_numbers = #tpu.dot_dimension_numbers<[1], [0], [0], [1], [0, 0, 1, 1], [], []>, transpose_lhs_hint = false} : vector<64x128xf32>, vector<128x512xf32>, vector<64x512xf32> -> vector<64x512xf32>
    %add3A_780 = arith.addf %dot_general3A_774, %dot_general3A_779 : vector<64x512xf32>
    %get3A_781 = arith.constant 0 : index
    %get3A_782 = arith.constant 0 : index
    %get3A_783 = vector.load %arg7[%get3A_781, %get3A_782] : memref<1x512xf32, #tpu.memory_space<vmem>>, vector<1x512xf32>
    %add3A_784 = vector.broadcast %get3A_783 : vector<1x512xf32> to vector<64x512xf32>
    %add3A_785 = arith.addf %add3A_780, %add3A_784 : vector<64x512xf32>
    %slice3A_786 = vector.extract_strided_slice %add3A_785 {offsets = [0, 0], sizes = [64, 128], strides = [1, 1]} : vector<64x512xf32> to vector<64x128xf32>
    %slice3A_787 = vector.extract_strided_slice %add3A_785 {offsets = [0, 128], sizes = [64, 128], strides = [1, 1]} : vector<64x512xf32> to vector<64x128xf32>
    %slice3A_788 = vector.extract_strided_slice %add3A_785 {offsets = [0, 256], sizes = [64, 128], strides = [1, 1]} : vector<64x512xf32> to vector<64x128xf32>
    %slice3A_789 = vector.extract_strided_slice %add3A_785 {offsets = [0, 384], sizes = [64, 128], strides = [1, 1]} : vector<64x512xf32> to vector<64x128xf32>
    %neg3A_790 = arith.constant 0.000000e+00 : f32
    %neg3A_791 = vector.broadcast %neg3A_790 : f32 to vector<64x128xf32>
    %neg3A_792 = arith.subf %neg3A_791, %slice3A_787 : vector<64x128xf32>
    %exp3A_793 = math.exp %neg3A_792 : vector<64x128xf32>
    %add3A_794 = arith.constant 1.000000e+00 : f32
    %add3A_795 = vector.broadcast %add3A_794 : f32 to vector<64x128xf32>
    %add3A_796 = arith.addf %add3A_795, %exp3A_793 : vector<64x128xf32>
    %div3A_797 = arith.constant 1.000000e+00 : f32
    %div3A_798 = vector.broadcast %div3A_797 : f32 to vector<64x128xf32>
    %div3A_799 = arith.divf %div3A_798, %add3A_796 : vector<64x128xf32>
    %mul3A_800 = arith.mulf %div3A_799, %add3A_664 : vector<64x128xf32>
    %neg3A_801 = arith.constant 0.000000e+00 : f32
    %neg3A_802 = vector.broadcast %neg3A_801 : f32 to vector<64x128xf32>
    %neg3A_803 = arith.subf %neg3A_802, %slice3A_786 : vector<64x128xf32>
    %exp3A_804 = math.exp %neg3A_803 : vector<64x128xf32>
    %add3A_805 = arith.constant 1.000000e+00 : f32
    %add3A_806 = vector.broadcast %add3A_805 : f32 to vector<64x128xf32>
    %add3A_807 = arith.addf %add3A_806, %exp3A_804 : vector<64x128xf32>
    %div3A_808 = arith.constant 1.000000e+00 : f32
    %div3A_809 = vector.broadcast %div3A_808 : f32 to vector<64x128xf32>
    %div3A_810 = arith.divf %div3A_809, %add3A_807 : vector<64x128xf32>
    %tanh3A_811 = math.tanh %slice3A_788 : vector<64x128xf32>
    %mul3A_812 = arith.mulf %div3A_810, %tanh3A_811 : vector<64x128xf32>
    %add3A_813 = arith.addf %mul3A_800, %mul3A_812 : vector<64x128xf32>
    %neg3A_814 = arith.constant 0.000000e+00 : f32
    %neg3A_815 = vector.broadcast %neg3A_814 : f32 to vector<64x128xf32>
    %neg3A_816 = arith.subf %neg3A_815, %slice3A_789 : vector<64x128xf32>
    %exp3A_817 = math.exp %neg3A_816 : vector<64x128xf32>
    %add3A_818 = arith.constant 1.000000e+00 : f32
    %add3A_819 = vector.broadcast %add3A_818 : f32 to vector<64x128xf32>
    %add3A_820 = arith.addf %add3A_819, %exp3A_817 : vector<64x128xf32>
    %div3A_821 = arith.constant 1.000000e+00 : f32
    %div3A_822 = vector.broadcast %div3A_821 : f32 to vector<64x128xf32>
    %div3A_823 = arith.divf %div3A_822, %add3A_820 : vector<64x128xf32>
    %tanh3A_824 = math.tanh %add3A_813 : vector<64x128xf32>
    %mul3A_825 = arith.mulf %div3A_823, %tanh3A_824 : vector<64x128xf32>
    %get3A_826 = arith.constant 0 : index
    %get3A_827 = arith.constant 0 : index
    %get3A_828 = vector.load %arg8[%get3A_826, %get3A_827] : memref<128x512xf32, #tpu.memory_space<vmem>>, vector<128x512xf32>
    %dot_general3A_829 = arith.constant dense<0.000000e+00> : vector<64x512xf32>
    %dot_general3A_830 = tpu.matmul %mul3A_825, %get3A_828, %dot_general3A_829 {dimension_numbers = #tpu.dot_dimension_numbers<[1], [0], [0], [1], [0, 0, 1, 1], [], []>, transpose_lhs_hint = false} : vector<64x128xf32>, vector<128x512xf32>, vector<64x512xf32> -> vector<64x512xf32>
    %get3A_831 = arith.constant 0 : index
    %get3A_832 = arith.constant 0 : index
    %get3A_833 = vector.load %arg9[%get3A_831, %get3A_832] : memref<128x512xf32, #tpu.memory_space<vmem>>, vector<128x512xf32>
    %dot_general3A_834 = arith.constant dense<0.000000e+00> : vector<64x512xf32>
    %dot_general3A_835 = tpu.matmul %mul3A_732, %get3A_833, %dot_general3A_834 {dimension_numbers = #tpu.dot_dimension_numbers<[1], [0], [0], [1], [0, 0, 1, 1], [], []>, transpose_lhs_hint = false} : vector<64x128xf32>, vector<128x512xf32>, vector<64x512xf32> -> vector<64x512xf32>
    %add3A_836 = arith.addf %dot_general3A_830, %dot_general3A_835 : vector<64x512xf32>
    %get3A_837 = arith.constant 0 : index
    %get3A_838 = arith.constant 0 : index
    %get3A_839 = vector.load %arg10[%get3A_837, %get3A_838] : memref<1x512xf32, #tpu.memory_space<vmem>>, vector<1x512xf32>
    %add3A_840 = vector.broadcast %get3A_839 : vector<1x512xf32> to vector<64x512xf32>
    %add3A_841 = arith.addf %add3A_836, %add3A_840 : vector<64x512xf32>
    %slice3A_842 = vector.extract_strided_slice %add3A_841 {offsets = [0, 0], sizes = [64, 128], strides = [1, 1]} : vector<64x512xf32> to vector<64x128xf32>
    %slice3A_843 = vector.extract_strided_slice %add3A_841 {offsets = [0, 128], sizes = [64, 128], strides = [1, 1]} : vector<64x512xf32> to vector<64x128xf32>
    %slice3A_844 = vector.extract_strided_slice %add3A_841 {offsets = [0, 256], sizes = [64, 128], strides = [1, 1]} : vector<64x512xf32> to vector<64x128xf32>
    %slice3A_845 = vector.extract_strided_slice %add3A_841 {offsets = [0, 384], sizes = [64, 128], strides = [1, 1]} : vector<64x512xf32> to vector<64x128xf32>
    %neg3A_846 = arith.constant 0.000000e+00 : f32
    %neg3A_847 = vector.broadcast %neg3A_846 : f32 to vector<64x128xf32>
    %neg3A_848 = arith.subf %neg3A_847, %slice3A_843 : vector<64x128xf32>
    %exp3A_849 = math.exp %neg3A_848 : vector<64x128xf32>
    %add3A_850 = arith.constant 1.000000e+00 : f32
    %add3A_851 = vector.broadcast %add3A_850 : f32 to vector<64x128xf32>
    %add3A_852 = arith.addf %add3A_851, %exp3A_849 : vector<64x128xf32>
    %div3A_853 = arith.constant 1.000000e+00 : f32
    %div3A_854 = vector.broadcast %div3A_853 : f32 to vector<64x128xf32>
    %div3A_855 = arith.divf %div3A_854, %add3A_852 : vector<64x128xf32>
    %mul3A_856 = arith.mulf %div3A_855, %add3A_720 : vector<64x128xf32>
    %neg3A_857 = arith.constant 0.000000e+00 : f32
    %neg3A_858 = vector.broadcast %neg3A_857 : f32 to vector<64x128xf32>
    %neg3A_859 = arith.subf %neg3A_858, %slice3A_842 : vector<64x128xf32>
    %exp3A_860 = math.exp %neg3A_859 : vector<64x128xf32>
    %add3A_861 = arith.constant 1.000000e+00 : f32
    %add3A_862 = vector.broadcast %add3A_861 : f32 to vector<64x128xf32>
    %add3A_863 = arith.addf %add3A_862, %exp3A_860 : vector<64x128xf32>
    %div3A_864 = arith.constant 1.000000e+00 : f32
    %div3A_865 = vector.broadcast %div3A_864 : f32 to vector<64x128xf32>
    %div3A_866 = arith.divf %div3A_865, %add3A_863 : vector<64x128xf32>
    %tanh3A_867 = math.tanh %slice3A_844 : vector<64x128xf32>
    %mul3A_868 = arith.mulf %div3A_866, %tanh3A_867 : vector<64x128xf32>
    %add3A_869 = arith.addf %mul3A_856, %mul3A_868 : vector<64x128xf32>
    %neg3A_870 = arith.constant 0.000000e+00 : f32
    %neg3A_871 = vector.broadcast %neg3A_870 : f32 to vector<64x128xf32>
    %neg3A_872 = arith.subf %neg3A_871, %slice3A_845 : vector<64x128xf32>
    %exp3A_873 = math.exp %neg3A_872 : vector<64x128xf32>
    %add3A_874 = arith.constant 1.000000e+00 : f32
    %add3A_875 = vector.broadcast %add3A_874 : f32 to vector<64x128xf32>
    %add3A_876 = arith.addf %add3A_875, %exp3A_873 : vector<64x128xf32>
    %div3A_877 = arith.constant 1.000000e+00 : f32
    %div3A_878 = vector.broadcast %div3A_877 : f32 to vector<64x128xf32>
    %div3A_879 = arith.divf %div3A_878, %add3A_876 : vector<64x128xf32>
    %tanh3A_880 = math.tanh %add3A_869 : vector<64x128xf32>
    %mul3A_881 = arith.mulf %div3A_879, %tanh3A_880 : vector<64x128xf32>
    %dot_general3A_882 = arith.constant dense<0.000000e+00> : vector<10000x128xf32>
    %dot_general3A_883 = tpu.matmul %convert_element_type3A_28, %mul3A_881, %dot_general3A_882 {dimension_numbers = #tpu.dot_dimension_numbers<[1], [0], [0], [1], [0, 0, 1, 1], [], []>, transpose_lhs_hint = false} : vector<10000x64xf32>, vector<64x128xf32>, vector<10000x128xf32> -> vector<10000x128xf32>
    %mul3A_884 = arith.mulf %max3A_23, %dot_general3A_883 : vector<10000x128xf32>
    %reduce_sum3A_885 = arith.constant dense<0.000000e+00> : vector<10000xf32>
    %reduce_sum3A_886 = vector.multi_reduction <add>, %mul3A_884, %reduce_sum3A_885 [1] : vector<10000x128xf32> to vector<10000xf32>
    %broadcast_in_dim3A_887 = vector.shape_cast %reduce_sum3A_886 : vector<10000xf32> to vector<10000x1xf32>
    %gt3A_888 = arith.constant 0.000000e+00 : f32
    %gt3A_889 = vector.broadcast %gt3A_888 : f32 to vector<10000x64xf32>
    %gt3A_890 = arith.cmpf ogt, %convert_element_type3A_28, %gt3A_889 : vector<10000x64xf32>
    %jit3A_891 = arith.constant -1.000000e+30 : f32
    %broadcast_in_dim3A_892 = vector.shape_cast %broadcast_in_dim3A_887 : vector<10000x1xf32> to vector<10000x1xf32>
    %broadcast_in_dim3A_893 = vector.broadcast %broadcast_in_dim3A_892 : vector<10000x1xf32> to vector<10000x64xf32>
    %broadcast_in_dim3A_894 = vector.broadcast %jit3A_891 : f32 to vector<10000x64xf32>
    %select_n3A_895 = arith.select %gt3A_890, %broadcast_in_dim3A_893, %broadcast_in_dim3A_894 : vector<10000x64xi1>, vector<10000x64xf32>
    %reduce_max3A_896 = arith.constant dense<0xFF800000> : vector<64xf32>
    %reduce_max3A_897 = vector.multi_reduction <maximumf>, %select_n3A_895, %reduce_max3A_896 [0] : vector<10000x64xf32> to vector<64xf32>
    %broadcast_in_dim3A_898 = vector.shape_cast %reduce_max3A_897 : vector<64xf32> to vector<1x64xf32>
    %gt3A_899 = arith.constant -1.000000e+29 : f32
    %gt3A_900 = vector.broadcast %gt3A_899 : f32 to vector<1x64xf32>
    %gt3A_901 = arith.cmpf ogt, %broadcast_in_dim3A_898, %gt3A_900 : vector<1x64xf32>
    %jit3A_902 = arith.constant 0.000000e+00 : f32
    %broadcast_in_dim3A_903 = vector.broadcast %jit3A_902 : f32 to vector<1x64xf32>
    %select_n3A_904 = arith.select %gt3A_901, %broadcast_in_dim3A_898, %broadcast_in_dim3A_903 : vector<1x64xi1>, vector<1x64xf32>
    %dot_general3A_905 = arith.constant dense<0.000000e+00> : vector<10000x1xf32>
    %dot_general3A_906 = tpu.matmul %convert_element_type3A_28, %select_n3A_904, %dot_general3A_905 {dimension_numbers = #tpu.dot_dimension_numbers<[1], [1], [0], [0], [0, 0, 1, 0], [], []>, transpose_lhs_hint = false} : vector<10000x64xf32>, vector<1x64xf32>, vector<10000x1xf32> -> vector<10000x1xf32>
    %sub3A_907 = arith.subf %broadcast_in_dim3A_887, %dot_general3A_906 : vector<10000x1xf32>
    %exp3A_908 = math.exp %sub3A_907 : vector<10000x1xf32>
    %dot_general3A_909 = arith.constant dense<0.000000e+00> : vector<64x1xf32>
    %dot_general3A_910 = tpu.matmul %convert_element_type3A_28, %exp3A_908, %dot_general3A_909 {dimension_numbers = #tpu.dot_dimension_numbers<[0], [0], [1], [1], [0, 1, 1, 1], [], []>, transpose_lhs_hint = false} : vector<10000x64xf32>, vector<10000x1xf32>, vector<64x1xf32> -> vector<64x1xf32>
    %dot_general3A_911 = arith.constant dense<0.000000e+00> : vector<10000x1xf32>
    %dot_general3A_912 = tpu.matmul %convert_element_type3A_28, %dot_general3A_910, %dot_general3A_911 {dimension_numbers = #tpu.dot_dimension_numbers<[1], [0], [0], [1], [0, 0, 1, 1], [], []>, transpose_lhs_hint = false} : vector<10000x64xf32>, vector<64x1xf32>, vector<10000x1xf32> -> vector<10000x1xf32>
    %div3A_913 = arith.divf %exp3A_908, %dot_general3A_912 : vector<10000x1xf32>
    %mul3A_914 = vector.broadcast %div3A_913 : vector<10000x1xf32> to vector<10000x128xf32>
    %mul3A_915 = arith.mulf %mul3A_914, %max3A_23 : vector<10000x128xf32>
    %dot_general3A_916 = arith.constant dense<0.000000e+00> : vector<64x128xf32>
    %dot_general3A_917 = tpu.matmul %convert_element_type3A_28, %mul3A_915, %dot_general3A_916 {dimension_numbers = #tpu.dot_dimension_numbers<[0], [0], [1], [1], [0, 1, 1, 1], [], []>, transpose_lhs_hint = false} : vector<10000x64xf32>, vector<10000x128xf32>, vector<64x128xf32> -> vector<64x128xf32>
    %concatenate3A_918 = tpu.concatenate %mul3A_881, %dot_general3A_917 in 1 : vector<64x128xf32>, vector<64x128xf32> -> vector<64x256xf32>
    %get3A_919 = arith.constant 0 : index
    %get3A_920 = arith.constant 0 : index
    %get3A_921 = vector.load %arg11[%get3A_919, %get3A_920] : memref<256x128xf32, #tpu.memory_space<vmem>>, vector<256x128xf32>
    %dot_general3A_922 = arith.constant dense<0.000000e+00> : vector<64x128xf32>
    %dot_general3A_923 = tpu.matmul %concatenate3A_918, %get3A_921, %dot_general3A_922 {dimension_numbers = #tpu.dot_dimension_numbers<[1], [0], [0], [1], [0, 0, 1, 1], [], []>, transpose_lhs_hint = false} : vector<64x256xf32>, vector<256x128xf32>, vector<64x128xf32> -> vector<64x128xf32>
    %get3A_924 = arith.constant 0 : index
    %get3A_925 = arith.constant 0 : index
    %get3A_926 = vector.load %arg12[%get3A_924, %get3A_925] : memref<1x128xf32, #tpu.memory_space<vmem>>, vector<1x128xf32>
    %add3A_927 = vector.broadcast %get3A_926 : vector<1x128xf32> to vector<64x128xf32>
    %add3A_928 = arith.addf %dot_general3A_923, %add3A_927 : vector<64x128xf32>
    %max3A_929 = arith.constant 0.000000e+00 : f32
    %max3A_930 = vector.broadcast %max3A_929 : f32 to vector<64x128xf32>
    %max3A_931 = arith.maximumf %add3A_928, %max3A_930 : vector<64x128xf32>
    %get3A_932 = arith.constant 0 : index
    %get3A_933 = arith.constant 0 : index
    %get3A_934 = vector.load %arg13[%get3A_932, %get3A_933] : memref<128x1xf32, #tpu.memory_space<vmem>>, vector<128x1xf32>
    %dot_general3A_935 = arith.constant dense<0.000000e+00> : vector<64x1xf32>
    %dot_general3A_936 = tpu.matmul %max3A_931, %get3A_934, %dot_general3A_935 {dimension_numbers = #tpu.dot_dimension_numbers<[1], [0], [0], [1], [0, 0, 1, 1], [], []>, transpose_lhs_hint = false} : vector<64x128xf32>, vector<128x1xf32>, vector<64x1xf32> -> vector<64x1xf32>
    %get3A_937 = arith.constant 0 : index
    %get3A_938 = arith.constant 0 : index
    %get3A_939 = vector.load %arg14[%get3A_937, %get3A_938] : memref<1x1xf32, #tpu.memory_space<vmem>>, vector<1x1xf32>
    %add3A_940 = vector.broadcast %get3A_939 : vector<1x1xf32> to vector<64x1xf32>
    %add3A_941 = arith.addf %dot_general3A_936, %add3A_940 : vector<64x1xf32>
    %swap3A = arith.constant 0 : index
    %swap3A_942 = arith.constant 0 : index
    %swap3A_943 = vector.load %arg15[%swap3A, %swap3A_942] : memref<64x1xf32, #tpu.memory_space<vmem>>, vector<64x1xf32>
    tpu.vector_store %arg15[%swap3A, %swap3A_942], %add3A_941 {strides = array<i32>} : memref<64x1xf32, #tpu.memory_space<vmem>>, vector<64x1xf32>,
    return
  }
}

</mosaic_0001>

<sc_bundles>
// kernel: kernel.10.cloned.1.call-start
scs
__scs_entry_jumppad:
0x0: {  	(pc) =	sbr.rel $0x88, $3  }
0x1: {  	(tag) =	ssettag $0x0;
	lr =	simm.s32 $0x1  }
0x2: {  	[smem:$0x3F8B] =	sst lr;
	_ =	strace $0xD0000000  }
0x3: {  	_ = 	snop  }
0x4: {  	_ = 	snop  }
0x5: {  	_ = 	snop  }
0x6: {  	_ = 	snop  }
0x7: {  	_ = 	snop  }
__scs_overlays_trampoline_lowered:
0x8: {  	[smem:$0x3F9A] =	sst s0  }
0x9: {  	[smem:$0x3F9B] =	sst s1  }
0xa: {  	[smem:$0x3F9C] =	sst s2  }
0xb: {  	[smem:$0x3F9D] =	sst s3  }
0xc: {  	[smem:$0x3F9E] =	sst s4  }
0xd: {  	[smem:$0x3F9F] =	sst s5  }
0xe: {  	[smem:$0x3FA0] =	sst s6  }
0xf: {  	[smem:$0x3FA1] =	sst s7  }
0x10: {  	[smem:$0x3FA2] =	sst s8  }
0x11: {  	[smem:$0x3FA3] =	sst s9;
	s0 =	simm.s32 @!p0 $0x0  }
0x12: {  	s1 =	sld [smem:$0x3F89];
	s0 =	simm.s32 @p0 $0x1  }
0x13: {  	[smem:$0x3FA4] =	sst s0;
	s0 =	simm.s32 @!p1 $0x0  }
0x14: {  	s2 =	sld [smem:$0x3F88];
	s0 =	simm.s32 @p1 $0x1  }
0x15: {  	[smem:$0x3FA5] =	sst s0;
	s0 =	simm.s32 @!p2 $0x0  }
0x16: {  	s3 =	sld [smem:$0x3FDB];
	s0 =	simm.s32 @p2 $0x1  }
0x17: {  	s4 =	simm.s32 $0x1BF5;
	[smem:$0x3FA7] =	sst s0  }
0x18: {  	s0 =	sld [smem:$0x3F8A];
	_ =	swait.ge [sflag:s4], $0x0  }
0x19: {  	s7 =	sld [smem:$0x3F8B]  }
0x1a: {  	s8 =	sadd.s32 $0xFFFFE003, lr  }
0x1b: {  	s9 =	sadd.s32 $0xFFFFFEF7, lr;
	s5 =	simm.s32 $0xFFFFFFFF;
	p2 =	slt.u32 s8, $0xFFFFF086  }
0x1c: {  	p1 =	slt.u32 s9, $0xF7A;
	s5 =	simm.s32 @!p2 $0x0  }
0x1d: {  	s5 =	simm.s32 @p1 $0x1;
	p0 =	seq.s32 s7, s2  }
0x1e: {  	s7 =	smul.u32 @!p0 $0xF7A, s2;
	p2 =	seq.s32 @!p0 s5, $0x0  }
0x1f: {  	s9 =	smul.u32 $0xF7A, s1;
	s8 =	simm.s32 @!p0 $0x1BF5;
	p2 =	por !p2, p0  }
0x20: {  	[sflag:s8] =	ssyncset.s32 @!p0 $0xFFFFF086;
	s6 =	sadd.s32 @!p0 s3, s7;
	s7 =	simm.s32 @!p0 $0x108  }
0x21: {  	s3 =	sadd.s32 s3, s9;
	s6 =	sadd.s32 @!p0 $0x88, s6;
	s7 =	simm.s32 @p2 $0x1082  }
0x22: {  	[simem:s7], [sflag:s8] =	dma.local @!p0 [hbm:s6], $0xF7A  }
0x23: {  	s9 =	sor.u32 $0xD0000000, s2;
	s6 =	simm.s32 $0x108;
	_ =	swait.ge @!p0 [sflag:s8], $0x0  }
0x24: {  	s3 =	sadd.s32 $0x88, s3;
	s6 =	simm.s32 @!p1 $0x1082;
	[sflag:s4] =	ssyncset.s32 $0xFFFFF086  }
0x25: {  	[simem:s6], [sflag:s4] =	dma.local [hbm:s3], $0xF7A  }
0x26: {  	[smem:$0x3F8B] =	sst s1;
	(tag) =	ssettag s2;
	_ =	strace s9  }
0x27: {  	s1 =	sld [smem:$0x3F9B]  }
0x28: {  	s2 =	sld [smem:$0x3F9C]  }
0x29: {  	s4 =	sld [smem:$0x3F9E]  }
0x2a: {  	p0 =	seq.s32 s5, $0x0;
	s5 =	sld [smem:$0x3F9F]  }
0x2b: {  	s6 =	sld [smem:$0x3FA0]  }
0x2c: {  	s7 =	sld [smem:$0x3FA1]  }
0x2d: {  	s3 =	simm.s32 $0x108;
	s8 =	sld [smem:$0x3FA2]  }
0x2e: {  	s3 =	simm.s32 @!p0 $0x1082;
	s9 =	sld [smem:$0x3FA3]  }
0x2f: {  	lr =	sadd.s32 s0, s3;
	s0 =	sld [smem:$0x3F9A]  }
0x30: {  	s3 =	sld [smem:$0x3F9D]  }
0x31: {  	[smem:$0x3FA6] =	sst s10  }
0x32: {  	s10 =	sld [smem:$0x3FA4];
	_ =	sdelay $0x3  }
0x33: {  	p0 =	seq.s32 s10, $0x1;
	s10 =	sld [smem:$0x3FA6];
	_ =	sdelay $0x3  }
0x34: {  	[smem:$0x3FA6] =	sst s10  }
0x35: {  	s10 =	sld [smem:$0x3FA5];
	_ =	sdelay $0x3  }
0x36: {  	p1 =	seq.s32 s10, $0x1;
	s10 =	sld [smem:$0x3FA6];
	_ =	sdelay $0x3  }
0x37: {  	[smem:$0x3FA6] =	sst s10  }
0x38: {  	s10 =	sld [smem:$0x3FA7]  }
0x39: {  	_ = 	snop;
	(pc) =	sbr.ind lr, $3  }
0x3a: {  	_ = 	snop  }
0x3b: {  	_ = 	snop  }
0x3c: {  	p2 =	seq.s32 s10, $0x1;
	s10 =	sld [smem:$0x3FA6]  }
0x3d: {  	_ =	shalt  }
0x3e: {  	_ =	shalt  }
0x3f: {  	_ =	shalt  }
0x40: {  	_ =	shalt  }
0x41: {  	_ =	shalt  }
0x42: {  	_ =	shalt  }
0x43: {  	_ =	shalt  }
0x44: {  	_ =	shalt  }
0x45: {  	_ =	shalt  }
0x46: {  	_ =	shalt  }
0x47: {  	_ =	shalt  }
0x48: {  	_ =	shalt  }
0x49: {  	_ =	shalt  }
0x4a: {  	_ =	shalt  }
0x4b: {  	_ =	shalt  }
0x4c: {  	_ =	shalt  }
0x4d: {  	_ =	shalt  }
0x4e: {  	_ =	shalt  }
0x4f: {  	_ =	shalt  }
0x50: {  	_ =	shalt  }
0x51: {  	_ =	shalt  }
0x52: {  	_ =	shalt  }
0x53: {  	_ =	shalt  }
0x54: {  	_ =	shalt  }
0x55: {  	_ =	shalt  }
0x56: {  	_ =	shalt  }
0x57: {  	_ =	shalt  }
0x58: {  	_ =	shalt  }
0x59: {  	_ =	shalt  }
0x5a: {  	_ =	shalt  }
0x5b: {  	_ =	shalt  }
0x5c: {  	_ =	shalt  }
0x5d: {  	_ =	shalt  }
0x5e: {  	_ =	shalt  }
0x5f: {  	_ =	shalt  }
0x60: {  	_ =	shalt  }
0x61: {  	_ =	shalt  }
0x62: {  	_ =	shalt  }
0x63: {  	_ =	shalt  }
0x64: {  	_ =	shalt  }
0x65: {  	_ =	shalt  }
0x66: {  	_ =	shalt  }
0x67: {  	_ =	shalt  }
0x68: {  	_ =	shalt  }
0x69: {  	_ =	shalt  }
0x6a: {  	_ =	shalt  }
0x6b: {  	_ =	shalt  }
0x6c: {  	_ =	shalt  }
0x6d: {  	_ =	shalt  }
0x6e: {  	_ =	shalt  }
0x6f: {  	_ =	shalt  }
0x70: {  	_ =	shalt  }
0x71: {  	_ =	shalt  }
0x72: {  	_ =	shalt  }
0x73: {  	_ =	shalt  }
0x74: {  	_ =	shalt  }
0x75: {  	_ =	shalt  }
0x76: {  	_ =	shalt  }
0x77: {  	_ =	shalt  }
0x78: {  	_ =	shalt  }
0x79: {  	_ =	shalt  }
0x7a: {  	_ =	shalt  }
0x7b: {  	_ =	shalt  }
0x7c: {  	_ =	shalt  }
0x7d: {  	_ =	shalt  }
0x7e: {  	_ =	shalt  }
0x7f: {  	_ =	shalt  }
0x80: {  	_ =	shalt  }
0x81: {  	_ =	shalt  }
0x82: {  	_ =	shalt  }
0x83: {  	_ =	shalt  }
0x84: {  	_ =	shalt  }
0x85: {  	_ =	shalt  }
0x86: {  	_ =	shalt  }
0x87: {  	_ =	shalt  }
.Lfunc_end0:
.L_simem_size_0:
called_computation_lowered:
.L_overlay_start_0:
0x88: {  	s2 =	sld [smem:$0x3FD9]  }
0x89: {  	s3 =	sld [smem:$0x3FFE];
	_ =	sdelay $0x1  }
0x8a: {  	s1 =	srdreg.scid  }
0x8b: {  	s0 =	sand.u32 $0x1, s1  }
0x8c: {  	s16 =	sshll.u32 s0, $0xA;
	s2 =	sadd.s32 s3, s2  }
0x8d: {  	s2 =	sadd.s32 s2, s16  }
0x8e: {  	[smem:$0x3FB2] =	sst s2  }
0x8f: {  	_ = 	snop  }
0x90: {  	(tm) =	ssettm $0x1  }
0x91: {  	s17 =	sld [smem:$0x3FFB];
	_ =	sdelay $0x3  }
0x92: {  	_ =	strace s17  }
0x93: {  	s2 =	sld [smem:$0x3FFC];
	_ =	sdelay $0x3  }
0x94: {  	_ =	strace s2  }
0x95: {  	s2 =	sld [smem:$0x3FFD];
	_ =	sdelay $0x3  }
0x96: {  	_ =	strace s2  }
0x97: {  	_ =	strace $0x8FFFFFFF  }
0x98: {  	s18 =	sld [smem:$0x3FDB];
	_ =	sdelay $0x1  }
0x99: {  	s19 =	simm.s32 $_scs_section_size  }
0x9a: {  	s4 =	simm.s32 $_size__tile_overlayer_lowered;
	s5 =	simm.s32 $_tile_overlayer_lowered  }
0x9b: {  	s22 =	simm.s32 $0x1BFF;
	s21 =	sshll.u32 s5, $0x1;
	s2 =	sadd.s32 s19, s18  }
0x9c: {  	s6 =	simm.s32 $0x0;
	s20 =	sshll.u32 s4, $0x1;
	s4 =	sadd.s32 s21, s2  }
0x9d: {  	[timem:s6], [sflag:s22] =	dma.local [hbm:s4], s20  }
0x9e: {  	_ =	swait.ge [sflag:s22], s20  }
0x9f: {  	s3 =	ssub.s32 $0x0, s20;
	[sflag:s22] =	ssyncset.done $0x0  }
0xa0: {  	[sflag:s22] =	ssyncadd.s32 s3;
	_ =	sdelay $0x1  }
0xa1: {  	s23 =	simm.s32 $0x1B8B  }
0xa2: {  	_ =	swait.ge [sflag:s23], $0x1  }
0xa3: {  	[sflag:s23] =	ssyncset.done $0x0  }
0xa4: {  	s25 =	simm.s32 $0x1B8E;
	s24 =	sld [smem:$0x3FFE];
	[sflag:s23] =	ssyncadd.s32 $0xFFFFFFFF  }
0xa5: {  	s26 =	simm.s32 $execute0_lowered;
	[smem:$0x3FD2] =	sst s25  }
0xa6: {  	s4 =	sshll.u32 s26, $0x1;
	_ =	strace $0x80000046;
	[dreg:$0x1] =	wrdreg $0xFFFFFFFF  }
0xa7: {  	s28 =	simm.s32 $_size_execute0_lowered;
	s2 =	sadd.s32 s2, s4;
	[dreg:$0x0] =	wrdreg $0x0  }
0xa8: {  	s4 =	sshll.u32 s28, $0x1;
	[dreg:$0x2] =	wrdreg s2  }
0xa9: {  	[dreg:$0x3] =	wrdreg s4  }
0xaa: {  	[dreg:$0x4] =	wrdreg $0xC0  }
0xab: {  	_ =	task [dreg:s6], $0x5FFFF  }
0xac: {  	[dreg:$0x1] =	wrdreg $0xFFFFFFFF  }
0xad: {  	[dreg:$0x0] =	wrdreg $0x60  }
0xae: {  	[dreg:$0x2] =	wrdreg s24  }
0xaf: {  	[dreg:$0x3] =	wrdreg $0xC0000  }
0xb0: {  	[dreg:$0x4] =	wrdreg $0x9  }
0xb1: {  	_ =	task.clear_ibuf [dreg:s6], $0x5FFFF;
	_ =	strace $0x90000046  }
0xb2: {  	s29 =	simm.s32 $0x9;
	_ =	strace $0x80000048  }
0xb3: {  	_ =	swait.ge [sflag:s29], $0x1  }
0xb4: {  	[sflag:s29] =	ssyncadd.s32 $0xFFFFFFFF  }
0xb5: {  	_ =	strace $0x90000048  }
0xb6: {  	_ =	sfence  }
0xb7: {  	s30 =	sld [smem:$0x0];
	_ =	sdelay $0x2  }
0xb8: {  	s31 =	sshll.u32 s1, $0xD;
	s1 =	sshrl.u32 s1, $0x2  }
0xb9: {  	s3 =	sand.u32 $0x4000, s31;
	s1 =	sadd.s32 s1, s30  }
0xba: {  	s0 =	sor.u32 s3, s0;
	s1 =	sshll.u32 s1, $0x11  }
0xbb: {  	s0 =	sor.u32 s1, s0  }
0xbc: {  	s0 =	sadd.s32 $0x8F2B, s0  }
0xbd: {  	[sflag:s0] =	ssyncadd.remote.s32 $0x1  }
0xbe: {  	_ =	sfence.sel $0xFFFF  }
0xbf: {  	[dreg:$0x0] =	wrdreg $0xFFFFFFFF;
	(pc) =	sbr.abs _section_cstart, $3  }
0xc0: {  	[dreg:$0x1] =	wrdreg $0xFFFFFFFF  }
0xc1: {  	_ =	task.clear_ibuf [dreg:s6], $0x2FFFF;
	_ =	strace $0x9FFFFFFF  }
0xc2: {  	(tm) =	ssettm $0x7FFFFFFF  }
0xc3: {  	_ =	shalt  }
tec
execute0_lowered:
.L_overlay_start_1:
0x0: {  	(tag) =	ssettag $0x1  }
0x1: {  	s0 =	rddreg [dreg:$0x0]  }
0x2: {  	s2 =	rddreg [dreg:$0x1];
	s3 =	simm.s32 $0x0  }
0x3: {  	s15 =	stileid.u32;
	s6 =	srdreg.scid;
	s18 =	simm.s32 $0x5  }
0x4: {  	s19 =	simm.s32 $0x1000;
	s20 =	simm.s32 $0x2000;
	s28 =	simm.s32 $0x3  }
0x5: {  	s29 =	simm.s32 $0x2;
	s30 =	simm.s32 $0x4;
	s31 =	simm.s32 $0x1C00  }
0x6: {  	[smem:$0x7FF] =	sst s3;
	s1 =	smul.u32 $0x2800, s15;
	s4 =	sadd.s32 $0x512E00, s0  }
0x7: {  	s5 =	sadd.s32 $0x561200, s0;
	s8 =	sand.u32 $0x1, s6;
	s11 =	smul.u32 $0x50000, s15  }
0x8: {  	s6 =	sadd.s32 $0x4EAE00, s0;
	s12 =	sadd.s32 $0x2D800, s0;
	s21 =	smul.u32 $0x14000, s15  }
0x9: {  	s14 =	sadd.s32 $0x12C000, s2;
	s22 =	sadd.s32 $0x2BE00, s0;
	p0 =	seq.s32 s15, $0xF  }
0xa: {  	_ =	strace $0x80000047;
	s7 =	sshll.u32 s8, $0x4;
	s9 =	ssub.s32 $0x2, s8  }
0xb: {  	s8 =	smul.u32 $0x138800, s8;
	[dreg:$0x4] =	wrdreg s22;
	s22 =	simm.s32 $0x7000  }
0xc: {  	s1 =	sadd.s32 s1, s0;
	s10 =	sor.u32 s15, s7;
	s13 =	sshrl.u32 s9, $0x1  }
0xd: {  	s11 =	sshrl.u32 s11, $0x2;
	s7 =	smul.u32 $0x2710, s10;
	s9 =	ssub.s32 s9, s13  }
0xe: {  	s13 =	sadd.s32 s11, s2;
	s1 =	sadd.s32 $0x6600, s1;
	s10 =	smul.u32 $0x5000, s10  }
0xf: {  	s11 =	sadd.s32 $0x561700, s0;
	s23 =	sadd.s32 s21, s8;
	s24 =	sshrl.u32 s8, $0x3  }
0x10: {  	s21 =	simm.s32 $0x50;
	[dreg:$0x3] =	wrdreg s1;
	s0 =	sshrl.u32 s23, $0x3  }
0x11: {  	s1 =	sadd.s32 s12, s24;
	s26 =	smax.u32 s9, $0x1;
	s9 =	sshrl.u32 @p0 s14, $0x3  }
0x12: {  	s13 =	sshrl.u32 @!p0 s13, $0x3;
	s23 =	simm.s32 $0x4800;
	[dreg:$0x7] =	wrdreg s26  }
0x13: {  	s24 =	simm.s32 $0x80;
	s0 =	sadd.s32 s12, s0;
	[dreg:$0x9] =	wrdreg s13  }
0x14: {  	s25 =	sadd.s32 $0x25800, s1;
	[dreg:$0x5] =	wrdreg s0;
	s0 =	sshll.u32 @!p0 s15, $0x6  }
0x15: {  	s26 =	simm.s32 $0x1;
	[dreg:$0x6] =	wrdreg s25;
	s12 =	sor.u32 @!p0 $0x1C05, s0  }
0x16: {  	s25 =	simm.s32 $0x9800;
	s0 =	simm.s32 $0x0;
	[dreg:$0x8] =	wrdreg s12  }
.LBB2_1:
0x17: {  	s1 =	simm.s32 @p0 $0x1FC5;
	s8 =	rddreg [dreg:$0x4]  }
0x18: {  	[spmem:s9], [sflag:s1] =	dma.local @p0 [hbm:s8], $0x1900  }
0x19: {  	s1 =	simm.s32 @p0 $0x5  }
0x1a: {  	_ =	swait.ge @p0 [sflag:s1], $0x1900  }
0x1b: {  	[sflag:s1] =	ssyncset.done @p0 $0x0  }
0x1c: {  	[sflag:s1] =	ssyncadd.s32 @p0 $0xFFFFE700;
	s1 =	rddreg [dreg:$0x3]  }
0x1d: {  	[spmem:s13], [sflag:s12] =	dma.local @!p0 [hbm:s1], $0x2800  }
0x1e: {  	s1 =	simm.s32 @!p0 $0x5  }
0x1f: {  	_ =	swait.ge @!p0 [sflag:s1], $0x2800  }
0x20: {  	[sflag:s1] =	ssyncset.done @!p0 $0x0  }
0x21: {  	[sflag:s1] =	ssyncadd.s32 @!p0 $0xFFFFD800  }
0x22: {  	s17 =	smov.u32 s9;
	s1 =	simm.s32 $0x0;
	[bflag:$0x0] =	sbarrier.arrive $0xFFFF  }
.LBB2_2:
0x23: {  	s8 =	sshll.u32 s1, $0xC  }
0x24: {  	s8 =	sadd.s32 s10, s8  }
0x25: {  	s8 =	sshrl.u32 s8, $0x3  }
0x26: {  	s9 =	sadd.s32 s6, s8;
	s8 =	simm.s32 $0x0  }
0x27: {  	[tilespmem:s8], [sflag:$0x5] =	stream.linear.gather [hbm4b:s9+s8], $0xC80, $0x38;
	[tilespmem:$0x1F880] =	vst v63  }
0x28: {  	_ =	swait.ge [sflag:s18], $0xC80  }
0x29: {  	[sflag:s18] =	ssyncset.done $0x0  }
0x2a: {  	s12 =	smul.u32 $0x7D0, s1;
	s9 =	sadd.s32 $0x14000, s9;
	[sflag:s18] =	ssyncadd.s32 $0xFFFFF380  }
0x2b: {  	[tilespmem:s19], [sflag:$0x5] =	stream.linear.gather [hbm4b:s9+s8], $0xC80, $0x38;
	[tilespmem:$0x1F880] =	vst v63  }
0x2c: {  	s9 =	sadd.s32 s7, s12;
	_ =	swait.ge [sflag:s18], $0xC80  }
0x2d: {  	s12 =	sshll.u32 s9, $0x4;
	[sflag:s18] =	ssyncset.done $0x0  }
0x2e: {  	s13 =	sadd.s32 s5, s12;
	[sflag:s18] =	ssyncadd.s32 $0xFFFFF380  }
0x2f: {  	[tilespmem:s20], [sflag:$0x1] =	stream.linear.gather [hbm4b:s13+s8], $0x2800, $0x38;
	[tilespmem:$0x1F880] =	vst v63  }
0x30: {  	_ = 	snop  }
0x31: {  	[tilespmem:s22], [sflag:$0x3] =	stream.indirect.gather [hbm4b:s4+s21], $0x80, s8, s21, $0xb8;
	[tilespmem:$0x1F880] =	vst v63  }
0x32: {  	s12 =	sadd.s32 s12, s11  }
0x33: {  	[tilespmem:s23], [sflag:$0x2] =	stream.linear.gather [hbm4b:s12+s8], $0x2800, $0x38;
	[tilespmem:$0x1F880] =	vst v63  }
0x34: {  	_ = 	snop  }
0x35: {  	[tilespmem:s25], [sflag:$0x4] =	stream.indirect.gather [hbm4b:s4+s21], $0x80, s24, s21, $0xb8;
	[tilespmem:$0x1F880] =	vst v63  }
.LBB2_3:
0x36: {  	_ =	swait.ge [sflag:s26], $0x2800  }
0x37: {  	[sflag:s26] =	ssyncset.done $0x0  }
0x38: {  	[sflag:s26] =	ssyncadd.s32 $0xFFFFD800  }
0x39: {  	_ =	swait.ge [sflag:s28], $0x2800  }
0x3a: {  	[sflag:s28] =	ssyncset.done $0x0  }
0x3b: {  	s14 =	simm.s32 $0x0;
	[sflag:s28] =	ssyncadd.s32 $0xFFFFD800  }
0x3c: {  	v6 =	vld [tilespmem:s14+$0x2000]  }
0x3d: {  	v11 =	vld [tilespmem:s14+$0x2010]  }
0x3e: {  	v5 =	vld [tilespmem:s14+$0x2020]  }
0x3f: {  	v4 =	vld [tilespmem:s14+$0x2030]  }
0x40: {  	v3 =	vld [tilespmem:s14+$0x2040]  }
0x41: {  	v2 =	vld [tilespmem:s14+$0x2050]  }
0x42: {  	v1 =	vld [tilespmem:s14+$0x2060]  }
0x43: {  	v0 =	vld [tilespmem:s14+$0x2070]  }
0x44: {  	v12 =	vld [tilespmem:s14+$0x7000]  }
0x45: {  	v13 =	vld [tilespmem:s14+$0x7010]  }
0x46: {  	v10 =	vld [tilespmem:s14+$0x7020]  }
0x47: {  	v9 =	vld [tilespmem:s14+$0x7030]  }
0x48: {  	v8 =	vld [tilespmem:s14+$0x7040]  }
0x49: {  	v7 =	vld [tilespmem:s14+$0x7050];
	v12 =	vadd.f32 v6, v12  }
0x4a: {  	s12 =	simm.s32 $0x200;
	v11 =	vadd.f32 v11, v13;
	v6 =	vld [tilespmem:s14+$0x7060]  }
.LBB2_4:
0x4b: {  	s13 =	sshra.s32 s12, $0x2;
	p1 =	sne.s32 s12, $0x9E00;
	v12 =	vmax.f32 v12, $0.0e+00;
	v5 =	vadd.f32 v5, v10;
	v10 =	vld [tilespmem:s14+$0x7070]  }
0x4c: {  	v13 =	vld [tilespmem:s13+$0x2000];
	[tilespmem:s14+$0x7000] =	vst v12;
	v11 =	vmax.f32 v11, $0.0e+00;
	v4 =	vadd.f32 v4, v9  }
0x4d: {  	v14 =	vld [tilespmem:s13+$0x2010];
	[tilespmem:s14+$0x7010] =	vst v11;
	v9 =	vmax.f32 v5, $0.0e+00;
	v3 =	vadd.f32 v3, v8  }
0x4e: {  	v5 =	vld [tilespmem:s13+$0x2020];
	[tilespmem:s14+$0x7020] =	vst v9;
	v8 =	vmax.f32 v4, $0.0e+00;
	v2 =	vadd.f32 v2, v7  }
0x4f: {  	v4 =	vld [tilespmem:s13+$0x2030];
	[tilespmem:s14+$0x7030] =	vst v8;
	v7 =	vmax.f32 v3, $0.0e+00;
	v1 =	vadd.f32 v1, v6  }
0x50: {  	v3 =	vld [tilespmem:s13+$0x2040];
	[tilespmem:s14+$0x7040] =	vst v7;
	v6 =	vmax.f32 v2, $0.0e+00;
	v0 =	vadd.f32 v0, v10  }
0x51: {  	v2 =	vld [tilespmem:s13+$0x2050];
	[tilespmem:s14+$0x7050] =	vst v6;
	v6 =	vmax.f32 v1, $0.0e+00  }
0x52: {  	v1 =	vld [tilespmem:s13+$0x2060];
	[tilespmem:s14+$0x7060] =	vst v6;
	v6 =	vmax.f32 v0, $0.0e+00  }
0x53: {  	v0 =	vld [tilespmem:s13+$0x2070];
	[tilespmem:s14+$0x7070] =	vst v6;
	s14 =	smov.u32 s13  }
0x54: {  	v6 =	vld [tilespmem:s14+$0x7000]  }
0x55: {  	v11 =	vld [tilespmem:s14+$0x7010]  }
.Ltmp0:
0x56: {  	v10 =	vld [tilespmem:s14+$0x7020];
	(pc) =	sbr.rel @p1 .LBB2_4-.Ltmp0, $4  }
0x57: {  	v9 =	vld [tilespmem:s14+$0x7030]  }
0x58: {  	v8 =	vld [tilespmem:s14+$0x7040]  }
0x59: {  	v12 =	vadd.f32 v13, v6;
	v7 =	vld [tilespmem:s14+$0x7050]  }
0x5a: {  	s12 =	sadd.s32 $0x200, s12;
	v11 =	vadd.f32 v14, v11;
	v6 =	vld [tilespmem:s14+$0x7060]  }
0x5b: {  	v12 =	vmax.f32 v12, $0.0e+00;
	v5 =	vadd.f32 v5, v10;
	v10 =	vld [tilespmem:s14+$0x7070]  }
0x5c: {  	[tilespmem:s14+$0x7000] =	vst v12;
	v11 =	vmax.f32 v11, $0.0e+00;
	v4 =	vadd.f32 v4, v9  }
0x5d: {  	[tilespmem:s14+$0x7010] =	vst v11;
	v5 =	vmax.f32 v5, $0.0e+00;
	v3 =	vadd.f32 v3, v8  }
0x5e: {  	[tilespmem:s14+$0x7020] =	vst v5;
	v4 =	vmax.f32 v4, $0.0e+00;
	v2 =	vadd.f32 v2, v7  }
0x5f: {  	[tilespmem:s14+$0x7030] =	vst v4;
	v3 =	vmax.f32 v3, $0.0e+00;
	v1 =	vadd.f32 v1, v6  }
0x60: {  	[tilespmem:s14+$0x7040] =	vst v3;
	v2 =	vmax.f32 v2, $0.0e+00;
	v0 =	vadd.f32 v0, v10  }
0x61: {  	s12 =	sshll.u32 s8, $0x1;
	s13 =	sshll.u32 s8, $0x8;
	[tilespmem:s14+$0x7050] =	vst v2;
	v1 =	vmax.f32 v1, $0.0e+00  }
0x62: {  	s13 =	sand.u32 $0x3FFFFF00, s13;
	s15 =	sadd.s32 $0x2, s12;
	[tilespmem:s14+$0x7060] =	vst v1;
	v0 =	vmax.f32 v0, $0.0e+00  }
0x63: {  	s16 =	smul.u32 $0x50, s15;
	[tilespmem:s14+$0x7070] =	vst v0;
	s14 =	sadd.s32 $0x1000, s13  }
0x64: {  	[spmem:s2] =	stream.indirect.scatter.add.f32 [tilespmem:s22], [sflag:$0x5], $0x80, s14, s21, $0xb8;
	[tilespmem:$0x1F880] =	vst v63  }
0x65: {  	s16 =	sadd.s32 s9, s16;
	_ =	swait.ge [sflag:s18], $0x2800  }
0x66: {  	s14 =	sshll.u32 s16, $0x4;
	[sflag:s18] =	ssyncset.done $0x0  }
0x67: {  	s16 =	simm.s32 $0x0;
	s14 =	sadd.s32 s5, s14;
	[sflag:s18] =	ssyncadd.s32 $0xFFFFD800  }
0x68: {  	[tilespmem:s20], [sflag:$0x1] =	stream.linear.gather [hbm4b:s14+s16], $0x2800, $0x38;
	[tilespmem:$0x1F880] =	vst v63  }
0x69: {  	s16 =	sshll.u32 s15, $0x7  }
0x6a: {  	s14 =	sand.u32 $0x3FFFFF00, s16  }
0x6b: {  	[tilespmem:s22], [sflag:$0x3] =	stream.indirect.gather [hbm4b:s4+s21], $0x80, s14, s21, $0xb8;
	[tilespmem:$0x1F880] =	vst v63  }
0x6c: {  	_ =	swait.ge [sflag:s29], $0x2800  }
0x6d: {  	[sflag:s29] =	ssyncset.done $0x0  }
0x6e: {  	[sflag:s29] =	ssyncadd.s32 $0xFFFFD800  }
0x6f: {  	_ =	swait.ge [sflag:s30], $0x2800  }
0x70: {  	[sflag:s30] =	ssyncset.done $0x0  }
0x71: {  	s14 =	simm.s32 $0x0;
	[sflag:s30] =	ssyncadd.s32 $0xFFFFD800  }
0x72: {  	v6 =	vld [tilespmem:s14+$0x4800]  }
0x73: {  	v11 =	vld [tilespmem:s14+$0x4810]  }
0x74: {  	v5 =	vld [tilespmem:s14+$0x4820]  }
0x75: {  	v4 =	vld [tilespmem:s14+$0x4830]  }
0x76: {  	v3 =	vld [tilespmem:s14+$0x4840]  }
0x77: {  	v2 =	vld [tilespmem:s14+$0x4850]  }
0x78: {  	v1 =	vld [tilespmem:s14+$0x4860]  }
0x79: {  	v0 =	vld [tilespmem:s14+$0x4870]  }
0x7a: {  	v12 =	vld [tilespmem:s14+$0x9800]  }
0x7b: {  	v13 =	vld [tilespmem:s14+$0x9810]  }
0x7c: {  	v10 =	vld [tilespmem:s14+$0x9820]  }
0x7d: {  	v9 =	vld [tilespmem:s14+$0x9830]  }
0x7e: {  	v8 =	vld [tilespmem:s14+$0x9840]  }
0x7f: {  	v7 =	vld [tilespmem:s14+$0x9850];
	v12 =	vadd.f32 v6, v12  }
0x80: {  	s15 =	simm.s32 $0x200;
	v11 =	vadd.f32 v11, v13;
	v6 =	vld [tilespmem:s14+$0x9860]  }
.LBB2_6:
0x81: {  	s16 =	sshra.s32 s15, $0x2;
	p1 =	sne.s32 s15, $0x9E00;
	v12 =	vmax.f32 v12, $0.0e+00;
	v5 =	vadd.f32 v5, v10;
	v10 =	vld [tilespmem:s14+$0x9870]  }
0x82: {  	v13 =	vld [tilespmem:s16+$0x4800];
	[tilespmem:s14+$0x9800] =	vst v12;
	v11 =	vmax.f32 v11, $0.0e+00;
	v4 =	vadd.f32 v4, v9  }
0x83: {  	v14 =	vld [tilespmem:s16+$0x4810];
	[tilespmem:s14+$0x9810] =	vst v11;
	v9 =	vmax.f32 v5, $0.0e+00;
	v3 =	vadd.f32 v3, v8  }
0x84: {  	v5 =	vld [tilespmem:s16+$0x4820];
	[tilespmem:s14+$0x9820] =	vst v9;
	v8 =	vmax.f32 v4, $0.0e+00;
	v2 =	vadd.f32 v2, v7  }
0x85: {  	v4 =	vld [tilespmem:s16+$0x4830];
	[tilespmem:s14+$0x9830] =	vst v8;
	v7 =	vmax.f32 v3, $0.0e+00;
	v1 =	vadd.f32 v1, v6  }
0x86: {  	v3 =	vld [tilespmem:s16+$0x4840];
	[tilespmem:s14+$0x9840] =	vst v7;
	v6 =	vmax.f32 v2, $0.0e+00;
	v0 =	vadd.f32 v0, v10  }
0x87: {  	v2 =	vld [tilespmem:s16+$0x4850];
	[tilespmem:s14+$0x9850] =	vst v6;
	v6 =	vmax.f32 v1, $0.0e+00  }
0x88: {  	v1 =	vld [tilespmem:s16+$0x4860];
	[tilespmem:s14+$0x9860] =	vst v6;
	v6 =	vmax.f32 v0, $0.0e+00  }
0x89: {  	v0 =	vld [tilespmem:s16+$0x4870];
	[tilespmem:s14+$0x9870] =	vst v6;
	s14 =	smov.u32 s16  }
0x8a: {  	v6 =	vld [tilespmem:s14+$0x9800]  }
0x8b: {  	v11 =	vld [tilespmem:s14+$0x9810]  }
.Ltmp1:
0x8c: {  	v10 =	vld [tilespmem:s14+$0x9820];
	(pc) =	sbr.rel @p1 .LBB2_6-.Ltmp1, $4  }
0x8d: {  	v9 =	vld [tilespmem:s14+$0x9830]  }
0x8e: {  	v8 =	vld [tilespmem:s14+$0x9840]  }
0x8f: {  	v12 =	vadd.f32 v13, v6;
	v7 =	vld [tilespmem:s14+$0x9850]  }
0x90: {  	s15 =	sadd.s32 $0x200, s15;
	v11 =	vadd.f32 v14, v11;
	v6 =	vld [tilespmem:s14+$0x9860]  }
0x91: {  	v12 =	vmax.f32 v12, $0.0e+00;
	v5 =	vadd.f32 v5, v10;
	v63 =	vld [tilespmem:s14+$0x9870]  }
0x92: {  	[tilespmem:s14+$0x9800] =	vst v12;
	v11 =	vmax.f32 v11, $0.0e+00;
	v4 =	vadd.f32 v4, v9  }
0x93: {  	[tilespmem:s14+$0x9810] =	vst v11;
	v5 =	vmax.f32 v5, $0.0e+00;
	v3 =	vadd.f32 v3, v8  }
0x94: {  	[tilespmem:s14+$0x9820] =	vst v5;
	v4 =	vmax.f32 v4, $0.0e+00;
	v2 =	vadd.f32 v2, v7  }
0x95: {  	[tilespmem:s14+$0x9830] =	vst v4;
	v3 =	vmax.f32 v3, $0.0e+00;
	v1 =	vadd.f32 v1, v6  }
0x96: {  	[tilespmem:s14+$0x9840] =	vst v3;
	v2 =	vmax.f32 v2, $0.0e+00;
	v0 =	vadd.f32 v0, v63  }
0x97: {  	[tilespmem:s14+$0x9850] =	vst v2;
	v1 =	vmax.f32 v1, $0.0e+00  }
0x98: {  	p1 =	seq.s32 s8, $0xB;
	[tilespmem:s14+$0x9860] =	vst v1;
	v0 =	vmax.f32 v0, $0.0e+00  }
.Ltmp2:
0x99: {  	s13 =	sadd.s32 $0x1080, s13;
	[tilespmem:s14+$0x9870] =	vst v0;
	(pc) =	sbr.rel @p1 .LBB2_9-.Ltmp2, $4  }
0x9a: {  	[spmem:s2] =	stream.indirect.scatter.add.f32 [tilespmem:s25], [sflag:$0x5], $0x80, s13, s21, $0xb8;
	[tilespmem:$0x1F880] =	vst v63  }
0x9b: {  	_ =	swait.ge [sflag:s18], $0x2800  }
0x9c: {  	[sflag:s18] =	ssyncset.done $0x0  }
0x9d: {  	[sflag:s18] =	ssyncadd.s32 $0xFFFFD800  }
0x9e: {  	s12 =	sadd.s32 $0x3, s12  }
0x9f: {  	s13 =	smul.u32 $0x50, s12;
	_ =	sdelay $0x1  }
0xa0: {  	s13 =	sadd.s32 s9, s13  }
.Ltmp3:
0xa1: {  	s13 =	sshll.u32 s13, $0x4;
	(pc) =	sbr.rel .LBB2_3-.Ltmp3, $4  }
0xa2: {  	s12 =	sshll.u32 s12, $0x7;
	s13 =	sadd.s32 s5, s13  }
0xa3: {  	[tilespmem:s23], [sflag:$0x2] =	stream.linear.gather [hbm4b:s13+s3], $0x2800, $0x38;
	[tilespmem:$0x1F880] =	vst v63  }
0xa4: {  	s8 =	sadd.s32 $0x1, s8;
	s12 =	sand.u32 $0x3FFFFF80, s12  }
0xa5: {  	[tilespmem:s25], [sflag:$0x4] =	stream.indirect.gather [hbm4b:s4+s21], $0x80, s12, s21, $0xb8;
	[tilespmem:$0x1F880] =	vst v63  }
.LBB2_9:
0xa6: {  	_ =	swait.ge [sflag:s26], $0x2800  }
0xa7: {  	[sflag:s26] =	ssyncset.done $0x0  }
0xa8: {  	[sflag:s26] =	ssyncadd.s32 $0xFFFFD800  }
0xa9: {  	_ =	swait.ge [sflag:s28], $0x2800  }
0xaa: {  	[sflag:s28] =	ssyncset.done $0x0  }
0xab: {  	s8 =	simm.s32 $0x0;
	[sflag:s28] =	ssyncadd.s32 $0xFFFFD800  }
0xac: {  	v6 =	vld [tilespmem:s8+$0x2000]  }
0xad: {  	v11 =	vld [tilespmem:s8+$0x2010]  }
0xae: {  	v5 =	vld [tilespmem:s8+$0x2020]  }
0xaf: {  	v4 =	vld [tilespmem:s8+$0x2030]  }
0xb0: {  	v3 =	vld [tilespmem:s8+$0x2040]  }
0xb1: {  	v2 =	vld [tilespmem:s8+$0x2050]  }
0xb2: {  	v1 =	vld [tilespmem:s8+$0x2060]  }
0xb3: {  	v0 =	vld [tilespmem:s8+$0x2070]  }
0xb4: {  	v12 =	vld [tilespmem:s8+$0x7000]  }
0xb5: {  	v13 =	vld [tilespmem:s8+$0x7010]  }
0xb6: {  	v10 =	vld [tilespmem:s8+$0x7020]  }
0xb7: {  	v9 =	vld [tilespmem:s8+$0x7030]  }
0xb8: {  	v8 =	vld [tilespmem:s8+$0x7040]  }
0xb9: {  	v7 =	vld [tilespmem:s8+$0x7050];
	v12 =	vadd.f32 v6, v12  }
0xba: {  	s9 =	simm.s32 $0x200;
	v11 =	vadd.f32 v11, v13;
	v6 =	vld [tilespmem:s8+$0x7060]  }
.LBB2_10:
0xbb: {  	s12 =	sshra.s32 s9, $0x2;
	p1 =	sne.s32 s9, $0x9E00;
	v12 =	vmax.f32 v12, $0.0e+00;
	v5 =	vadd.f32 v5, v10;
	v10 =	vld [tilespmem:s8+$0x7070]  }
0xbc: {  	v13 =	vld [tilespmem:s12+$0x2000];
	[tilespmem:s8+$0x7000] =	vst v12;
	v11 =	vmax.f32 v11, $0.0e+00;
	v4 =	vadd.f32 v4, v9  }
0xbd: {  	v14 =	vld [tilespmem:s12+$0x2010];
	[tilespmem:s8+$0x7010] =	vst v11;
	v9 =	vmax.f32 v5, $0.0e+00;
	v3 =	vadd.f32 v3, v8  }
0xbe: {  	v5 =	vld [tilespmem:s12+$0x2020];
	[tilespmem:s8+$0x7020] =	vst v9;
	v8 =	vmax.f32 v4, $0.0e+00;
	v2 =	vadd.f32 v2, v7  }
0xbf: {  	v4 =	vld [tilespmem:s12+$0x2030];
	[tilespmem:s8+$0x7030] =	vst v8;
	v7 =	vmax.f32 v3, $0.0e+00;
	v1 =	vadd.f32 v1, v6  }
0xc0: {  	v3 =	vld [tilespmem:s12+$0x2040];
	[tilespmem:s8+$0x7040] =	vst v7;
	v6 =	vmax.f32 v2, $0.0e+00;
	v0 =	vadd.f32 v0, v10  }
0xc1: {  	v2 =	vld [tilespmem:s12+$0x2050];
	[tilespmem:s8+$0x7050] =	vst v6;
	v6 =	vmax.f32 v1, $0.0e+00  }
0xc2: {  	v1 =	vld [tilespmem:s12+$0x2060];
	[tilespmem:s8+$0x7060] =	vst v6;
	v6 =	vmax.f32 v0, $0.0e+00  }
0xc3: {  	v0 =	vld [tilespmem:s12+$0x2070];
	[tilespmem:s8+$0x7070] =	vst v6;
	s8 =	smov.u32 s12  }
0xc4: {  	v6 =	vld [tilespmem:s8+$0x7000]  }
0xc5: {  	v11 =	vld [tilespmem:s8+$0x7010]  }
.Ltmp4:
0xc6: {  	v10 =	vld [tilespmem:s8+$0x7020];
	(pc) =	sbr.rel @p1 .LBB2_10-.Ltmp4, $4  }
0xc7: {  	v9 =	vld [tilespmem:s8+$0x7030]  }
0xc8: {  	v8 =	vld [tilespmem:s8+$0x7040]  }
0xc9: {  	v12 =	vadd.f32 v13, v6;
	v7 =	vld [tilespmem:s8+$0x7050]  }
0xca: {  	s9 =	sadd.s32 $0x200, s9;
	v11 =	vadd.f32 v14, v11;
	v6 =	vld [tilespmem:s8+$0x7060]  }
0xcb: {  	v12 =	vmax.f32 v12, $0.0e+00;
	v5 =	vadd.f32 v5, v10;
	v63 =	vld [tilespmem:s8+$0x7070]  }
0xcc: {  	[tilespmem:s8+$0x7000] =	vst v12;
	v11 =	vmax.f32 v11, $0.0e+00;
	v4 =	vadd.f32 v4, v9  }
0xcd: {  	[tilespmem:s8+$0x7010] =	vst v11;
	v5 =	vmax.f32 v5, $0.0e+00;
	v3 =	vadd.f32 v3, v8  }
0xce: {  	[tilespmem:s8+$0x7020] =	vst v5;
	v4 =	vmax.f32 v4, $0.0e+00;
	v2 =	vadd.f32 v2, v7  }
0xcf: {  	[tilespmem:s8+$0x7030] =	vst v4;
	v3 =	vmax.f32 v3, $0.0e+00;
	v1 =	vadd.f32 v1, v6  }
0xd0: {  	[tilespmem:s8+$0x7040] =	vst v3;
	v2 =	vmax.f32 v2, $0.0e+00;
	v0 =	vadd.f32 v0, v63  }
0xd1: {  	s1 =	sadd.s32 $0x1, s1;
	[tilespmem:s8+$0x7050] =	vst v2;
	v1 =	vmax.f32 v1, $0.0e+00  }
0xd2: {  	p1 =	sne.s32 s1, $0x5;
	[tilespmem:s8+$0x7060] =	vst v1;
	v0 =	vmax.f32 v0, $0.0e+00  }
.Ltmp5:
0xd3: {  	[tilespmem:s8+$0x7070] =	vst v0;
	(pc) =	sbr.rel @p1 .LBB2_2-.Ltmp5, $4  }
0xd4: {  	[spmem:s2] =	stream.indirect.scatter.add.f32 [tilespmem:s22], [sflag:$0x5], $0x80, s31, s21, $0xb8;
	[tilespmem:$0x1F880] =	vst v63  }
0xd5: {  	_ =	swait.ge [sflag:s18], $0x2800  }
0xd6: {  	[sflag:s18] =	ssyncset.done $0x0  }
0xd7: {  	[sflag:s18] =	ssyncadd.s32 $0xFFFFD800  }
0xd8: {  	[bflag:$0x0] =	sbarrier.arrive $0xFFFF  }
0xd9: {  	s1 =	simm.s32 @p0 $0x1FC5;
	s8 =	rddreg [dreg:$0x6]  }
0xda: {  	[hbm:s8], [sflag:s1] =	dma.local @p0 [spmem:s17], $0x1900  }
0xdb: {  	s1 =	simm.s32 @p0 $0x5  }
0xdc: {  	_ =	swait.ge @p0 [sflag:s1], $0x1900  }
0xdd: {  	s12 =	rddreg [dreg:$0x8]  }
0xde: {  	[sflag:s1] =	ssyncset.done @p0 $0x0;
	s13 =	rddreg [dreg:$0x9]  }
0xdf: {  	[sflag:s1] =	ssyncadd.s32 @p0 $0xFFFFE700;
	s1 =	rddreg [dreg:$0x5]  }
0xe0: {  	[hbm:s1], [sflag:s12] =	dma.local @!p0 [spmem:s13], $0x2800  }
0xe1: {  	s1 =	simm.s32 @!p0 $0x5  }
0xe2: {  	_ =	swait.ge @!p0 [sflag:s1], $0x2800  }
0xe3: {  	s9 =	smov.u32 s17;
	s0 =	sadd.s32 $0x1, s0;
	s17 =	rddreg [dreg:$0x7]  }
0xe4: {  	p1 =	sne.s32 s0, s17  }
.Ltmp6:
0xe5: {  	_ = 	snop;
	(pc) =	sbr.rel @p1 .LBB2_1-.Ltmp6, $3  }
0xe6: {  	_ =	sdelay $0x1  }
0xe7: {  	[sflag:s1] =	ssyncset.done @!p0 $0x0  }
0xe8: {  	[sflag:s1] =	ssyncadd.s32 @!p0 $0xFFFFD800  }
0xe9: {  	_ =	sfence.sel $0x180000  }
0xea: {  	[bflag:$0x0] =	sbarrier.arrive $0xFFFF  }
0xeb: {  	_ =	strace $0x90000047  }
0xec: {  	s0 =	stileid.u32;
	[bflag:$0x2] =	sbarrier.arrive $0xFFFF  }
0xed: {  	p0 =	sne.s32 s0, $0x0;
	s0 =	rddreg [dreg:$0x2]  }
0xee: {  	s0 =	sadd.s32 @!p0 $0x100000, s0  }
0xef: {  	[sflag:s0] =	ssyncadd.tile.s32 @!p0 $0x1;
	_ =	shalt  }
.Lfunc_end2:
_tile_overlayer_lowered:
.L_overlay_start_2:
0xf0: {  	(tag) =	ssettag $0x2  }
0xf1: {  	s0 =	rddreg [dreg:$0x0];
	s2 =	stileid.u32  }
0xf2: {  	s1 =	rddreg [dreg:$0x1];
	p0 =	sne.s32 s2, $0x0  }
0xf3: {  	s3 =	rddreg [dreg:$0x2];
	[bflag:$0x3] =	sbarrier.arrive $0xFFFF;
	s2 =	simm.s32 @!p0 $0x1C05  }
0xf4: {  	[timem:s3], [sflag:s2] =	dma.local @!p0 [hbm:s0], s1  }
0xf5: {  	s0 =	simm.s32 @!p0 $0x5  }
0xf6: {  	_ =	swait.ge @!p0 [sflag:s0], s1  }
0xf7: {  	s1 =	ssub.s32 @!p0 $0x0, s1;
	[sflag:s0] =	ssyncset.done @!p0 $0x0  }
0xf8: {  	[sflag:s0] =	ssyncadd.s32 @!p0 s1  }
0xf9: {  	[bflag:$0x3] =	sbarrier.arrive $0xFFFF  }
0xfa: {  	_ =	shalt  }

// kernel: kernel.13.cloned.1.call-start
scs
__scs_entry_jumppad:
0x0: {  	(pc) =	sbr.rel $0x88, $3  }
0x1: {  	(tag) =	ssettag $0x0;
	lr =	simm.s32 $0x1  }
0x2: {  	[smem:$0x3F8B] =	sst lr;
	_ =	strace $0xD0000000  }
0x3: {  	_ = 	snop  }
0x4: {  	_ = 	snop  }
0x5: {  	_ = 	snop  }
0x6: {  	_ = 	snop  }
0x7: {  	_ = 	snop  }
__scs_overlays_trampoline_lowered:
0x8: {  	[smem:$0x3F9A] =	sst s0  }
0x9: {  	[smem:$0x3F9B] =	sst s1  }
0xa: {  	[smem:$0x3F9C] =	sst s2  }
0xb: {  	[smem:$0x3F9D] =	sst s3  }
0xc: {  	[smem:$0x3F9E] =	sst s4  }
0xd: {  	[smem:$0x3F9F] =	sst s5  }
0xe: {  	[smem:$0x3FA0] =	sst s6  }
0xf: {  	[smem:$0x3FA1] =	sst s7  }
0x10: {  	[smem:$0x3FA2] =	sst s8  }
0x11: {  	[smem:$0x3FA3] =	sst s9;
	s0 =	simm.s32 @!p0 $0x0  }
0x12: {  	s1 =	sld [smem:$0x3F89];
	s0 =	simm.s32 @p0 $0x1  }
0x13: {  	[smem:$0x3FA4] =	sst s0;
	s0 =	simm.s32 @!p1 $0x0  }
0x14: {  	s2 =	sld [smem:$0x3F88];
	s0 =	simm.s32 @p1 $0x1  }
0x15: {  	[smem:$0x3FA5] =	sst s0;
	s0 =	simm.s32 @!p2 $0x0  }
0x16: {  	s3 =	sld [smem:$0x3FDB];
	s0 =	simm.s32 @p2 $0x1  }
0x17: {  	s4 =	simm.s32 $0x1BF5;
	[smem:$0x3FA7] =	sst s0  }
0x18: {  	s0 =	sld [smem:$0x3F8A];
	_ =	swait.ge [sflag:s4], $0x0  }
0x19: {  	s7 =	sld [smem:$0x3F8B]  }
0x1a: {  	s8 =	sadd.s32 $0xFFFFE003, lr  }
0x1b: {  	s9 =	sadd.s32 $0xFFFFFEF7, lr;
	s5 =	simm.s32 $0xFFFFFFFF;
	p2 =	slt.u32 s8, $0xFFFFF086  }
0x1c: {  	p1 =	slt.u32 s9, $0xF7A;
	s5 =	simm.s32 @!p2 $0x0  }
0x1d: {  	s5 =	simm.s32 @p1 $0x1;
	p0 =	seq.s32 s7, s2  }
0x1e: {  	s7 =	smul.u32 @!p0 $0xF7A, s2;
	p2 =	seq.s32 @!p0 s5, $0x0  }
0x1f: {  	s9 =	smul.u32 $0xF7A, s1;
	s8 =	simm.s32 @!p0 $0x1BF5;
	p2 =	por !p2, p0  }
0x20: {  	[sflag:s8] =	ssyncset.s32 @!p0 $0xFFFFF086;
	s6 =	sadd.s32 @!p0 s3, s7;
	s7 =	simm.s32 @!p0 $0x108  }
0x21: {  	s3 =	sadd.s32 s3, s9;
	s6 =	sadd.s32 @!p0 $0x88, s6;
	s7 =	simm.s32 @p2 $0x1082  }
0x22: {  	[simem:s7], [sflag:s8] =	dma.local @!p0 [hbm:s6], $0xF7A  }
0x23: {  	s9 =	sor.u32 $0xD0000000, s2;
	s6 =	simm.s32 $0x108;
	_ =	swait.ge @!p0 [sflag:s8], $0x0  }
0x24: {  	s3 =	sadd.s32 $0x88, s3;
	s6 =	simm.s32 @!p1 $0x1082;
	[sflag:s4] =	ssyncset.s32 $0xFFFFF086  }
0x25: {  	[simem:s6], [sflag:s4] =	dma.local [hbm:s3], $0xF7A  }
0x26: {  	[smem:$0x3F8B] =	sst s1;
	(tag) =	ssettag s2;
	_ =	strace s9  }
0x27: {  	s1 =	sld [smem:$0x3F9B]  }
0x28: {  	s2 =	sld [smem:$0x3F9C]  }
0x29: {  	s4 =	sld [smem:$0x3F9E]  }
0x2a: {  	p0 =	seq.s32 s5, $0x0;
	s5 =	sld [smem:$0x3F9F]  }
0x2b: {  	s6 =	sld [smem:$0x3FA0]  }
0x2c: {  	s7 =	sld [smem:$0x3FA1]  }
0x2d: {  	s3 =	simm.s32 $0x108;
	s8 =	sld [smem:$0x3FA2]  }
0x2e: {  	s3 =	simm.s32 @!p0 $0x1082;
	s9 =	sld [smem:$0x3FA3]  }
0x2f: {  	lr =	sadd.s32 s0, s3;
	s0 =	sld [smem:$0x3F9A]  }
0x30: {  	s3 =	sld [smem:$0x3F9D]  }
0x31: {  	[smem:$0x3FA6] =	sst s10  }
0x32: {  	s10 =	sld [smem:$0x3FA4];
	_ =	sdelay $0x3  }
0x33: {  	p0 =	seq.s32 s10, $0x1;
	s10 =	sld [smem:$0x3FA6];
	_ =	sdelay $0x3  }
0x34: {  	[smem:$0x3FA6] =	sst s10  }
0x35: {  	s10 =	sld [smem:$0x3FA5];
	_ =	sdelay $0x3  }
0x36: {  	p1 =	seq.s32 s10, $0x1;
	s10 =	sld [smem:$0x3FA6];
	_ =	sdelay $0x3  }
0x37: {  	[smem:$0x3FA6] =	sst s10  }
0x38: {  	s10 =	sld [smem:$0x3FA7]  }
0x39: {  	_ = 	snop;
	(pc) =	sbr.ind lr, $3  }
0x3a: {  	_ = 	snop  }
0x3b: {  	_ = 	snop  }
0x3c: {  	p2 =	seq.s32 s10, $0x1;
	s10 =	sld [smem:$0x3FA6]  }
0x3d: {  	_ =	shalt  }
0x3e: {  	_ =	shalt  }
0x3f: {  	_ =	shalt  }
0x40: {  	_ =	shalt  }
0x41: {  	_ =	shalt  }
0x42: {  	_ =	shalt  }
0x43: {  	_ =	shalt  }
0x44: {  	_ =	shalt  }
0x45: {  	_ =	shalt  }
0x46: {  	_ =	shalt  }
0x47: {  	_ =	shalt  }
0x48: {  	_ =	shalt  }
0x49: {  	_ =	shalt  }
0x4a: {  	_ =	shalt  }
0x4b: {  	_ =	shalt  }
0x4c: {  	_ =	shalt  }
0x4d: {  	_ =	shalt  }
0x4e: {  	_ =	shalt  }
0x4f: {  	_ =	shalt  }
0x50: {  	_ =	shalt  }
0x51: {  	_ =	shalt  }
0x52: {  	_ =	shalt  }
0x53: {  	_ =	shalt  }
0x54: {  	_ =	shalt  }
0x55: {  	_ =	shalt  }
0x56: {  	_ =	shalt  }
0x57: {  	_ =	shalt  }
0x58: {  	_ =	shalt  }
0x59: {  	_ =	shalt  }
0x5a: {  	_ =	shalt  }
0x5b: {  	_ =	shalt  }
0x5c: {  	_ =	shalt  }
0x5d: {  	_ =	shalt  }
0x5e: {  	_ =	shalt  }
0x5f: {  	_ =	shalt  }
0x60: {  	_ =	shalt  }
0x61: {  	_ =	shalt  }
0x62: {  	_ =	shalt  }
0x63: {  	_ =	shalt  }
0x64: {  	_ =	shalt  }
0x65: {  	_ =	shalt  }
0x66: {  	_ =	shalt  }
0x67: {  	_ =	shalt  }
0x68: {  	_ =	shalt  }
0x69: {  	_ =	shalt  }
0x6a: {  	_ =	shalt  }
0x6b: {  	_ =	shalt  }
0x6c: {  	_ =	shalt  }
0x6d: {  	_ =	shalt  }
0x6e: {  	_ =	shalt  }
0x6f: {  	_ =	shalt  }
0x70: {  	_ =	shalt  }
0x71: {  	_ =	shalt  }
0x72: {  	_ =	shalt  }
0x73: {  	_ =	shalt  }
0x74: {  	_ =	shalt  }
0x75: {  	_ =	shalt  }
0x76: {  	_ =	shalt  }
0x77: {  	_ =	shalt  }
0x78: {  	_ =	shalt  }
0x79: {  	_ =	shalt  }
0x7a: {  	_ =	shalt  }
0x7b: {  	_ =	shalt  }
0x7c: {  	_ =	shalt  }
0x7d: {  	_ =	shalt  }
0x7e: {  	_ =	shalt  }
0x7f: {  	_ =	shalt  }
0x80: {  	_ =	shalt  }
0x81: {  	_ =	shalt  }
0x82: {  	_ =	shalt  }
0x83: {  	_ =	shalt  }
0x84: {  	_ =	shalt  }
0x85: {  	_ =	shalt  }
0x86: {  	_ =	shalt  }
0x87: {  	_ =	shalt  }
.Lfunc_end0:
.L_simem_size_0:
called_computation.1_lowered:
.L_overlay_start_0:
0x88: {  	s2 =	sld [smem:$0x3FD9]  }
0x89: {  	s3 =	sld [smem:$0x3FFE];
	_ =	sdelay $0x1  }
0x8a: {  	s1 =	srdreg.scid  }
0x8b: {  	s0 =	sand.u32 $0x1, s1  }
0x8c: {  	s16 =	sshll.u32 s0, $0xA;
	s2 =	sadd.s32 s3, s2  }
0x8d: {  	s2 =	sadd.s32 s2, s16  }
0x8e: {  	[smem:$0x3FB2] =	sst s2  }
0x8f: {  	_ = 	snop  }
0x90: {  	(tm) =	ssettm $0x1  }
0x91: {  	s17 =	sld [smem:$0x3FFB];
	_ =	sdelay $0x3  }
0x92: {  	_ =	strace s17  }
0x93: {  	s2 =	sld [smem:$0x3FFC];
	_ =	sdelay $0x3  }
0x94: {  	_ =	strace s2  }
0x95: {  	s2 =	sld [smem:$0x3FFD];
	_ =	sdelay $0x3  }
0x96: {  	_ =	strace s2  }
0x97: {  	_ =	strace $0x8FFFFFFF  }
0x98: {  	s18 =	sld [smem:$0x3FDB];
	_ =	sdelay $0x1  }
0x99: {  	s19 =	simm.s32 $_scs_section_size  }
0x9a: {  	s4 =	simm.s32 $_size__tile_overlayer_lowered;
	s5 =	simm.s32 $_tile_overlayer_lowered  }
0x9b: {  	s22 =	simm.s32 $0x1BFF;
	s21 =	sshll.u32 s5, $0x1;
	s2 =	sadd.s32 s19, s18  }
0x9c: {  	s6 =	simm.s32 $0x0;
	s20 =	sshll.u32 s4, $0x1;
	s4 =	sadd.s32 s21, s2  }
0x9d: {  	[timem:s6], [sflag:s22] =	dma.local [hbm:s4], s20  }
0x9e: {  	_ =	swait.ge [sflag:s22], s20  }
0x9f: {  	s3 =	ssub.s32 $0x0, s20;
	[sflag:s22] =	ssyncset.done $0x0  }
0xa0: {  	[sflag:s22] =	ssyncadd.s32 s3;
	_ =	sdelay $0x1  }
0xa1: {  	s23 =	simm.s32 $0x1B8B  }
0xa2: {  	_ =	swait.ge [sflag:s23], $0x1  }
0xa3: {  	[sflag:s23] =	ssyncset.done $0x0  }
0xa4: {  	s25 =	simm.s32 $0x1B8E;
	s24 =	sld [smem:$0x3FFE];
	[sflag:s23] =	ssyncadd.s32 $0xFFFFFFFF  }
0xa5: {  	s26 =	simm.s32 $execute0_lowered;
	[smem:$0x3FD2] =	sst s25  }
0xa6: {  	s4 =	sshll.u32 s26, $0x1;
	_ =	strace $0x80000049;
	[dreg:$0x1] =	wrdreg $0xFFFFFFFF  }
0xa7: {  	s28 =	simm.s32 $_size_execute0_lowered;
	s2 =	sadd.s32 s2, s4;
	[dreg:$0x0] =	wrdreg $0x0  }
0xa8: {  	s4 =	sshll.u32 s28, $0x1;
	[dreg:$0x2] =	wrdreg s2  }
0xa9: {  	[dreg:$0x3] =	wrdreg s4  }
0xaa: {  	[dreg:$0x4] =	wrdreg $0xC0  }
0xab: {  	_ =	task [dreg:s6], $0x5FFFF  }
0xac: {  	[dreg:$0x1] =	wrdreg $0xFFFFFFFF  }
0xad: {  	[dreg:$0x0] =	wrdreg $0x60  }
0xae: {  	[dreg:$0x2] =	wrdreg s24  }
0xaf: {  	[dreg:$0x3] =	wrdreg $0xC0000  }
0xb0: {  	[dreg:$0x4] =	wrdreg $0x9  }
0xb1: {  	_ =	task.clear_ibuf [dreg:s6], $0x5FFFF;
	_ =	strace $0x90000049  }
0xb2: {  	s29 =	simm.s32 $0x9;
	_ =	strace $0x8000004B  }
0xb3: {  	_ =	swait.ge [sflag:s29], $0x1  }
0xb4: {  	[sflag:s29] =	ssyncadd.s32 $0xFFFFFFFF  }
0xb5: {  	_ =	strace $0x9000004B  }
0xb6: {  	_ =	sfence  }
0xb7: {  	s30 =	sld [smem:$0x0];
	_ =	sdelay $0x2  }
0xb8: {  	s31 =	sshll.u32 s1, $0xD;
	s1 =	sshrl.u32 s1, $0x2  }
0xb9: {  	s3 =	sand.u32 $0x4000, s31;
	s1 =	sadd.s32 s1, s30  }
0xba: {  	s0 =	sor.u32 s3, s0;
	s1 =	sshll.u32 s1, $0x11  }
0xbb: {  	s0 =	sor.u32 s1, s0  }
0xbc: {  	s0 =	sadd.s32 $0x8F2B, s0  }
0xbd: {  	[sflag:s0] =	ssyncadd.remote.s32 $0x1  }
0xbe: {  	_ =	sfence.sel $0xFFFF  }
0xbf: {  	[dreg:$0x0] =	wrdreg $0xFFFFFFFF;
	(pc) =	sbr.abs _section_cstart, $3  }
0xc0: {  	[dreg:$0x1] =	wrdreg $0xFFFFFFFF  }
0xc1: {  	_ =	task.clear_ibuf [dreg:s6], $0x2FFFF;
	_ =	strace $0x9FFFFFFF  }
0xc2: {  	(tm) =	ssettm $0x7FFFFFFF  }
0xc3: {  	_ =	shalt  }
tec
execute0_lowered:
.L_overlay_start_1:
0x0: {  	(tag) =	ssettag $0x1  }
0x1: {  	s0 =	rddreg [dreg:$0x0]  }
0x2: {  	s2 =	rddreg [dreg:$0x1];
	s3 =	simm.s32 $0x0  }
0x3: {  	s15 =	stileid.u32;
	s6 =	srdreg.scid;
	s18 =	simm.s32 $0x5  }
0x4: {  	s19 =	simm.s32 $0x1000;
	s20 =	simm.s32 $0x2000;
	s21 =	simm.s32 $0x50  }
0x5: {  	s22 =	simm.s32 $0x7000;
	s28 =	simm.s32 $0x3;
	s29 =	simm.s32 $0x2  }
0x6: {  	s30 =	simm.s32 $0x4;
	s31 =	simm.s32 $0x1C00;
	[smem:$0x7FF] =	sst s3  }
0x7: {  	s1 =	smul.u32 $0x2800, s15;
	s4 =	sadd.s32 $0x2D800, s0;
	s5 =	sadd.s32 $0x4EAE00, s0  }
0x8: {  	s7 =	sand.u32 $0x1, s6;
	s8 =	smul.u32 $0x50000, s15;
	s12 =	sadd.s32 $0x7BC00, s0  }
0x9: {  	s14 =	smul.u32 $0x14000, s15;
	s23 =	sadd.s32 $0x2BE00, s0;
	p0 =	seq.s32 s15, $0xF  }
0xa: {  	_ =	strace $0x8000004A;
	s6 =	sshll.u32 s7, $0x4;
	s9 =	ssub.s32 $0x2, s7  }
0xb: {  	s7 =	smul.u32 $0x138800, s7;
	[dreg:$0x4] =	wrdreg s23;
	s23 =	simm.s32 $0x4800  }
0xc: {  	s1 =	sadd.s32 s1, s0;
	s10 =	sor.u32 s15, s6;
	s11 =	sshrl.u32 s9, $0x1  }
0xd: {  	s8 =	sshrl.u32 s8, $0x2;
	s6 =	smul.u32 $0x2710, s10;
	s13 =	ssub.s32 s9, s11  }
0xe: {  	s8 =	sadd.s32 s8, s2;
	s1 =	sadd.s32 $0x6600, s1;
	s9 =	smul.u32 $0x5000, s10  }
0xf: {  	s10 =	sadd.s32 $0xA43200, s0;
	s11 =	sadd.s32 $0xA43700, s0;
	s24 =	sadd.s32 s14, s7  }
0x10: {  	s7 =	sshrl.u32 s7, $0x3;
	[dreg:$0x3] =	wrdreg s1;
	s1 =	sadd.s32 $0x12C000, s2  }
0x11: {  	s0 =	sshrl.u32 s24, $0x3;
	s7 =	sadd.s32 s12, s7;
	s26 =	smax.u32 s13, $0x1  }
0x12: {  	s8 =	sshrl.u32 @!p0 s8, $0x3;
	s24 =	simm.s32 $0x80;
	[dreg:$0x7] =	wrdreg s26  }
0x13: {  	s0 =	sadd.s32 s12, s0;
	s25 =	sadd.s32 $0x25800, s7;
	[dreg:$0x9] =	wrdreg s8  }
0x14: {  	s12 =	sshrl.u32 @p0 s1, $0x3;
	[dreg:$0x5] =	wrdreg s0;
	s0 =	sshll.u32 @!p0 s15, $0x6  }
0x15: {  	s26 =	simm.s32 $0x1;
	[dreg:$0x6] =	wrdreg s25;
	s13 =	sor.u32 @!p0 $0x1C05, s0  }
0x16: {  	s25 =	simm.s32 $0x9800;
	s0 =	simm.s32 $0x0;
	[dreg:$0x8] =	wrdreg s13  }
.LBB2_1:
0x17: {  	s1 =	simm.s32 @p0 $0x1FC5;
	s7 =	rddreg [dreg:$0x4]  }
0x18: {  	[spmem:s12], [sflag:s1] =	dma.local @p0 [hbm:s7], $0x1900  }
0x19: {  	s1 =	simm.s32 @p0 $0x5  }
0x1a: {  	_ =	swait.ge @p0 [sflag:s1], $0x1900  }
0x1b: {  	[sflag:s1] =	ssyncset.done @p0 $0x0  }
0x1c: {  	[sflag:s1] =	ssyncadd.s32 @p0 $0xFFFFE700;
	s1 =	rddreg [dreg:$0x3]  }
0x1d: {  	[spmem:s8], [sflag:s13] =	dma.local @!p0 [hbm:s1], $0x2800  }
0x1e: {  	s1 =	simm.s32 @!p0 $0x5  }
0x1f: {  	_ =	swait.ge @!p0 [sflag:s1], $0x2800  }
0x20: {  	[sflag:s1] =	ssyncset.done @!p0 $0x0  }
0x21: {  	[sflag:s1] =	ssyncadd.s32 @!p0 $0xFFFFD800  }
0x22: {  	s17 =	smov.u32 s12;
	s1 =	simm.s32 $0x0;
	[bflag:$0x0] =	sbarrier.arrive $0xFFFF  }
.LBB2_2:
0x23: {  	s7 =	sshll.u32 s1, $0xC  }
0x24: {  	s7 =	sadd.s32 s9, s7  }
0x25: {  	s7 =	sshrl.u32 s7, $0x3  }
0x26: {  	s8 =	sadd.s32 s5, s7;
	s7 =	simm.s32 $0x0  }
0x27: {  	[tilespmem:s7], [sflag:$0x5] =	stream.linear.gather [hbm4b:s8+s7], $0xC80, $0x38;
	[tilespmem:$0x1F880] =	vst v63  }
0x28: {  	_ =	swait.ge [sflag:s18], $0xC80  }
0x29: {  	[sflag:s18] =	ssyncset.done $0x0  }
0x2a: {  	s12 =	smul.u32 $0x7D0, s1;
	s8 =	sadd.s32 $0x14000, s8;
	[sflag:s18] =	ssyncadd.s32 $0xFFFFF380  }
0x2b: {  	[tilespmem:s19], [sflag:$0x5] =	stream.linear.gather [hbm4b:s8+s7], $0xC80, $0x38;
	[tilespmem:$0x1F880] =	vst v63  }
0x2c: {  	s8 =	sadd.s32 s6, s12;
	_ =	swait.ge [sflag:s18], $0xC80  }
0x2d: {  	s12 =	sshll.u32 s8, $0x4;
	[sflag:s18] =	ssyncset.done $0x0  }
0x2e: {  	s13 =	sadd.s32 s12, s10;
	[sflag:s18] =	ssyncadd.s32 $0xFFFFF380  }
0x2f: {  	[tilespmem:s20], [sflag:$0x1] =	stream.linear.gather [hbm4b:s13+s7], $0x2800, $0x38;
	[tilespmem:$0x1F880] =	vst v63  }
0x30: {  	_ = 	snop  }
0x31: {  	[tilespmem:s22], [sflag:$0x3] =	stream.indirect.gather [hbm4b:s4+s21], $0x80, s7, s21, $0xb8;
	[tilespmem:$0x1F880] =	vst v63  }
0x32: {  	s12 =	sadd.s32 s12, s11  }
0x33: {  	[tilespmem:s23], [sflag:$0x2] =	stream.linear.gather [hbm4b:s12+s7], $0x2800, $0x38;
	[tilespmem:$0x1F880] =	vst v63  }
0x34: {  	_ = 	snop  }
0x35: {  	[tilespmem:s25], [sflag:$0x4] =	stream.indirect.gather [hbm4b:s4+s21], $0x80, s24, s21, $0xb8;
	[tilespmem:$0x1F880] =	vst v63  }
.LBB2_3:
0x36: {  	_ =	swait.ge [sflag:s26], $0x2800  }
0x37: {  	[sflag:s26] =	ssyncset.done $0x0  }
0x38: {  	[sflag:s26] =	ssyncadd.s32 $0xFFFFD800  }
0x39: {  	_ =	swait.ge [sflag:s28], $0x2800  }
0x3a: {  	[sflag:s28] =	ssyncset.done $0x0  }
0x3b: {  	s14 =	simm.s32 $0x0;
	[sflag:s28] =	ssyncadd.s32 $0xFFFFD800  }
0x3c: {  	v6 =	vld [tilespmem:s14+$0x2000]  }
0x3d: {  	v11 =	vld [tilespmem:s14+$0x2010]  }
0x3e: {  	v5 =	vld [tilespmem:s14+$0x2020]  }
0x3f: {  	v4 =	vld [tilespmem:s14+$0x2030]  }
0x40: {  	v3 =	vld [tilespmem:s14+$0x2040]  }
0x41: {  	v2 =	vld [tilespmem:s14+$0x2050]  }
0x42: {  	v1 =	vld [tilespmem:s14+$0x2060]  }
0x43: {  	v0 =	vld [tilespmem:s14+$0x2070]  }
0x44: {  	v12 =	vld [tilespmem:s14+$0x7000]  }
0x45: {  	v13 =	vld [tilespmem:s14+$0x7010]  }
0x46: {  	v10 =	vld [tilespmem:s14+$0x7020]  }
0x47: {  	v9 =	vld [tilespmem:s14+$0x7030]  }
0x48: {  	v8 =	vld [tilespmem:s14+$0x7040]  }
0x49: {  	v7 =	vld [tilespmem:s14+$0x7050];
	v12 =	vadd.f32 v6, v12  }
0x4a: {  	s12 =	simm.s32 $0x200;
	v11 =	vadd.f32 v11, v13;
	v6 =	vld [tilespmem:s14+$0x7060]  }
.LBB2_4:
0x4b: {  	s13 =	sshra.s32 s12, $0x2;
	p1 =	sne.s32 s12, $0x9E00;
	v12 =	vmax.f32 v12, $0.0e+00;
	v5 =	vadd.f32 v5, v10;
	v10 =	vld [tilespmem:s14+$0x7070]  }
0x4c: {  	v13 =	vld [tilespmem:s13+$0x2000];
	[tilespmem:s14+$0x7000] =	vst v12;
	v11 =	vmax.f32 v11, $0.0e+00;
	v4 =	vadd.f32 v4, v9  }
0x4d: {  	v14 =	vld [tilespmem:s13+$0x2010];
	[tilespmem:s14+$0x7010] =	vst v11;
	v9 =	vmax.f32 v5, $0.0e+00;
	v3 =	vadd.f32 v3, v8  }
0x4e: {  	v5 =	vld [tilespmem:s13+$0x2020];
	[tilespmem:s14+$0x7020] =	vst v9;
	v8 =	vmax.f32 v4, $0.0e+00;
	v2 =	vadd.f32 v2, v7  }
0x4f: {  	v4 =	vld [tilespmem:s13+$0x2030];
	[tilespmem:s14+$0x7030] =	vst v8;
	v7 =	vmax.f32 v3, $0.0e+00;
	v1 =	vadd.f32 v1, v6  }
0x50: {  	v3 =	vld [tilespmem:s13+$0x2040];
	[tilespmem:s14+$0x7040] =	vst v7;
	v6 =	vmax.f32 v2, $0.0e+00;
	v0 =	vadd.f32 v0, v10  }
0x51: {  	v2 =	vld [tilespmem:s13+$0x2050];
	[tilespmem:s14+$0x7050] =	vst v6;
	v6 =	vmax.f32 v1, $0.0e+00  }
0x52: {  	v1 =	vld [tilespmem:s13+$0x2060];
	[tilespmem:s14+$0x7060] =	vst v6;
	v6 =	vmax.f32 v0, $0.0e+00  }
0x53: {  	v0 =	vld [tilespmem:s13+$0x2070];
	[tilespmem:s14+$0x7070] =	vst v6;
	s14 =	smov.u32 s13  }
0x54: {  	v6 =	vld [tilespmem:s14+$0x7000]  }
0x55: {  	v11 =	vld [tilespmem:s14+$0x7010]  }
.Ltmp0:
0x56: {  	v10 =	vld [tilespmem:s14+$0x7020];
	(pc) =	sbr.rel @p1 .LBB2_4-.Ltmp0, $4  }
0x57: {  	v9 =	vld [tilespmem:s14+$0x7030]  }
0x58: {  	v8 =	vld [tilespmem:s14+$0x7040]  }
0x59: {  	v12 =	vadd.f32 v13, v6;
	v7 =	vld [tilespmem:s14+$0x7050]  }
0x5a: {  	s12 =	sadd.s32 $0x200, s12;
	v11 =	vadd.f32 v14, v11;
	v6 =	vld [tilespmem:s14+$0x7060]  }
0x5b: {  	v12 =	vmax.f32 v12, $0.0e+00;
	v5 =	vadd.f32 v5, v10;
	v10 =	vld [tilespmem:s14+$0x7070]  }
0x5c: {  	[tilespmem:s14+$0x7000] =	vst v12;
	v11 =	vmax.f32 v11, $0.0e+00;
	v4 =	vadd.f32 v4, v9  }
0x5d: {  	[tilespmem:s14+$0x7010] =	vst v11;
	v5 =	vmax.f32 v5, $0.0e+00;
	v3 =	vadd.f32 v3, v8  }
0x5e: {  	[tilespmem:s14+$0x7020] =	vst v5;
	v4 =	vmax.f32 v4, $0.0e+00;
	v2 =	vadd.f32 v2, v7  }
0x5f: {  	[tilespmem:s14+$0x7030] =	vst v4;
	v3 =	vmax.f32 v3, $0.0e+00;
	v1 =	vadd.f32 v1, v6  }
0x60: {  	[tilespmem:s14+$0x7040] =	vst v3;
	v2 =	vmax.f32 v2, $0.0e+00;
	v0 =	vadd.f32 v0, v10  }
0x61: {  	s12 =	sshll.u32 s7, $0x1;
	s13 =	sshll.u32 s7, $0x8;
	[tilespmem:s14+$0x7050] =	vst v2;
	v1 =	vmax.f32 v1, $0.0e+00  }
0x62: {  	s13 =	sand.u32 $0x3FFFFF00, s13;
	s15 =	sadd.s32 $0x2, s12;
	[tilespmem:s14+$0x7060] =	vst v1;
	v0 =	vmax.f32 v0, $0.0e+00  }
0x63: {  	s16 =	smul.u32 $0x50, s15;
	[tilespmem:s14+$0x7070] =	vst v0;
	s14 =	sadd.s32 $0x1000, s13  }
0x64: {  	[spmem:s2] =	stream.indirect.scatter.add.f32 [tilespmem:s22], [sflag:$0x5], $0x80, s14, s21, $0xb8;
	[tilespmem:$0x1F880] =	vst v63  }
0x65: {  	s16 =	sadd.s32 s8, s16;
	_ =	swait.ge [sflag:s18], $0x2800  }
0x66: {  	s14 =	sshll.u32 s16, $0x4;
	[sflag:s18] =	ssyncset.done $0x0  }
0x67: {  	s16 =	simm.s32 $0x0;
	s14 =	sadd.s32 s14, s10;
	[sflag:s18] =	ssyncadd.s32 $0xFFFFD800  }
0x68: {  	[tilespmem:s20], [sflag:$0x1] =	stream.linear.gather [hbm4b:s14+s16], $0x2800, $0x38;
	[tilespmem:$0x1F880] =	vst v63  }
0x69: {  	s16 =	sshll.u32 s15, $0x7  }
0x6a: {  	s14 =	sand.u32 $0x3FFFFF00, s16  }
0x6b: {  	[tilespmem:s22], [sflag:$0x3] =	stream.indirect.gather [hbm4b:s4+s21], $0x80, s14, s21, $0xb8;
	[tilespmem:$0x1F880] =	vst v63  }
0x6c: {  	_ =	swait.ge [sflag:s29], $0x2800  }
0x6d: {  	[sflag:s29] =	ssyncset.done $0x0  }
0x6e: {  	[sflag:s29] =	ssyncadd.s32 $0xFFFFD800  }
0x6f: {  	_ =	swait.ge [sflag:s30], $0x2800  }
0x70: {  	[sflag:s30] =	ssyncset.done $0x0  }
0x71: {  	s14 =	simm.s32 $0x0;
	[sflag:s30] =	ssyncadd.s32 $0xFFFFD800  }
0x72: {  	v6 =	vld [tilespmem:s14+$0x4800]  }
0x73: {  	v11 =	vld [tilespmem:s14+$0x4810]  }
0x74: {  	v5 =	vld [tilespmem:s14+$0x4820]  }
0x75: {  	v4 =	vld [tilespmem:s14+$0x4830]  }
0x76: {  	v3 =	vld [tilespmem:s14+$0x4840]  }
0x77: {  	v2 =	vld [tilespmem:s14+$0x4850]  }
0x78: {  	v1 =	vld [tilespmem:s14+$0x4860]  }
0x79: {  	v0 =	vld [tilespmem:s14+$0x4870]  }
0x7a: {  	v12 =	vld [tilespmem:s14+$0x9800]  }
0x7b: {  	v13 =	vld [tilespmem:s14+$0x9810]  }
0x7c: {  	v10 =	vld [tilespmem:s14+$0x9820]  }
0x7d: {  	v9 =	vld [tilespmem:s14+$0x9830]  }
0x7e: {  	v8 =	vld [tilespmem:s14+$0x9840]  }
0x7f: {  	v7 =	vld [tilespmem:s14+$0x9850];
	v12 =	vadd.f32 v6, v12  }
0x80: {  	s15 =	simm.s32 $0x200;
	v11 =	vadd.f32 v11, v13;
	v6 =	vld [tilespmem:s14+$0x9860]  }
.LBB2_6:
0x81: {  	s16 =	sshra.s32 s15, $0x2;
	p1 =	sne.s32 s15, $0x9E00;
	v12 =	vmax.f32 v12, $0.0e+00;
	v5 =	vadd.f32 v5, v10;
	v10 =	vld [tilespmem:s14+$0x9870]  }
0x82: {  	v13 =	vld [tilespmem:s16+$0x4800];
	[tilespmem:s14+$0x9800] =	vst v12;
	v11 =	vmax.f32 v11, $0.0e+00;
	v4 =	vadd.f32 v4, v9  }
0x83: {  	v14 =	vld [tilespmem:s16+$0x4810];
	[tilespmem:s14+$0x9810] =	vst v11;
	v9 =	vmax.f32 v5, $0.0e+00;
	v3 =	vadd.f32 v3, v8  }
0x84: {  	v5 =	vld [tilespmem:s16+$0x4820];
	[tilespmem:s14+$0x9820] =	vst v9;
	v8 =	vmax.f32 v4, $0.0e+00;
	v2 =	vadd.f32 v2, v7  }
0x85: {  	v4 =	vld [tilespmem:s16+$0x4830];
	[tilespmem:s14+$0x9830] =	vst v8;
	v7 =	vmax.f32 v3, $0.0e+00;
	v1 =	vadd.f32 v1, v6  }
0x86: {  	v3 =	vld [tilespmem:s16+$0x4840];
	[tilespmem:s14+$0x9840] =	vst v7;
	v6 =	vmax.f32 v2, $0.0e+00;
	v0 =	vadd.f32 v0, v10  }
0x87: {  	v2 =	vld [tilespmem:s16+$0x4850];
	[tilespmem:s14+$0x9850] =	vst v6;
	v6 =	vmax.f32 v1, $0.0e+00  }
0x88: {  	v1 =	vld [tilespmem:s16+$0x4860];
	[tilespmem:s14+$0x9860] =	vst v6;
	v6 =	vmax.f32 v0, $0.0e+00  }
0x89: {  	v0 =	vld [tilespmem:s16+$0x4870];
	[tilespmem:s14+$0x9870] =	vst v6;
	s14 =	smov.u32 s16  }
0x8a: {  	v6 =	vld [tilespmem:s14+$0x9800]  }
0x8b: {  	v11 =	vld [tilespmem:s14+$0x9810]  }
.Ltmp1:
0x8c: {  	v10 =	vld [tilespmem:s14+$0x9820];
	(pc) =	sbr.rel @p1 .LBB2_6-.Ltmp1, $4  }
0x8d: {  	v9 =	vld [tilespmem:s14+$0x9830]  }
0x8e: {  	v8 =	vld [tilespmem:s14+$0x9840]  }
0x8f: {  	v12 =	vadd.f32 v13, v6;
	v7 =	vld [tilespmem:s14+$0x9850]  }
0x90: {  	s15 =	sadd.s32 $0x200, s15;
	v11 =	vadd.f32 v14, v11;
	v6 =	vld [tilespmem:s14+$0x9860]  }
0x91: {  	v12 =	vmax.f32 v12, $0.0e+00;
	v5 =	vadd.f32 v5, v10;
	v63 =	vld [tilespmem:s14+$0x9870]  }
0x92: {  	[tilespmem:s14+$0x9800] =	vst v12;
	v11 =	vmax.f32 v11, $0.0e+00;
	v4 =	vadd.f32 v4, v9  }
0x93: {  	[tilespmem:s14+$0x9810] =	vst v11;
	v5 =	vmax.f32 v5, $0.0e+00;
	v3 =	vadd.f32 v3, v8  }
0x94: {  	[tilespmem:s14+$0x9820] =	vst v5;
	v4 =	vmax.f32 v4, $0.0e+00;
	v2 =	vadd.f32 v2, v7  }
0x95: {  	[tilespmem:s14+$0x9830] =	vst v4;
	v3 =	vmax.f32 v3, $0.0e+00;
	v1 =	vadd.f32 v1, v6  }
0x96: {  	[tilespmem:s14+$0x9840] =	vst v3;
	v2 =	vmax.f32 v2, $0.0e+00;
	v0 =	vadd.f32 v0, v63  }
0x97: {  	[tilespmem:s14+$0x9850] =	vst v2;
	v1 =	vmax.f32 v1, $0.0e+00  }
0x98: {  	p1 =	seq.s32 s7, $0xB;
	[tilespmem:s14+$0x9860] =	vst v1;
	v0 =	vmax.f32 v0, $0.0e+00  }
.Ltmp2:
0x99: {  	s13 =	sadd.s32 $0x1080, s13;
	[tilespmem:s14+$0x9870] =	vst v0;
	(pc) =	sbr.rel @p1 .LBB2_9-.Ltmp2, $4  }
0x9a: {  	[spmem:s2] =	stream.indirect.scatter.add.f32 [tilespmem:s25], [sflag:$0x5], $0x80, s13, s21, $0xb8;
	[tilespmem:$0x1F880] =	vst v63  }
0x9b: {  	_ =	swait.ge [sflag:s18], $0x2800  }
0x9c: {  	[sflag:s18] =	ssyncset.done $0x0  }
0x9d: {  	[sflag:s18] =	ssyncadd.s32 $0xFFFFD800  }
0x9e: {  	s12 =	sadd.s32 $0x3, s12  }
0x9f: {  	s13 =	smul.u32 $0x50, s12;
	_ =	sdelay $0x1  }
0xa0: {  	s13 =	sadd.s32 s8, s13  }
.Ltmp3:
0xa1: {  	s13 =	sshll.u32 s13, $0x4;
	(pc) =	sbr.rel .LBB2_3-.Ltmp3, $4  }
0xa2: {  	s12 =	sshll.u32 s12, $0x7;
	s13 =	sadd.s32 s13, s10  }
0xa3: {  	[tilespmem:s23], [sflag:$0x2] =	stream.linear.gather [hbm4b:s13+s3], $0x2800, $0x38;
	[tilespmem:$0x1F880] =	vst v63  }
0xa4: {  	s7 =	sadd.s32 $0x1, s7;
	s12 =	sand.u32 $0x3FFFFF80, s12  }
0xa5: {  	[tilespmem:s25], [sflag:$0x4] =	stream.indirect.gather [hbm4b:s4+s21], $0x80, s12, s21, $0xb8;
	[tilespmem:$0x1F880] =	vst v63  }
.LBB2_9:
0xa6: {  	_ =	swait.ge [sflag:s26], $0x2800  }
0xa7: {  	[sflag:s26] =	ssyncset.done $0x0  }
0xa8: {  	[sflag:s26] =	ssyncadd.s32 $0xFFFFD800  }
0xa9: {  	_ =	swait.ge [sflag:s28], $0x2800  }
0xaa: {  	[sflag:s28] =	ssyncset.done $0x0  }
0xab: {  	s7 =	simm.s32 $0x0;
	[sflag:s28] =	ssyncadd.s32 $0xFFFFD800  }
0xac: {  	v6 =	vld [tilespmem:s7+$0x2000]  }
0xad: {  	v11 =	vld [tilespmem:s7+$0x2010]  }
0xae: {  	v5 =	vld [tilespmem:s7+$0x2020]  }
0xaf: {  	v4 =	vld [tilespmem:s7+$0x2030]  }
0xb0: {  	v3 =	vld [tilespmem:s7+$0x2040]  }
0xb1: {  	v2 =	vld [tilespmem:s7+$0x2050]  }
0xb2: {  	v1 =	vld [tilespmem:s7+$0x2060]  }
0xb3: {  	v0 =	vld [tilespmem:s7+$0x2070]  }
0xb4: {  	v12 =	vld [tilespmem:s7+$0x7000]  }
0xb5: {  	v13 =	vld [tilespmem:s7+$0x7010]  }
0xb6: {  	v10 =	vld [tilespmem:s7+$0x7020]  }
0xb7: {  	v9 =	vld [tilespmem:s7+$0x7030]  }
0xb8: {  	v8 =	vld [tilespmem:s7+$0x7040]  }
0xb9: {  	v7 =	vld [tilespmem:s7+$0x7050];
	v12 =	vadd.f32 v6, v12  }
0xba: {  	s8 =	simm.s32 $0x200;
	v11 =	vadd.f32 v11, v13;
	v6 =	vld [tilespmem:s7+$0x7060]  }
.LBB2_10:
0xbb: {  	s12 =	sshra.s32 s8, $0x2;
	p1 =	sne.s32 s8, $0x9E00;
	v12 =	vmax.f32 v12, $0.0e+00;
	v5 =	vadd.f32 v5, v10;
	v10 =	vld [tilespmem:s7+$0x7070]  }
0xbc: {  	v13 =	vld [tilespmem:s12+$0x2000];
	[tilespmem:s7+$0x7000] =	vst v12;
	v11 =	vmax.f32 v11, $0.0e+00;
	v4 =	vadd.f32 v4, v9  }
0xbd: {  	v14 =	vld [tilespmem:s12+$0x2010];
	[tilespmem:s7+$0x7010] =	vst v11;
	v9 =	vmax.f32 v5, $0.0e+00;
	v3 =	vadd.f32 v3, v8  }
0xbe: {  	v5 =	vld [tilespmem:s12+$0x2020];
	[tilespmem:s7+$0x7020] =	vst v9;
	v8 =	vmax.f32 v4, $0.0e+00;
	v2 =	vadd.f32 v2, v7  }
0xbf: {  	v4 =	vld [tilespmem:s12+$0x2030];
	[tilespmem:s7+$0x7030] =	vst v8;
	v7 =	vmax.f32 v3, $0.0e+00;
	v1 =	vadd.f32 v1, v6  }
0xc0: {  	v3 =	vld [tilespmem:s12+$0x2040];
	[tilespmem:s7+$0x7040] =	vst v7;
	v6 =	vmax.f32 v2, $0.0e+00;
	v0 =	vadd.f32 v0, v10  }
0xc1: {  	v2 =	vld [tilespmem:s12+$0x2050];
	[tilespmem:s7+$0x7050] =	vst v6;
	v6 =	vmax.f32 v1, $0.0e+00  }
0xc2: {  	v1 =	vld [tilespmem:s12+$0x2060];
	[tilespmem:s7+$0x7060] =	vst v6;
	v6 =	vmax.f32 v0, $0.0e+00  }
0xc3: {  	v0 =	vld [tilespmem:s12+$0x2070];
	[tilespmem:s7+$0x7070] =	vst v6;
	s7 =	smov.u32 s12  }
0xc4: {  	v6 =	vld [tilespmem:s7+$0x7000]  }
0xc5: {  	v11 =	vld [tilespmem:s7+$0x7010]  }
.Ltmp4:
0xc6: {  	v10 =	vld [tilespmem:s7+$0x7020];
	(pc) =	sbr.rel @p1 .LBB2_10-.Ltmp4, $4  }
0xc7: {  	v9 =	vld [tilespmem:s7+$0x7030]  }
0xc8: {  	v8 =	vld [tilespmem:s7+$0x7040]  }
0xc9: {  	v12 =	vadd.f32 v13, v6;
	v7 =	vld [tilespmem:s7+$0x7050]  }
0xca: {  	s8 =	sadd.s32 $0x200, s8;
	v11 =	vadd.f32 v14, v11;
	v6 =	vld [tilespmem:s7+$0x7060]  }
0xcb: {  	v12 =	vmax.f32 v12, $0.0e+00;
	v5 =	vadd.f32 v5, v10;
	v63 =	vld [tilespmem:s7+$0x7070]  }
0xcc: {  	[tilespmem:s7+$0x7000] =	vst v12;
	v11 =	vmax.f32 v11, $0.0e+00;
	v4 =	vadd.f32 v4, v9  }
0xcd: {  	[tilespmem:s7+$0x7010] =	vst v11;
	v5 =	vmax.f32 v5, $0.0e+00;
	v3 =	vadd.f32 v3, v8  }
0xce: {  	[tilespmem:s7+$0x7020] =	vst v5;
	v4 =	vmax.f32 v4, $0.0e+00;
	v2 =	vadd.f32 v2, v7  }
0xcf: {  	[tilespmem:s7+$0x7030] =	vst v4;
	v3 =	vmax.f32 v3, $0.0e+00;
	v1 =	vadd.f32 v1, v6  }
0xd0: {  	[tilespmem:s7+$0x7040] =	vst v3;
	v2 =	vmax.f32 v2, $0.0e+00;
	v0 =	vadd.f32 v0, v63  }
0xd1: {  	s1 =	sadd.s32 $0x1, s1;
	[tilespmem:s7+$0x7050] =	vst v2;
	v1 =	vmax.f32 v1, $0.0e+00  }
0xd2: {  	p1 =	sne.s32 s1, $0x5;
	[tilespmem:s7+$0x7060] =	vst v1;
	v0 =	vmax.f32 v0, $0.0e+00  }
.Ltmp5:
0xd3: {  	[tilespmem:s7+$0x7070] =	vst v0;
	(pc) =	sbr.rel @p1 .LBB2_2-.Ltmp5, $4  }
0xd4: {  	[spmem:s2] =	stream.indirect.scatter.add.f32 [tilespmem:s22], [sflag:$0x5], $0x80, s31, s21, $0xb8;
	[tilespmem:$0x1F880] =	vst v63  }
0xd5: {  	_ =	swait.ge [sflag:s18], $0x2800  }
0xd6: {  	[sflag:s18] =	ssyncset.done $0x0  }
0xd7: {  	[sflag:s18] =	ssyncadd.s32 $0xFFFFD800  }
0xd8: {  	[bflag:$0x0] =	sbarrier.arrive $0xFFFF  }
0xd9: {  	s1 =	simm.s32 @p0 $0x1FC5;
	s7 =	rddreg [dreg:$0x6]  }
0xda: {  	[hbm:s7], [sflag:s1] =	dma.local @p0 [spmem:s17], $0x1900  }
0xdb: {  	s1 =	simm.s32 @p0 $0x5  }
0xdc: {  	_ =	swait.ge @p0 [sflag:s1], $0x1900  }
0xdd: {  	s13 =	rddreg [dreg:$0x8]  }
0xde: {  	[sflag:s1] =	ssyncset.done @p0 $0x0;
	s8 =	rddreg [dreg:$0x9]  }
0xdf: {  	[sflag:s1] =	ssyncadd.s32 @p0 $0xFFFFE700;
	s1 =	rddreg [dreg:$0x5]  }
0xe0: {  	[hbm:s1], [sflag:s13] =	dma.local @!p0 [spmem:s8], $0x2800  }
0xe1: {  	s1 =	simm.s32 @!p0 $0x5  }
0xe2: {  	_ =	swait.ge @!p0 [sflag:s1], $0x2800  }
0xe3: {  	s12 =	smov.u32 s17;
	s0 =	sadd.s32 $0x1, s0;
	s17 =	rddreg [dreg:$0x7]  }
0xe4: {  	p1 =	sne.s32 s0, s17  }
.Ltmp6:
0xe5: {  	_ = 	snop;
	(pc) =	sbr.rel @p1 .LBB2_1-.Ltmp6, $3  }
0xe6: {  	_ =	sdelay $0x1  }
0xe7: {  	[sflag:s1] =	ssyncset.done @!p0 $0x0  }
0xe8: {  	[sflag:s1] =	ssyncadd.s32 @!p0 $0xFFFFD800  }
0xe9: {  	_ =	sfence.sel $0x180000  }
0xea: {  	[bflag:$0x0] =	sbarrier.arrive $0xFFFF  }
0xeb: {  	_ =	strace $0x9000004A  }
0xec: {  	s0 =	stileid.u32;
	[bflag:$0x2] =	sbarrier.arrive $0xFFFF  }
0xed: {  	p0 =	sne.s32 s0, $0x0;
	s0 =	rddreg [dreg:$0x2]  }
0xee: {  	s0 =	sadd.s32 @!p0 $0x100000, s0  }
0xef: {  	[sflag:s0] =	ssyncadd.tile.s32 @!p0 $0x1;
	_ =	shalt  }
.Lfunc_end2:
_tile_overlayer_lowered:
.L_overlay_start_2:
0xf0: {  	(tag) =	ssettag $0x2  }
0xf1: {  	s0 =	rddreg [dreg:$0x0];
	s2 =	stileid.u32  }
0xf2: {  	s1 =	rddreg [dreg:$0x1];
	p0 =	sne.s32 s2, $0x0  }
0xf3: {  	s3 =	rddreg [dreg:$0x2];
	[bflag:$0x3] =	sbarrier.arrive $0xFFFF;
	s2 =	simm.s32 @!p0 $0x1C05  }
0xf4: {  	[timem:s3], [sflag:s2] =	dma.local @!p0 [hbm:s0], s1  }
0xf5: {  	s0 =	simm.s32 @!p0 $0x5  }
0xf6: {  	_ =	swait.ge @!p0 [sflag:s0], s1  }
0xf7: {  	s1 =	ssub.s32 @!p0 $0x0, s1;
	[sflag:s0] =	ssyncset.done @!p0 $0x0  }
0xf8: {  	[sflag:s0] =	ssyncadd.s32 @!p0 s1  }
0xf9: {  	[bflag:$0x3] =	sbarrier.arrive $0xFFFF  }
0xfa: {  	_ =	shalt  }

// kernel: kernel.16.cloned.1.call-start
scs
__scs_entry_jumppad:
0x0: {  	(pc) =	sbr.rel $0x88, $3  }
0x1: {  	(tag) =	ssettag $0x0;
	lr =	simm.s32 $0x1  }
0x2: {  	[smem:$0x3F8B] =	sst lr;
	_ =	strace $0xD0000000  }
0x3: {  	_ = 	snop  }
0x4: {  	_ = 	snop  }
0x5: {  	_ = 	snop  }
0x6: {  	_ = 	snop  }
0x7: {  	_ = 	snop  }
__scs_overlays_trampoline_lowered:
0x8: {  	[smem:$0x3F9A] =	sst s0  }
0x9: {  	[smem:$0x3F9B] =	sst s1  }
0xa: {  	[smem:$0x3F9C] =	sst s2  }
0xb: {  	[smem:$0x3F9D] =	sst s3  }
0xc: {  	[smem:$0x3F9E] =	sst s4  }
0xd: {  	[smem:$0x3F9F] =	sst s5  }
0xe: {  	[smem:$0x3FA0] =	sst s6  }
0xf: {  	[smem:$0x3FA1] =	sst s7  }
0x10: {  	[smem:$0x3FA2] =	sst s8  }
0x11: {  	[smem:$0x3FA3] =	sst s9;
	s0 =	simm.s32 @!p0 $0x0  }
0x12: {  	s1 =	sld [smem:$0x3F89];
	s0 =	simm.s32 @p0 $0x1  }
0x13: {  	[smem:$0x3FA4] =	sst s0;
	s0 =	simm.s32 @!p1 $0x0  }
0x14: {  	s2 =	sld [smem:$0x3F88];
	s0 =	simm.s32 @p1 $0x1  }
0x15: {  	[smem:$0x3FA5] =	sst s0;
	s0 =	simm.s32 @!p2 $0x0  }
0x16: {  	s3 =	sld [smem:$0x3FDB];
	s0 =	simm.s32 @p2 $0x1  }
0x17: {  	s4 =	simm.s32 $0x1BF5;
	[smem:$0x3FA7] =	sst s0  }
0x18: {  	s0 =	sld [smem:$0x3F8A];
	_ =	swait.ge [sflag:s4], $0x0  }
0x19: {  	s7 =	sld [smem:$0x3F8B]  }
0x1a: {  	s8 =	sadd.s32 $0xFFFFE003, lr  }
0x1b: {  	s9 =	sadd.s32 $0xFFFFFEF7, lr;
	s5 =	simm.s32 $0xFFFFFFFF;
	p2 =	slt.u32 s8, $0xFFFFF086  }
0x1c: {  	p1 =	slt.u32 s9, $0xF7A;
	s5 =	simm.s32 @!p2 $0x0  }
0x1d: {  	s5 =	simm.s32 @p1 $0x1;
	p0 =	seq.s32 s7, s2  }
0x1e: {  	s7 =	smul.u32 @!p0 $0xF7A, s2;
	p2 =	seq.s32 @!p0 s5, $0x0  }
0x1f: {  	s9 =	smul.u32 $0xF7A, s1;
	s8 =	simm.s32 @!p0 $0x1BF5;
	p2 =	por !p2, p0  }
0x20: {  	[sflag:s8] =	ssyncset.s32 @!p0 $0xFFFFF086;
	s6 =	sadd.s32 @!p0 s3, s7;
	s7 =	simm.s32 @!p0 $0x108  }
0x21: {  	s3 =	sadd.s32 s3, s9;
	s6 =	sadd.s32 @!p0 $0x88, s6;
	s7 =	simm.s32 @p2 $0x1082  }
0x22: {  	[simem:s7], [sflag:s8] =	dma.local @!p0 [hbm:s6], $0xF7A  }
0x23: {  	s9 =	sor.u32 $0xD0000000, s2;
	s6 =	simm.s32 $0x108;
	_ =	swait.ge @!p0 [sflag:s8], $0x0  }
0x24: {  	s3 =	sadd.s32 $0x88, s3;
	s6 =	simm.s32 @!p1 $0x1082;
	[sflag:s4] =	ssyncset.s32 $0xFFFFF086  }
0x25: {  	[simem:s6], [sflag:s4] =	dma.local [hbm:s3], $0xF7A  }
0x26: {  	[smem:$0x3F8B] =	sst s1;
	(tag) =	ssettag s2;
	_ =	strace s9  }
0x27: {  	s1 =	sld [smem:$0x3F9B]  }
0x28: {  	s2 =	sld [smem:$0x3F9C]  }
0x29: {  	s4 =	sld [smem:$0x3F9E]  }
0x2a: {  	p0 =	seq.s32 s5, $0x0;
	s5 =	sld [smem:$0x3F9F]  }
0x2b: {  	s6 =	sld [smem:$0x3FA0]  }
0x2c: {  	s7 =	sld [smem:$0x3FA1]  }
0x2d: {  	s3 =	simm.s32 $0x108;
	s8 =	sld [smem:$0x3FA2]  }
0x2e: {  	s3 =	simm.s32 @!p0 $0x1082;
	s9 =	sld [smem:$0x3FA3]  }
0x2f: {  	lr =	sadd.s32 s0, s3;
	s0 =	sld [smem:$0x3F9A]  }
0x30: {  	s3 =	sld [smem:$0x3F9D]  }
0x31: {  	[smem:$0x3FA6] =	sst s10  }
0x32: {  	s10 =	sld [smem:$0x3FA4];
	_ =	sdelay $0x3  }
0x33: {  	p0 =	seq.s32 s10, $0x1;
	s10 =	sld [smem:$0x3FA6];
	_ =	sdelay $0x3  }
0x34: {  	[smem:$0x3FA6] =	sst s10  }
0x35: {  	s10 =	sld [smem:$0x3FA5];
	_ =	sdelay $0x3  }
0x36: {  	p1 =	seq.s32 s10, $0x1;
	s10 =	sld [smem:$0x3FA6];
	_ =	sdelay $0x3  }
0x37: {  	[smem:$0x3FA6] =	sst s10  }
0x38: {  	s10 =	sld [smem:$0x3FA7]  }
0x39: {  	_ = 	snop;
	(pc) =	sbr.ind lr, $3  }
0x3a: {  	_ = 	snop  }
0x3b: {  	_ = 	snop  }
0x3c: {  	p2 =	seq.s32 s10, $0x1;
	s10 =	sld [smem:$0x3FA6]  }
0x3d: {  	_ =	shalt  }
0x3e: {  	_ =	shalt  }
0x3f: {  	_ =	shalt  }
0x40: {  	_ =	shalt  }
0x41: {  	_ =	shalt  }
0x42: {  	_ =	shalt  }
0x43: {  	_ =	shalt  }
0x44: {  	_ =	shalt  }
0x45: {  	_ =	shalt  }
0x46: {  	_ =	shalt  }
0x47: {  	_ =	shalt  }
0x48: {  	_ =	shalt  }
0x49: {  	_ =	shalt  }
0x4a: {  	_ =	shalt  }
0x4b: {  	_ =	shalt  }
0x4c: {  	_ =	shalt  }
0x4d: {  	_ =	shalt  }
0x4e: {  	_ =	shalt  }
0x4f: {  	_ =	shalt  }
0x50: {  	_ =	shalt  }
0x51: {  	_ =	shalt  }
0x52: {  	_ =	shalt  }
0x53: {  	_ =	shalt  }
0x54: {  	_ =	shalt  }
0x55: {  	_ =	shalt  }
0x56: {  	_ =	shalt  }
0x57: {  	_ =	shalt  }
0x58: {  	_ =	shalt  }
0x59: {  	_ =	shalt  }
0x5a: {  	_ =	shalt  }
0x5b: {  	_ =	shalt  }
0x5c: {  	_ =	shalt  }
0x5d: {  	_ =	shalt  }
0x5e: {  	_ =	shalt  }
0x5f: {  	_ =	shalt  }
0x60: {  	_ =	shalt  }
0x61: {  	_ =	shalt  }
0x62: {  	_ =	shalt  }
0x63: {  	_ =	shalt  }
0x64: {  	_ =	shalt  }
0x65: {  	_ =	shalt  }
0x66: {  	_ =	shalt  }
0x67: {  	_ =	shalt  }
0x68: {  	_ =	shalt  }
0x69: {  	_ =	shalt  }
0x6a: {  	_ =	shalt  }
0x6b: {  	_ =	shalt  }
0x6c: {  	_ =	shalt  }
0x6d: {  	_ =	shalt  }
0x6e: {  	_ =	shalt  }
0x6f: {  	_ =	shalt  }
0x70: {  	_ =	shalt  }
0x71: {  	_ =	shalt  }
0x72: {  	_ =	shalt  }
0x73: {  	_ =	shalt  }
0x74: {  	_ =	shalt  }
0x75: {  	_ =	shalt  }
0x76: {  	_ =	shalt  }
0x77: {  	_ =	shalt  }
0x78: {  	_ =	shalt  }
0x79: {  	_ =	shalt  }
0x7a: {  	_ =	shalt  }
0x7b: {  	_ =	shalt  }
0x7c: {  	_ =	shalt  }
0x7d: {  	_ =	shalt  }
0x7e: {  	_ =	shalt  }
0x7f: {  	_ =	shalt  }
0x80: {  	_ =	shalt  }
0x81: {  	_ =	shalt  }
0x82: {  	_ =	shalt  }
0x83: {  	_ =	shalt  }
0x84: {  	_ =	shalt  }
0x85: {  	_ =	shalt  }
0x86: {  	_ =	shalt  }
0x87: {  	_ =	shalt  }
.Lfunc_end0:
.L_simem_size_0:
called_computation.2_lowered:
.L_overlay_start_0:
0x88: {  	s2 =	sld [smem:$0x3FD9]  }
0x89: {  	s3 =	sld [smem:$0x3FFE];
	_ =	sdelay $0x1  }
0x8a: {  	s1 =	srdreg.scid  }
0x8b: {  	s0 =	sand.u32 $0x1, s1  }
0x8c: {  	s16 =	sshll.u32 s0, $0xA;
	s2 =	sadd.s32 s3, s2  }
0x8d: {  	s2 =	sadd.s32 s2, s16  }
0x8e: {  	[smem:$0x3FB2] =	sst s2  }
0x8f: {  	_ = 	snop  }
0x90: {  	(tm) =	ssettm $0x1  }
0x91: {  	s17 =	sld [smem:$0x3FFB];
	_ =	sdelay $0x3  }
0x92: {  	_ =	strace s17  }
0x93: {  	s2 =	sld [smem:$0x3FFC];
	_ =	sdelay $0x3  }
0x94: {  	_ =	strace s2  }
0x95: {  	s2 =	sld [smem:$0x3FFD];
	_ =	sdelay $0x3  }
0x96: {  	_ =	strace s2  }
0x97: {  	_ =	strace $0x8FFFFFFF  }
0x98: {  	s18 =	sld [smem:$0x3FDB];
	_ =	sdelay $0x1  }
0x99: {  	s19 =	simm.s32 $_scs_section_size  }
0x9a: {  	s4 =	simm.s32 $_size__tile_overlayer_lowered;
	s5 =	simm.s32 $_tile_overlayer_lowered  }
0x9b: {  	s22 =	simm.s32 $0x1BFF;
	s21 =	sshll.u32 s5, $0x1;
	s2 =	sadd.s32 s19, s18  }
0x9c: {  	s6 =	simm.s32 $0x0;
	s20 =	sshll.u32 s4, $0x1;
	s4 =	sadd.s32 s21, s2  }
0x9d: {  	[timem:s6], [sflag:s22] =	dma.local [hbm:s4], s20  }
0x9e: {  	_ =	swait.ge [sflag:s22], s20  }
0x9f: {  	s3 =	ssub.s32 $0x0, s20;
	[sflag:s22] =	ssyncset.done $0x0  }
0xa0: {  	[sflag:s22] =	ssyncadd.s32 s3;
	_ =	sdelay $0x1  }
0xa1: {  	s23 =	simm.s32 $0x1B8B  }
0xa2: {  	_ =	swait.ge [sflag:s23], $0x1  }
0xa3: {  	[sflag:s23] =	ssyncset.done $0x0  }
0xa4: {  	s25 =	simm.s32 $0x1B8E;
	s24 =	sld [smem:$0x3FFE];
	[sflag:s23] =	ssyncadd.s32 $0xFFFFFFFF  }
0xa5: {  	s26 =	simm.s32 $execute0_lowered;
	[smem:$0x3FD2] =	sst s25  }
0xa6: {  	s4 =	sshll.u32 s26, $0x1;
	_ =	strace $0x8000004C;
	[dreg:$0x1] =	wrdreg $0xFFFFFFFF  }
0xa7: {  	s28 =	simm.s32 $_size_execute0_lowered;
	s2 =	sadd.s32 s2, s4;
	[dreg:$0x0] =	wrdreg $0x0  }
0xa8: {  	s4 =	sshll.u32 s28, $0x1;
	[dreg:$0x2] =	wrdreg s2  }
0xa9: {  	[dreg:$0x3] =	wrdreg s4  }
0xaa: {  	[dreg:$0x4] =	wrdreg $0xC0  }
0xab: {  	_ =	task [dreg:s6], $0x5FFFF  }
0xac: {  	[dreg:$0x1] =	wrdreg $0xFFFFFFFF  }
0xad: {  	[dreg:$0x0] =	wrdreg $0x60  }
0xae: {  	[dreg:$0x2] =	wrdreg s24  }
0xaf: {  	[dreg:$0x3] =	wrdreg $0xC0000  }
0xb0: {  	[dreg:$0x4] =	wrdreg $0x9  }
0xb1: {  	_ =	task.clear_ibuf [dreg:s6], $0x5FFFF;
	_ =	strace $0x9000004C  }
0xb2: {  	s29 =	simm.s32 $0x9;
	_ =	strace $0x8000004E  }
0xb3: {  	_ =	swait.ge [sflag:s29], $0x1  }
0xb4: {  	[sflag:s29] =	ssyncadd.s32 $0xFFFFFFFF  }
0xb5: {  	_ =	strace $0x9000004E  }
0xb6: {  	_ =	sfence  }
0xb7: {  	s30 =	sld [smem:$0x0];
	_ =	sdelay $0x2  }
0xb8: {  	s31 =	sshll.u32 s1, $0xD;
	s1 =	sshrl.u32 s1, $0x2  }
0xb9: {  	s3 =	sand.u32 $0x4000, s31;
	s1 =	sadd.s32 s1, s30  }
0xba: {  	s0 =	sor.u32 s3, s0;
	s1 =	sshll.u32 s1, $0x11  }
0xbb: {  	s0 =	sor.u32 s1, s0  }
0xbc: {  	s0 =	sadd.s32 $0x8F2B, s0  }
0xbd: {  	[sflag:s0] =	ssyncadd.remote.s32 $0x1  }
0xbe: {  	_ =	sfence.sel $0xFFFF  }
0xbf: {  	[dreg:$0x0] =	wrdreg $0xFFFFFFFF;
	(pc) =	sbr.abs _section_cstart, $3  }
0xc0: {  	[dreg:$0x1] =	wrdreg $0xFFFFFFFF  }
0xc1: {  	_ =	task.clear_ibuf [dreg:s6], $0x2FFFF;
	_ =	strace $0x9FFFFFFF  }
0xc2: {  	(tm) =	ssettm $0x7FFFFFFF  }
0xc3: {  	_ =	shalt  }
tec
execute0_lowered:
.L_overlay_start_1:
0x0: {  	(tag) =	ssettag $0x1  }
0x1: {  	s0 =	rddreg [dreg:$0x0]  }
0x2: {  	s2 =	rddreg [dreg:$0x1];
	s3 =	simm.s32 $0x0  }
0x3: {  	s15 =	stileid.u32;
	s6 =	srdreg.scid;
	s18 =	simm.s32 $0x5  }
0x4: {  	s19 =	simm.s32 $0x1000;
	s20 =	simm.s32 $0x2000;
	s21 =	simm.s32 $0x50  }
0x5: {  	s22 =	simm.s32 $0x7000;
	s28 =	simm.s32 $0x3;
	s29 =	simm.s32 $0x2  }
0x6: {  	s31 =	simm.s32 $0x1C00;
	[smem:$0x7FF] =	sst s3;
	s1 =	smul.u32 $0x2800, s15  }
0x7: {  	s30 =	simm.s32 $0x4;
	s4 =	sadd.s32 $0x512E00, s0;
	s5 =	sadd.s32 $0x4EAE00, s0  }
0x8: {  	s7 =	sand.u32 $0x1, s6;
	s8 =	smul.u32 $0x50000, s15;
	s12 =	sadd.s32 $0x2D800, s0  }
0x9: {  	s14 =	smul.u32 $0x14000, s15;
	s23 =	sadd.s32 $0x2BE00, s0;
	p0 =	seq.s32 s15, $0xF  }
0xa: {  	_ =	strace $0x8000004D;
	s6 =	sshll.u32 s7, $0x4;
	s9 =	ssub.s32 $0x2, s7  }
0xb: {  	s7 =	smul.u32 $0x138800, s7;
	[dreg:$0x4] =	wrdreg s23;
	s23 =	simm.s32 $0x4800  }
0xc: {  	s1 =	sadd.s32 s1, s0;
	s10 =	sor.u32 s15, s6;
	s11 =	sshrl.u32 s9, $0x1  }
0xd: {  	s8 =	sshrl.u32 s8, $0x2;
	s6 =	smul.u32 $0x2710, s10;
	s13 =	ssub.s32 s9, s11  }
0xe: {  	s8 =	sadd.s32 s8, s2;
	s1 =	sadd.s32 $0x6600, s1;
	s9 =	smul.u32 $0x5000, s10  }
0xf: {  	s10 =	sadd.s32 $0xF25200, s0;
	s11 =	sadd.s32 $0xF25700, s0;
	s24 =	sadd.s32 s14, s7  }
0x10: {  	s7 =	sshrl.u32 s7, $0x3;
	[dreg:$0x3] =	wrdreg s1;
	s1 =	sadd.s32 $0x12C000, s2  }
0x11: {  	s0 =	sshrl.u32 s24, $0x3;
	s7 =	sadd.s32 s12, s7;
	s26 =	smax.u32 s13, $0x1  }
0x12: {  	s8 =	sshrl.u32 @!p0 s8, $0x3;
	s24 =	simm.s32 $0x80;
	[dreg:$0x7] =	wrdreg s26  }
0x13: {  	s0 =	sadd.s32 s12, s0;
	s25 =	sadd.s32 $0x25800, s7;
	[dreg:$0x9] =	wrdreg s8  }
0x14: {  	s12 =	sshrl.u32 @p0 s1, $0x3;
	[dreg:$0x5] =	wrdreg s0;
	s0 =	sshll.u32 @!p0 s15, $0x6  }
0x15: {  	s26 =	simm.s32 $0x1;
	[dreg:$0x6] =	wrdreg s25;
	s13 =	sor.u32 @!p0 $0x1C05, s0  }
0x16: {  	s25 =	simm.s32 $0x9800;
	s0 =	simm.s32 $0x0;
	[dreg:$0x8] =	wrdreg s13  }
.LBB2_1:
0x17: {  	s1 =	simm.s32 @p0 $0x1FC5;
	s7 =	rddreg [dreg:$0x4]  }
0x18: {  	[spmem:s12], [sflag:s1] =	dma.local @p0 [hbm:s7], $0x1900  }
0x19: {  	s1 =	simm.s32 @p0 $0x5  }
0x1a: {  	_ =	swait.ge @p0 [sflag:s1], $0x1900  }
0x1b: {  	[sflag:s1] =	ssyncset.done @p0 $0x0  }
0x1c: {  	[sflag:s1] =	ssyncadd.s32 @p0 $0xFFFFE700;
	s1 =	rddreg [dreg:$0x3]  }
0x1d: {  	[spmem:s8], [sflag:s13] =	dma.local @!p0 [hbm:s1], $0x2800  }
0x1e: {  	s1 =	simm.s32 @!p0 $0x5  }
0x1f: {  	_ =	swait.ge @!p0 [sflag:s1], $0x2800  }
0x20: {  	[sflag:s1] =	ssyncset.done @!p0 $0x0  }
0x21: {  	[sflag:s1] =	ssyncadd.s32 @!p0 $0xFFFFD800  }
0x22: {  	s17 =	smov.u32 s12;
	s1 =	simm.s32 $0x0;
	[bflag:$0x0] =	sbarrier.arrive $0xFFFF  }
.LBB2_2:
0x23: {  	s7 =	sshll.u32 s1, $0xC  }
0x24: {  	s7 =	sadd.s32 s9, s7  }
0x25: {  	s7 =	sshrl.u32 s7, $0x3  }
0x26: {  	s8 =	sadd.s32 s5, s7;
	s7 =	simm.s32 $0x0  }
0x27: {  	[tilespmem:s7], [sflag:$0x5] =	stream.linear.gather [hbm4b:s8+s7], $0xC80, $0x38;
	[tilespmem:$0x1F880] =	vst v63  }
0x28: {  	_ =	swait.ge [sflag:s18], $0xC80  }
0x29: {  	[sflag:s18] =	ssyncset.done $0x0  }
0x2a: {  	s12 =	smul.u32 $0x7D0, s1;
	s8 =	sadd.s32 $0x14000, s8;
	[sflag:s18] =	ssyncadd.s32 $0xFFFFF380  }
0x2b: {  	[tilespmem:s19], [sflag:$0x5] =	stream.linear.gather [hbm4b:s8+s7], $0xC80, $0x38;
	[tilespmem:$0x1F880] =	vst v63  }
0x2c: {  	s8 =	sadd.s32 s6, s12;
	_ =	swait.ge [sflag:s18], $0xC80  }
0x2d: {  	s12 =	sshll.u32 s8, $0x4;
	[sflag:s18] =	ssyncset.done $0x0  }
0x2e: {  	s13 =	sadd.s32 s12, s10;
	[sflag:s18] =	ssyncadd.s32 $0xFFFFF380  }
0x2f: {  	[tilespmem:s20], [sflag:$0x1] =	stream.linear.gather [hbm4b:s13+s7], $0x2800, $0x38;
	[tilespmem:$0x1F880] =	vst v63  }
0x30: {  	_ = 	snop  }
0x31: {  	[tilespmem:s22], [sflag:$0x3] =	stream.indirect.gather [hbm4b:s4+s21], $0x80, s7, s21, $0xb8;
	[tilespmem:$0x1F880] =	vst v63  }
0x32: {  	s12 =	sadd.s32 s12, s11  }
0x33: {  	[tilespmem:s23], [sflag:$0x2] =	stream.linear.gather [hbm4b:s12+s7], $0x2800, $0x38;
	[tilespmem:$0x1F880] =	vst v63  }
0x34: {  	_ = 	snop  }
0x35: {  	[tilespmem:s25], [sflag:$0x4] =	stream.indirect.gather [hbm4b:s4+s21], $0x80, s24, s21, $0xb8;
	[tilespmem:$0x1F880] =	vst v63  }
.LBB2_3:
0x36: {  	_ =	swait.ge [sflag:s26], $0x2800  }
0x37: {  	[sflag:s26] =	ssyncset.done $0x0  }
0x38: {  	[sflag:s26] =	ssyncadd.s32 $0xFFFFD800  }
0x39: {  	_ =	swait.ge [sflag:s28], $0x2800  }
0x3a: {  	[sflag:s28] =	ssyncset.done $0x0  }
0x3b: {  	s14 =	simm.s32 $0x0;
	[sflag:s28] =	ssyncadd.s32 $0xFFFFD800  }
0x3c: {  	v6 =	vld [tilespmem:s14+$0x2000]  }
0x3d: {  	v11 =	vld [tilespmem:s14+$0x2010]  }
0x3e: {  	v5 =	vld [tilespmem:s14+$0x2020]  }
0x3f: {  	v4 =	vld [tilespmem:s14+$0x2030]  }
0x40: {  	v3 =	vld [tilespmem:s14+$0x2040]  }
0x41: {  	v2 =	vld [tilespmem:s14+$0x2050]  }
0x42: {  	v1 =	vld [tilespmem:s14+$0x2060]  }
0x43: {  	v0 =	vld [tilespmem:s14+$0x2070]  }
0x44: {  	v12 =	vld [tilespmem:s14+$0x7000]  }
0x45: {  	v13 =	vld [tilespmem:s14+$0x7010]  }
0x46: {  	v10 =	vld [tilespmem:s14+$0x7020]  }
0x47: {  	v9 =	vld [tilespmem:s14+$0x7030]  }
0x48: {  	v8 =	vld [tilespmem:s14+$0x7040]  }
0x49: {  	v7 =	vld [tilespmem:s14+$0x7050];
	v12 =	vadd.f32 v6, v12  }
0x4a: {  	s12 =	simm.s32 $0x200;
	v11 =	vadd.f32 v11, v13;
	v6 =	vld [tilespmem:s14+$0x7060]  }
.LBB2_4:
0x4b: {  	s13 =	sshra.s32 s12, $0x2;
	p1 =	sne.s32 s12, $0x9E00;
	v12 =	vmax.f32 v12, $0.0e+00;
	v5 =	vadd.f32 v5, v10;
	v10 =	vld [tilespmem:s14+$0x7070]  }
0x4c: {  	v13 =	vld [tilespmem:s13+$0x2000];
	[tilespmem:s14+$0x7000] =	vst v12;
	v11 =	vmax.f32 v11, $0.0e+00;
	v4 =	vadd.f32 v4, v9  }
0x4d: {  	v14 =	vld [tilespmem:s13+$0x2010];
	[tilespmem:s14+$0x7010] =	vst v11;
	v9 =	vmax.f32 v5, $0.0e+00;
	v3 =	vadd.f32 v3, v8  }
0x4e: {  	v5 =	vld [tilespmem:s13+$0x2020];
	[tilespmem:s14+$0x7020] =	vst v9;
	v8 =	vmax.f32 v4, $0.0e+00;
	v2 =	vadd.f32 v2, v7  }
0x4f: {  	v4 =	vld [tilespmem:s13+$0x2030];
	[tilespmem:s14+$0x7030] =	vst v8;
	v7 =	vmax.f32 v3, $0.0e+00;
	v1 =	vadd.f32 v1, v6  }
0x50: {  	v3 =	vld [tilespmem:s13+$0x2040];
	[tilespmem:s14+$0x7040] =	vst v7;
	v6 =	vmax.f32 v2, $0.0e+00;
	v0 =	vadd.f32 v0, v10  }
0x51: {  	v2 =	vld [tilespmem:s13+$0x2050];
	[tilespmem:s14+$0x7050] =	vst v6;
	v6 =	vmax.f32 v1, $0.0e+00  }
0x52: {  	v1 =	vld [tilespmem:s13+$0x2060];
	[tilespmem:s14+$0x7060] =	vst v6;
	v6 =	vmax.f32 v0, $0.0e+00  }
0x53: {  	v0 =	vld [tilespmem:s13+$0x2070];
	[tilespmem:s14+$0x7070] =	vst v6;
	s14 =	smov.u32 s13  }
0x54: {  	v6 =	vld [tilespmem:s14+$0x7000]  }
0x55: {  	v11 =	vld [tilespmem:s14+$0x7010]  }
.Ltmp0:
0x56: {  	v10 =	vld [tilespmem:s14+$0x7020];
	(pc) =	sbr.rel @p1 .LBB2_4-.Ltmp0, $4  }
0x57: {  	v9 =	vld [tilespmem:s14+$0x7030]  }
0x58: {  	v8 =	vld [tilespmem:s14+$0x7040]  }
0x59: {  	v12 =	vadd.f32 v13, v6;
	v7 =	vld [tilespmem:s14+$0x7050]  }
0x5a: {  	s12 =	sadd.s32 $0x200, s12;
	v11 =	vadd.f32 v14, v11;
	v6 =	vld [tilespmem:s14+$0x7060]  }
0x5b: {  	v12 =	vmax.f32 v12, $0.0e+00;
	v5 =	vadd.f32 v5, v10;
	v10 =	vld [tilespmem:s14+$0x7070]  }
0x5c: {  	[tilespmem:s14+$0x7000] =	vst v12;
	v11 =	vmax.f32 v11, $0.0e+00;
	v4 =	vadd.f32 v4, v9  }
0x5d: {  	[tilespmem:s14+$0x7010] =	vst v11;
	v5 =	vmax.f32 v5, $0.0e+00;
	v3 =	vadd.f32 v3, v8  }
0x5e: {  	[tilespmem:s14+$0x7020] =	vst v5;
	v4 =	vmax.f32 v4, $0.0e+00;
	v2 =	vadd.f32 v2, v7  }
0x5f: {  	[tilespmem:s14+$0x7030] =	vst v4;
	v3 =	vmax.f32 v3, $0.0e+00;
	v1 =	vadd.f32 v1, v6  }
0x60: {  	[tilespmem:s14+$0x7040] =	vst v3;
	v2 =	vmax.f32 v2, $0.0e+00;
	v0 =	vadd.f32 v0, v10  }
0x61: {  	s12 =	sshll.u32 s7, $0x1;
	s13 =	sshll.u32 s7, $0x8;
	[tilespmem:s14+$0x7050] =	vst v2;
	v1 =	vmax.f32 v1, $0.0e+00  }
0x62: {  	s13 =	sand.u32 $0x3FFFFF00, s13;
	s15 =	sadd.s32 $0x2, s12;
	[tilespmem:s14+$0x7060] =	vst v1;
	v0 =	vmax.f32 v0, $0.0e+00  }
0x63: {  	s16 =	smul.u32 $0x50, s15;
	[tilespmem:s14+$0x7070] =	vst v0;
	s14 =	sadd.s32 $0x1000, s13  }
0x64: {  	[spmem:s2] =	stream.indirect.scatter.add.f32 [tilespmem:s22], [sflag:$0x5], $0x80, s14, s21, $0xb8;
	[tilespmem:$0x1F880] =	vst v63  }
0x65: {  	s16 =	sadd.s32 s8, s16;
	_ =	swait.ge [sflag:s18], $0x2800  }
0x66: {  	s14 =	sshll.u32 s16, $0x4;
	[sflag:s18] =	ssyncset.done $0x0  }
0x67: {  	s16 =	simm.s32 $0x0;
	s14 =	sadd.s32 s14, s10;
	[sflag:s18] =	ssyncadd.s32 $0xFFFFD800  }
0x68: {  	[tilespmem:s20], [sflag:$0x1] =	stream.linear.gather [hbm4b:s14+s16], $0x2800, $0x38;
	[tilespmem:$0x1F880] =	vst v63  }
0x69: {  	s16 =	sshll.u32 s15, $0x7  }
0x6a: {  	s14 =	sand.u32 $0x3FFFFF00, s16  }
0x6b: {  	[tilespmem:s22], [sflag:$0x3] =	stream.indirect.gather [hbm4b:s4+s21], $0x80, s14, s21, $0xb8;
	[tilespmem:$0x1F880] =	vst v63  }
0x6c: {  	_ =	swait.ge [sflag:s29], $0x2800  }
0x6d: {  	[sflag:s29] =	ssyncset.done $0x0  }
0x6e: {  	[sflag:s29] =	ssyncadd.s32 $0xFFFFD800  }
0x6f: {  	_ =	swait.ge [sflag:s30], $0x2800  }
0x70: {  	[sflag:s30] =	ssyncset.done $0x0  }
0x71: {  	s14 =	simm.s32 $0x0;
	[sflag:s30] =	ssyncadd.s32 $0xFFFFD800  }
0x72: {  	v6 =	vld [tilespmem:s14+$0x4800]  }
0x73: {  	v11 =	vld [tilespmem:s14+$0x4810]  }
0x74: {  	v5 =	vld [tilespmem:s14+$0x4820]  }
0x75: {  	v4 =	vld [tilespmem:s14+$0x4830]  }
0x76: {  	v3 =	vld [tilespmem:s14+$0x4840]  }
0x77: {  	v2 =	vld [tilespmem:s14+$0x4850]  }
0x78: {  	v1 =	vld [tilespmem:s14+$0x4860]  }
0x79: {  	v0 =	vld [tilespmem:s14+$0x4870]  }
0x7a: {  	v12 =	vld [tilespmem:s14+$0x9800]  }
0x7b: {  	v13 =	vld [tilespmem:s14+$0x9810]  }
0x7c: {  	v10 =	vld [tilespmem:s14+$0x9820]  }
0x7d: {  	v9 =	vld [tilespmem:s14+$0x9830]  }
0x7e: {  	v8 =	vld [tilespmem:s14+$0x9840]  }
0x7f: {  	v7 =	vld [tilespmem:s14+$0x9850];
	v12 =	vadd.f32 v6, v12  }
0x80: {  	s15 =	simm.s32 $0x200;
	v11 =	vadd.f32 v11, v13;
	v6 =	vld [tilespmem:s14+$0x9860]  }
.LBB2_6:
0x81: {  	s16 =	sshra.s32 s15, $0x2;
	p1 =	sne.s32 s15, $0x9E00;
	v12 =	vmax.f32 v12, $0.0e+00;
	v5 =	vadd.f32 v5, v10;
	v10 =	vld [tilespmem:s14+$0x9870]  }
0x82: {  	v13 =	vld [tilespmem:s16+$0x4800];
	[tilespmem:s14+$0x9800] =	vst v12;
	v11 =	vmax.f32 v11, $0.0e+00;
	v4 =	vadd.f32 v4, v9  }
0x83: {  	v14 =	vld [tilespmem:s16+$0x4810];
	[tilespmem:s14+$0x9810] =	vst v11;
	v9 =	vmax.f32 v5, $0.0e+00;
	v3 =	vadd.f32 v3, v8  }
0x84: {  	v5 =	vld [tilespmem:s16+$0x4820];
	[tilespmem:s14+$0x9820] =	vst v9;
	v8 =	vmax.f32 v4, $0.0e+00;
	v2 =	vadd.f32 v2, v7  }
0x85: {  	v4 =	vld [tilespmem:s16+$0x4830];
	[tilespmem:s14+$0x9830] =	vst v8;
	v7 =	vmax.f32 v3, $0.0e+00;
	v1 =	vadd.f32 v1, v6  }
0x86: {  	v3 =	vld [tilespmem:s16+$0x4840];
	[tilespmem:s14+$0x9840] =	vst v7;
	v6 =	vmax.f32 v2, $0.0e+00;
	v0 =	vadd.f32 v0, v10  }
0x87: {  	v2 =	vld [tilespmem:s16+$0x4850];
	[tilespmem:s14+$0x9850] =	vst v6;
	v6 =	vmax.f32 v1, $0.0e+00  }
0x88: {  	v1 =	vld [tilespmem:s16+$0x4860];
	[tilespmem:s14+$0x9860] =	vst v6;
	v6 =	vmax.f32 v0, $0.0e+00  }
0x89: {  	v0 =	vld [tilespmem:s16+$0x4870];
	[tilespmem:s14+$0x9870] =	vst v6;
	s14 =	smov.u32 s16  }
0x8a: {  	v6 =	vld [tilespmem:s14+$0x9800]  }
0x8b: {  	v11 =	vld [tilespmem:s14+$0x9810]  }
.Ltmp1:
0x8c: {  	v10 =	vld [tilespmem:s14+$0x9820];
	(pc) =	sbr.rel @p1 .LBB2_6-.Ltmp1, $4  }
0x8d: {  	v9 =	vld [tilespmem:s14+$0x9830]  }
0x8e: {  	v8 =	vld [tilespmem:s14+$0x9840]  }
0x8f: {  	v12 =	vadd.f32 v13, v6;
	v7 =	vld [tilespmem:s14+$0x9850]  }
0x90: {  	s15 =	sadd.s32 $0x200, s15;
	v11 =	vadd.f32 v14, v11;
	v6 =	vld [tilespmem:s14+$0x9860]  }
0x91: {  	v12 =	vmax.f32 v12, $0.0e+00;
	v5 =	vadd.f32 v5, v10;
	v63 =	vld [tilespmem:s14+$0x9870]  }
0x92: {  	[tilespmem:s14+$0x9800] =	vst v12;
	v11 =	vmax.f32 v11, $0.0e+00;
	v4 =	vadd.f32 v4, v9  }
0x93: {  	[tilespmem:s14+$0x9810] =	vst v11;
	v5 =	vmax.f32 v5, $0.0e+00;
	v3 =	vadd.f32 v3, v8  }
0x94: {  	[tilespmem:s14+$0x9820] =	vst v5;
	v4 =	vmax.f32 v4, $0.0e+00;
	v2 =	vadd.f32 v2, v7  }
0x95: {  	[tilespmem:s14+$0x9830] =	vst v4;
	v3 =	vmax.f32 v3, $0.0e+00;
	v1 =	vadd.f32 v1, v6  }
0x96: {  	[tilespmem:s14+$0x9840] =	vst v3;
	v2 =	vmax.f32 v2, $0.0e+00;
	v0 =	vadd.f32 v0, v63  }
0x97: {  	[tilespmem:s14+$0x9850] =	vst v2;
	v1 =	vmax.f32 v1, $0.0e+00  }
0x98: {  	p1 =	seq.s32 s7, $0xB;
	[tilespmem:s14+$0x9860] =	vst v1;
	v0 =	vmax.f32 v0, $0.0e+00  }
.Ltmp2:
0x99: {  	s13 =	sadd.s32 $0x1080, s13;
	[tilespmem:s14+$0x9870] =	vst v0;
	(pc) =	sbr.rel @p1 .LBB2_9-.Ltmp2, $4  }
0x9a: {  	[spmem:s2] =	stream.indirect.scatter.add.f32 [tilespmem:s25], [sflag:$0x5], $0x80, s13, s21, $0xb8;
	[tilespmem:$0x1F880] =	vst v63  }
0x9b: {  	_ =	swait.ge [sflag:s18], $0x2800  }
0x9c: {  	[sflag:s18] =	ssyncset.done $0x0  }
0x9d: {  	[sflag:s18] =	ssyncadd.s32 $0xFFFFD800  }
0x9e: {  	s12 =	sadd.s32 $0x3, s12  }
0x9f: {  	s13 =	smul.u32 $0x50, s12;
	_ =	sdelay $0x1  }
0xa0: {  	s13 =	sadd.s32 s8, s13  }
.Ltmp3:
0xa1: {  	s13 =	sshll.u32 s13, $0x4;
	(pc) =	sbr.rel .LBB2_3-.Ltmp3, $4  }
0xa2: {  	s12 =	sshll.u32 s12, $0x7;
	s13 =	sadd.s32 s13, s10  }
0xa3: {  	[tilespmem:s23], [sflag:$0x2] =	stream.linear.gather [hbm4b:s13+s3], $0x2800, $0x38;
	[tilespmem:$0x1F880] =	vst v63  }
0xa4: {  	s7 =	sadd.s32 $0x1, s7;
	s12 =	sand.u32 $0x3FFFFF80, s12  }
0xa5: {  	[tilespmem:s25], [sflag:$0x4] =	stream.indirect.gather [hbm4b:s4+s21], $0x80, s12, s21, $0xb8;
	[tilespmem:$0x1F880] =	vst v63  }
.LBB2_9:
0xa6: {  	_ =	swait.ge [sflag:s26], $0x2800  }
0xa7: {  	[sflag:s26] =	ssyncset.done $0x0  }
0xa8: {  	[sflag:s26] =	ssyncadd.s32 $0xFFFFD800  }
0xa9: {  	_ =	swait.ge [sflag:s28], $0x2800  }
0xaa: {  	[sflag:s28] =	ssyncset.done $0x0  }
0xab: {  	s7 =	simm.s32 $0x0;
	[sflag:s28] =	ssyncadd.s32 $0xFFFFD800  }
0xac: {  	v6 =	vld [tilespmem:s7+$0x2000]  }
0xad: {  	v11 =	vld [tilespmem:s7+$0x2010]  }
0xae: {  	v5 =	vld [tilespmem:s7+$0x2020]  }
0xaf: {  	v4 =	vld [tilespmem:s7+$0x2030]  }
0xb0: {  	v3 =	vld [tilespmem:s7+$0x2040]  }
0xb1: {  	v2 =	vld [tilespmem:s7+$0x2050]  }
0xb2: {  	v1 =	vld [tilespmem:s7+$0x2060]  }
0xb3: {  	v0 =	vld [tilespmem:s7+$0x2070]  }
0xb4: {  	v12 =	vld [tilespmem:s7+$0x7000]  }
0xb5: {  	v13 =	vld [tilespmem:s7+$0x7010]  }
0xb6: {  	v10 =	vld [tilespmem:s7+$0x7020]  }
0xb7: {  	v9 =	vld [tilespmem:s7+$0x7030]  }
0xb8: {  	v8 =	vld [tilespmem:s7+$0x7040]  }
0xb9: {  	v7 =	vld [tilespmem:s7+$0x7050];
	v12 =	vadd.f32 v6, v12  }
0xba: {  	s8 =	simm.s32 $0x200;
	v11 =	vadd.f32 v11, v13;
	v6 =	vld [tilespmem:s7+$0x7060]  }
.LBB2_10:
0xbb: {  	s12 =	sshra.s32 s8, $0x2;
	p1 =	sne.s32 s8, $0x9E00;
	v12 =	vmax.f32 v12, $0.0e+00;
	v5 =	vadd.f32 v5, v10;
	v10 =	vld [tilespmem:s7+$0x7070]  }
0xbc: {  	v13 =	vld [tilespmem:s12+$0x2000];
	[tilespmem:s7+$0x7000] =	vst v12;
	v11 =	vmax.f32 v11, $0.0e+00;
	v4 =	vadd.f32 v4, v9  }
0xbd: {  	v14 =	vld [tilespmem:s12+$0x2010];
	[tilespmem:s7+$0x7010] =	vst v11;
	v9 =	vmax.f32 v5, $0.0e+00;
	v3 =	vadd.f32 v3, v8  }
0xbe: {  	v5 =	vld [tilespmem:s12+$0x2020];
	[tilespmem:s7+$0x7020] =	vst v9;
	v8 =	vmax.f32 v4, $0.0e+00;
	v2 =	vadd.f32 v2, v7  }
0xbf: {  	v4 =	vld [tilespmem:s12+$0x2030];
	[tilespmem:s7+$0x7030] =	vst v8;
	v7 =	vmax.f32 v3, $0.0e+00;
	v1 =	vadd.f32 v1, v6  }
0xc0: {  	v3 =	vld [tilespmem:s12+$0x2040];
	[tilespmem:s7+$0x7040] =	vst v7;
	v6 =	vmax.f32 v2, $0.0e+00;
	v0 =	vadd.f32 v0, v10  }
0xc1: {  	v2 =	vld [tilespmem:s12+$0x2050];
	[tilespmem:s7+$0x7050] =	vst v6;
	v6 =	vmax.f32 v1, $0.0e+00  }
0xc2: {  	v1 =	vld [tilespmem:s12+$0x2060];
	[tilespmem:s7+$0x7060] =	vst v6;
	v6 =	vmax.f32 v0, $0.0e+00  }
0xc3: {  	v0 =	vld [tilespmem:s12+$0x2070];
	[tilespmem:s7+$0x7070] =	vst v6;
	s7 =	smov.u32 s12  }
0xc4: {  	v6 =	vld [tilespmem:s7+$0x7000]  }
0xc5: {  	v11 =	vld [tilespmem:s7+$0x7010]  }
.Ltmp4:
0xc6: {  	v10 =	vld [tilespmem:s7+$0x7020];
	(pc) =	sbr.rel @p1 .LBB2_10-.Ltmp4, $4  }
0xc7: {  	v9 =	vld [tilespmem:s7+$0x7030]  }
0xc8: {  	v8 =	vld [tilespmem:s7+$0x7040]  }
0xc9: {  	v12 =	vadd.f32 v13, v6;
	v7 =	vld [tilespmem:s7+$0x7050]  }
0xca: {  	s8 =	sadd.s32 $0x200, s8;
	v11 =	vadd.f32 v14, v11;
	v6 =	vld [tilespmem:s7+$0x7060]  }
0xcb: {  	v12 =	vmax.f32 v12, $0.0e+00;
	v5 =	vadd.f32 v5, v10;
	v63 =	vld [tilespmem:s7+$0x7070]  }
0xcc: {  	[tilespmem:s7+$0x7000] =	vst v12;
	v11 =	vmax.f32 v11, $0.0e+00;
	v4 =	vadd.f32 v4, v9  }
0xcd: {  	[tilespmem:s7+$0x7010] =	vst v11;
	v5 =	vmax.f32 v5, $0.0e+00;
	v3 =	vadd.f32 v3, v8  }
0xce: {  	[tilespmem:s7+$0x7020] =	vst v5;
	v4 =	vmax.f32 v4, $0.0e+00;
	v2 =	vadd.f32 v2, v7  }
0xcf: {  	[tilespmem:s7+$0x7030] =	vst v4;
	v3 =	vmax.f32 v3, $0.0e+00;
	v1 =	vadd.f32 v1, v6  }
0xd0: {  	[tilespmem:s7+$0x7040] =	vst v3;
	v2 =	vmax.f32 v2, $0.0e+00;
	v0 =	vadd.f32 v0, v63  }
0xd1: {  	s1 =	sadd.s32 $0x1, s1;
	[tilespmem:s7+$0x7050] =	vst v2;
	v1 =	vmax.f32 v1, $0.0e+00  }
0xd2: {  	p1 =	sne.s32 s1, $0x5;
	[tilespmem:s7+$0x7060] =	vst v1;
	v0 =	vmax.f32 v0, $0.0e+00  }
.Ltmp5:
0xd3: {  	[tilespmem:s7+$0x7070] =	vst v0;
	(pc) =	sbr.rel @p1 .LBB2_2-.Ltmp5, $4  }
0xd4: {  	[spmem:s2] =	stream.indirect.scatter.add.f32 [tilespmem:s22], [sflag:$0x5], $0x80, s31, s21, $0xb8;
	[tilespmem:$0x1F880] =	vst v63  }
0xd5: {  	_ =	swait.ge [sflag:s18], $0x2800  }
0xd6: {  	[sflag:s18] =	ssyncset.done $0x0  }
0xd7: {  	[sflag:s18] =	ssyncadd.s32 $0xFFFFD800  }
0xd8: {  	[bflag:$0x0] =	sbarrier.arrive $0xFFFF  }
0xd9: {  	s1 =	simm.s32 @p0 $0x1FC5;
	s7 =	rddreg [dreg:$0x6]  }
0xda: {  	[hbm:s7], [sflag:s1] =	dma.local @p0 [spmem:s17], $0x1900  }
0xdb: {  	s1 =	simm.s32 @p0 $0x5  }
0xdc: {  	_ =	swait.ge @p0 [sflag:s1], $0x1900  }
0xdd: {  	s13 =	rddreg [dreg:$0x8]  }
0xde: {  	[sflag:s1] =	ssyncset.done @p0 $0x0;
	s8 =	rddreg [dreg:$0x9]  }
0xdf: {  	[sflag:s1] =	ssyncadd.s32 @p0 $0xFFFFE700;
	s1 =	rddreg [dreg:$0x5]  }
0xe0: {  	[hbm:s1], [sflag:s13] =	dma.local @!p0 [spmem:s8], $0x2800  }
0xe1: {  	s1 =	simm.s32 @!p0 $0x5  }
0xe2: {  	_ =	swait.ge @!p0 [sflag:s1], $0x2800  }
0xe3: {  	s12 =	smov.u32 s17;
	s0 =	sadd.s32 $0x1, s0;
	s17 =	rddreg [dreg:$0x7]  }
0xe4: {  	p1 =	sne.s32 s0, s17  }
.Ltmp6:
0xe5: {  	_ = 	snop;
	(pc) =	sbr.rel @p1 .LBB2_1-.Ltmp6, $3  }
0xe6: {  	_ =	sdelay $0x1  }
0xe7: {  	[sflag:s1] =	ssyncset.done @!p0 $0x0  }
0xe8: {  	[sflag:s1] =	ssyncadd.s32 @!p0 $0xFFFFD800  }
0xe9: {  	_ =	sfence.sel $0x180000  }
0xea: {  	[bflag:$0x0] =	sbarrier.arrive $0xFFFF  }
0xeb: {  	_ =	strace $0x9000004D  }
0xec: {  	s0 =	stileid.u32;
	[bflag:$0x2] =	sbarrier.arrive $0xFFFF  }
0xed: {  	p0 =	sne.s32 s0, $0x0;
	s0 =	rddreg [dreg:$0x2]  }
0xee: {  	s0 =	sadd.s32 @!p0 $0x100000, s0  }
0xef: {  	[sflag:s0] =	ssyncadd.tile.s32 @!p0 $0x1;
	_ =	shalt  }
.Lfunc_end2:
_tile_overlayer_lowered:
.L_overlay_start_2:
0xf0: {  	(tag) =	ssettag $0x2  }
0xf1: {  	s0 =	rddreg [dreg:$0x0];
	s2 =	stileid.u32  }
0xf2: {  	s1 =	rddreg [dreg:$0x1];
	p0 =	sne.s32 s2, $0x0  }
0xf3: {  	s3 =	rddreg [dreg:$0x2];
	[bflag:$0x3] =	sbarrier.arrive $0xFFFF;
	s2 =	simm.s32 @!p0 $0x1C05  }
0xf4: {  	[timem:s3], [sflag:s2] =	dma.local @!p0 [hbm:s0], s1  }
0xf5: {  	s0 =	simm.s32 @!p0 $0x5  }
0xf6: {  	_ =	swait.ge @!p0 [sflag:s0], s1  }
0xf7: {  	s1 =	ssub.s32 @!p0 $0x0, s1;
	[sflag:s0] =	ssyncset.done @!p0 $0x0  }
0xf8: {  	[sflag:s0] =	ssyncadd.s32 @!p0 s1  }
0xf9: {  	[bflag:$0x3] =	sbarrier.arrive $0xFFFF  }
0xfa: {  	_ =	shalt  }

</sc_bundles>
